<compile_context>
chip_gen: v7x
topology: tpu7x:2x2x1
jax: 0.10.2.dev20260603
libtpu: 0.0.44.dev20260713+nightly
codegen_flags: <defaults>
</compile_context>

<pallas_src>
import functools

import jax
import jax.numpy as jnp
from jax import lax
from jax.experimental import pallas as pl
from jax.experimental.pallas import tpu as pltpu
from jax.experimental.pallas import tpu_sc as plsc

B = 4096
L = 200
C = 64
NT = 3
NC, NS = 2, 16
NW = NC * NS
BPW = B // NW
LP = 208
GC = 104
G2 = 96
SCALE = 8.0


def _body(p_idx, a_idx, f_idx, p_emb, a_emb, f_emb, out_ref,
          i_s0, i_s1, r_v0, r_v1, r_v2,
          is0, is1, gs0, gs1, gs2, os0, os1, os2):
  islab = [i_s0, i_s1]
  rows_v = [r_v0, r_v1, r_v2]
  isem = [is0, is1]
  gsem = [gs0, gs1, gs2]
  osem = [os0, os1, os2]
  tabs = [p_emb, a_emb, f_emb]
  idx_hbm = [p_idx, a_idx, f_idx]

  wid = lax.axis_index("s") * NC + lax.axis_index("c")
  b0 = wid * BPW

  def fire_idx(par, b):
    for t in range(NT):
      pltpu.async_copy(idx_hbm[t].at[b, pl.ds(0, GC)],
                       islab[par].at[2 * t], isem[par])
      pltpu.async_copy(idx_hbm[t].at[b, pl.ds(G2, GC)],
                       islab[par].at[2 * t + 1], isem[par])

  def wait_idx(par, b):
    for t in range(NT):
      pltpu.make_async_copy(idx_hbm[t].at[b, pl.ds(0, GC)],
                            islab[par].at[2 * t], isem[par]).wait()
      pltpu.make_async_copy(idx_hbm[t].at[b, pl.ds(G2, GC)],
                            islab[par].at[2 * t + 1], isem[par]).wait()

  def fire_gather(t, par):
    pltpu.async_copy(tabs[t].at[islab[par].at[2 * t]],
                     rows_v[t].at[pl.ds(0, GC)], gsem[t])
    pltpu.async_copy(tabs[t].at[islab[par].at[2 * t + 1]],
                     rows_v[t].at[pl.ds(G2, GC)], gsem[t])

  def wait_gather(t, par):
    pltpu.make_async_copy(tabs[t].at[islab[par].at[2 * t]],
                          rows_v[t].at[pl.ds(0, GC)], gsem[t]).wait()
    pltpu.make_async_copy(tabs[t].at[islab[par].at[2 * t + 1]],
                          rows_v[t].at[pl.ds(G2, GC)], gsem[t]).wait()

  def fire_out(t, b):
    pltpu.async_copy(rows_v[t].at[pl.ds(0, L)],
                     out_ref.at[b, pl.ds(0, L), pl.ds(t * C, C)], osem[t])

  def wait_out(t, b):
    pltpu.make_async_copy(rows_v[t].at[pl.ds(0, L)],
                          out_ref.at[b, pl.ds(0, L), pl.ds(t * C, C)],
                          osem[t]).wait()

  CHL = 8

  def scale_rows(t):
    rv = rows_v[t]

    def scale_l(li, carry):
      l = li * CHL
      rows = [rv.at[l + dl] for dl in range(CHL)]
      vs = []
      for row in rows:
        for j in range(C // 16):
          vs.append(row[pl.ds(16 * j, 16)] * SCALE)
      k = 0
      for row in rows:
        for j in range(C // 16):
          row[pl.ds(16 * j, 16)] = vs[k]
          k += 1
      return carry

    lax.fori_loop(0, L // CHL, scale_l, 0)

  fire_idx(0, b0)
  wait_idx(0, b0)
  fire_gather(0, 0)

  def j_loop(j, carry):
    b = b0 + 2 * j
    bo = b + 1
    bn = b0 + jnp.minimum(2 * j + 2, BPW - 1)

    for t in range(NT):
      if t == 0:
        fire_idx(1, bo)
      if t < NT - 1:

        @pl.when(j > 0)
        def _():
          wait_out(t + 1, bo - 2)

        fire_gather(t + 1, 0)
      else:
        wait_idx(1, bo)
        wait_out(0, b)
        fire_gather(0, 1)
      wait_gather(t, 0)
      scale_rows(t)
      fire_out(t, b)

    for t in range(NT):
      if t == 0:
        fire_idx(0, bn)
      if t < NT - 1:
        wait_out(t + 1, b)
        fire_gather(t + 1, 1)
      else:
        wait_idx(0, bn)
        wait_out(0, bo)
        fire_gather(0, 0)
      wait_gather(t, 1)
      scale_rows(t)
      fire_out(t, bo)

    return carry

  lax.fori_loop(0, BPW // 2, j_loop, 0)

  blast = b0 + BPW - 1
  wait_gather(0, 0)
  for t in (1, 2):
    wait_out(t, blast)


def kernel(p, a, f, p_emb, a_emb, f_emb):
  pr = p.astype(jnp.int32)
  ar = a.astype(jnp.int32)
  fr = f.astype(jnp.int32)
  k = pl.kernel(
      _body,
      out_type=jax.ShapeDtypeStruct((B, L, NT * C), jnp.float32),
      mesh=plsc.VectorSubcoreMesh(core_axis_name="c", subcore_axis_name="s"),
      compiler_params=pltpu.CompilerParams(needs_layout_passes=False,
                                           use_tc_tiling_on_sc=False),
      scratch_types=(
          [pltpu.VMEM((2 * NT, GC), jnp.int32) for _ in range(2)]
          + [pltpu.VMEM((LP, C), jnp.float32) for _ in range(NT)]
          + [pltpu.SemaphoreType.DMA for _ in range(2 + NT + NT)]
      ),
  )
  out = k(pr, ar, fr, p_emb, a_emb, f_emb)
  return jnp.swapaxes(out, -1, -2)

# --- scband reference (transcript-rebuilt; emitter-appended) ---
"""Pipeline reference for scband-pafembedding-layer-55113020343050 (READ-ONLY COPY).

The authoritative reference and input builder live on the scoring server;
editing this copy changes nothing except your own understanding.
"""

import jax, jax.numpy as jnp
import numpy as np
import math

N_P = 100000
N_A = 100000
N_F = 100000
CHANNELS = 64
B = 4096
L = 200

def setup_inputs(seed: int = 0) -> dict:
    key = jax.random.key(seed)
    k1, k2, k3, k4, k5, k6 = jax.random.split(key, 6)
    std = CHANNELS ** (-0.5)
    p = jax.random.randint(k1, (B, L), 0, N_P, dtype=jnp.int64 if jax.config.jax_enable_x64 else jnp.int32)
    a = jax.random.randint(k2, (B, L), 0, N_A, dtype=jnp.int64 if jax.config.jax_enable_x64 else jnp.int32)
    f = jax.random.randint(k3, (B, L), 0, N_F, dtype=jnp.int64 if jax.config.jax_enable_x64 else jnp.int32)
    p_emb = jax.random.normal(k4, (N_P, CHANNELS), dtype=jnp.float32) * std
    a_emb = jax.random.normal(k5, (N_A, CHANNELS), dtype=jnp.float32) * std
    f_emb = jax.random.normal(k6, (N_F, CHANNELS), dtype=jnp.float32) * std
    return {"p": p, "a": a, "f": f, "p_emb": p_emb, "a_emb": a_emb, "f_emb": f_emb}

def reference(p, a, f, p_emb, a_emb, f_emb):
    scale = math.sqrt(CHANNELS)
    pe = jnp.take(p_emb, p, axis=0) * scale
    ae = jnp.take(a_emb, a, axis=0) * scale
    fe = jnp.take(f_emb, f, axis=0) * scale
    x = jnp.concatenate([pe, ae, fe], axis=-1)
    x = jnp.swapaxes(x, -1, -2)
    return x

if __name__ == "__main__":
    import jax
    _d = setup_inputs()
    print(jax.jit(kernel)(*tuple(_d.values())))

</pallas_src>

<mosaic_0001>
#map = affine_map<(d0, d1) -> (0, 0)>
#map1 = affine_map<(d0, d1) -> (0, 0, 0)>
module attributes {stable_mosaic.version = 14 : i64} {
  func.func @_body(%arg0: i32, %arg1: i32, %arg2: memref<4096x200xi32, #tpu.memory_space<hbm>>, %arg3: memref<4096x200xi32, #tpu.memory_space<hbm>>, %arg4: memref<4096x200xi32, #tpu.memory_space<hbm>>, %arg5: memref<100000x64xf32, #tpu.memory_space<hbm>>, %arg6: memref<100000x64xf32, #tpu.memory_space<hbm>>, %arg7: memref<100000x64xf32, #tpu.memory_space<hbm>>, %arg8: memref<4096x200x192xf32, #tpu.memory_space<hbm>>, %arg9: memref<6x104xi32, #tpu.memory_space<vmem>>, %arg10: memref<6x104xi32, #tpu.memory_space<vmem>>, %arg11: memref<208x64xf32, #tpu.memory_space<vmem>>, %arg12: memref<208x64xf32, #tpu.memory_space<vmem>>, %arg13: memref<208x64xf32, #tpu.memory_space<vmem>>, %arg14: memref<!tpu.dma_semaphore, #tpu.memory_space<semaphore_mem>>, %arg15: memref<!tpu.dma_semaphore, #tpu.memory_space<semaphore_mem>>, %arg16: memref<!tpu.dma_semaphore, #tpu.memory_space<semaphore_mem>>, %arg17: memref<!tpu.dma_semaphore, #tpu.memory_space<semaphore_mem>>, %arg18: memref<!tpu.dma_semaphore, #tpu.memory_space<semaphore_mem>>, %arg19: memref<!tpu.dma_semaphore, #tpu.memory_space<semaphore_mem>>, %arg20: memref<!tpu.dma_semaphore, #tpu.memory_space<semaphore_mem>>, %arg21: memref<!tpu.dma_semaphore, #tpu.memory_space<semaphore_mem>>) attributes {dimension_semantics = [#tpu.dimension_semantics<core_parallel>, #tpu.dimension_semantics<subcore_parallel>], iteration_bounds = array<i64: 2, 16>, scalar_prefetch = 0 : i64, scratch_operands = 13 : i64, tpu.core_type = #tpu.core_type<sc_vector_subcore>, window_params = [{transform_indices = #map}, {transform_indices = #map}, {transform_indices = #map}, {transform_indices = #map}, {transform_indices = #map}, {transform_indices = #map}, {transform_indices = #map1}]} {
    %mul3A = arith.constant 2 : i32
    %mul3A_0 = arith.muli %arg1, %mul3A : i32
    %add3A = arith.addi %mul3A_0, %arg0 : i32
    %mul3A_1 = arith.constant 128 : i32
    %mul3A_2 = arith.muli %add3A, %mul3A_1 : i32
    %dma_start3A = arith.constant 0 : i32
    %dma_start3A_3 = arith.constant 0 : i32
    %dma_start3A_4 = tpu.memref_slice %arg9[%dma_start3A, %dma_start3A_3] : memref<6x104xi32, #tpu.memory_space<vmem>> -> memref<1x104xi32, #tpu.memory_space<vmem>>
    %dma_start3A_5 = tpu.memref_squeeze %dma_start3A_4 : memref<1x104xi32, #tpu.memory_space<vmem>> -> memref<104xi32, #tpu.memory_space<vmem>>
    %dma_start3A_6 = arith.constant 0 : i32
    %dma_start3A_7 = tpu.memref_slice %arg2[%mul3A_2, %dma_start3A_6] : memref<4096x200xi32, #tpu.memory_space<hbm>> -> memref<1x104xi32, #tpu.memory_space<hbm>>
    %dma_start3A_8 = tpu.memref_squeeze %dma_start3A_7 : memref<1x104xi32, #tpu.memory_space<hbm>> -> memref<104xi32, #tpu.memory_space<hbm>>
    %dma_start3A_9 = arith.constant 0 : i32
    %dma_start3A_10 = tpu.memref_slice %arg9[%dma_start3A, %dma_start3A_9] : memref<6x104xi32, #tpu.memory_space<vmem>> -> memref<1x104xi32, #tpu.memory_space<vmem>>
    %dma_start3A_11 = tpu.memref_squeeze %dma_start3A_10 : memref<1x104xi32, #tpu.memory_space<vmem>> -> memref<104xi32, #tpu.memory_space<vmem>>
    %dma_start3A_12 = arith.constant 0 : i32
    %dma_start3A_13 = tpu.memref_slice %arg2[%mul3A_2, %dma_start3A_12] : memref<4096x200xi32, #tpu.memory_space<hbm>> -> memref<1x104xi32, #tpu.memory_space<hbm>>
    %dma_start3A_14 = tpu.memref_squeeze %dma_start3A_13 : memref<1x104xi32, #tpu.memory_space<hbm>> -> memref<104xi32, #tpu.memory_space<hbm>>
    tpu.enqueue_dma source(%dma_start3A_14 : memref<104xi32, #tpu.memory_space<hbm>>) target(%dma_start3A_11 : memref<104xi32, #tpu.memory_space<vmem>>) target_semaphore(%arg14 : memref<!tpu.dma_semaphore, #tpu.memory_space<semaphore_mem>>)
    %dma_start3A_15 = arith.constant 1 : i32
    %dma_start3A_16 = arith.constant 0 : i32
    %dma_start3A_17 = tpu.memref_slice %arg9[%dma_start3A_15, %dma_start3A_16] : memref<6x104xi32, #tpu.memory_space<vmem>> -> memref<1x104xi32, #tpu.memory_space<vmem>>
    %dma_start3A_18 = tpu.memref_squeeze %dma_start3A_17 : memref<1x104xi32, #tpu.memory_space<vmem>> -> memref<104xi32, #tpu.memory_space<vmem>>
    %dma_start3A_19 = arith.constant 96 : i32
    %dma_start3A_20 = tpu.memref_slice %arg2[%mul3A_2, %dma_start3A_19] : memref<4096x200xi32, #tpu.memory_space<hbm>> -> memref<1x104xi32, #tpu.memory_space<hbm>>
    %dma_start3A_21 = tpu.memref_squeeze %dma_start3A_20 : memref<1x104xi32, #tpu.memory_space<hbm>> -> memref<104xi32, #tpu.memory_space<hbm>>
    %dma_start3A_22 = arith.constant 0 : i32
    %dma_start3A_23 = tpu.memref_slice %arg9[%dma_start3A_15, %dma_start3A_22] : memref<6x104xi32, #tpu.memory_space<vmem>> -> memref<1x104xi32, #tpu.memory_space<vmem>>
    %dma_start3A_24 = tpu.memref_squeeze %dma_start3A_23 : memref<1x104xi32, #tpu.memory_space<vmem>> -> memref<104xi32, #tpu.memory_space<vmem>>
    %dma_start3A_25 = arith.constant 96 : i32
    %dma_start3A_26 = tpu.memref_slice %arg2[%mul3A_2, %dma_start3A_25] : memref<4096x200xi32, #tpu.memory_space<hbm>> -> memref<1x104xi32, #tpu.memory_space<hbm>>
    %dma_start3A_27 = tpu.memref_squeeze %dma_start3A_26 : memref<1x104xi32, #tpu.memory_space<hbm>> -> memref<104xi32, #tpu.memory_space<hbm>>
    tpu.enqueue_dma source(%dma_start3A_27 : memref<104xi32, #tpu.memory_space<hbm>>) target(%dma_start3A_24 : memref<104xi32, #tpu.memory_space<vmem>>) target_semaphore(%arg14 : memref<!tpu.dma_semaphore, #tpu.memory_space<semaphore_mem>>)
    %dma_start3A_28 = arith.constant 2 : i32
    %dma_start3A_29 = arith.constant 0 : i32
    %dma_start3A_30 = tpu.memref_slice %arg9[%dma_start3A_28, %dma_start3A_29] : memref<6x104xi32, #tpu.memory_space<vmem>> -> memref<1x104xi32, #tpu.memory_space<vmem>>
    %dma_start3A_31 = tpu.memref_squeeze %dma_start3A_30 : memref<1x104xi32, #tpu.memory_space<vmem>> -> memref<104xi32, #tpu.memory_space<vmem>>
    %dma_start3A_32 = arith.constant 0 : i32
    %dma_start3A_33 = tpu.memref_slice %arg3[%mul3A_2, %dma_start3A_32] : memref<4096x200xi32, #tpu.memory_space<hbm>> -> memref<1x104xi32, #tpu.memory_space<hbm>>
    %dma_start3A_34 = tpu.memref_squeeze %dma_start3A_33 : memref<1x104xi32, #tpu.memory_space<hbm>> -> memref<104xi32, #tpu.memory_space<hbm>>
    %dma_start3A_35 = arith.constant 0 : i32
    %dma_start3A_36 = tpu.memref_slice %arg9[%dma_start3A_28, %dma_start3A_35] : memref<6x104xi32, #tpu.memory_space<vmem>> -> memref<1x104xi32, #tpu.memory_space<vmem>>
    %dma_start3A_37 = tpu.memref_squeeze %dma_start3A_36 : memref<1x104xi32, #tpu.memory_space<vmem>> -> memref<104xi32, #tpu.memory_space<vmem>>
    %dma_start3A_38 = arith.constant 0 : i32
    %dma_start3A_39 = tpu.memref_slice %arg3[%mul3A_2, %dma_start3A_38] : memref<4096x200xi32, #tpu.memory_space<hbm>> -> memref<1x104xi32, #tpu.memory_space<hbm>>
    %dma_start3A_40 = tpu.memref_squeeze %dma_start3A_39 : memref<1x104xi32, #tpu.memory_space<hbm>> -> memref<104xi32, #tpu.memory_space<hbm>>
    tpu.enqueue_dma source(%dma_start3A_40 : memref<104xi32, #tpu.memory_space<hbm>>) target(%dma_start3A_37 : memref<104xi32, #tpu.memory_space<vmem>>) target_semaphore(%arg14 : memref<!tpu.dma_semaphore, #tpu.memory_space<semaphore_mem>>)
    %dma_start3A_41 = arith.constant 3 : i32
    %dma_start3A_42 = arith.constant 0 : i32
    %dma_start3A_43 = tpu.memref_slice %arg9[%dma_start3A_41, %dma_start3A_42] : memref<6x104xi32, #tpu.memory_space<vmem>> -> memref<1x104xi32, #tpu.memory_space<vmem>>
    %dma_start3A_44 = tpu.memref_squeeze %dma_start3A_43 : memref<1x104xi32, #tpu.memory_space<vmem>> -> memref<104xi32, #tpu.memory_space<vmem>>
    %dma_start3A_45 = arith.constant 96 : i32
    %dma_start3A_46 = tpu.memref_slice %arg3[%mul3A_2, %dma_start3A_45] : memref<4096x200xi32, #tpu.memory_space<hbm>> -> memref<1x104xi32, #tpu.memory_space<hbm>>
    %dma_start3A_47 = tpu.memref_squeeze %dma_start3A_46 : memref<1x104xi32, #tpu.memory_space<hbm>> -> memref<104xi32, #tpu.memory_space<hbm>>
    %dma_start3A_48 = arith.constant 0 : i32
    %dma_start3A_49 = tpu.memref_slice %arg9[%dma_start3A_41, %dma_start3A_48] : memref<6x104xi32, #tpu.memory_space<vmem>> -> memref<1x104xi32, #tpu.memory_space<vmem>>
    %dma_start3A_50 = tpu.memref_squeeze %dma_start3A_49 : memref<1x104xi32, #tpu.memory_space<vmem>> -> memref<104xi32, #tpu.memory_space<vmem>>
    %dma_start3A_51 = arith.constant 96 : i32
    %dma_start3A_52 = tpu.memref_slice %arg3[%mul3A_2, %dma_start3A_51] : memref<4096x200xi32, #tpu.memory_space<hbm>> -> memref<1x104xi32, #tpu.memory_space<hbm>>
    %dma_start3A_53 = tpu.memref_squeeze %dma_start3A_52 : memref<1x104xi32, #tpu.memory_space<hbm>> -> memref<104xi32, #tpu.memory_space<hbm>>
    tpu.enqueue_dma source(%dma_start3A_53 : memref<104xi32, #tpu.memory_space<hbm>>) target(%dma_start3A_50 : memref<104xi32, #tpu.memory_space<vmem>>) target_semaphore(%arg14 : memref<!tpu.dma_semaphore, #tpu.memory_space<semaphore_mem>>)
    %dma_start3A_54 = arith.constant 4 : i32
    %dma_start3A_55 = arith.constant 0 : i32
    %dma_start3A_56 = tpu.memref_slice %arg9[%dma_start3A_54, %dma_start3A_55] : memref<6x104xi32, #tpu.memory_space<vmem>> -> memref<1x104xi32, #tpu.memory_space<vmem>>
    %dma_start3A_57 = tpu.memref_squeeze %dma_start3A_56 : memref<1x104xi32, #tpu.memory_space<vmem>> -> memref<104xi32, #tpu.memory_space<vmem>>
    %dma_start3A_58 = arith.constant 0 : i32
    %dma_start3A_59 = tpu.memref_slice %arg4[%mul3A_2, %dma_start3A_58] : memref<4096x200xi32, #tpu.memory_space<hbm>> -> memref<1x104xi32, #tpu.memory_space<hbm>>
    %dma_start3A_60 = tpu.memref_squeeze %dma_start3A_59 : memref<1x104xi32, #tpu.memory_space<hbm>> -> memref<104xi32, #tpu.memory_space<hbm>>
    %dma_start3A_61 = arith.constant 0 : i32
    %dma_start3A_62 = tpu.memref_slice %arg9[%dma_start3A_54, %dma_start3A_61] : memref<6x104xi32, #tpu.memory_space<vmem>> -> memref<1x104xi32, #tpu.memory_space<vmem>>
    %dma_start3A_63 = tpu.memref_squeeze %dma_start3A_62 : memref<1x104xi32, #tpu.memory_space<vmem>> -> memref<104xi32, #tpu.memory_space<vmem>>
    %dma_start3A_64 = arith.constant 0 : i32
    %dma_start3A_65 = tpu.memref_slice %arg4[%mul3A_2, %dma_start3A_64] : memref<4096x200xi32, #tpu.memory_space<hbm>> -> memref<1x104xi32, #tpu.memory_space<hbm>>
    %dma_start3A_66 = tpu.memref_squeeze %dma_start3A_65 : memref<1x104xi32, #tpu.memory_space<hbm>> -> memref<104xi32, #tpu.memory_space<hbm>>
    tpu.enqueue_dma source(%dma_start3A_66 : memref<104xi32, #tpu.memory_space<hbm>>) target(%dma_start3A_63 : memref<104xi32, #tpu.memory_space<vmem>>) target_semaphore(%arg14 : memref<!tpu.dma_semaphore, #tpu.memory_space<semaphore_mem>>)
    %dma_start3A_67 = arith.constant 5 : i32
    %dma_start3A_68 = arith.constant 0 : i32
    %dma_start3A_69 = tpu.memref_slice %arg9[%dma_start3A_67, %dma_start3A_68] : memref<6x104xi32, #tpu.memory_space<vmem>> -> memref<1x104xi32, #tpu.memory_space<vmem>>
    %dma_start3A_70 = tpu.memref_squeeze %dma_start3A_69 : memref<1x104xi32, #tpu.memory_space<vmem>> -> memref<104xi32, #tpu.memory_space<vmem>>
    %dma_start3A_71 = arith.constant 96 : i32
    %dma_start3A_72 = tpu.memref_slice %arg4[%mul3A_2, %dma_start3A_71] : memref<4096x200xi32, #tpu.memory_space<hbm>> -> memref<1x104xi32, #tpu.memory_space<hbm>>
    %dma_start3A_73 = tpu.memref_squeeze %dma_start3A_72 : memref<1x104xi32, #tpu.memory_space<hbm>> -> memref<104xi32, #tpu.memory_space<hbm>>
    %dma_start3A_74 = arith.constant 0 : i32
    %dma_start3A_75 = tpu.memref_slice %arg9[%dma_start3A_67, %dma_start3A_74] : memref<6x104xi32, #tpu.memory_space<vmem>> -> memref<1x104xi32, #tpu.memory_space<vmem>>
    %dma_start3A_76 = tpu.memref_squeeze %dma_start3A_75 : memref<1x104xi32, #tpu.memory_space<vmem>> -> memref<104xi32, #tpu.memory_space<vmem>>
    %dma_start3A_77 = arith.constant 96 : i32
    %dma_start3A_78 = tpu.memref_slice %arg4[%mul3A_2, %dma_start3A_77] : memref<4096x200xi32, #tpu.memory_space<hbm>> -> memref<1x104xi32, #tpu.memory_space<hbm>>
    %dma_start3A_79 = tpu.memref_squeeze %dma_start3A_78 : memref<1x104xi32, #tpu.memory_space<hbm>> -> memref<104xi32, #tpu.memory_space<hbm>>
    tpu.enqueue_dma source(%dma_start3A_79 : memref<104xi32, #tpu.memory_space<hbm>>) target(%dma_start3A_76 : memref<104xi32, #tpu.memory_space<vmem>>) target_semaphore(%arg14 : memref<!tpu.dma_semaphore, #tpu.memory_space<semaphore_mem>>)
    %dma_wait3A = arith.constant 0 : i32
    %dma_wait3A_80 = arith.constant 0 : i32
    %dma_wait3A_81 = tpu.memref_slice %arg9[%dma_wait3A, %dma_wait3A_80] : memref<6x104xi32, #tpu.memory_space<vmem>> -> memref<1x104xi32, #tpu.memory_space<vmem>>
    %dma_wait3A_82 = tpu.memref_squeeze %dma_wait3A_81 : memref<1x104xi32, #tpu.memory_space<vmem>> -> memref<104xi32, #tpu.memory_space<vmem>>
    %dma_wait3A_83 = arith.constant 0 : i32
    %dma_wait3A_84 = tpu.memref_slice %arg2[%mul3A_2, %dma_wait3A_83] : memref<4096x200xi32, #tpu.memory_space<hbm>> -> memref<1x104xi32, #tpu.memory_space<hbm>>
    %dma_wait3A_85 = tpu.memref_squeeze %dma_wait3A_84 : memref<1x104xi32, #tpu.memory_space<hbm>> -> memref<104xi32, #tpu.memory_space<hbm>>
    %dma_wait3A_86 = arith.constant 0 : i32
    %dma_wait3A_87 = tpu.memref_slice %arg9[%dma_wait3A, %dma_wait3A_86] : memref<6x104xi32, #tpu.memory_space<vmem>> -> memref<1x104xi32, #tpu.memory_space<vmem>>
    %dma_wait3A_88 = tpu.memref_squeeze %dma_wait3A_87 : memref<1x104xi32, #tpu.memory_space<vmem>> -> memref<104xi32, #tpu.memory_space<vmem>>
    %dma_wait3A_89 = arith.constant 0 : i32
    %dma_wait3A_90 = tpu.memref_slice %arg2[%mul3A_2, %dma_wait3A_89] : memref<4096x200xi32, #tpu.memory_space<hbm>> -> memref<1x104xi32, #tpu.memory_space<hbm>>
    %dma_wait3A_91 = tpu.memref_squeeze %dma_wait3A_90 : memref<1x104xi32, #tpu.memory_space<hbm>> -> memref<104xi32, #tpu.memory_space<hbm>>
    tpu.wait_dma2 semaphore(%arg14 : memref<!tpu.dma_semaphore, #tpu.memory_space<semaphore_mem>>) src(%dma_wait3A_91 : memref<104xi32, #tpu.memory_space<hbm>>) dst(%dma_wait3A_88 : memref<104xi32, #tpu.memory_space<vmem>>)
    %dma_wait3A_92 = arith.constant 1 : i32
    %dma_wait3A_93 = arith.constant 0 : i32
    %dma_wait3A_94 = tpu.memref_slice %arg9[%dma_wait3A_92, %dma_wait3A_93] : memref<6x104xi32, #tpu.memory_space<vmem>> -> memref<1x104xi32, #tpu.memory_space<vmem>>
    %dma_wait3A_95 = tpu.memref_squeeze %dma_wait3A_94 : memref<1x104xi32, #tpu.memory_space<vmem>> -> memref<104xi32, #tpu.memory_space<vmem>>
    %dma_wait3A_96 = arith.constant 96 : i32
    %dma_wait3A_97 = tpu.memref_slice %arg2[%mul3A_2, %dma_wait3A_96] : memref<4096x200xi32, #tpu.memory_space<hbm>> -> memref<1x104xi32, #tpu.memory_space<hbm>>
    %dma_wait3A_98 = tpu.memref_squeeze %dma_wait3A_97 : memref<1x104xi32, #tpu.memory_space<hbm>> -> memref<104xi32, #tpu.memory_space<hbm>>
    %dma_wait3A_99 = arith.constant 0 : i32
    %dma_wait3A_100 = tpu.memref_slice %arg9[%dma_wait3A_92, %dma_wait3A_99] : memref<6x104xi32, #tpu.memory_space<vmem>> -> memref<1x104xi32, #tpu.memory_space<vmem>>
    %dma_wait3A_101 = tpu.memref_squeeze %dma_wait3A_100 : memref<1x104xi32, #tpu.memory_space<vmem>> -> memref<104xi32, #tpu.memory_space<vmem>>
    %dma_wait3A_102 = arith.constant 96 : i32
    %dma_wait3A_103 = tpu.memref_slice %arg2[%mul3A_2, %dma_wait3A_102] : memref<4096x200xi32, #tpu.memory_space<hbm>> -> memref<1x104xi32, #tpu.memory_space<hbm>>
    %dma_wait3A_104 = tpu.memref_squeeze %dma_wait3A_103 : memref<1x104xi32, #tpu.memory_space<hbm>> -> memref<104xi32, #tpu.memory_space<hbm>>
    tpu.wait_dma2 semaphore(%arg14 : memref<!tpu.dma_semaphore, #tpu.memory_space<semaphore_mem>>) src(%dma_wait3A_104 : memref<104xi32, #tpu.memory_space<hbm>>) dst(%dma_wait3A_101 : memref<104xi32, #tpu.memory_space<vmem>>)
    %dma_wait3A_105 = arith.constant 2 : i32
    %dma_wait3A_106 = arith.constant 0 : i32
    %dma_wait3A_107 = tpu.memref_slice %arg9[%dma_wait3A_105, %dma_wait3A_106] : memref<6x104xi32, #tpu.memory_space<vmem>> -> memref<1x104xi32, #tpu.memory_space<vmem>>
    %dma_wait3A_108 = tpu.memref_squeeze %dma_wait3A_107 : memref<1x104xi32, #tpu.memory_space<vmem>> -> memref<104xi32, #tpu.memory_space<vmem>>
    %dma_wait3A_109 = arith.constant 0 : i32
    %dma_wait3A_110 = tpu.memref_slice %arg3[%mul3A_2, %dma_wait3A_109] : memref<4096x200xi32, #tpu.memory_space<hbm>> -> memref<1x104xi32, #tpu.memory_space<hbm>>
    %dma_wait3A_111 = tpu.memref_squeeze %dma_wait3A_110 : memref<1x104xi32, #tpu.memory_space<hbm>> -> memref<104xi32, #tpu.memory_space<hbm>>
    %dma_wait3A_112 = arith.constant 0 : i32
    %dma_wait3A_113 = tpu.memref_slice %arg9[%dma_wait3A_105, %dma_wait3A_112] : memref<6x104xi32, #tpu.memory_space<vmem>> -> memref<1x104xi32, #tpu.memory_space<vmem>>
    %dma_wait3A_114 = tpu.memref_squeeze %dma_wait3A_113 : memref<1x104xi32, #tpu.memory_space<vmem>> -> memref<104xi32, #tpu.memory_space<vmem>>
    %dma_wait3A_115 = arith.constant 0 : i32
    %dma_wait3A_116 = tpu.memref_slice %arg3[%mul3A_2, %dma_wait3A_115] : memref<4096x200xi32, #tpu.memory_space<hbm>> -> memref<1x104xi32, #tpu.memory_space<hbm>>
    %dma_wait3A_117 = tpu.memref_squeeze %dma_wait3A_116 : memref<1x104xi32, #tpu.memory_space<hbm>> -> memref<104xi32, #tpu.memory_space<hbm>>
    tpu.wait_dma2 semaphore(%arg14 : memref<!tpu.dma_semaphore, #tpu.memory_space<semaphore_mem>>) src(%dma_wait3A_117 : memref<104xi32, #tpu.memory_space<hbm>>) dst(%dma_wait3A_114 : memref<104xi32, #tpu.memory_space<vmem>>)
    %dma_wait3A_118 = arith.constant 3 : i32
    %dma_wait3A_119 = arith.constant 0 : i32
    %dma_wait3A_120 = tpu.memref_slice %arg9[%dma_wait3A_118, %dma_wait3A_119] : memref<6x104xi32, #tpu.memory_space<vmem>> -> memref<1x104xi32, #tpu.memory_space<vmem>>
    %dma_wait3A_121 = tpu.memref_squeeze %dma_wait3A_120 : memref<1x104xi32, #tpu.memory_space<vmem>> -> memref<104xi32, #tpu.memory_space<vmem>>
    %dma_wait3A_122 = arith.constant 96 : i32
    %dma_wait3A_123 = tpu.memref_slice %arg3[%mul3A_2, %dma_wait3A_122] : memref<4096x200xi32, #tpu.memory_space<hbm>> -> memref<1x104xi32, #tpu.memory_space<hbm>>
    %dma_wait3A_124 = tpu.memref_squeeze %dma_wait3A_123 : memref<1x104xi32, #tpu.memory_space<hbm>> -> memref<104xi32, #tpu.memory_space<hbm>>
    %dma_wait3A_125 = arith.constant 0 : i32
    %dma_wait3A_126 = tpu.memref_slice %arg9[%dma_wait3A_118, %dma_wait3A_125] : memref<6x104xi32, #tpu.memory_space<vmem>> -> memref<1x104xi32, #tpu.memory_space<vmem>>
    %dma_wait3A_127 = tpu.memref_squeeze %dma_wait3A_126 : memref<1x104xi32, #tpu.memory_space<vmem>> -> memref<104xi32, #tpu.memory_space<vmem>>
    %dma_wait3A_128 = arith.constant 96 : i32
    %dma_wait3A_129 = tpu.memref_slice %arg3[%mul3A_2, %dma_wait3A_128] : memref<4096x200xi32, #tpu.memory_space<hbm>> -> memref<1x104xi32, #tpu.memory_space<hbm>>
    %dma_wait3A_130 = tpu.memref_squeeze %dma_wait3A_129 : memref<1x104xi32, #tpu.memory_space<hbm>> -> memref<104xi32, #tpu.memory_space<hbm>>
    tpu.wait_dma2 semaphore(%arg14 : memref<!tpu.dma_semaphore, #tpu.memory_space<semaphore_mem>>) src(%dma_wait3A_130 : memref<104xi32, #tpu.memory_space<hbm>>) dst(%dma_wait3A_127 : memref<104xi32, #tpu.memory_space<vmem>>)
    %dma_wait3A_131 = arith.constant 4 : i32
    %dma_wait3A_132 = arith.constant 0 : i32
    %dma_wait3A_133 = tpu.memref_slice %arg9[%dma_wait3A_131, %dma_wait3A_132] : memref<6x104xi32, #tpu.memory_space<vmem>> -> memref<1x104xi32, #tpu.memory_space<vmem>>
    %dma_wait3A_134 = tpu.memref_squeeze %dma_wait3A_133 : memref<1x104xi32, #tpu.memory_space<vmem>> -> memref<104xi32, #tpu.memory_space<vmem>>
    %dma_wait3A_135 = arith.constant 0 : i32
    %dma_wait3A_136 = tpu.memref_slice %arg4[%mul3A_2, %dma_wait3A_135] : memref<4096x200xi32, #tpu.memory_space<hbm>> -> memref<1x104xi32, #tpu.memory_space<hbm>>
    %dma_wait3A_137 = tpu.memref_squeeze %dma_wait3A_136 : memref<1x104xi32, #tpu.memory_space<hbm>> -> memref<104xi32, #tpu.memory_space<hbm>>
    %dma_wait3A_138 = arith.constant 0 : i32
    %dma_wait3A_139 = tpu.memref_slice %arg9[%dma_wait3A_131, %dma_wait3A_138] : memref<6x104xi32, #tpu.memory_space<vmem>> -> memref<1x104xi32, #tpu.memory_space<vmem>>
    %dma_wait3A_140 = tpu.memref_squeeze %dma_wait3A_139 : memref<1x104xi32, #tpu.memory_space<vmem>> -> memref<104xi32, #tpu.memory_space<vmem>>
    %dma_wait3A_141 = arith.constant 0 : i32
    %dma_wait3A_142 = tpu.memref_slice %arg4[%mul3A_2, %dma_wait3A_141] : memref<4096x200xi32, #tpu.memory_space<hbm>> -> memref<1x104xi32, #tpu.memory_space<hbm>>
    %dma_wait3A_143 = tpu.memref_squeeze %dma_wait3A_142 : memref<1x104xi32, #tpu.memory_space<hbm>> -> memref<104xi32, #tpu.memory_space<hbm>>
    tpu.wait_dma2 semaphore(%arg14 : memref<!tpu.dma_semaphore, #tpu.memory_space<semaphore_mem>>) src(%dma_wait3A_143 : memref<104xi32, #tpu.memory_space<hbm>>) dst(%dma_wait3A_140 : memref<104xi32, #tpu.memory_space<vmem>>)
    %dma_wait3A_144 = arith.constant 5 : i32
    %dma_wait3A_145 = arith.constant 0 : i32
    %dma_wait3A_146 = tpu.memref_slice %arg9[%dma_wait3A_144, %dma_wait3A_145] : memref<6x104xi32, #tpu.memory_space<vmem>> -> memref<1x104xi32, #tpu.memory_space<vmem>>
    %dma_wait3A_147 = tpu.memref_squeeze %dma_wait3A_146 : memref<1x104xi32, #tpu.memory_space<vmem>> -> memref<104xi32, #tpu.memory_space<vmem>>
    %dma_wait3A_148 = arith.constant 96 : i32
    %dma_wait3A_149 = tpu.memref_slice %arg4[%mul3A_2, %dma_wait3A_148] : memref<4096x200xi32, #tpu.memory_space<hbm>> -> memref<1x104xi32, #tpu.memory_space<hbm>>
    %dma_wait3A_150 = tpu.memref_squeeze %dma_wait3A_149 : memref<1x104xi32, #tpu.memory_space<hbm>> -> memref<104xi32, #tpu.memory_space<hbm>>
    %dma_wait3A_151 = arith.constant 0 : i32
    %dma_wait3A_152 = tpu.memref_slice %arg9[%dma_wait3A_144, %dma_wait3A_151] : memref<6x104xi32, #tpu.memory_space<vmem>> -> memref<1x104xi32, #tpu.memory_space<vmem>>
    %dma_wait3A_153 = tpu.memref_squeeze %dma_wait3A_152 : memref<1x104xi32, #tpu.memory_space<vmem>> -> memref<104xi32, #tpu.memory_space<vmem>>
    %dma_wait3A_154 = arith.constant 96 : i32
    %dma_wait3A_155 = tpu.memref_slice %arg4[%mul3A_2, %dma_wait3A_154] : memref<4096x200xi32, #tpu.memory_space<hbm>> -> memref<1x104xi32, #tpu.memory_space<hbm>>
    %dma_wait3A_156 = tpu.memref_squeeze %dma_wait3A_155 : memref<1x104xi32, #tpu.memory_space<hbm>> -> memref<104xi32, #tpu.memory_space<hbm>>
    tpu.wait_dma2 semaphore(%arg14 : memref<!tpu.dma_semaphore, #tpu.memory_space<semaphore_mem>>) src(%dma_wait3A_156 : memref<104xi32, #tpu.memory_space<hbm>>) dst(%dma_wait3A_153 : memref<104xi32, #tpu.memory_space<vmem>>)
    %dma_start3A_157 = arith.constant 0 : i32
    %dma_start3A_158 = arith.constant 0 : i32
    %dma_start3A_159 = arith.constant 0 : i32
    %dma_start3A_160 = tpu.memref_slice %arg11[%dma_start3A_158, %dma_start3A_159] : memref<208x64xf32, #tpu.memory_space<vmem>> -> memref<104x64xf32, #tpu.memory_space<vmem>>
    %dma_start3A_161 = arith.constant 0 : i32
    %dma_start3A_162 = tpu.memref_slice %arg9[%dma_start3A_157, %dma_start3A_161] : memref<6x104xi32, #tpu.memory_space<vmem>> -> memref<1x104xi32, #tpu.memory_space<vmem>>
    %dma_start3A_163 = tpu.memref_squeeze %dma_start3A_162 : memref<1x104xi32, #tpu.memory_space<vmem>> -> memref<104xi32, #tpu.memory_space<vmem>>
    %dma_start3A_164 = arith.constant 0 : i32
    %dma_start3A_165 = arith.constant 0 : i32
    %dma_start3A_166 = tpu.memref_slice %arg5[%dma_start3A_164, %dma_start3A_165] : memref<100000x64xf32, #tpu.memory_space<hbm>> -> memref<100000x64xf32, #tpu.memory_space<hbm>>
    tpu.enqueue_indirect_dma source(%dma_start3A_166 : memref<100000x64xf32, #tpu.memory_space<hbm>>) target(%dma_start3A_160 : memref<104x64xf32, #tpu.memory_space<vmem>>) offsets(%dma_start3A_163 : memref<104xi32, #tpu.memory_space<vmem>>) semaphore(%arg16 : memref<!tpu.dma_semaphore, #tpu.memory_space<semaphore_mem>>)
    %dma_start3A_167 = arith.constant 1 : i32
    %dma_start3A_168 = arith.constant 96 : i32
    %dma_start3A_169 = arith.constant 0 : i32
    %dma_start3A_170 = tpu.memref_slice %arg11[%dma_start3A_168, %dma_start3A_169] : memref<208x64xf32, #tpu.memory_space<vmem>> -> memref<104x64xf32, #tpu.memory_space<vmem>>
    %dma_start3A_171 = arith.constant 0 : i32
    %dma_start3A_172 = tpu.memref_slice %arg9[%dma_start3A_167, %dma_start3A_171] : memref<6x104xi32, #tpu.memory_space<vmem>> -> memref<1x104xi32, #tpu.memory_space<vmem>>
    %dma_start3A_173 = tpu.memref_squeeze %dma_start3A_172 : memref<1x104xi32, #tpu.memory_space<vmem>> -> memref<104xi32, #tpu.memory_space<vmem>>
    %dma_start3A_174 = arith.constant 0 : i32
    %dma_start3A_175 = arith.constant 0 : i32
    %dma_start3A_176 = tpu.memref_slice %arg5[%dma_start3A_174, %dma_start3A_175] : memref<100000x64xf32, #tpu.memory_space<hbm>> -> memref<100000x64xf32, #tpu.memory_space<hbm>>
    tpu.enqueue_indirect_dma source(%dma_start3A_176 : memref<100000x64xf32, #tpu.memory_space<hbm>>) target(%dma_start3A_170 : memref<104x64xf32, #tpu.memory_space<vmem>>) offsets(%dma_start3A_173 : memref<104xi32, #tpu.memory_space<vmem>>) semaphore(%arg16 : memref<!tpu.dma_semaphore, #tpu.memory_space<semaphore_mem>>)
    %scan3A = arith.constant 0 : i32
    %scan3A_177 = arith.constant 0 : i32
    %scan3A_178 = arith.constant 64 : i32
    %scan3A_179 = arith.addi %scan3A_177, %scan3A_178 : i32
    %scan3A_180 = arith.constant 1 : i32
    scf.for %scan3A_233 = %scan3A_177 to %scan3A_179 step %scan3A_180  : i32 {
      %mul3A_234 = arith.constant 2 : i32
      %mul3A_235 = arith.muli %mul3A_234, %scan3A_233 : i32
      %add3A_236 = arith.addi %mul3A_2, %mul3A_235 : i32
      %add3A_237 = arith.constant 1 : i32
      %add3A_238 = arith.addi %add3A_236, %add3A_237 : i32
      %mul3A_239 = arith.constant 2 : i32
      %mul3A_240 = arith.muli %mul3A_239, %scan3A_233 : i32
      %add3A_241 = arith.constant 2 : i32
      %add3A_242 = arith.addi %mul3A_240, %add3A_241 : i32
      %min3A = arith.constant 127 : i32
      %min3A_243 = arith.minsi %add3A_242, %min3A : i32
      %add3A_244 = arith.addi %mul3A_2, %min3A_243 : i32
      %dma_start3A_245 = arith.constant 0 : i32
      %dma_start3A_246 = arith.constant 0 : i32
      %dma_start3A_247 = tpu.memref_slice %arg10[%dma_start3A_245, %dma_start3A_246] : memref<6x104xi32, #tpu.memory_space<vmem>> -> memref<1x104xi32, #tpu.memory_space<vmem>>
      %dma_start3A_248 = tpu.memref_squeeze %dma_start3A_247 : memref<1x104xi32, #tpu.memory_space<vmem>> -> memref<104xi32, #tpu.memory_space<vmem>>
      %dma_start3A_249 = arith.constant 0 : i32
      %dma_start3A_250 = tpu.memref_slice %arg2[%add3A_238, %dma_start3A_249] : memref<4096x200xi32, #tpu.memory_space<hbm>> -> memref<1x104xi32, #tpu.memory_space<hbm>>
      %dma_start3A_251 = tpu.memref_squeeze %dma_start3A_250 : memref<1x104xi32, #tpu.memory_space<hbm>> -> memref<104xi32, #tpu.memory_space<hbm>>
      %dma_start3A_252 = arith.constant 0 : i32
      %dma_start3A_253 = tpu.memref_slice %arg10[%dma_start3A_245, %dma_start3A_252] : memref<6x104xi32, #tpu.memory_space<vmem>> -> memref<1x104xi32, #tpu.memory_space<vmem>>
      %dma_start3A_254 = tpu.memref_squeeze %dma_start3A_253 : memref<1x104xi32, #tpu.memory_space<vmem>> -> memref<104xi32, #tpu.memory_space<vmem>>
      %dma_start3A_255 = arith.constant 0 : i32
      %dma_start3A_256 = tpu.memref_slice %arg2[%add3A_238, %dma_start3A_255] : memref<4096x200xi32, #tpu.memory_space<hbm>> -> memref<1x104xi32, #tpu.memory_space<hbm>>
      %dma_start3A_257 = tpu.memref_squeeze %dma_start3A_256 : memref<1x104xi32, #tpu.memory_space<hbm>> -> memref<104xi32, #tpu.memory_space<hbm>>
      tpu.enqueue_dma source(%dma_start3A_257 : memref<104xi32, #tpu.memory_space<hbm>>) target(%dma_start3A_254 : memref<104xi32, #tpu.memory_space<vmem>>) target_semaphore(%arg15 : memref<!tpu.dma_semaphore, #tpu.memory_space<semaphore_mem>>)
      %dma_start3A_258 = arith.constant 1 : i32
      %dma_start3A_259 = arith.constant 0 : i32
      %dma_start3A_260 = tpu.memref_slice %arg10[%dma_start3A_258, %dma_start3A_259] : memref<6x104xi32, #tpu.memory_space<vmem>> -> memref<1x104xi32, #tpu.memory_space<vmem>>
      %dma_start3A_261 = tpu.memref_squeeze %dma_start3A_260 : memref<1x104xi32, #tpu.memory_space<vmem>> -> memref<104xi32, #tpu.memory_space<vmem>>
      %dma_start3A_262 = arith.constant 96 : i32
      %dma_start3A_263 = tpu.memref_slice %arg2[%add3A_238, %dma_start3A_262] : memref<4096x200xi32, #tpu.memory_space<hbm>> -> memref<1x104xi32, #tpu.memory_space<hbm>>
      %dma_start3A_264 = tpu.memref_squeeze %dma_start3A_263 : memref<1x104xi32, #tpu.memory_space<hbm>> -> memref<104xi32, #tpu.memory_space<hbm>>
      %dma_start3A_265 = arith.constant 0 : i32
      %dma_start3A_266 = tpu.memref_slice %arg10[%dma_start3A_258, %dma_start3A_265] : memref<6x104xi32, #tpu.memory_space<vmem>> -> memref<1x104xi32, #tpu.memory_space<vmem>>
      %dma_start3A_267 = tpu.memref_squeeze %dma_start3A_266 : memref<1x104xi32, #tpu.memory_space<vmem>> -> memref<104xi32, #tpu.memory_space<vmem>>
      %dma_start3A_268 = arith.constant 96 : i32
      %dma_start3A_269 = tpu.memref_slice %arg2[%add3A_238, %dma_start3A_268] : memref<4096x200xi32, #tpu.memory_space<hbm>> -> memref<1x104xi32, #tpu.memory_space<hbm>>
      %dma_start3A_270 = tpu.memref_squeeze %dma_start3A_269 : memref<1x104xi32, #tpu.memory_space<hbm>> -> memref<104xi32, #tpu.memory_space<hbm>>
      tpu.enqueue_dma source(%dma_start3A_270 : memref<104xi32, #tpu.memory_space<hbm>>) target(%dma_start3A_267 : memref<104xi32, #tpu.memory_space<vmem>>) target_semaphore(%arg15 : memref<!tpu.dma_semaphore, #tpu.memory_space<semaphore_mem>>)
      %dma_start3A_271 = arith.constant 2 : i32
      %dma_start3A_272 = arith.constant 0 : i32
      %dma_start3A_273 = tpu.memref_slice %arg10[%dma_start3A_271, %dma_start3A_272] : memref<6x104xi32, #tpu.memory_space<vmem>> -> memref<1x104xi32, #tpu.memory_space<vmem>>
      %dma_start3A_274 = tpu.memref_squeeze %dma_start3A_273 : memref<1x104xi32, #tpu.memory_space<vmem>> -> memref<104xi32, #tpu.memory_space<vmem>>
      %dma_start3A_275 = arith.constant 0 : i32
      %dma_start3A_276 = tpu.memref_slice %arg3[%add3A_238, %dma_start3A_275] : memref<4096x200xi32, #tpu.memory_space<hbm>> -> memref<1x104xi32, #tpu.memory_space<hbm>>
      %dma_start3A_277 = tpu.memref_squeeze %dma_start3A_276 : memref<1x104xi32, #tpu.memory_space<hbm>> -> memref<104xi32, #tpu.memory_space<hbm>>
      %dma_start3A_278 = arith.constant 0 : i32
      %dma_start3A_279 = tpu.memref_slice %arg10[%dma_start3A_271, %dma_start3A_278] : memref<6x104xi32, #tpu.memory_space<vmem>> -> memref<1x104xi32, #tpu.memory_space<vmem>>
      %dma_start3A_280 = tpu.memref_squeeze %dma_start3A_279 : memref<1x104xi32, #tpu.memory_space<vmem>> -> memref<104xi32, #tpu.memory_space<vmem>>
      %dma_start3A_281 = arith.constant 0 : i32
      %dma_start3A_282 = tpu.memref_slice %arg3[%add3A_238, %dma_start3A_281] : memref<4096x200xi32, #tpu.memory_space<hbm>> -> memref<1x104xi32, #tpu.memory_space<hbm>>
      %dma_start3A_283 = tpu.memref_squeeze %dma_start3A_282 : memref<1x104xi32, #tpu.memory_space<hbm>> -> memref<104xi32, #tpu.memory_space<hbm>>
      tpu.enqueue_dma source(%dma_start3A_283 : memref<104xi32, #tpu.memory_space<hbm>>) target(%dma_start3A_280 : memref<104xi32, #tpu.memory_space<vmem>>) target_semaphore(%arg15 : memref<!tpu.dma_semaphore, #tpu.memory_space<semaphore_mem>>)
      %dma_start3A_284 = arith.constant 3 : i32
      %dma_start3A_285 = arith.constant 0 : i32
      %dma_start3A_286 = tpu.memref_slice %arg10[%dma_start3A_284, %dma_start3A_285] : memref<6x104xi32, #tpu.memory_space<vmem>> -> memref<1x104xi32, #tpu.memory_space<vmem>>
      %dma_start3A_287 = tpu.memref_squeeze %dma_start3A_286 : memref<1x104xi32, #tpu.memory_space<vmem>> -> memref<104xi32, #tpu.memory_space<vmem>>
      %dma_start3A_288 = arith.constant 96 : i32
      %dma_start3A_289 = tpu.memref_slice %arg3[%add3A_238, %dma_start3A_288] : memref<4096x200xi32, #tpu.memory_space<hbm>> -> memref<1x104xi32, #tpu.memory_space<hbm>>
      %dma_start3A_290 = tpu.memref_squeeze %dma_start3A_289 : memref<1x104xi32, #tpu.memory_space<hbm>> -> memref<104xi32, #tpu.memory_space<hbm>>
      %dma_start3A_291 = arith.constant 0 : i32
      %dma_start3A_292 = tpu.memref_slice %arg10[%dma_start3A_284, %dma_start3A_291] : memref<6x104xi32, #tpu.memory_space<vmem>> -> memref<1x104xi32, #tpu.memory_space<vmem>>
      %dma_start3A_293 = tpu.memref_squeeze %dma_start3A_292 : memref<1x104xi32, #tpu.memory_space<vmem>> -> memref<104xi32, #tpu.memory_space<vmem>>
      %dma_start3A_294 = arith.constant 96 : i32
      %dma_start3A_295 = tpu.memref_slice %arg3[%add3A_238, %dma_start3A_294] : memref<4096x200xi32, #tpu.memory_space<hbm>> -> memref<1x104xi32, #tpu.memory_space<hbm>>
      %dma_start3A_296 = tpu.memref_squeeze %dma_start3A_295 : memref<1x104xi32, #tpu.memory_space<hbm>> -> memref<104xi32, #tpu.memory_space<hbm>>
      tpu.enqueue_dma source(%dma_start3A_296 : memref<104xi32, #tpu.memory_space<hbm>>) target(%dma_start3A_293 : memref<104xi32, #tpu.memory_space<vmem>>) target_semaphore(%arg15 : memref<!tpu.dma_semaphore, #tpu.memory_space<semaphore_mem>>)
      %dma_start3A_297 = arith.constant 4 : i32
      %dma_start3A_298 = arith.constant 0 : i32
      %dma_start3A_299 = tpu.memref_slice %arg10[%dma_start3A_297, %dma_start3A_298] : memref<6x104xi32, #tpu.memory_space<vmem>> -> memref<1x104xi32, #tpu.memory_space<vmem>>
      %dma_start3A_300 = tpu.memref_squeeze %dma_start3A_299 : memref<1x104xi32, #tpu.memory_space<vmem>> -> memref<104xi32, #tpu.memory_space<vmem>>
      %dma_start3A_301 = arith.constant 0 : i32
      %dma_start3A_302 = tpu.memref_slice %arg4[%add3A_238, %dma_start3A_301] : memref<4096x200xi32, #tpu.memory_space<hbm>> -> memref<1x104xi32, #tpu.memory_space<hbm>>
      %dma_start3A_303 = tpu.memref_squeeze %dma_start3A_302 : memref<1x104xi32, #tpu.memory_space<hbm>> -> memref<104xi32, #tpu.memory_space<hbm>>
      %dma_start3A_304 = arith.constant 0 : i32
      %dma_start3A_305 = tpu.memref_slice %arg10[%dma_start3A_297, %dma_start3A_304] : memref<6x104xi32, #tpu.memory_space<vmem>> -> memref<1x104xi32, #tpu.memory_space<vmem>>
      %dma_start3A_306 = tpu.memref_squeeze %dma_start3A_305 : memref<1x104xi32, #tpu.memory_space<vmem>> -> memref<104xi32, #tpu.memory_space<vmem>>
      %dma_start3A_307 = arith.constant 0 : i32
      %dma_start3A_308 = tpu.memref_slice %arg4[%add3A_238, %dma_start3A_307] : memref<4096x200xi32, #tpu.memory_space<hbm>> -> memref<1x104xi32, #tpu.memory_space<hbm>>
      %dma_start3A_309 = tpu.memref_squeeze %dma_start3A_308 : memref<1x104xi32, #tpu.memory_space<hbm>> -> memref<104xi32, #tpu.memory_space<hbm>>
      tpu.enqueue_dma source(%dma_start3A_309 : memref<104xi32, #tpu.memory_space<hbm>>) target(%dma_start3A_306 : memref<104xi32, #tpu.memory_space<vmem>>) target_semaphore(%arg15 : memref<!tpu.dma_semaphore, #tpu.memory_space<semaphore_mem>>)
      %dma_start3A_310 = arith.constant 5 : i32
      %dma_start3A_311 = arith.constant 0 : i32
      %dma_start3A_312 = tpu.memref_slice %arg10[%dma_start3A_310, %dma_start3A_311] : memref<6x104xi32, #tpu.memory_space<vmem>> -> memref<1x104xi32, #tpu.memory_space<vmem>>
      %dma_start3A_313 = tpu.memref_squeeze %dma_start3A_312 : memref<1x104xi32, #tpu.memory_space<vmem>> -> memref<104xi32, #tpu.memory_space<vmem>>
      %dma_start3A_314 = arith.constant 96 : i32
      %dma_start3A_315 = tpu.memref_slice %arg4[%add3A_238, %dma_start3A_314] : memref<4096x200xi32, #tpu.memory_space<hbm>> -> memref<1x104xi32, #tpu.memory_space<hbm>>
      %dma_start3A_316 = tpu.memref_squeeze %dma_start3A_315 : memref<1x104xi32, #tpu.memory_space<hbm>> -> memref<104xi32, #tpu.memory_space<hbm>>
      %dma_start3A_317 = arith.constant 0 : i32
      %dma_start3A_318 = tpu.memref_slice %arg10[%dma_start3A_310, %dma_start3A_317] : memref<6x104xi32, #tpu.memory_space<vmem>> -> memref<1x104xi32, #tpu.memory_space<vmem>>
      %dma_start3A_319 = tpu.memref_squeeze %dma_start3A_318 : memref<1x104xi32, #tpu.memory_space<vmem>> -> memref<104xi32, #tpu.memory_space<vmem>>
      %dma_start3A_320 = arith.constant 96 : i32
      %dma_start3A_321 = tpu.memref_slice %arg4[%add3A_238, %dma_start3A_320] : memref<4096x200xi32, #tpu.memory_space<hbm>> -> memref<1x104xi32, #tpu.memory_space<hbm>>
      %dma_start3A_322 = tpu.memref_squeeze %dma_start3A_321 : memref<1x104xi32, #tpu.memory_space<hbm>> -> memref<104xi32, #tpu.memory_space<hbm>>
      tpu.enqueue_dma source(%dma_start3A_322 : memref<104xi32, #tpu.memory_space<hbm>>) target(%dma_start3A_319 : memref<104xi32, #tpu.memory_space<vmem>>) target_semaphore(%arg15 : memref<!tpu.dma_semaphore, #tpu.memory_space<semaphore_mem>>)
      %gt3A = arith.constant 0 : i32
      %gt3A_323 = arith.cmpi sgt, %scan3A_233, %gt3A : i32
      %convert_element_type3A = arith.extui %gt3A_323 : i1 to i32
      %cond3A = arith.constant 0 : i32
      %cond3A_324 = arith.cmpi ne, %convert_element_type3A, %cond3A : i32
      scf.if %cond3A_324 {
        %sub3A_980 = arith.constant 2 : i32
        %sub3A_981 = arith.subi %add3A_238, %sub3A_980 : i32
        %dma_wait3A_982 = arith.constant 0 : i32
        %dma_wait3A_983 = arith.constant 0 : i32
        %dma_wait3A_984 = tpu.memref_slice %arg12[%dma_wait3A_982, %dma_wait3A_983] : memref<208x64xf32, #tpu.memory_space<vmem>> -> memref<200x64xf32, #tpu.memory_space<vmem>>
        %dma_wait3A_985 = arith.constant 0 : i32
        %dma_wait3A_986 = arith.constant 64 : i32
        %dma_wait3A_987 = tpu.memref_slice %arg8[%sub3A_981, %dma_wait3A_985, %dma_wait3A_986] : memref<4096x200x192xf32, #tpu.memory_space<hbm>> -> memref<1x200x64xf32, #tpu.memory_space<hbm>>
        %dma_wait3A_988 = tpu.memref_squeeze %dma_wait3A_987 : memref<1x200x64xf32, #tpu.memory_space<hbm>> -> memref<200x64xf32, #tpu.memory_space<hbm>>
        %dma_wait3A_989 = arith.constant 0 : i32
        %dma_wait3A_990 = arith.constant 64 : i32
        %dma_wait3A_991 = tpu.memref_slice %arg8[%sub3A_981, %dma_wait3A_989, %dma_wait3A_990] : memref<4096x200x192xf32, #tpu.memory_space<hbm>> -> memref<1x200x64xf32, #tpu.memory_space<hbm>>
        %dma_wait3A_992 = tpu.memref_squeeze %dma_wait3A_991 : memref<1x200x64xf32, #tpu.memory_space<hbm>> -> memref<200x64xf32, #tpu.memory_space<hbm>>
        %dma_wait3A_993 = arith.constant 0 : i32
        %dma_wait3A_994 = arith.constant 0 : i32
        %dma_wait3A_995 = tpu.memref_slice %arg12[%dma_wait3A_993, %dma_wait3A_994] : memref<208x64xf32, #tpu.memory_space<vmem>> -> memref<200x64xf32, #tpu.memory_space<vmem>>
        tpu.wait_dma2 semaphore(%arg20 : memref<!tpu.dma_semaphore, #tpu.memory_space<semaphore_mem>>) src(%dma_wait3A_995 : memref<200x64xf32, #tpu.memory_space<vmem>>) dst(%dma_wait3A_992 : memref<200x64xf32, #tpu.memory_space<hbm>>)
      } else {
      }
      %dma_start3A_325 = arith.constant 2 : i32
      %dma_start3A_326 = arith.constant 0 : i32
      %dma_start3A_327 = arith.constant 0 : i32
      %dma_start3A_328 = tpu.memref_slice %arg12[%dma_start3A_326, %dma_start3A_327] : memref<208x64xf32, #tpu.memory_space<vmem>> -> memref<104x64xf32, #tpu.memory_space<vmem>>
      %dma_start3A_329 = arith.constant 0 : i32
      %dma_start3A_330 = tpu.memref_slice %arg9[%dma_start3A_325, %dma_start3A_329] : memref<6x104xi32, #tpu.memory_space<vmem>> -> memref<1x104xi32, #tpu.memory_space<vmem>>
      %dma_start3A_331 = tpu.memref_squeeze %dma_start3A_330 : memref<1x104xi32, #tpu.memory_space<vmem>> -> memref<104xi32, #tpu.memory_space<vmem>>
      %dma_start3A_332 = arith.constant 0 : i32
      %dma_start3A_333 = arith.constant 0 : i32
      %dma_start3A_334 = tpu.memref_slice %arg6[%dma_start3A_332, %dma_start3A_333] : memref<100000x64xf32, #tpu.memory_space<hbm>> -> memref<100000x64xf32, #tpu.memory_space<hbm>>
      tpu.enqueue_indirect_dma source(%dma_start3A_334 : memref<100000x64xf32, #tpu.memory_space<hbm>>) target(%dma_start3A_328 : memref<104x64xf32, #tpu.memory_space<vmem>>) offsets(%dma_start3A_331 : memref<104xi32, #tpu.memory_space<vmem>>) semaphore(%arg17 : memref<!tpu.dma_semaphore, #tpu.memory_space<semaphore_mem>>)
      %dma_start3A_335 = arith.constant 3 : i32
      %dma_start3A_336 = arith.constant 96 : i32
      %dma_start3A_337 = arith.constant 0 : i32
      %dma_start3A_338 = tpu.memref_slice %arg12[%dma_start3A_336, %dma_start3A_337] : memref<208x64xf32, #tpu.memory_space<vmem>> -> memref<104x64xf32, #tpu.memory_space<vmem>>
      %dma_start3A_339 = arith.constant 0 : i32
      %dma_start3A_340 = tpu.memref_slice %arg9[%dma_start3A_335, %dma_start3A_339] : memref<6x104xi32, #tpu.memory_space<vmem>> -> memref<1x104xi32, #tpu.memory_space<vmem>>
      %dma_start3A_341 = tpu.memref_squeeze %dma_start3A_340 : memref<1x104xi32, #tpu.memory_space<vmem>> -> memref<104xi32, #tpu.memory_space<vmem>>
      %dma_start3A_342 = arith.constant 0 : i32
      %dma_start3A_343 = arith.constant 0 : i32
      %dma_start3A_344 = tpu.memref_slice %arg6[%dma_start3A_342, %dma_start3A_343] : memref<100000x64xf32, #tpu.memory_space<hbm>> -> memref<100000x64xf32, #tpu.memory_space<hbm>>
      tpu.enqueue_indirect_dma source(%dma_start3A_344 : memref<100000x64xf32, #tpu.memory_space<hbm>>) target(%dma_start3A_338 : memref<104x64xf32, #tpu.memory_space<vmem>>) offsets(%dma_start3A_341 : memref<104xi32, #tpu.memory_space<vmem>>) semaphore(%arg17 : memref<!tpu.dma_semaphore, #tpu.memory_space<semaphore_mem>>)
      %dma_wait3A_345 = arith.constant 0 : i32
      %dma_wait3A_346 = arith.constant 0 : i32
      %dma_wait3A_347 = arith.constant 0 : i32
      %dma_wait3A_348 = tpu.memref_slice %arg11[%dma_wait3A_346, %dma_wait3A_347] : memref<208x64xf32, #tpu.memory_space<vmem>> -> memref<104x64xf32, #tpu.memory_space<vmem>>
      %dma_wait3A_349 = arith.constant 0 : i32
      %dma_wait3A_350 = tpu.memref_slice %arg9[%dma_wait3A_345, %dma_wait3A_349] : memref<6x104xi32, #tpu.memory_space<vmem>> -> memref<1x104xi32, #tpu.memory_space<vmem>>
      %dma_wait3A_351 = tpu.memref_squeeze %dma_wait3A_350 : memref<1x104xi32, #tpu.memory_space<vmem>> -> memref<104xi32, #tpu.memory_space<vmem>>
      %dma_wait3A_352 = arith.constant 0 : i32
      %dma_wait3A_353 = arith.constant 0 : i32
      %dma_wait3A_354 = tpu.memref_slice %arg5[%dma_wait3A_352, %dma_wait3A_353] : memref<100000x64xf32, #tpu.memory_space<hbm>> -> memref<100000x64xf32, #tpu.memory_space<hbm>>
      tpu.wait_indirect_dma semaphore(%arg16 : memref<!tpu.dma_semaphore, #tpu.memory_space<semaphore_mem>>) src(%dma_wait3A_354 : memref<100000x64xf32, #tpu.memory_space<hbm>>) dst(%dma_wait3A_348 : memref<104x64xf32, #tpu.memory_space<vmem>>)
      %dma_wait3A_355 = arith.constant 1 : i32
      %dma_wait3A_356 = arith.constant 96 : i32
      %dma_wait3A_357 = arith.constant 0 : i32
      %dma_wait3A_358 = tpu.memref_slice %arg11[%dma_wait3A_356, %dma_wait3A_357] : memref<208x64xf32, #tpu.memory_space<vmem>> -> memref<104x64xf32, #tpu.memory_space<vmem>>
      %dma_wait3A_359 = arith.constant 0 : i32
      %dma_wait3A_360 = tpu.memref_slice %arg9[%dma_wait3A_355, %dma_wait3A_359] : memref<6x104xi32, #tpu.memory_space<vmem>> -> memref<1x104xi32, #tpu.memory_space<vmem>>
      %dma_wait3A_361 = tpu.memref_squeeze %dma_wait3A_360 : memref<1x104xi32, #tpu.memory_space<vmem>> -> memref<104xi32, #tpu.memory_space<vmem>>
      %dma_wait3A_362 = arith.constant 0 : i32
      %dma_wait3A_363 = arith.constant 0 : i32
      %dma_wait3A_364 = tpu.memref_slice %arg5[%dma_wait3A_362, %dma_wait3A_363] : memref<100000x64xf32, #tpu.memory_space<hbm>> -> memref<100000x64xf32, #tpu.memory_space<hbm>>
      tpu.wait_indirect_dma semaphore(%arg16 : memref<!tpu.dma_semaphore, #tpu.memory_space<semaphore_mem>>) src(%dma_wait3A_364 : memref<100000x64xf32, #tpu.memory_space<hbm>>) dst(%dma_wait3A_358 : memref<104x64xf32, #tpu.memory_space<vmem>>)
      %scan3A_365 = arith.constant 0 : i32
      %scan3A_366 = arith.constant 0 : i32
      %scan3A_367 = arith.constant 25 : i32
      %scan3A_368 = arith.addi %scan3A_366, %scan3A_367 : i32
      %scan3A_369 = arith.constant 1 : i32
      scf.for %scan3A_980 = %scan3A_366 to %scan3A_368 step %scan3A_369  : i32 {
        %mul3A_981 = arith.constant 8 : i32
        %mul3A_982 = arith.muli %scan3A_980, %mul3A_981 : i32
        %add3A_983 = arith.constant 0 : i32
        %add3A_984 = arith.addi %mul3A_982, %add3A_983 : i32
        %add3A_985 = arith.constant 1 : i32
        %add3A_986 = arith.addi %mul3A_982, %add3A_985 : i32
        %add3A_987 = arith.constant 2 : i32
        %add3A_988 = arith.addi %mul3A_982, %add3A_987 : i32
        %add3A_989 = arith.constant 3 : i32
        %add3A_990 = arith.addi %mul3A_982, %add3A_989 : i32
        %add3A_991 = arith.constant 4 : i32
        %add3A_992 = arith.addi %mul3A_982, %add3A_991 : i32
        %add3A_993 = arith.constant 5 : i32
        %add3A_994 = arith.addi %mul3A_982, %add3A_993 : i32
        %add3A_995 = arith.constant 6 : i32
        %add3A_996 = arith.addi %mul3A_982, %add3A_995 : i32
        %add3A_997 = arith.constant 7 : i32
        %add3A_998 = arith.addi %mul3A_982, %add3A_997 : i32
        %get3A = arith.constant 0 : i32
        %get3A_999 = tpu.memref_slice %arg11[%add3A_984, %get3A] : memref<208x64xf32, #tpu.memory_space<vmem>> -> memref<1x64xf32, #tpu.memory_space<vmem>>
        %get3A_1000 = tpu.memref_squeeze %get3A_999 : memref<1x64xf32, #tpu.memory_space<vmem>> -> memref<64xf32, #tpu.memory_space<vmem>>
        %get3A_1001 = arith.constant 0 : index
        %get3A_1002 = tpu.vector_load %get3A_1000[%get3A_1001] {strides = array<i32>} : memref<64xf32, #tpu.memory_space<vmem>>, vector<16xf32>,
        %mul3A_1003 = arith.constant 8.000000e+00 : f32
        %mul3A_1004 = vector.broadcast %mul3A_1003 : f32 to vector<16xf32>
        %mul3A_1005 = arith.mulf %get3A_1002, %mul3A_1004 : vector<16xf32>
        %get3A_1006 = arith.constant 0 : i32
        %get3A_1007 = tpu.memref_slice %arg11[%add3A_984, %get3A_1006] : memref<208x64xf32, #tpu.memory_space<vmem>> -> memref<1x64xf32, #tpu.memory_space<vmem>>
        %get3A_1008 = tpu.memref_squeeze %get3A_1007 : memref<1x64xf32, #tpu.memory_space<vmem>> -> memref<64xf32, #tpu.memory_space<vmem>>
        %get3A_1009 = arith.constant 16 : index
        %get3A_1010 = tpu.vector_load %get3A_1008[%get3A_1009] {strides = array<i32>} : memref<64xf32, #tpu.memory_space<vmem>>, vector<16xf32>,
        %mul3A_1011 = arith.constant 8.000000e+00 : f32
        %mul3A_1012 = vector.broadcast %mul3A_1011 : f32 to vector<16xf32>
        %mul3A_1013 = arith.mulf %get3A_1010, %mul3A_1012 : vector<16xf32>
        %get3A_1014 = arith.constant 0 : i32
        %get3A_1015 = tpu.memref_slice %arg11[%add3A_984, %get3A_1014] : memref<208x64xf32, #tpu.memory_space<vmem>> -> memref<1x64xf32, #tpu.memory_space<vmem>>
        %get3A_1016 = tpu.memref_squeeze %get3A_1015 : memref<1x64xf32, #tpu.memory_space<vmem>> -> memref<64xf32, #tpu.memory_space<vmem>>
        %get3A_1017 = arith.constant 32 : index
        %get3A_1018 = tpu.vector_load %get3A_1016[%get3A_1017] {strides = array<i32>} : memref<64xf32, #tpu.memory_space<vmem>>, vector<16xf32>,
        %mul3A_1019 = arith.constant 8.000000e+00 : f32
        %mul3A_1020 = vector.broadcast %mul3A_1019 : f32 to vector<16xf32>
        %mul3A_1021 = arith.mulf %get3A_1018, %mul3A_1020 : vector<16xf32>
        %get3A_1022 = arith.constant 0 : i32
        %get3A_1023 = tpu.memref_slice %arg11[%add3A_984, %get3A_1022] : memref<208x64xf32, #tpu.memory_space<vmem>> -> memref<1x64xf32, #tpu.memory_space<vmem>>
        %get3A_1024 = tpu.memref_squeeze %get3A_1023 : memref<1x64xf32, #tpu.memory_space<vmem>> -> memref<64xf32, #tpu.memory_space<vmem>>
        %get3A_1025 = arith.constant 48 : index
        %get3A_1026 = tpu.vector_load %get3A_1024[%get3A_1025] {strides = array<i32>} : memref<64xf32, #tpu.memory_space<vmem>>, vector<16xf32>,
        %mul3A_1027 = arith.constant 8.000000e+00 : f32
        %mul3A_1028 = vector.broadcast %mul3A_1027 : f32 to vector<16xf32>
        %mul3A_1029 = arith.mulf %get3A_1026, %mul3A_1028 : vector<16xf32>
        %get3A_1030 = arith.constant 0 : i32
        %get3A_1031 = tpu.memref_slice %arg11[%add3A_986, %get3A_1030] : memref<208x64xf32, #tpu.memory_space<vmem>> -> memref<1x64xf32, #tpu.memory_space<vmem>>
        %get3A_1032 = tpu.memref_squeeze %get3A_1031 : memref<1x64xf32, #tpu.memory_space<vmem>> -> memref<64xf32, #tpu.memory_space<vmem>>
        %get3A_1033 = arith.constant 0 : index
        %get3A_1034 = tpu.vector_load %get3A_1032[%get3A_1033] {strides = array<i32>} : memref<64xf32, #tpu.memory_space<vmem>>, vector<16xf32>,
        %mul3A_1035 = arith.constant 8.000000e+00 : f32
        %mul3A_1036 = vector.broadcast %mul3A_1035 : f32 to vector<16xf32>
        %mul3A_1037 = arith.mulf %get3A_1034, %mul3A_1036 : vector<16xf32>
        %get3A_1038 = arith.constant 0 : i32
        %get3A_1039 = tpu.memref_slice %arg11[%add3A_986, %get3A_1038] : memref<208x64xf32, #tpu.memory_space<vmem>> -> memref<1x64xf32, #tpu.memory_space<vmem>>
        %get3A_1040 = tpu.memref_squeeze %get3A_1039 : memref<1x64xf32, #tpu.memory_space<vmem>> -> memref<64xf32, #tpu.memory_space<vmem>>
        %get3A_1041 = arith.constant 16 : index
        %get3A_1042 = tpu.vector_load %get3A_1040[%get3A_1041] {strides = array<i32>} : memref<64xf32, #tpu.memory_space<vmem>>, vector<16xf32>,
        %mul3A_1043 = arith.constant 8.000000e+00 : f32
        %mul3A_1044 = vector.broadcast %mul3A_1043 : f32 to vector<16xf32>
        %mul3A_1045 = arith.mulf %get3A_1042, %mul3A_1044 : vector<16xf32>
        %get3A_1046 = arith.constant 0 : i32
        %get3A_1047 = tpu.memref_slice %arg11[%add3A_986, %get3A_1046] : memref<208x64xf32, #tpu.memory_space<vmem>> -> memref<1x64xf32, #tpu.memory_space<vmem>>
        %get3A_1048 = tpu.memref_squeeze %get3A_1047 : memref<1x64xf32, #tpu.memory_space<vmem>> -> memref<64xf32, #tpu.memory_space<vmem>>
        %get3A_1049 = arith.constant 32 : index
        %get3A_1050 = tpu.vector_load %get3A_1048[%get3A_1049] {strides = array<i32>} : memref<64xf32, #tpu.memory_space<vmem>>, vector<16xf32>,
        %mul3A_1051 = arith.constant 8.000000e+00 : f32
        %mul3A_1052 = vector.broadcast %mul3A_1051 : f32 to vector<16xf32>
        %mul3A_1053 = arith.mulf %get3A_1050, %mul3A_1052 : vector<16xf32>
        %get3A_1054 = arith.constant 0 : i32
        %get3A_1055 = tpu.memref_slice %arg11[%add3A_986, %get3A_1054] : memref<208x64xf32, #tpu.memory_space<vmem>> -> memref<1x64xf32, #tpu.memory_space<vmem>>
        %get3A_1056 = tpu.memref_squeeze %get3A_1055 : memref<1x64xf32, #tpu.memory_space<vmem>> -> memref<64xf32, #tpu.memory_space<vmem>>
        %get3A_1057 = arith.constant 48 : index
        %get3A_1058 = tpu.vector_load %get3A_1056[%get3A_1057] {strides = array<i32>} : memref<64xf32, #tpu.memory_space<vmem>>, vector<16xf32>,
        %mul3A_1059 = arith.constant 8.000000e+00 : f32
        %mul3A_1060 = vector.broadcast %mul3A_1059 : f32 to vector<16xf32>
        %mul3A_1061 = arith.mulf %get3A_1058, %mul3A_1060 : vector<16xf32>
        %get3A_1062 = arith.constant 0 : i32
        %get3A_1063 = tpu.memref_slice %arg11[%add3A_988, %get3A_1062] : memref<208x64xf32, #tpu.memory_space<vmem>> -> memref<1x64xf32, #tpu.memory_space<vmem>>
        %get3A_1064 = tpu.memref_squeeze %get3A_1063 : memref<1x64xf32, #tpu.memory_space<vmem>> -> memref<64xf32, #tpu.memory_space<vmem>>
        %get3A_1065 = arith.constant 0 : index
        %get3A_1066 = tpu.vector_load %get3A_1064[%get3A_1065] {strides = array<i32>} : memref<64xf32, #tpu.memory_space<vmem>>, vector<16xf32>,
        %mul3A_1067 = arith.constant 8.000000e+00 : f32
        %mul3A_1068 = vector.broadcast %mul3A_1067 : f32 to vector<16xf32>
        %mul3A_1069 = arith.mulf %get3A_1066, %mul3A_1068 : vector<16xf32>
        %get3A_1070 = arith.constant 0 : i32
        %get3A_1071 = tpu.memref_slice %arg11[%add3A_988, %get3A_1070] : memref<208x64xf32, #tpu.memory_space<vmem>> -> memref<1x64xf32, #tpu.memory_space<vmem>>
        %get3A_1072 = tpu.memref_squeeze %get3A_1071 : memref<1x64xf32, #tpu.memory_space<vmem>> -> memref<64xf32, #tpu.memory_space<vmem>>
        %get3A_1073 = arith.constant 16 : index
        %get3A_1074 = tpu.vector_load %get3A_1072[%get3A_1073] {strides = array<i32>} : memref<64xf32, #tpu.memory_space<vmem>>, vector<16xf32>,
        %mul3A_1075 = arith.constant 8.000000e+00 : f32
        %mul3A_1076 = vector.broadcast %mul3A_1075 : f32 to vector<16xf32>
        %mul3A_1077 = arith.mulf %get3A_1074, %mul3A_1076 : vector<16xf32>
        %get3A_1078 = arith.constant 0 : i32
        %get3A_1079 = tpu.memref_slice %arg11[%add3A_988, %get3A_1078] : memref<208x64xf32, #tpu.memory_space<vmem>> -> memref<1x64xf32, #tpu.memory_space<vmem>>
        %get3A_1080 = tpu.memref_squeeze %get3A_1079 : memref<1x64xf32, #tpu.memory_space<vmem>> -> memref<64xf32, #tpu.memory_space<vmem>>
        %get3A_1081 = arith.constant 32 : index
        %get3A_1082 = tpu.vector_load %get3A_1080[%get3A_1081] {strides = array<i32>} : memref<64xf32, #tpu.memory_space<vmem>>, vector<16xf32>,
        %mul3A_1083 = arith.constant 8.000000e+00 : f32
        %mul3A_1084 = vector.broadcast %mul3A_1083 : f32 to vector<16xf32>
        %mul3A_1085 = arith.mulf %get3A_1082, %mul3A_1084 : vector<16xf32>
        %get3A_1086 = arith.constant 0 : i32
        %get3A_1087 = tpu.memref_slice %arg11[%add3A_988, %get3A_1086] : memref<208x64xf32, #tpu.memory_space<vmem>> -> memref<1x64xf32, #tpu.memory_space<vmem>>
        %get3A_1088 = tpu.memref_squeeze %get3A_1087 : memref<1x64xf32, #tpu.memory_space<vmem>> -> memref<64xf32, #tpu.memory_space<vmem>>
        %get3A_1089 = arith.constant 48 : index
        %get3A_1090 = tpu.vector_load %get3A_1088[%get3A_1089] {strides = array<i32>} : memref<64xf32, #tpu.memory_space<vmem>>, vector<16xf32>,
        %mul3A_1091 = arith.constant 8.000000e+00 : f32
        %mul3A_1092 = vector.broadcast %mul3A_1091 : f32 to vector<16xf32>
        %mul3A_1093 = arith.mulf %get3A_1090, %mul3A_1092 : vector<16xf32>
        %get3A_1094 = arith.constant 0 : i32
        %get3A_1095 = tpu.memref_slice %arg11[%add3A_990, %get3A_1094] : memref<208x64xf32, #tpu.memory_space<vmem>> -> memref<1x64xf32, #tpu.memory_space<vmem>>
        %get3A_1096 = tpu.memref_squeeze %get3A_1095 : memref<1x64xf32, #tpu.memory_space<vmem>> -> memref<64xf32, #tpu.memory_space<vmem>>
        %get3A_1097 = arith.constant 0 : index
        %get3A_1098 = tpu.vector_load %get3A_1096[%get3A_1097] {strides = array<i32>} : memref<64xf32, #tpu.memory_space<vmem>>, vector<16xf32>,
        %mul3A_1099 = arith.constant 8.000000e+00 : f32
        %mul3A_1100 = vector.broadcast %mul3A_1099 : f32 to vector<16xf32>
        %mul3A_1101 = arith.mulf %get3A_1098, %mul3A_1100 : vector<16xf32>
        %get3A_1102 = arith.constant 0 : i32
        %get3A_1103 = tpu.memref_slice %arg11[%add3A_990, %get3A_1102] : memref<208x64xf32, #tpu.memory_space<vmem>> -> memref<1x64xf32, #tpu.memory_space<vmem>>
        %get3A_1104 = tpu.memref_squeeze %get3A_1103 : memref<1x64xf32, #tpu.memory_space<vmem>> -> memref<64xf32, #tpu.memory_space<vmem>>
        %get3A_1105 = arith.constant 16 : index
        %get3A_1106 = tpu.vector_load %get3A_1104[%get3A_1105] {strides = array<i32>} : memref<64xf32, #tpu.memory_space<vmem>>, vector<16xf32>,
        %mul3A_1107 = arith.constant 8.000000e+00 : f32
        %mul3A_1108 = vector.broadcast %mul3A_1107 : f32 to vector<16xf32>
        %mul3A_1109 = arith.mulf %get3A_1106, %mul3A_1108 : vector<16xf32>
        %get3A_1110 = arith.constant 0 : i32
        %get3A_1111 = tpu.memref_slice %arg11[%add3A_990, %get3A_1110] : memref<208x64xf32, #tpu.memory_space<vmem>> -> memref<1x64xf32, #tpu.memory_space<vmem>>
        %get3A_1112 = tpu.memref_squeeze %get3A_1111 : memref<1x64xf32, #tpu.memory_space<vmem>> -> memref<64xf32, #tpu.memory_space<vmem>>
        %get3A_1113 = arith.constant 32 : index
        %get3A_1114 = tpu.vector_load %get3A_1112[%get3A_1113] {strides = array<i32>} : memref<64xf32, #tpu.memory_space<vmem>>, vector<16xf32>,
        %mul3A_1115 = arith.constant 8.000000e+00 : f32
        %mul3A_1116 = vector.broadcast %mul3A_1115 : f32 to vector<16xf32>
        %mul3A_1117 = arith.mulf %get3A_1114, %mul3A_1116 : vector<16xf32>
        %get3A_1118 = arith.constant 0 : i32
        %get3A_1119 = tpu.memref_slice %arg11[%add3A_990, %get3A_1118] : memref<208x64xf32, #tpu.memory_space<vmem>> -> memref<1x64xf32, #tpu.memory_space<vmem>>
        %get3A_1120 = tpu.memref_squeeze %get3A_1119 : memref<1x64xf32, #tpu.memory_space<vmem>> -> memref<64xf32, #tpu.memory_space<vmem>>
        %get3A_1121 = arith.constant 48 : index
        %get3A_1122 = tpu.vector_load %get3A_1120[%get3A_1121] {strides = array<i32>} : memref<64xf32, #tpu.memory_space<vmem>>, vector<16xf32>,
        %mul3A_1123 = arith.constant 8.000000e+00 : f32
        %mul3A_1124 = vector.broadcast %mul3A_1123 : f32 to vector<16xf32>
        %mul3A_1125 = arith.mulf %get3A_1122, %mul3A_1124 : vector<16xf32>
        %get3A_1126 = arith.constant 0 : i32
        %get3A_1127 = tpu.memref_slice %arg11[%add3A_992, %get3A_1126] : memref<208x64xf32, #tpu.memory_space<vmem>> -> memref<1x64xf32, #tpu.memory_space<vmem>>
        %get3A_1128 = tpu.memref_squeeze %get3A_1127 : memref<1x64xf32, #tpu.memory_space<vmem>> -> memref<64xf32, #tpu.memory_space<vmem>>
        %get3A_1129 = arith.constant 0 : index
        %get3A_1130 = tpu.vector_load %get3A_1128[%get3A_1129] {strides = array<i32>} : memref<64xf32, #tpu.memory_space<vmem>>, vector<16xf32>,
        %mul3A_1131 = arith.constant 8.000000e+00 : f32
        %mul3A_1132 = vector.broadcast %mul3A_1131 : f32 to vector<16xf32>
        %mul3A_1133 = arith.mulf %get3A_1130, %mul3A_1132 : vector<16xf32>
        %get3A_1134 = arith.constant 0 : i32
        %get3A_1135 = tpu.memref_slice %arg11[%add3A_992, %get3A_1134] : memref<208x64xf32, #tpu.memory_space<vmem>> -> memref<1x64xf32, #tpu.memory_space<vmem>>
        %get3A_1136 = tpu.memref_squeeze %get3A_1135 : memref<1x64xf32, #tpu.memory_space<vmem>> -> memref<64xf32, #tpu.memory_space<vmem>>
        %get3A_1137 = arith.constant 16 : index
        %get3A_1138 = tpu.vector_load %get3A_1136[%get3A_1137] {strides = array<i32>} : memref<64xf32, #tpu.memory_space<vmem>>, vector<16xf32>,
        %mul3A_1139 = arith.constant 8.000000e+00 : f32
        %mul3A_1140 = vector.broadcast %mul3A_1139 : f32 to vector<16xf32>
        %mul3A_1141 = arith.mulf %get3A_1138, %mul3A_1140 : vector<16xf32>
        %get3A_1142 = arith.constant 0 : i32
        %get3A_1143 = tpu.memref_slice %arg11[%add3A_992, %get3A_1142] : memref<208x64xf32, #tpu.memory_space<vmem>> -> memref<1x64xf32, #tpu.memory_space<vmem>>
        %get3A_1144 = tpu.memref_squeeze %get3A_1143 : memref<1x64xf32, #tpu.memory_space<vmem>> -> memref<64xf32, #tpu.memory_space<vmem>>
        %get3A_1145 = arith.constant 32 : index
        %get3A_1146 = tpu.vector_load %get3A_1144[%get3A_1145] {strides = array<i32>} : memref<64xf32, #tpu.memory_space<vmem>>, vector<16xf32>,
        %mul3A_1147 = arith.constant 8.000000e+00 : f32
        %mul3A_1148 = vector.broadcast %mul3A_1147 : f32 to vector<16xf32>
        %mul3A_1149 = arith.mulf %get3A_1146, %mul3A_1148 : vector<16xf32>
        %get3A_1150 = arith.constant 0 : i32
        %get3A_1151 = tpu.memref_slice %arg11[%add3A_992, %get3A_1150] : memref<208x64xf32, #tpu.memory_space<vmem>> -> memref<1x64xf32, #tpu.memory_space<vmem>>
        %get3A_1152 = tpu.memref_squeeze %get3A_1151 : memref<1x64xf32, #tpu.memory_space<vmem>> -> memref<64xf32, #tpu.memory_space<vmem>>
        %get3A_1153 = arith.constant 48 : index
        %get3A_1154 = tpu.vector_load %get3A_1152[%get3A_1153] {strides = array<i32>} : memref<64xf32, #tpu.memory_space<vmem>>, vector<16xf32>,
        %mul3A_1155 = arith.constant 8.000000e+00 : f32
        %mul3A_1156 = vector.broadcast %mul3A_1155 : f32 to vector<16xf32>
        %mul3A_1157 = arith.mulf %get3A_1154, %mul3A_1156 : vector<16xf32>
        %get3A_1158 = arith.constant 0 : i32
        %get3A_1159 = tpu.memref_slice %arg11[%add3A_994, %get3A_1158] : memref<208x64xf32, #tpu.memory_space<vmem>> -> memref<1x64xf32, #tpu.memory_space<vmem>>
        %get3A_1160 = tpu.memref_squeeze %get3A_1159 : memref<1x64xf32, #tpu.memory_space<vmem>> -> memref<64xf32, #tpu.memory_space<vmem>>
        %get3A_1161 = arith.constant 0 : index
        %get3A_1162 = tpu.vector_load %get3A_1160[%get3A_1161] {strides = array<i32>} : memref<64xf32, #tpu.memory_space<vmem>>, vector<16xf32>,
        %mul3A_1163 = arith.constant 8.000000e+00 : f32
        %mul3A_1164 = vector.broadcast %mul3A_1163 : f32 to vector<16xf32>
        %mul3A_1165 = arith.mulf %get3A_1162, %mul3A_1164 : vector<16xf32>
        %get3A_1166 = arith.constant 0 : i32
        %get3A_1167 = tpu.memref_slice %arg11[%add3A_994, %get3A_1166] : memref<208x64xf32, #tpu.memory_space<vmem>> -> memref<1x64xf32, #tpu.memory_space<vmem>>
        %get3A_1168 = tpu.memref_squeeze %get3A_1167 : memref<1x64xf32, #tpu.memory_space<vmem>> -> memref<64xf32, #tpu.memory_space<vmem>>
        %get3A_1169 = arith.constant 16 : index
        %get3A_1170 = tpu.vector_load %get3A_1168[%get3A_1169] {strides = array<i32>} : memref<64xf32, #tpu.memory_space<vmem>>, vector<16xf32>,
        %mul3A_1171 = arith.constant 8.000000e+00 : f32
        %mul3A_1172 = vector.broadcast %mul3A_1171 : f32 to vector<16xf32>
        %mul3A_1173 = arith.mulf %get3A_1170, %mul3A_1172 : vector<16xf32>
        %get3A_1174 = arith.constant 0 : i32
        %get3A_1175 = tpu.memref_slice %arg11[%add3A_994, %get3A_1174] : memref<208x64xf32, #tpu.memory_space<vmem>> -> memref<1x64xf32, #tpu.memory_space<vmem>>
        %get3A_1176 = tpu.memref_squeeze %get3A_1175 : memref<1x64xf32, #tpu.memory_space<vmem>> -> memref<64xf32, #tpu.memory_space<vmem>>
        %get3A_1177 = arith.constant 32 : index
        %get3A_1178 = tpu.vector_load %get3A_1176[%get3A_1177] {strides = array<i32>} : memref<64xf32, #tpu.memory_space<vmem>>, vector<16xf32>,
        %mul3A_1179 = arith.constant 8.000000e+00 : f32
        %mul3A_1180 = vector.broadcast %mul3A_1179 : f32 to vector<16xf32>
        %mul3A_1181 = arith.mulf %get3A_1178, %mul3A_1180 : vector<16xf32>
        %get3A_1182 = arith.constant 0 : i32
        %get3A_1183 = tpu.memref_slice %arg11[%add3A_994, %get3A_1182] : memref<208x64xf32, #tpu.memory_space<vmem>> -> memref<1x64xf32, #tpu.memory_space<vmem>>
        %get3A_1184 = tpu.memref_squeeze %get3A_1183 : memref<1x64xf32, #tpu.memory_space<vmem>> -> memref<64xf32, #tpu.memory_space<vmem>>
        %get3A_1185 = arith.constant 48 : index
        %get3A_1186 = tpu.vector_load %get3A_1184[%get3A_1185] {strides = array<i32>} : memref<64xf32, #tpu.memory_space<vmem>>, vector<16xf32>,
        %mul3A_1187 = arith.constant 8.000000e+00 : f32
        %mul3A_1188 = vector.broadcast %mul3A_1187 : f32 to vector<16xf32>
        %mul3A_1189 = arith.mulf %get3A_1186, %mul3A_1188 : vector<16xf32>
        %get3A_1190 = arith.constant 0 : i32
        %get3A_1191 = tpu.memref_slice %arg11[%add3A_996, %get3A_1190] : memref<208x64xf32, #tpu.memory_space<vmem>> -> memref<1x64xf32, #tpu.memory_space<vmem>>
        %get3A_1192 = tpu.memref_squeeze %get3A_1191 : memref<1x64xf32, #tpu.memory_space<vmem>> -> memref<64xf32, #tpu.memory_space<vmem>>
        %get3A_1193 = arith.constant 0 : index
        %get3A_1194 = tpu.vector_load %get3A_1192[%get3A_1193] {strides = array<i32>} : memref<64xf32, #tpu.memory_space<vmem>>, vector<16xf32>,
        %mul3A_1195 = arith.constant 8.000000e+00 : f32
        %mul3A_1196 = vector.broadcast %mul3A_1195 : f32 to vector<16xf32>
        %mul3A_1197 = arith.mulf %get3A_1194, %mul3A_1196 : vector<16xf32>
        %get3A_1198 = arith.constant 0 : i32
        %get3A_1199 = tpu.memref_slice %arg11[%add3A_996, %get3A_1198] : memref<208x64xf32, #tpu.memory_space<vmem>> -> memref<1x64xf32, #tpu.memory_space<vmem>>
        %get3A_1200 = tpu.memref_squeeze %get3A_1199 : memref<1x64xf32, #tpu.memory_space<vmem>> -> memref<64xf32, #tpu.memory_space<vmem>>
        %get3A_1201 = arith.constant 16 : index
        %get3A_1202 = tpu.vector_load %get3A_1200[%get3A_1201] {strides = array<i32>} : memref<64xf32, #tpu.memory_space<vmem>>, vector<16xf32>,
        %mul3A_1203 = arith.constant 8.000000e+00 : f32
        %mul3A_1204 = vector.broadcast %mul3A_1203 : f32 to vector<16xf32>
        %mul3A_1205 = arith.mulf %get3A_1202, %mul3A_1204 : vector<16xf32>
        %get3A_1206 = arith.constant 0 : i32
        %get3A_1207 = tpu.memref_slice %arg11[%add3A_996, %get3A_1206] : memref<208x64xf32, #tpu.memory_space<vmem>> -> memref<1x64xf32, #tpu.memory_space<vmem>>
        %get3A_1208 = tpu.memref_squeeze %get3A_1207 : memref<1x64xf32, #tpu.memory_space<vmem>> -> memref<64xf32, #tpu.memory_space<vmem>>
        %get3A_1209 = arith.constant 32 : index
        %get3A_1210 = tpu.vector_load %get3A_1208[%get3A_1209] {strides = array<i32>} : memref<64xf32, #tpu.memory_space<vmem>>, vector<16xf32>,
        %mul3A_1211 = arith.constant 8.000000e+00 : f32
        %mul3A_1212 = vector.broadcast %mul3A_1211 : f32 to vector<16xf32>
        %mul3A_1213 = arith.mulf %get3A_1210, %mul3A_1212 : vector<16xf32>
        %get3A_1214 = arith.constant 0 : i32
        %get3A_1215 = tpu.memref_slice %arg11[%add3A_996, %get3A_1214] : memref<208x64xf32, #tpu.memory_space<vmem>> -> memref<1x64xf32, #tpu.memory_space<vmem>>
        %get3A_1216 = tpu.memref_squeeze %get3A_1215 : memref<1x64xf32, #tpu.memory_space<vmem>> -> memref<64xf32, #tpu.memory_space<vmem>>
        %get3A_1217 = arith.constant 48 : index
        %get3A_1218 = tpu.vector_load %get3A_1216[%get3A_1217] {strides = array<i32>} : memref<64xf32, #tpu.memory_space<vmem>>, vector<16xf32>,
        %mul3A_1219 = arith.constant 8.000000e+00 : f32
        %mul3A_1220 = vector.broadcast %mul3A_1219 : f32 to vector<16xf32>
        %mul3A_1221 = arith.mulf %get3A_1218, %mul3A_1220 : vector<16xf32>
        %get3A_1222 = arith.constant 0 : i32
        %get3A_1223 = tpu.memref_slice %arg11[%add3A_998, %get3A_1222] : memref<208x64xf32, #tpu.memory_space<vmem>> -> memref<1x64xf32, #tpu.memory_space<vmem>>
        %get3A_1224 = tpu.memref_squeeze %get3A_1223 : memref<1x64xf32, #tpu.memory_space<vmem>> -> memref<64xf32, #tpu.memory_space<vmem>>
        %get3A_1225 = arith.constant 0 : index
        %get3A_1226 = tpu.vector_load %get3A_1224[%get3A_1225] {strides = array<i32>} : memref<64xf32, #tpu.memory_space<vmem>>, vector<16xf32>,
        %mul3A_1227 = arith.constant 8.000000e+00 : f32
        %mul3A_1228 = vector.broadcast %mul3A_1227 : f32 to vector<16xf32>
        %mul3A_1229 = arith.mulf %get3A_1226, %mul3A_1228 : vector<16xf32>
        %get3A_1230 = arith.constant 0 : i32
        %get3A_1231 = tpu.memref_slice %arg11[%add3A_998, %get3A_1230] : memref<208x64xf32, #tpu.memory_space<vmem>> -> memref<1x64xf32, #tpu.memory_space<vmem>>
        %get3A_1232 = tpu.memref_squeeze %get3A_1231 : memref<1x64xf32, #tpu.memory_space<vmem>> -> memref<64xf32, #tpu.memory_space<vmem>>
        %get3A_1233 = arith.constant 16 : index
        %get3A_1234 = tpu.vector_load %get3A_1232[%get3A_1233] {strides = array<i32>} : memref<64xf32, #tpu.memory_space<vmem>>, vector<16xf32>,
        %mul3A_1235 = arith.constant 8.000000e+00 : f32
        %mul3A_1236 = vector.broadcast %mul3A_1235 : f32 to vector<16xf32>
        %mul3A_1237 = arith.mulf %get3A_1234, %mul3A_1236 : vector<16xf32>
        %get3A_1238 = arith.constant 0 : i32
        %get3A_1239 = tpu.memref_slice %arg11[%add3A_998, %get3A_1238] : memref<208x64xf32, #tpu.memory_space<vmem>> -> memref<1x64xf32, #tpu.memory_space<vmem>>
        %get3A_1240 = tpu.memref_squeeze %get3A_1239 : memref<1x64xf32, #tpu.memory_space<vmem>> -> memref<64xf32, #tpu.memory_space<vmem>>
        %get3A_1241 = arith.constant 32 : index
        %get3A_1242 = tpu.vector_load %get3A_1240[%get3A_1241] {strides = array<i32>} : memref<64xf32, #tpu.memory_space<vmem>>, vector<16xf32>,
        %mul3A_1243 = arith.constant 8.000000e+00 : f32
        %mul3A_1244 = vector.broadcast %mul3A_1243 : f32 to vector<16xf32>
        %mul3A_1245 = arith.mulf %get3A_1242, %mul3A_1244 : vector<16xf32>
        %get3A_1246 = arith.constant 0 : i32
        %get3A_1247 = tpu.memref_slice %arg11[%add3A_998, %get3A_1246] : memref<208x64xf32, #tpu.memory_space<vmem>> -> memref<1x64xf32, #tpu.memory_space<vmem>>
        %get3A_1248 = tpu.memref_squeeze %get3A_1247 : memref<1x64xf32, #tpu.memory_space<vmem>> -> memref<64xf32, #tpu.memory_space<vmem>>
        %get3A_1249 = arith.constant 48 : index
        %get3A_1250 = tpu.vector_load %get3A_1248[%get3A_1249] {strides = array<i32>} : memref<64xf32, #tpu.memory_space<vmem>>, vector<16xf32>,
        %mul3A_1251 = arith.constant 8.000000e+00 : f32
        %mul3A_1252 = vector.broadcast %mul3A_1251 : f32 to vector<16xf32>
        %mul3A_1253 = arith.mulf %get3A_1250, %mul3A_1252 : vector<16xf32>
        %swap3A = arith.constant 0 : i32
        %swap3A_1254 = tpu.memref_slice %arg11[%add3A_984, %swap3A] : memref<208x64xf32, #tpu.memory_space<vmem>> -> memref<1x64xf32, #tpu.memory_space<vmem>>
        %swap3A_1255 = tpu.memref_squeeze %swap3A_1254 : memref<1x64xf32, #tpu.memory_space<vmem>> -> memref<64xf32, #tpu.memory_space<vmem>>
        %swap3A_1256 = arith.constant 0 : index
        %swap3A_1257 = tpu.vector_load %swap3A_1255[%swap3A_1256] {strides = array<i32>} : memref<64xf32, #tpu.memory_space<vmem>>, vector<16xf32>,
        tpu.vector_store %swap3A_1255[%swap3A_1256], %mul3A_1005 {strides = array<i32>} : memref<64xf32, #tpu.memory_space<vmem>>, vector<16xf32>,
        %swap3A_1258 = arith.constant 0 : i32
        %swap3A_1259 = tpu.memref_slice %arg11[%add3A_984, %swap3A_1258] : memref<208x64xf32, #tpu.memory_space<vmem>> -> memref<1x64xf32, #tpu.memory_space<vmem>>
        %swap3A_1260 = tpu.memref_squeeze %swap3A_1259 : memref<1x64xf32, #tpu.memory_space<vmem>> -> memref<64xf32, #tpu.memory_space<vmem>>
        %swap3A_1261 = arith.constant 16 : index
        %swap3A_1262 = tpu.vector_load %swap3A_1260[%swap3A_1261] {strides = array<i32>} : memref<64xf32, #tpu.memory_space<vmem>>, vector<16xf32>,
        tpu.vector_store %swap3A_1260[%swap3A_1261], %mul3A_1013 {strides = array<i32>} : memref<64xf32, #tpu.memory_space<vmem>>, vector<16xf32>,
        %swap3A_1263 = arith.constant 0 : i32
        %swap3A_1264 = tpu.memref_slice %arg11[%add3A_984, %swap3A_1263] : memref<208x64xf32, #tpu.memory_space<vmem>> -> memref<1x64xf32, #tpu.memory_space<vmem>>
        %swap3A_1265 = tpu.memref_squeeze %swap3A_1264 : memref<1x64xf32, #tpu.memory_space<vmem>> -> memref<64xf32, #tpu.memory_space<vmem>>
        %swap3A_1266 = arith.constant 32 : index
        %swap3A_1267 = tpu.vector_load %swap3A_1265[%swap3A_1266] {strides = array<i32>} : memref<64xf32, #tpu.memory_space<vmem>>, vector<16xf32>,
        tpu.vector_store %swap3A_1265[%swap3A_1266], %mul3A_1021 {strides = array<i32>} : memref<64xf32, #tpu.memory_space<vmem>>, vector<16xf32>,
        %swap3A_1268 = arith.constant 0 : i32
        %swap3A_1269 = tpu.memref_slice %arg11[%add3A_984, %swap3A_1268] : memref<208x64xf32, #tpu.memory_space<vmem>> -> memref<1x64xf32, #tpu.memory_space<vmem>>
        %swap3A_1270 = tpu.memref_squeeze %swap3A_1269 : memref<1x64xf32, #tpu.memory_space<vmem>> -> memref<64xf32, #tpu.memory_space<vmem>>
        %swap3A_1271 = arith.constant 48 : index
        %swap3A_1272 = tpu.vector_load %swap3A_1270[%swap3A_1271] {strides = array<i32>} : memref<64xf32, #tpu.memory_space<vmem>>, vector<16xf32>,
        tpu.vector_store %swap3A_1270[%swap3A_1271], %mul3A_1029 {strides = array<i32>} : memref<64xf32, #tpu.memory_space<vmem>>, vector<16xf32>,
        %swap3A_1273 = arith.constant 0 : i32
        %swap3A_1274 = tpu.memref_slice %arg11[%add3A_986, %swap3A_1273] : memref<208x64xf32, #tpu.memory_space<vmem>> -> memref<1x64xf32, #tpu.memory_space<vmem>>
        %swap3A_1275 = tpu.memref_squeeze %swap3A_1274 : memref<1x64xf32, #tpu.memory_space<vmem>> -> memref<64xf32, #tpu.memory_space<vmem>>
        %swap3A_1276 = arith.constant 0 : index
        %swap3A_1277 = tpu.vector_load %swap3A_1275[%swap3A_1276] {strides = array<i32>} : memref<64xf32, #tpu.memory_space<vmem>>, vector<16xf32>,
        tpu.vector_store %swap3A_1275[%swap3A_1276], %mul3A_1037 {strides = array<i32>} : memref<64xf32, #tpu.memory_space<vmem>>, vector<16xf32>,
        %swap3A_1278 = arith.constant 0 : i32
        %swap3A_1279 = tpu.memref_slice %arg11[%add3A_986, %swap3A_1278] : memref<208x64xf32, #tpu.memory_space<vmem>> -> memref<1x64xf32, #tpu.memory_space<vmem>>
        %swap3A_1280 = tpu.memref_squeeze %swap3A_1279 : memref<1x64xf32, #tpu.memory_space<vmem>> -> memref<64xf32, #tpu.memory_space<vmem>>
        %swap3A_1281 = arith.constant 16 : index
        %swap3A_1282 = tpu.vector_load %swap3A_1280[%swap3A_1281] {strides = array<i32>} : memref<64xf32, #tpu.memory_space<vmem>>, vector<16xf32>,
        tpu.vector_store %swap3A_1280[%swap3A_1281], %mul3A_1045 {strides = array<i32>} : memref<64xf32, #tpu.memory_space<vmem>>, vector<16xf32>,
        %swap3A_1283 = arith.constant 0 : i32
        %swap3A_1284 = tpu.memref_slice %arg11[%add3A_986, %swap3A_1283] : memref<208x64xf32, #tpu.memory_space<vmem>> -> memref<1x64xf32, #tpu.memory_space<vmem>>
        %swap3A_1285 = tpu.memref_squeeze %swap3A_1284 : memref<1x64xf32, #tpu.memory_space<vmem>> -> memref<64xf32, #tpu.memory_space<vmem>>
        %swap3A_1286 = arith.constant 32 : index
        %swap3A_1287 = tpu.vector_load %swap3A_1285[%swap3A_1286] {strides = array<i32>} : memref<64xf32, #tpu.memory_space<vmem>>, vector<16xf32>,
        tpu.vector_store %swap3A_1285[%swap3A_1286], %mul3A_1053 {strides = array<i32>} : memref<64xf32, #tpu.memory_space<vmem>>, vector<16xf32>,
        %swap3A_1288 = arith.constant 0 : i32
        %swap3A_1289 = tpu.memref_slice %arg11[%add3A_986, %swap3A_1288] : memref<208x64xf32, #tpu.memory_space<vmem>> -> memref<1x64xf32, #tpu.memory_space<vmem>>
        %swap3A_1290 = tpu.memref_squeeze %swap3A_1289 : memref<1x64xf32, #tpu.memory_space<vmem>> -> memref<64xf32, #tpu.memory_space<vmem>>
        %swap3A_1291 = arith.constant 48 : index
        %swap3A_1292 = tpu.vector_load %swap3A_1290[%swap3A_1291] {strides = array<i32>} : memref<64xf32, #tpu.memory_space<vmem>>, vector<16xf32>,
        tpu.vector_store %swap3A_1290[%swap3A_1291], %mul3A_1061 {strides = array<i32>} : memref<64xf32, #tpu.memory_space<vmem>>, vector<16xf32>,
        %swap3A_1293 = arith.constant 0 : i32
        %swap3A_1294 = tpu.memref_slice %arg11[%add3A_988, %swap3A_1293] : memref<208x64xf32, #tpu.memory_space<vmem>> -> memref<1x64xf32, #tpu.memory_space<vmem>>
        %swap3A_1295 = tpu.memref_squeeze %swap3A_1294 : memref<1x64xf32, #tpu.memory_space<vmem>> -> memref<64xf32, #tpu.memory_space<vmem>>
        %swap3A_1296 = arith.constant 0 : index
        %swap3A_1297 = tpu.vector_load %swap3A_1295[%swap3A_1296] {strides = array<i32>} : memref<64xf32, #tpu.memory_space<vmem>>, vector<16xf32>,
        tpu.vector_store %swap3A_1295[%swap3A_1296], %mul3A_1069 {strides = array<i32>} : memref<64xf32, #tpu.memory_space<vmem>>, vector<16xf32>,
        %swap3A_1298 = arith.constant 0 : i32
        %swap3A_1299 = tpu.memref_slice %arg11[%add3A_988, %swap3A_1298] : memref<208x64xf32, #tpu.memory_space<vmem>> -> memref<1x64xf32, #tpu.memory_space<vmem>>
        %swap3A_1300 = tpu.memref_squeeze %swap3A_1299 : memref<1x64xf32, #tpu.memory_space<vmem>> -> memref<64xf32, #tpu.memory_space<vmem>>
        %swap3A_1301 = arith.constant 16 : index
        %swap3A_1302 = tpu.vector_load %swap3A_1300[%swap3A_1301] {strides = array<i32>} : memref<64xf32, #tpu.memory_space<vmem>>, vector<16xf32>,
        tpu.vector_store %swap3A_1300[%swap3A_1301], %mul3A_1077 {strides = array<i32>} : memref<64xf32, #tpu.memory_space<vmem>>, vector<16xf32>,
        %swap3A_1303 = arith.constant 0 : i32
        %swap3A_1304 = tpu.memref_slice %arg11[%add3A_988, %swap3A_1303] : memref<208x64xf32, #tpu.memory_space<vmem>> -> memref<1x64xf32, #tpu.memory_space<vmem>>
        %swap3A_1305 = tpu.memref_squeeze %swap3A_1304 : memref<1x64xf32, #tpu.memory_space<vmem>> -> memref<64xf32, #tpu.memory_space<vmem>>
        %swap3A_1306 = arith.constant 32 : index
        %swap3A_1307 = tpu.vector_load %swap3A_1305[%swap3A_1306] {strides = array<i32>} : memref<64xf32, #tpu.memory_space<vmem>>, vector<16xf32>,
        tpu.vector_store %swap3A_1305[%swap3A_1306], %mul3A_1085 {strides = array<i32>} : memref<64xf32, #tpu.memory_space<vmem>>, vector<16xf32>,
        %swap3A_1308 = arith.constant 0 : i32
        %swap3A_1309 = tpu.memref_slice %arg11[%add3A_988, %swap3A_1308] : memref<208x64xf32, #tpu.memory_space<vmem>> -> memref<1x64xf32, #tpu.memory_space<vmem>>
        %swap3A_1310 = tpu.memref_squeeze %swap3A_1309 : memref<1x64xf32, #tpu.memory_space<vmem>> -> memref<64xf32, #tpu.memory_space<vmem>>
        %swap3A_1311 = arith.constant 48 : index
        %swap3A_1312 = tpu.vector_load %swap3A_1310[%swap3A_1311] {strides = array<i32>} : memref<64xf32, #tpu.memory_space<vmem>>, vector<16xf32>,
        tpu.vector_store %swap3A_1310[%swap3A_1311], %mul3A_1093 {strides = array<i32>} : memref<64xf32, #tpu.memory_space<vmem>>, vector<16xf32>,
        %swap3A_1313 = arith.constant 0 : i32
        %swap3A_1314 = tpu.memref_slice %arg11[%add3A_990, %swap3A_1313] : memref<208x64xf32, #tpu.memory_space<vmem>> -> memref<1x64xf32, #tpu.memory_space<vmem>>
        %swap3A_1315 = tpu.memref_squeeze %swap3A_1314 : memref<1x64xf32, #tpu.memory_space<vmem>> -> memref<64xf32, #tpu.memory_space<vmem>>
        %swap3A_1316 = arith.constant 0 : index
        %swap3A_1317 = tpu.vector_load %swap3A_1315[%swap3A_1316] {strides = array<i32>} : memref<64xf32, #tpu.memory_space<vmem>>, vector<16xf32>,
        tpu.vector_store %swap3A_1315[%swap3A_1316], %mul3A_1101 {strides = array<i32>} : memref<64xf32, #tpu.memory_space<vmem>>, vector<16xf32>,
        %swap3A_1318 = arith.constant 0 : i32
        %swap3A_1319 = tpu.memref_slice %arg11[%add3A_990, %swap3A_1318] : memref<208x64xf32, #tpu.memory_space<vmem>> -> memref<1x64xf32, #tpu.memory_space<vmem>>
        %swap3A_1320 = tpu.memref_squeeze %swap3A_1319 : memref<1x64xf32, #tpu.memory_space<vmem>> -> memref<64xf32, #tpu.memory_space<vmem>>
        %swap3A_1321 = arith.constant 16 : index
        %swap3A_1322 = tpu.vector_load %swap3A_1320[%swap3A_1321] {strides = array<i32>} : memref<64xf32, #tpu.memory_space<vmem>>, vector<16xf32>,
        tpu.vector_store %swap3A_1320[%swap3A_1321], %mul3A_1109 {strides = array<i32>} : memref<64xf32, #tpu.memory_space<vmem>>, vector<16xf32>,
        %swap3A_1323 = arith.constant 0 : i32
        %swap3A_1324 = tpu.memref_slice %arg11[%add3A_990, %swap3A_1323] : memref<208x64xf32, #tpu.memory_space<vmem>> -> memref<1x64xf32, #tpu.memory_space<vmem>>
        %swap3A_1325 = tpu.memref_squeeze %swap3A_1324 : memref<1x64xf32, #tpu.memory_space<vmem>> -> memref<64xf32, #tpu.memory_space<vmem>>
        %swap3A_1326 = arith.constant 32 : index
        %swap3A_1327 = tpu.vector_load %swap3A_1325[%swap3A_1326] {strides = array<i32>} : memref<64xf32, #tpu.memory_space<vmem>>, vector<16xf32>,
        tpu.vector_store %swap3A_1325[%swap3A_1326], %mul3A_1117 {strides = array<i32>} : memref<64xf32, #tpu.memory_space<vmem>>, vector<16xf32>,
        %swap3A_1328 = arith.constant 0 : i32
        %swap3A_1329 = tpu.memref_slice %arg11[%add3A_990, %swap3A_1328] : memref<208x64xf32, #tpu.memory_space<vmem>> -> memref<1x64xf32, #tpu.memory_space<vmem>>
        %swap3A_1330 = tpu.memref_squeeze %swap3A_1329 : memref<1x64xf32, #tpu.memory_space<vmem>> -> memref<64xf32, #tpu.memory_space<vmem>>
        %swap3A_1331 = arith.constant 48 : index
        %swap3A_1332 = tpu.vector_load %swap3A_1330[%swap3A_1331] {strides = array<i32>} : memref<64xf32, #tpu.memory_space<vmem>>, vector<16xf32>,
        tpu.vector_store %swap3A_1330[%swap3A_1331], %mul3A_1125 {strides = array<i32>} : memref<64xf32, #tpu.memory_space<vmem>>, vector<16xf32>,
        %swap3A_1333 = arith.constant 0 : i32
        %swap3A_1334 = tpu.memref_slice %arg11[%add3A_992, %swap3A_1333] : memref<208x64xf32, #tpu.memory_space<vmem>> -> memref<1x64xf32, #tpu.memory_space<vmem>>
        %swap3A_1335 = tpu.memref_squeeze %swap3A_1334 : memref<1x64xf32, #tpu.memory_space<vmem>> -> memref<64xf32, #tpu.memory_space<vmem>>
        %swap3A_1336 = arith.constant 0 : index
        %swap3A_1337 = tpu.vector_load %swap3A_1335[%swap3A_1336] {strides = array<i32>} : memref<64xf32, #tpu.memory_space<vmem>>, vector<16xf32>,
        tpu.vector_store %swap3A_1335[%swap3A_1336], %mul3A_1133 {strides = array<i32>} : memref<64xf32, #tpu.memory_space<vmem>>, vector<16xf32>,
        %swap3A_1338 = arith.constant 0 : i32
        %swap3A_1339 = tpu.memref_slice %arg11[%add3A_992, %swap3A_1338] : memref<208x64xf32, #tpu.memory_space<vmem>> -> memref<1x64xf32, #tpu.memory_space<vmem>>
        %swap3A_1340 = tpu.memref_squeeze %swap3A_1339 : memref<1x64xf32, #tpu.memory_space<vmem>> -> memref<64xf32, #tpu.memory_space<vmem>>
        %swap3A_1341 = arith.constant 16 : index
        %swap3A_1342 = tpu.vector_load %swap3A_1340[%swap3A_1341] {strides = array<i32>} : memref<64xf32, #tpu.memory_space<vmem>>, vector<16xf32>,
        tpu.vector_store %swap3A_1340[%swap3A_1341], %mul3A_1141 {strides = array<i32>} : memref<64xf32, #tpu.memory_space<vmem>>, vector<16xf32>,
        %swap3A_1343 = arith.constant 0 : i32
        %swap3A_1344 = tpu.memref_slice %arg11[%add3A_992, %swap3A_1343] : memref<208x64xf32, #tpu.memory_space<vmem>> -> memref<1x64xf32, #tpu.memory_space<vmem>>
        %swap3A_1345 = tpu.memref_squeeze %swap3A_1344 : memref<1x64xf32, #tpu.memory_space<vmem>> -> memref<64xf32, #tpu.memory_space<vmem>>
        %swap3A_1346 = arith.constant 32 : index
        %swap3A_1347 = tpu.vector_load %swap3A_1345[%swap3A_1346] {strides = array<i32>} : memref<64xf32, #tpu.memory_space<vmem>>, vector<16xf32>,
        tpu.vector_store %swap3A_1345[%swap3A_1346], %mul3A_1149 {strides = array<i32>} : memref<64xf32, #tpu.memory_space<vmem>>, vector<16xf32>,
        %swap3A_1348 = arith.constant 0 : i32
        %swap3A_1349 = tpu.memref_slice %arg11[%add3A_992, %swap3A_1348] : memref<208x64xf32, #tpu.memory_space<vmem>> -> memref<1x64xf32, #tpu.memory_space<vmem>>
        %swap3A_1350 = tpu.memref_squeeze %swap3A_1349 : memref<1x64xf32, #tpu.memory_space<vmem>> -> memref<64xf32, #tpu.memory_space<vmem>>
        %swap3A_1351 = arith.constant 48 : index
        %swap3A_1352 = tpu.vector_load %swap3A_1350[%swap3A_1351] {strides = array<i32>} : memref<64xf32, #tpu.memory_space<vmem>>, vector<16xf32>,
        tpu.vector_store %swap3A_1350[%swap3A_1351], %mul3A_1157 {strides = array<i32>} : memref<64xf32, #tpu.memory_space<vmem>>, vector<16xf32>,
        %swap3A_1353 = arith.constant 0 : i32
        %swap3A_1354 = tpu.memref_slice %arg11[%add3A_994, %swap3A_1353] : memref<208x64xf32, #tpu.memory_space<vmem>> -> memref<1x64xf32, #tpu.memory_space<vmem>>
        %swap3A_1355 = tpu.memref_squeeze %swap3A_1354 : memref<1x64xf32, #tpu.memory_space<vmem>> -> memref<64xf32, #tpu.memory_space<vmem>>
        %swap3A_1356 = arith.constant 0 : index
        %swap3A_1357 = tpu.vector_load %swap3A_1355[%swap3A_1356] {strides = array<i32>} : memref<64xf32, #tpu.memory_space<vmem>>, vector<16xf32>,
        tpu.vector_store %swap3A_1355[%swap3A_1356], %mul3A_1165 {strides = array<i32>} : memref<64xf32, #tpu.memory_space<vmem>>, vector<16xf32>,
        %swap3A_1358 = arith.constant 0 : i32
        %swap3A_1359 = tpu.memref_slice %arg11[%add3A_994, %swap3A_1358] : memref<208x64xf32, #tpu.memory_space<vmem>> -> memref<1x64xf32, #tpu.memory_space<vmem>>
        %swap3A_1360 = tpu.memref_squeeze %swap3A_1359 : memref<1x64xf32, #tpu.memory_space<vmem>> -> memref<64xf32, #tpu.memory_space<vmem>>
        %swap3A_1361 = arith.constant 16 : index
        %swap3A_1362 = tpu.vector_load %swap3A_1360[%swap3A_1361] {strides = array<i32>} : memref<64xf32, #tpu.memory_space<vmem>>, vector<16xf32>,
        tpu.vector_store %swap3A_1360[%swap3A_1361], %mul3A_1173 {strides = array<i32>} : memref<64xf32, #tpu.memory_space<vmem>>, vector<16xf32>,
        %swap3A_1363 = arith.constant 0 : i32
        %swap3A_1364 = tpu.memref_slice %arg11[%add3A_994, %swap3A_1363] : memref<208x64xf32, #tpu.memory_space<vmem>> -> memref<1x64xf32, #tpu.memory_space<vmem>>
        %swap3A_1365 = tpu.memref_squeeze %swap3A_1364 : memref<1x64xf32, #tpu.memory_space<vmem>> -> memref<64xf32, #tpu.memory_space<vmem>>
        %swap3A_1366 = arith.constant 32 : index
        %swap3A_1367 = tpu.vector_load %swap3A_1365[%swap3A_1366] {strides = array<i32>} : memref<64xf32, #tpu.memory_space<vmem>>, vector<16xf32>,
        tpu.vector_store %swap3A_1365[%swap3A_1366], %mul3A_1181 {strides = array<i32>} : memref<64xf32, #tpu.memory_space<vmem>>, vector<16xf32>,
        %swap3A_1368 = arith.constant 0 : i32
        %swap3A_1369 = tpu.memref_slice %arg11[%add3A_994, %swap3A_1368] : memref<208x64xf32, #tpu.memory_space<vmem>> -> memref<1x64xf32, #tpu.memory_space<vmem>>
        %swap3A_1370 = tpu.memref_squeeze %swap3A_1369 : memref<1x64xf32, #tpu.memory_space<vmem>> -> memref<64xf32, #tpu.memory_space<vmem>>
        %swap3A_1371 = arith.constant 48 : index
        %swap3A_1372 = tpu.vector_load %swap3A_1370[%swap3A_1371] {strides = array<i32>} : memref<64xf32, #tpu.memory_space<vmem>>, vector<16xf32>,
        tpu.vector_store %swap3A_1370[%swap3A_1371], %mul3A_1189 {strides = array<i32>} : memref<64xf32, #tpu.memory_space<vmem>>, vector<16xf32>,
        %swap3A_1373 = arith.constant 0 : i32
        %swap3A_1374 = tpu.memref_slice %arg11[%add3A_996, %swap3A_1373] : memref<208x64xf32, #tpu.memory_space<vmem>> -> memref<1x64xf32, #tpu.memory_space<vmem>>
        %swap3A_1375 = tpu.memref_squeeze %swap3A_1374 : memref<1x64xf32, #tpu.memory_space<vmem>> -> memref<64xf32, #tpu.memory_space<vmem>>
        %swap3A_1376 = arith.constant 0 : index
        %swap3A_1377 = tpu.vector_load %swap3A_1375[%swap3A_1376] {strides = array<i32>} : memref<64xf32, #tpu.memory_space<vmem>>, vector<16xf32>,
        tpu.vector_store %swap3A_1375[%swap3A_1376], %mul3A_1197 {strides = array<i32>} : memref<64xf32, #tpu.memory_space<vmem>>, vector<16xf32>,
        %swap3A_1378 = arith.constant 0 : i32
        %swap3A_1379 = tpu.memref_slice %arg11[%add3A_996, %swap3A_1378] : memref<208x64xf32, #tpu.memory_space<vmem>> -> memref<1x64xf32, #tpu.memory_space<vmem>>
        %swap3A_1380 = tpu.memref_squeeze %swap3A_1379 : memref<1x64xf32, #tpu.memory_space<vmem>> -> memref<64xf32, #tpu.memory_space<vmem>>
        %swap3A_1381 = arith.constant 16 : index
        %swap3A_1382 = tpu.vector_load %swap3A_1380[%swap3A_1381] {strides = array<i32>} : memref<64xf32, #tpu.memory_space<vmem>>, vector<16xf32>,
        tpu.vector_store %swap3A_1380[%swap3A_1381], %mul3A_1205 {strides = array<i32>} : memref<64xf32, #tpu.memory_space<vmem>>, vector<16xf32>,
        %swap3A_1383 = arith.constant 0 : i32
        %swap3A_1384 = tpu.memref_slice %arg11[%add3A_996, %swap3A_1383] : memref<208x64xf32, #tpu.memory_space<vmem>> -> memref<1x64xf32, #tpu.memory_space<vmem>>
        %swap3A_1385 = tpu.memref_squeeze %swap3A_1384 : memref<1x64xf32, #tpu.memory_space<vmem>> -> memref<64xf32, #tpu.memory_space<vmem>>
        %swap3A_1386 = arith.constant 32 : index
        %swap3A_1387 = tpu.vector_load %swap3A_1385[%swap3A_1386] {strides = array<i32>} : memref<64xf32, #tpu.memory_space<vmem>>, vector<16xf32>,
        tpu.vector_store %swap3A_1385[%swap3A_1386], %mul3A_1213 {strides = array<i32>} : memref<64xf32, #tpu.memory_space<vmem>>, vector<16xf32>,
        %swap3A_1388 = arith.constant 0 : i32
        %swap3A_1389 = tpu.memref_slice %arg11[%add3A_996, %swap3A_1388] : memref<208x64xf32, #tpu.memory_space<vmem>> -> memref<1x64xf32, #tpu.memory_space<vmem>>
        %swap3A_1390 = tpu.memref_squeeze %swap3A_1389 : memref<1x64xf32, #tpu.memory_space<vmem>> -> memref<64xf32, #tpu.memory_space<vmem>>
        %swap3A_1391 = arith.constant 48 : index
        %swap3A_1392 = tpu.vector_load %swap3A_1390[%swap3A_1391] {strides = array<i32>} : memref<64xf32, #tpu.memory_space<vmem>>, vector<16xf32>,
        tpu.vector_store %swap3A_1390[%swap3A_1391], %mul3A_1221 {strides = array<i32>} : memref<64xf32, #tpu.memory_space<vmem>>, vector<16xf32>,
        %swap3A_1393 = arith.constant 0 : i32
        %swap3A_1394 = tpu.memref_slice %arg11[%add3A_998, %swap3A_1393] : memref<208x64xf32, #tpu.memory_space<vmem>> -> memref<1x64xf32, #tpu.memory_space<vmem>>
        %swap3A_1395 = tpu.memref_squeeze %swap3A_1394 : memref<1x64xf32, #tpu.memory_space<vmem>> -> memref<64xf32, #tpu.memory_space<vmem>>
        %swap3A_1396 = arith.constant 0 : index
        %swap3A_1397 = tpu.vector_load %swap3A_1395[%swap3A_1396] {strides = array<i32>} : memref<64xf32, #tpu.memory_space<vmem>>, vector<16xf32>,
        tpu.vector_store %swap3A_1395[%swap3A_1396], %mul3A_1229 {strides = array<i32>} : memref<64xf32, #tpu.memory_space<vmem>>, vector<16xf32>,
        %swap3A_1398 = arith.constant 0 : i32
        %swap3A_1399 = tpu.memref_slice %arg11[%add3A_998, %swap3A_1398] : memref<208x64xf32, #tpu.memory_space<vmem>> -> memref<1x64xf32, #tpu.memory_space<vmem>>
        %swap3A_1400 = tpu.memref_squeeze %swap3A_1399 : memref<1x64xf32, #tpu.memory_space<vmem>> -> memref<64xf32, #tpu.memory_space<vmem>>
        %swap3A_1401 = arith.constant 16 : index
        %swap3A_1402 = tpu.vector_load %swap3A_1400[%swap3A_1401] {strides = array<i32>} : memref<64xf32, #tpu.memory_space<vmem>>, vector<16xf32>,
        tpu.vector_store %swap3A_1400[%swap3A_1401], %mul3A_1237 {strides = array<i32>} : memref<64xf32, #tpu.memory_space<vmem>>, vector<16xf32>,
        %swap3A_1403 = arith.constant 0 : i32
        %swap3A_1404 = tpu.memref_slice %arg11[%add3A_998, %swap3A_1403] : memref<208x64xf32, #tpu.memory_space<vmem>> -> memref<1x64xf32, #tpu.memory_space<vmem>>
        %swap3A_1405 = tpu.memref_squeeze %swap3A_1404 : memref<1x64xf32, #tpu.memory_space<vmem>> -> memref<64xf32, #tpu.memory_space<vmem>>
        %swap3A_1406 = arith.constant 32 : index
        %swap3A_1407 = tpu.vector_load %swap3A_1405[%swap3A_1406] {strides = array<i32>} : memref<64xf32, #tpu.memory_space<vmem>>, vector<16xf32>,
        tpu.vector_store %swap3A_1405[%swap3A_1406], %mul3A_1245 {strides = array<i32>} : memref<64xf32, #tpu.memory_space<vmem>>, vector<16xf32>,
        %swap3A_1408 = arith.constant 0 : i32
        %swap3A_1409 = tpu.memref_slice %arg11[%add3A_998, %swap3A_1408] : memref<208x64xf32, #tpu.memory_space<vmem>> -> memref<1x64xf32, #tpu.memory_space<vmem>>
        %swap3A_1410 = tpu.memref_squeeze %swap3A_1409 : memref<1x64xf32, #tpu.memory_space<vmem>> -> memref<64xf32, #tpu.memory_space<vmem>>
        %swap3A_1411 = arith.constant 48 : index
        %swap3A_1412 = tpu.vector_load %swap3A_1410[%swap3A_1411] {strides = array<i32>} : memref<64xf32, #tpu.memory_space<vmem>>, vector<16xf32>,
        tpu.vector_store %swap3A_1410[%swap3A_1411], %mul3A_1253 {strides = array<i32>} : memref<64xf32, #tpu.memory_space<vmem>>, vector<16xf32>,
      }
      %scan3A_370 = arith.constant 25 : i32
      %dma_start3A_371 = arith.constant 0 : i32
      %dma_start3A_372 = arith.constant 0 : i32
      %dma_start3A_373 = tpu.memref_slice %arg11[%dma_start3A_371, %dma_start3A_372] : memref<208x64xf32, #tpu.memory_space<vmem>> -> memref<200x64xf32, #tpu.memory_space<vmem>>
      %dma_start3A_374 = arith.constant 0 : i32
      %dma_start3A_375 = arith.constant 0 : i32
      %dma_start3A_376 = tpu.memref_slice %arg8[%add3A_236, %dma_start3A_374, %dma_start3A_375] : memref<4096x200x192xf32, #tpu.memory_space<hbm>> -> memref<1x200x64xf32, #tpu.memory_space<hbm>>
      %dma_start3A_377 = tpu.memref_squeeze %dma_start3A_376 : memref<1x200x64xf32, #tpu.memory_space<hbm>> -> memref<200x64xf32, #tpu.memory_space<hbm>>
      %dma_start3A_378 = arith.constant 0 : i32
      %dma_start3A_379 = arith.constant 0 : i32
      %dma_start3A_380 = tpu.memref_slice %arg8[%add3A_236, %dma_start3A_378, %dma_start3A_379] : memref<4096x200x192xf32, #tpu.memory_space<hbm>> -> memref<1x200x64xf32, #tpu.memory_space<hbm>>
      %dma_start3A_381 = tpu.memref_squeeze %dma_start3A_380 : memref<1x200x64xf32, #tpu.memory_space<hbm>> -> memref<200x64xf32, #tpu.memory_space<hbm>>
      %dma_start3A_382 = arith.constant 0 : i32
      %dma_start3A_383 = arith.constant 0 : i32
      %dma_start3A_384 = tpu.memref_slice %arg11[%dma_start3A_382, %dma_start3A_383] : memref<208x64xf32, #tpu.memory_space<vmem>> -> memref<200x64xf32, #tpu.memory_space<vmem>>
      tpu.enqueue_dma source(%dma_start3A_384 : memref<200x64xf32, #tpu.memory_space<vmem>>) target(%dma_start3A_381 : memref<200x64xf32, #tpu.memory_space<hbm>>) target_semaphore(%arg19 : memref<!tpu.dma_semaphore, #tpu.memory_space<semaphore_mem>>)
      %gt3A_385 = arith.constant 0 : i32
      %gt3A_386 = arith.cmpi sgt, %scan3A_233, %gt3A_385 : i32
      %convert_element_type3A_387 = arith.extui %gt3A_386 : i1 to i32
      %cond3A_388 = arith.constant 0 : i32
      %cond3A_389 = arith.cmpi ne, %convert_element_type3A_387, %cond3A_388 : i32
      scf.if %cond3A_389 {
        %sub3A_980 = arith.constant 2 : i32
        %sub3A_981 = arith.subi %add3A_238, %sub3A_980 : i32
        %dma_wait3A_982 = arith.constant 0 : i32
        %dma_wait3A_983 = arith.constant 0 : i32
        %dma_wait3A_984 = tpu.memref_slice %arg13[%dma_wait3A_982, %dma_wait3A_983] : memref<208x64xf32, #tpu.memory_space<vmem>> -> memref<200x64xf32, #tpu.memory_space<vmem>>
        %dma_wait3A_985 = arith.constant 0 : i32
        %dma_wait3A_986 = arith.constant 128 : i32
        %dma_wait3A_987 = tpu.memref_slice %arg8[%sub3A_981, %dma_wait3A_985, %dma_wait3A_986] : memref<4096x200x192xf32, #tpu.memory_space<hbm>> -> memref<1x200x64xf32, #tpu.memory_space<hbm>>
        %dma_wait3A_988 = tpu.memref_squeeze %dma_wait3A_987 : memref<1x200x64xf32, #tpu.memory_space<hbm>> -> memref<200x64xf32, #tpu.memory_space<hbm>>
        %dma_wait3A_989 = arith.constant 0 : i32
        %dma_wait3A_990 = arith.constant 128 : i32
        %dma_wait3A_991 = tpu.memref_slice %arg8[%sub3A_981, %dma_wait3A_989, %dma_wait3A_990] : memref<4096x200x192xf32, #tpu.memory_space<hbm>> -> memref<1x200x64xf32, #tpu.memory_space<hbm>>
        %dma_wait3A_992 = tpu.memref_squeeze %dma_wait3A_991 : memref<1x200x64xf32, #tpu.memory_space<hbm>> -> memref<200x64xf32, #tpu.memory_space<hbm>>
        %dma_wait3A_993 = arith.constant 0 : i32
        %dma_wait3A_994 = arith.constant 0 : i32
        %dma_wait3A_995 = tpu.memref_slice %arg13[%dma_wait3A_993, %dma_wait3A_994] : memref<208x64xf32, #tpu.memory_space<vmem>> -> memref<200x64xf32, #tpu.memory_space<vmem>>
        tpu.wait_dma2 semaphore(%arg21 : memref<!tpu.dma_semaphore, #tpu.memory_space<semaphore_mem>>) src(%dma_wait3A_995 : memref<200x64xf32, #tpu.memory_space<vmem>>) dst(%dma_wait3A_992 : memref<200x64xf32, #tpu.memory_space<hbm>>)
      } else {
      }
      %dma_start3A_390 = arith.constant 4 : i32
      %dma_start3A_391 = arith.constant 0 : i32
      %dma_start3A_392 = arith.constant 0 : i32
      %dma_start3A_393 = tpu.memref_slice %arg13[%dma_start3A_391, %dma_start3A_392] : memref<208x64xf32, #tpu.memory_space<vmem>> -> memref<104x64xf32, #tpu.memory_space<vmem>>
      %dma_start3A_394 = arith.constant 0 : i32
      %dma_start3A_395 = tpu.memref_slice %arg9[%dma_start3A_390, %dma_start3A_394] : memref<6x104xi32, #tpu.memory_space<vmem>> -> memref<1x104xi32, #tpu.memory_space<vmem>>
      %dma_start3A_396 = tpu.memref_squeeze %dma_start3A_395 : memref<1x104xi32, #tpu.memory_space<vmem>> -> memref<104xi32, #tpu.memory_space<vmem>>
      %dma_start3A_397 = arith.constant 0 : i32
      %dma_start3A_398 = arith.constant 0 : i32
      %dma_start3A_399 = tpu.memref_slice %arg7[%dma_start3A_397, %dma_start3A_398] : memref<100000x64xf32, #tpu.memory_space<hbm>> -> memref<100000x64xf32, #tpu.memory_space<hbm>>
      tpu.enqueue_indirect_dma source(%dma_start3A_399 : memref<100000x64xf32, #tpu.memory_space<hbm>>) target(%dma_start3A_393 : memref<104x64xf32, #tpu.memory_space<vmem>>) offsets(%dma_start3A_396 : memref<104xi32, #tpu.memory_space<vmem>>) semaphore(%arg18 : memref<!tpu.dma_semaphore, #tpu.memory_space<semaphore_mem>>)
      %dma_start3A_400 = arith.constant 5 : i32
      %dma_start3A_401 = arith.constant 96 : i32
      %dma_start3A_402 = arith.constant 0 : i32
      %dma_start3A_403 = tpu.memref_slice %arg13[%dma_start3A_401, %dma_start3A_402] : memref<208x64xf32, #tpu.memory_space<vmem>> -> memref<104x64xf32, #tpu.memory_space<vmem>>
      %dma_start3A_404 = arith.constant 0 : i32
      %dma_start3A_405 = tpu.memref_slice %arg9[%dma_start3A_400, %dma_start3A_404] : memref<6x104xi32, #tpu.memory_space<vmem>> -> memref<1x104xi32, #tpu.memory_space<vmem>>
      %dma_start3A_406 = tpu.memref_squeeze %dma_start3A_405 : memref<1x104xi32, #tpu.memory_space<vmem>> -> memref<104xi32, #tpu.memory_space<vmem>>
      %dma_start3A_407 = arith.constant 0 : i32
      %dma_start3A_408 = arith.constant 0 : i32
      %dma_start3A_409 = tpu.memref_slice %arg7[%dma_start3A_407, %dma_start3A_408] : memref<100000x64xf32, #tpu.memory_space<hbm>> -> memref<100000x64xf32, #tpu.memory_space<hbm>>
      tpu.enqueue_indirect_dma source(%dma_start3A_409 : memref<100000x64xf32, #tpu.memory_space<hbm>>) target(%dma_start3A_403 : memref<104x64xf32, #tpu.memory_space<vmem>>) offsets(%dma_start3A_406 : memref<104xi32, #tpu.memory_space<vmem>>) semaphore(%arg18 : memref<!tpu.dma_semaphore, #tpu.memory_space<semaphore_mem>>)
      %dma_wait3A_410 = arith.constant 2 : i32
      %dma_wait3A_411 = arith.constant 0 : i32
      %dma_wait3A_412 = arith.constant 0 : i32
      %dma_wait3A_413 = tpu.memref_slice %arg12[%dma_wait3A_411, %dma_wait3A_412] : memref<208x64xf32, #tpu.memory_space<vmem>> -> memref<104x64xf32, #tpu.memory_space<vmem>>
      %dma_wait3A_414 = arith.constant 0 : i32
      %dma_wait3A_415 = tpu.memref_slice %arg9[%dma_wait3A_410, %dma_wait3A_414] : memref<6x104xi32, #tpu.memory_space<vmem>> -> memref<1x104xi32, #tpu.memory_space<vmem>>
      %dma_wait3A_416 = tpu.memref_squeeze %dma_wait3A_415 : memref<1x104xi32, #tpu.memory_space<vmem>> -> memref<104xi32, #tpu.memory_space<vmem>>
      %dma_wait3A_417 = arith.constant 0 : i32
      %dma_wait3A_418 = arith.constant 0 : i32
      %dma_wait3A_419 = tpu.memref_slice %arg6[%dma_wait3A_417, %dma_wait3A_418] : memref<100000x64xf32, #tpu.memory_space<hbm>> -> memref<100000x64xf32, #tpu.memory_space<hbm>>
      tpu.wait_indirect_dma semaphore(%arg17 : memref<!tpu.dma_semaphore, #tpu.memory_space<semaphore_mem>>) src(%dma_wait3A_419 : memref<100000x64xf32, #tpu.memory_space<hbm>>) dst(%dma_wait3A_413 : memref<104x64xf32, #tpu.memory_space<vmem>>)
      %dma_wait3A_420 = arith.constant 3 : i32
      %dma_wait3A_421 = arith.constant 96 : i32
      %dma_wait3A_422 = arith.constant 0 : i32
      %dma_wait3A_423 = tpu.memref_slice %arg12[%dma_wait3A_421, %dma_wait3A_422] : memref<208x64xf32, #tpu.memory_space<vmem>> -> memref<104x64xf32, #tpu.memory_space<vmem>>
      %dma_wait3A_424 = arith.constant 0 : i32
      %dma_wait3A_425 = tpu.memref_slice %arg9[%dma_wait3A_420, %dma_wait3A_424] : memref<6x104xi32, #tpu.memory_space<vmem>> -> memref<1x104xi32, #tpu.memory_space<vmem>>
      %dma_wait3A_426 = tpu.memref_squeeze %dma_wait3A_425 : memref<1x104xi32, #tpu.memory_space<vmem>> -> memref<104xi32, #tpu.memory_space<vmem>>
      %dma_wait3A_427 = arith.constant 0 : i32
      %dma_wait3A_428 = arith.constant 0 : i32
      %dma_wait3A_429 = tpu.memref_slice %arg6[%dma_wait3A_427, %dma_wait3A_428] : memref<100000x64xf32, #tpu.memory_space<hbm>> -> memref<100000x64xf32, #tpu.memory_space<hbm>>
      tpu.wait_indirect_dma semaphore(%arg17 : memref<!tpu.dma_semaphore, #tpu.memory_space<semaphore_mem>>) src(%dma_wait3A_429 : memref<100000x64xf32, #tpu.memory_space<hbm>>) dst(%dma_wait3A_423 : memref<104x64xf32, #tpu.memory_space<vmem>>)
      %scan3A_430 = arith.constant 0 : i32
      %scan3A_431 = arith.constant 0 : i32
      %scan3A_432 = arith.constant 25 : i32
      %scan3A_433 = arith.addi %scan3A_431, %scan3A_432 : i32
      %scan3A_434 = arith.constant 1 : i32
      scf.for %scan3A_980 = %scan3A_431 to %scan3A_433 step %scan3A_434  : i32 {
        %mul3A_981 = arith.constant 8 : i32
        %mul3A_982 = arith.muli %scan3A_980, %mul3A_981 : i32
        %add3A_983 = arith.constant 0 : i32
        %add3A_984 = arith.addi %mul3A_982, %add3A_983 : i32
        %add3A_985 = arith.constant 1 : i32
        %add3A_986 = arith.addi %mul3A_982, %add3A_985 : i32
        %add3A_987 = arith.constant 2 : i32
        %add3A_988 = arith.addi %mul3A_982, %add3A_987 : i32
        %add3A_989 = arith.constant 3 : i32
        %add3A_990 = arith.addi %mul3A_982, %add3A_989 : i32
        %add3A_991 = arith.constant 4 : i32
        %add3A_992 = arith.addi %mul3A_982, %add3A_991 : i32
        %add3A_993 = arith.constant 5 : i32
        %add3A_994 = arith.addi %mul3A_982, %add3A_993 : i32
        %add3A_995 = arith.constant 6 : i32
        %add3A_996 = arith.addi %mul3A_982, %add3A_995 : i32
        %add3A_997 = arith.constant 7 : i32
        %add3A_998 = arith.addi %mul3A_982, %add3A_997 : i32
        %get3A = arith.constant 0 : i32
        %get3A_999 = tpu.memref_slice %arg12[%add3A_984, %get3A] : memref<208x64xf32, #tpu.memory_space<vmem>> -> memref<1x64xf32, #tpu.memory_space<vmem>>
        %get3A_1000 = tpu.memref_squeeze %get3A_999 : memref<1x64xf32, #tpu.memory_space<vmem>> -> memref<64xf32, #tpu.memory_space<vmem>>
        %get3A_1001 = arith.constant 0 : index
        %get3A_1002 = tpu.vector_load %get3A_1000[%get3A_1001] {strides = array<i32>} : memref<64xf32, #tpu.memory_space<vmem>>, vector<16xf32>,
        %mul3A_1003 = arith.constant 8.000000e+00 : f32
        %mul3A_1004 = vector.broadcast %mul3A_1003 : f32 to vector<16xf32>
        %mul3A_1005 = arith.mulf %get3A_1002, %mul3A_1004 : vector<16xf32>
        %get3A_1006 = arith.constant 0 : i32
        %get3A_1007 = tpu.memref_slice %arg12[%add3A_984, %get3A_1006] : memref<208x64xf32, #tpu.memory_space<vmem>> -> memref<1x64xf32, #tpu.memory_space<vmem>>
        %get3A_1008 = tpu.memref_squeeze %get3A_1007 : memref<1x64xf32, #tpu.memory_space<vmem>> -> memref<64xf32, #tpu.memory_space<vmem>>
        %get3A_1009 = arith.constant 16 : index
        %get3A_1010 = tpu.vector_load %get3A_1008[%get3A_1009] {strides = array<i32>} : memref<64xf32, #tpu.memory_space<vmem>>, vector<16xf32>,
        %mul3A_1011 = arith.constant 8.000000e+00 : f32
        %mul3A_1012 = vector.broadcast %mul3A_1011 : f32 to vector<16xf32>
        %mul3A_1013 = arith.mulf %get3A_1010, %mul3A_1012 : vector<16xf32>
        %get3A_1014 = arith.constant 0 : i32
        %get3A_1015 = tpu.memref_slice %arg12[%add3A_984, %get3A_1014] : memref<208x64xf32, #tpu.memory_space<vmem>> -> memref<1x64xf32, #tpu.memory_space<vmem>>
        %get3A_1016 = tpu.memref_squeeze %get3A_1015 : memref<1x64xf32, #tpu.memory_space<vmem>> -> memref<64xf32, #tpu.memory_space<vmem>>
        %get3A_1017 = arith.constant 32 : index
        %get3A_1018 = tpu.vector_load %get3A_1016[%get3A_1017] {strides = array<i32>} : memref<64xf32, #tpu.memory_space<vmem>>, vector<16xf32>,
        %mul3A_1019 = arith.constant 8.000000e+00 : f32
        %mul3A_1020 = vector.broadcast %mul3A_1019 : f32 to vector<16xf32>
        %mul3A_1021 = arith.mulf %get3A_1018, %mul3A_1020 : vector<16xf32>
        %get3A_1022 = arith.constant 0 : i32
        %get3A_1023 = tpu.memref_slice %arg12[%add3A_984, %get3A_1022] : memref<208x64xf32, #tpu.memory_space<vmem>> -> memref<1x64xf32, #tpu.memory_space<vmem>>
        %get3A_1024 = tpu.memref_squeeze %get3A_1023 : memref<1x64xf32, #tpu.memory_space<vmem>> -> memref<64xf32, #tpu.memory_space<vmem>>
        %get3A_1025 = arith.constant 48 : index
        %get3A_1026 = tpu.vector_load %get3A_1024[%get3A_1025] {strides = array<i32>} : memref<64xf32, #tpu.memory_space<vmem>>, vector<16xf32>,
        %mul3A_1027 = arith.constant 8.000000e+00 : f32
        %mul3A_1028 = vector.broadcast %mul3A_1027 : f32 to vector<16xf32>
        %mul3A_1029 = arith.mulf %get3A_1026, %mul3A_1028 : vector<16xf32>
        %get3A_1030 = arith.constant 0 : i32
        %get3A_1031 = tpu.memref_slice %arg12[%add3A_986, %get3A_1030] : memref<208x64xf32, #tpu.memory_space<vmem>> -> memref<1x64xf32, #tpu.memory_space<vmem>>
        %get3A_1032 = tpu.memref_squeeze %get3A_1031 : memref<1x64xf32, #tpu.memory_space<vmem>> -> memref<64xf32, #tpu.memory_space<vmem>>
        %get3A_1033 = arith.constant 0 : index
        %get3A_1034 = tpu.vector_load %get3A_1032[%get3A_1033] {strides = array<i32>} : memref<64xf32, #tpu.memory_space<vmem>>, vector<16xf32>,
        %mul3A_1035 = arith.constant 8.000000e+00 : f32
        %mul3A_1036 = vector.broadcast %mul3A_1035 : f32 to vector<16xf32>
        %mul3A_1037 = arith.mulf %get3A_1034, %mul3A_1036 : vector<16xf32>
        %get3A_1038 = arith.constant 0 : i32
        %get3A_1039 = tpu.memref_slice %arg12[%add3A_986, %get3A_1038] : memref<208x64xf32, #tpu.memory_space<vmem>> -> memref<1x64xf32, #tpu.memory_space<vmem>>
        %get3A_1040 = tpu.memref_squeeze %get3A_1039 : memref<1x64xf32, #tpu.memory_space<vmem>> -> memref<64xf32, #tpu.memory_space<vmem>>
        %get3A_1041 = arith.constant 16 : index
        %get3A_1042 = tpu.vector_load %get3A_1040[%get3A_1041] {strides = array<i32>} : memref<64xf32, #tpu.memory_space<vmem>>, vector<16xf32>,
        %mul3A_1043 = arith.constant 8.000000e+00 : f32
        %mul3A_1044 = vector.broadcast %mul3A_1043 : f32 to vector<16xf32>
        %mul3A_1045 = arith.mulf %get3A_1042, %mul3A_1044 : vector<16xf32>
        %get3A_1046 = arith.constant 0 : i32
        %get3A_1047 = tpu.memref_slice %arg12[%add3A_986, %get3A_1046] : memref<208x64xf32, #tpu.memory_space<vmem>> -> memref<1x64xf32, #tpu.memory_space<vmem>>
        %get3A_1048 = tpu.memref_squeeze %get3A_1047 : memref<1x64xf32, #tpu.memory_space<vmem>> -> memref<64xf32, #tpu.memory_space<vmem>>
        %get3A_1049 = arith.constant 32 : index
        %get3A_1050 = tpu.vector_load %get3A_1048[%get3A_1049] {strides = array<i32>} : memref<64xf32, #tpu.memory_space<vmem>>, vector<16xf32>,
        %mul3A_1051 = arith.constant 8.000000e+00 : f32
        %mul3A_1052 = vector.broadcast %mul3A_1051 : f32 to vector<16xf32>
        %mul3A_1053 = arith.mulf %get3A_1050, %mul3A_1052 : vector<16xf32>
        %get3A_1054 = arith.constant 0 : i32
        %get3A_1055 = tpu.memref_slice %arg12[%add3A_986, %get3A_1054] : memref<208x64xf32, #tpu.memory_space<vmem>> -> memref<1x64xf32, #tpu.memory_space<vmem>>
        %get3A_1056 = tpu.memref_squeeze %get3A_1055 : memref<1x64xf32, #tpu.memory_space<vmem>> -> memref<64xf32, #tpu.memory_space<vmem>>
        %get3A_1057 = arith.constant 48 : index
        %get3A_1058 = tpu.vector_load %get3A_1056[%get3A_1057] {strides = array<i32>} : memref<64xf32, #tpu.memory_space<vmem>>, vector<16xf32>,
        %mul3A_1059 = arith.constant 8.000000e+00 : f32
        %mul3A_1060 = vector.broadcast %mul3A_1059 : f32 to vector<16xf32>
        %mul3A_1061 = arith.mulf %get3A_1058, %mul3A_1060 : vector<16xf32>
        %get3A_1062 = arith.constant 0 : i32
        %get3A_1063 = tpu.memref_slice %arg12[%add3A_988, %get3A_1062] : memref<208x64xf32, #tpu.memory_space<vmem>> -> memref<1x64xf32, #tpu.memory_space<vmem>>
        %get3A_1064 = tpu.memref_squeeze %get3A_1063 : memref<1x64xf32, #tpu.memory_space<vmem>> -> memref<64xf32, #tpu.memory_space<vmem>>
        %get3A_1065 = arith.constant 0 : index
        %get3A_1066 = tpu.vector_load %get3A_1064[%get3A_1065] {strides = array<i32>} : memref<64xf32, #tpu.memory_space<vmem>>, vector<16xf32>,
        %mul3A_1067 = arith.constant 8.000000e+00 : f32
        %mul3A_1068 = vector.broadcast %mul3A_1067 : f32 to vector<16xf32>
        %mul3A_1069 = arith.mulf %get3A_1066, %mul3A_1068 : vector<16xf32>
        %get3A_1070 = arith.constant 0 : i32
        %get3A_1071 = tpu.memref_slice %arg12[%add3A_988, %get3A_1070] : memref<208x64xf32, #tpu.memory_space<vmem>> -> memref<1x64xf32, #tpu.memory_space<vmem>>
        %get3A_1072 = tpu.memref_squeeze %get3A_1071 : memref<1x64xf32, #tpu.memory_space<vmem>> -> memref<64xf32, #tpu.memory_space<vmem>>
        %get3A_1073 = arith.constant 16 : index
        %get3A_1074 = tpu.vector_load %get3A_1072[%get3A_1073] {strides = array<i32>} : memref<64xf32, #tpu.memory_space<vmem>>, vector<16xf32>,
        %mul3A_1075 = arith.constant 8.000000e+00 : f32
        %mul3A_1076 = vector.broadcast %mul3A_1075 : f32 to vector<16xf32>
        %mul3A_1077 = arith.mulf %get3A_1074, %mul3A_1076 : vector<16xf32>
        %get3A_1078 = arith.constant 0 : i32
        %get3A_1079 = tpu.memref_slice %arg12[%add3A_988, %get3A_1078] : memref<208x64xf32, #tpu.memory_space<vmem>> -> memref<1x64xf32, #tpu.memory_space<vmem>>
        %get3A_1080 = tpu.memref_squeeze %get3A_1079 : memref<1x64xf32, #tpu.memory_space<vmem>> -> memref<64xf32, #tpu.memory_space<vmem>>
        %get3A_1081 = arith.constant 32 : index
        %get3A_1082 = tpu.vector_load %get3A_1080[%get3A_1081] {strides = array<i32>} : memref<64xf32, #tpu.memory_space<vmem>>, vector<16xf32>,
        %mul3A_1083 = arith.constant 8.000000e+00 : f32
        %mul3A_1084 = vector.broadcast %mul3A_1083 : f32 to vector<16xf32>
        %mul3A_1085 = arith.mulf %get3A_1082, %mul3A_1084 : vector<16xf32>
        %get3A_1086 = arith.constant 0 : i32
        %get3A_1087 = tpu.memref_slice %arg12[%add3A_988, %get3A_1086] : memref<208x64xf32, #tpu.memory_space<vmem>> -> memref<1x64xf32, #tpu.memory_space<vmem>>
        %get3A_1088 = tpu.memref_squeeze %get3A_1087 : memref<1x64xf32, #tpu.memory_space<vmem>> -> memref<64xf32, #tpu.memory_space<vmem>>
        %get3A_1089 = arith.constant 48 : index
        %get3A_1090 = tpu.vector_load %get3A_1088[%get3A_1089] {strides = array<i32>} : memref<64xf32, #tpu.memory_space<vmem>>, vector<16xf32>,
        %mul3A_1091 = arith.constant 8.000000e+00 : f32
        %mul3A_1092 = vector.broadcast %mul3A_1091 : f32 to vector<16xf32>
        %mul3A_1093 = arith.mulf %get3A_1090, %mul3A_1092 : vector<16xf32>
        %get3A_1094 = arith.constant 0 : i32
        %get3A_1095 = tpu.memref_slice %arg12[%add3A_990, %get3A_1094] : memref<208x64xf32, #tpu.memory_space<vmem>> -> memref<1x64xf32, #tpu.memory_space<vmem>>
        %get3A_1096 = tpu.memref_squeeze %get3A_1095 : memref<1x64xf32, #tpu.memory_space<vmem>> -> memref<64xf32, #tpu.memory_space<vmem>>
        %get3A_1097 = arith.constant 0 : index
        %get3A_1098 = tpu.vector_load %get3A_1096[%get3A_1097] {strides = array<i32>} : memref<64xf32, #tpu.memory_space<vmem>>, vector<16xf32>,
        %mul3A_1099 = arith.constant 8.000000e+00 : f32
        %mul3A_1100 = vector.broadcast %mul3A_1099 : f32 to vector<16xf32>
        %mul3A_1101 = arith.mulf %get3A_1098, %mul3A_1100 : vector<16xf32>
        %get3A_1102 = arith.constant 0 : i32
        %get3A_1103 = tpu.memref_slice %arg12[%add3A_990, %get3A_1102] : memref<208x64xf32, #tpu.memory_space<vmem>> -> memref<1x64xf32, #tpu.memory_space<vmem>>
        %get3A_1104 = tpu.memref_squeeze %get3A_1103 : memref<1x64xf32, #tpu.memory_space<vmem>> -> memref<64xf32, #tpu.memory_space<vmem>>
        %get3A_1105 = arith.constant 16 : index
        %get3A_1106 = tpu.vector_load %get3A_1104[%get3A_1105] {strides = array<i32>} : memref<64xf32, #tpu.memory_space<vmem>>, vector<16xf32>,
        %mul3A_1107 = arith.constant 8.000000e+00 : f32
        %mul3A_1108 = vector.broadcast %mul3A_1107 : f32 to vector<16xf32>
        %mul3A_1109 = arith.mulf %get3A_1106, %mul3A_1108 : vector<16xf32>
        %get3A_1110 = arith.constant 0 : i32
        %get3A_1111 = tpu.memref_slice %arg12[%add3A_990, %get3A_1110] : memref<208x64xf32, #tpu.memory_space<vmem>> -> memref<1x64xf32, #tpu.memory_space<vmem>>
        %get3A_1112 = tpu.memref_squeeze %get3A_1111 : memref<1x64xf32, #tpu.memory_space<vmem>> -> memref<64xf32, #tpu.memory_space<vmem>>
        %get3A_1113 = arith.constant 32 : index
        %get3A_1114 = tpu.vector_load %get3A_1112[%get3A_1113] {strides = array<i32>} : memref<64xf32, #tpu.memory_space<vmem>>, vector<16xf32>,
        %mul3A_1115 = arith.constant 8.000000e+00 : f32
        %mul3A_1116 = vector.broadcast %mul3A_1115 : f32 to vector<16xf32>
        %mul3A_1117 = arith.mulf %get3A_1114, %mul3A_1116 : vector<16xf32>
        %get3A_1118 = arith.constant 0 : i32
        %get3A_1119 = tpu.memref_slice %arg12[%add3A_990, %get3A_1118] : memref<208x64xf32, #tpu.memory_space<vmem>> -> memref<1x64xf32, #tpu.memory_space<vmem>>
        %get3A_1120 = tpu.memref_squeeze %get3A_1119 : memref<1x64xf32, #tpu.memory_space<vmem>> -> memref<64xf32, #tpu.memory_space<vmem>>
        %get3A_1121 = arith.constant 48 : index
        %get3A_1122 = tpu.vector_load %get3A_1120[%get3A_1121] {strides = array<i32>} : memref<64xf32, #tpu.memory_space<vmem>>, vector<16xf32>,
        %mul3A_1123 = arith.constant 8.000000e+00 : f32
        %mul3A_1124 = vector.broadcast %mul3A_1123 : f32 to vector<16xf32>
        %mul3A_1125 = arith.mulf %get3A_1122, %mul3A_1124 : vector<16xf32>
        %get3A_1126 = arith.constant 0 : i32
        %get3A_1127 = tpu.memref_slice %arg12[%add3A_992, %get3A_1126] : memref<208x64xf32, #tpu.memory_space<vmem>> -> memref<1x64xf32, #tpu.memory_space<vmem>>
        %get3A_1128 = tpu.memref_squeeze %get3A_1127 : memref<1x64xf32, #tpu.memory_space<vmem>> -> memref<64xf32, #tpu.memory_space<vmem>>
        %get3A_1129 = arith.constant 0 : index
        %get3A_1130 = tpu.vector_load %get3A_1128[%get3A_1129] {strides = array<i32>} : memref<64xf32, #tpu.memory_space<vmem>>, vector<16xf32>,
        %mul3A_1131 = arith.constant 8.000000e+00 : f32
        %mul3A_1132 = vector.broadcast %mul3A_1131 : f32 to vector<16xf32>
        %mul3A_1133 = arith.mulf %get3A_1130, %mul3A_1132 : vector<16xf32>
        %get3A_1134 = arith.constant 0 : i32
        %get3A_1135 = tpu.memref_slice %arg12[%add3A_992, %get3A_1134] : memref<208x64xf32, #tpu.memory_space<vmem>> -> memref<1x64xf32, #tpu.memory_space<vmem>>
        %get3A_1136 = tpu.memref_squeeze %get3A_1135 : memref<1x64xf32, #tpu.memory_space<vmem>> -> memref<64xf32, #tpu.memory_space<vmem>>
        %get3A_1137 = arith.constant 16 : index
        %get3A_1138 = tpu.vector_load %get3A_1136[%get3A_1137] {strides = array<i32>} : memref<64xf32, #tpu.memory_space<vmem>>, vector<16xf32>,
        %mul3A_1139 = arith.constant 8.000000e+00 : f32
        %mul3A_1140 = vector.broadcast %mul3A_1139 : f32 to vector<16xf32>
        %mul3A_1141 = arith.mulf %get3A_1138, %mul3A_1140 : vector<16xf32>
        %get3A_1142 = arith.constant 0 : i32
        %get3A_1143 = tpu.memref_slice %arg12[%add3A_992, %get3A_1142] : memref<208x64xf32, #tpu.memory_space<vmem>> -> memref<1x64xf32, #tpu.memory_space<vmem>>
        %get3A_1144 = tpu.memref_squeeze %get3A_1143 : memref<1x64xf32, #tpu.memory_space<vmem>> -> memref<64xf32, #tpu.memory_space<vmem>>
        %get3A_1145 = arith.constant 32 : index
        %get3A_1146 = tpu.vector_load %get3A_1144[%get3A_1145] {strides = array<i32>} : memref<64xf32, #tpu.memory_space<vmem>>, vector<16xf32>,
        %mul3A_1147 = arith.constant 8.000000e+00 : f32
        %mul3A_1148 = vector.broadcast %mul3A_1147 : f32 to vector<16xf32>
        %mul3A_1149 = arith.mulf %get3A_1146, %mul3A_1148 : vector<16xf32>
        %get3A_1150 = arith.constant 0 : i32
        %get3A_1151 = tpu.memref_slice %arg12[%add3A_992, %get3A_1150] : memref<208x64xf32, #tpu.memory_space<vmem>> -> memref<1x64xf32, #tpu.memory_space<vmem>>
        %get3A_1152 = tpu.memref_squeeze %get3A_1151 : memref<1x64xf32, #tpu.memory_space<vmem>> -> memref<64xf32, #tpu.memory_space<vmem>>
        %get3A_1153 = arith.constant 48 : index
        %get3A_1154 = tpu.vector_load %get3A_1152[%get3A_1153] {strides = array<i32>} : memref<64xf32, #tpu.memory_space<vmem>>, vector<16xf32>,
        %mul3A_1155 = arith.constant 8.000000e+00 : f32
        %mul3A_1156 = vector.broadcast %mul3A_1155 : f32 to vector<16xf32>
        %mul3A_1157 = arith.mulf %get3A_1154, %mul3A_1156 : vector<16xf32>
        %get3A_1158 = arith.constant 0 : i32
        %get3A_1159 = tpu.memref_slice %arg12[%add3A_994, %get3A_1158] : memref<208x64xf32, #tpu.memory_space<vmem>> -> memref<1x64xf32, #tpu.memory_space<vmem>>
        %get3A_1160 = tpu.memref_squeeze %get3A_1159 : memref<1x64xf32, #tpu.memory_space<vmem>> -> memref<64xf32, #tpu.memory_space<vmem>>
        %get3A_1161 = arith.constant 0 : index
        %get3A_1162 = tpu.vector_load %get3A_1160[%get3A_1161] {strides = array<i32>} : memref<64xf32, #tpu.memory_space<vmem>>, vector<16xf32>,
        %mul3A_1163 = arith.constant 8.000000e+00 : f32
        %mul3A_1164 = vector.broadcast %mul3A_1163 : f32 to vector<16xf32>
        %mul3A_1165 = arith.mulf %get3A_1162, %mul3A_1164 : vector<16xf32>
        %get3A_1166 = arith.constant 0 : i32
        %get3A_1167 = tpu.memref_slice %arg12[%add3A_994, %get3A_1166] : memref<208x64xf32, #tpu.memory_space<vmem>> -> memref<1x64xf32, #tpu.memory_space<vmem>>
        %get3A_1168 = tpu.memref_squeeze %get3A_1167 : memref<1x64xf32, #tpu.memory_space<vmem>> -> memref<64xf32, #tpu.memory_space<vmem>>
        %get3A_1169 = arith.constant 16 : index
        %get3A_1170 = tpu.vector_load %get3A_1168[%get3A_1169] {strides = array<i32>} : memref<64xf32, #tpu.memory_space<vmem>>, vector<16xf32>,
        %mul3A_1171 = arith.constant 8.000000e+00 : f32
        %mul3A_1172 = vector.broadcast %mul3A_1171 : f32 to vector<16xf32>
        %mul3A_1173 = arith.mulf %get3A_1170, %mul3A_1172 : vector<16xf32>
        %get3A_1174 = arith.constant 0 : i32
        %get3A_1175 = tpu.memref_slice %arg12[%add3A_994, %get3A_1174] : memref<208x64xf32, #tpu.memory_space<vmem>> -> memref<1x64xf32, #tpu.memory_space<vmem>>
        %get3A_1176 = tpu.memref_squeeze %get3A_1175 : memref<1x64xf32, #tpu.memory_space<vmem>> -> memref<64xf32, #tpu.memory_space<vmem>>
        %get3A_1177 = arith.constant 32 : index
        %get3A_1178 = tpu.vector_load %get3A_1176[%get3A_1177] {strides = array<i32>} : memref<64xf32, #tpu.memory_space<vmem>>, vector<16xf32>,
        %mul3A_1179 = arith.constant 8.000000e+00 : f32
        %mul3A_1180 = vector.broadcast %mul3A_1179 : f32 to vector<16xf32>
        %mul3A_1181 = arith.mulf %get3A_1178, %mul3A_1180 : vector<16xf32>
        %get3A_1182 = arith.constant 0 : i32
        %get3A_1183 = tpu.memref_slice %arg12[%add3A_994, %get3A_1182] : memref<208x64xf32, #tpu.memory_space<vmem>> -> memref<1x64xf32, #tpu.memory_space<vmem>>
        %get3A_1184 = tpu.memref_squeeze %get3A_1183 : memref<1x64xf32, #tpu.memory_space<vmem>> -> memref<64xf32, #tpu.memory_space<vmem>>
        %get3A_1185 = arith.constant 48 : index
        %get3A_1186 = tpu.vector_load %get3A_1184[%get3A_1185] {strides = array<i32>} : memref<64xf32, #tpu.memory_space<vmem>>, vector<16xf32>,
        %mul3A_1187 = arith.constant 8.000000e+00 : f32
        %mul3A_1188 = vector.broadcast %mul3A_1187 : f32 to vector<16xf32>
        %mul3A_1189 = arith.mulf %get3A_1186, %mul3A_1188 : vector<16xf32>
        %get3A_1190 = arith.constant 0 : i32
        %get3A_1191 = tpu.memref_slice %arg12[%add3A_996, %get3A_1190] : memref<208x64xf32, #tpu.memory_space<vmem>> -> memref<1x64xf32, #tpu.memory_space<vmem>>
        %get3A_1192 = tpu.memref_squeeze %get3A_1191 : memref<1x64xf32, #tpu.memory_space<vmem>> -> memref<64xf32, #tpu.memory_space<vmem>>
        %get3A_1193 = arith.constant 0 : index
        %get3A_1194 = tpu.vector_load %get3A_1192[%get3A_1193] {strides = array<i32>} : memref<64xf32, #tpu.memory_space<vmem>>, vector<16xf32>,
        %mul3A_1195 = arith.constant 8.000000e+00 : f32
        %mul3A_1196 = vector.broadcast %mul3A_1195 : f32 to vector<16xf32>
        %mul3A_1197 = arith.mulf %get3A_1194, %mul3A_1196 : vector<16xf32>
        %get3A_1198 = arith.constant 0 : i32
        %get3A_1199 = tpu.memref_slice %arg12[%add3A_996, %get3A_1198] : memref<208x64xf32, #tpu.memory_space<vmem>> -> memref<1x64xf32, #tpu.memory_space<vmem>>
        %get3A_1200 = tpu.memref_squeeze %get3A_1199 : memref<1x64xf32, #tpu.memory_space<vmem>> -> memref<64xf32, #tpu.memory_space<vmem>>
        %get3A_1201 = arith.constant 16 : index
        %get3A_1202 = tpu.vector_load %get3A_1200[%get3A_1201] {strides = array<i32>} : memref<64xf32, #tpu.memory_space<vmem>>, vector<16xf32>,
        %mul3A_1203 = arith.constant 8.000000e+00 : f32
        %mul3A_1204 = vector.broadcast %mul3A_1203 : f32 to vector<16xf32>
        %mul3A_1205 = arith.mulf %get3A_1202, %mul3A_1204 : vector<16xf32>
        %get3A_1206 = arith.constant 0 : i32
        %get3A_1207 = tpu.memref_slice %arg12[%add3A_996, %get3A_1206] : memref<208x64xf32, #tpu.memory_space<vmem>> -> memref<1x64xf32, #tpu.memory_space<vmem>>
        %get3A_1208 = tpu.memref_squeeze %get3A_1207 : memref<1x64xf32, #tpu.memory_space<vmem>> -> memref<64xf32, #tpu.memory_space<vmem>>
        %get3A_1209 = arith.constant 32 : index
        %get3A_1210 = tpu.vector_load %get3A_1208[%get3A_1209] {strides = array<i32>} : memref<64xf32, #tpu.memory_space<vmem>>, vector<16xf32>,
        %mul3A_1211 = arith.constant 8.000000e+00 : f32
        %mul3A_1212 = vector.broadcast %mul3A_1211 : f32 to vector<16xf32>
        %mul3A_1213 = arith.mulf %get3A_1210, %mul3A_1212 : vector<16xf32>
        %get3A_1214 = arith.constant 0 : i32
        %get3A_1215 = tpu.memref_slice %arg12[%add3A_996, %get3A_1214] : memref<208x64xf32, #tpu.memory_space<vmem>> -> memref<1x64xf32, #tpu.memory_space<vmem>>
        %get3A_1216 = tpu.memref_squeeze %get3A_1215 : memref<1x64xf32, #tpu.memory_space<vmem>> -> memref<64xf32, #tpu.memory_space<vmem>>
        %get3A_1217 = arith.constant 48 : index
        %get3A_1218 = tpu.vector_load %get3A_1216[%get3A_1217] {strides = array<i32>} : memref<64xf32, #tpu.memory_space<vmem>>, vector<16xf32>,
        %mul3A_1219 = arith.constant 8.000000e+00 : f32
        %mul3A_1220 = vector.broadcast %mul3A_1219 : f32 to vector<16xf32>
        %mul3A_1221 = arith.mulf %get3A_1218, %mul3A_1220 : vector<16xf32>
        %get3A_1222 = arith.constant 0 : i32
        %get3A_1223 = tpu.memref_slice %arg12[%add3A_998, %get3A_1222] : memref<208x64xf32, #tpu.memory_space<vmem>> -> memref<1x64xf32, #tpu.memory_space<vmem>>
        %get3A_1224 = tpu.memref_squeeze %get3A_1223 : memref<1x64xf32, #tpu.memory_space<vmem>> -> memref<64xf32, #tpu.memory_space<vmem>>
        %get3A_1225 = arith.constant 0 : index
        %get3A_1226 = tpu.vector_load %get3A_1224[%get3A_1225] {strides = array<i32>} : memref<64xf32, #tpu.memory_space<vmem>>, vector<16xf32>,
        %mul3A_1227 = arith.constant 8.000000e+00 : f32
        %mul3A_1228 = vector.broadcast %mul3A_1227 : f32 to vector<16xf32>
        %mul3A_1229 = arith.mulf %get3A_1226, %mul3A_1228 : vector<16xf32>
        %get3A_1230 = arith.constant 0 : i32
        %get3A_1231 = tpu.memref_slice %arg12[%add3A_998, %get3A_1230] : memref<208x64xf32, #tpu.memory_space<vmem>> -> memref<1x64xf32, #tpu.memory_space<vmem>>
        %get3A_1232 = tpu.memref_squeeze %get3A_1231 : memref<1x64xf32, #tpu.memory_space<vmem>> -> memref<64xf32, #tpu.memory_space<vmem>>
        %get3A_1233 = arith.constant 16 : index
        %get3A_1234 = tpu.vector_load %get3A_1232[%get3A_1233] {strides = array<i32>} : memref<64xf32, #tpu.memory_space<vmem>>, vector<16xf32>,
        %mul3A_1235 = arith.constant 8.000000e+00 : f32
        %mul3A_1236 = vector.broadcast %mul3A_1235 : f32 to vector<16xf32>
        %mul3A_1237 = arith.mulf %get3A_1234, %mul3A_1236 : vector<16xf32>
        %get3A_1238 = arith.constant 0 : i32
        %get3A_1239 = tpu.memref_slice %arg12[%add3A_998, %get3A_1238] : memref<208x64xf32, #tpu.memory_space<vmem>> -> memref<1x64xf32, #tpu.memory_space<vmem>>
        %get3A_1240 = tpu.memref_squeeze %get3A_1239 : memref<1x64xf32, #tpu.memory_space<vmem>> -> memref<64xf32, #tpu.memory_space<vmem>>
        %get3A_1241 = arith.constant 32 : index
        %get3A_1242 = tpu.vector_load %get3A_1240[%get3A_1241] {strides = array<i32>} : memref<64xf32, #tpu.memory_space<vmem>>, vector<16xf32>,
        %mul3A_1243 = arith.constant 8.000000e+00 : f32
        %mul3A_1244 = vector.broadcast %mul3A_1243 : f32 to vector<16xf32>
        %mul3A_1245 = arith.mulf %get3A_1242, %mul3A_1244 : vector<16xf32>
        %get3A_1246 = arith.constant 0 : i32
        %get3A_1247 = tpu.memref_slice %arg12[%add3A_998, %get3A_1246] : memref<208x64xf32, #tpu.memory_space<vmem>> -> memref<1x64xf32, #tpu.memory_space<vmem>>
        %get3A_1248 = tpu.memref_squeeze %get3A_1247 : memref<1x64xf32, #tpu.memory_space<vmem>> -> memref<64xf32, #tpu.memory_space<vmem>>
        %get3A_1249 = arith.constant 48 : index
        %get3A_1250 = tpu.vector_load %get3A_1248[%get3A_1249] {strides = array<i32>} : memref<64xf32, #tpu.memory_space<vmem>>, vector<16xf32>,
        %mul3A_1251 = arith.constant 8.000000e+00 : f32
        %mul3A_1252 = vector.broadcast %mul3A_1251 : f32 to vector<16xf32>
        %mul3A_1253 = arith.mulf %get3A_1250, %mul3A_1252 : vector<16xf32>
        %swap3A = arith.constant 0 : i32
        %swap3A_1254 = tpu.memref_slice %arg12[%add3A_984, %swap3A] : memref<208x64xf32, #tpu.memory_space<vmem>> -> memref<1x64xf32, #tpu.memory_space<vmem>>
        %swap3A_1255 = tpu.memref_squeeze %swap3A_1254 : memref<1x64xf32, #tpu.memory_space<vmem>> -> memref<64xf32, #tpu.memory_space<vmem>>
        %swap3A_1256 = arith.constant 0 : index
        %swap3A_1257 = tpu.vector_load %swap3A_1255[%swap3A_1256] {strides = array<i32>} : memref<64xf32, #tpu.memory_space<vmem>>, vector<16xf32>,
        tpu.vector_store %swap3A_1255[%swap3A_1256], %mul3A_1005 {strides = array<i32>} : memref<64xf32, #tpu.memory_space<vmem>>, vector<16xf32>,
        %swap3A_1258 = arith.constant 0 : i32
        %swap3A_1259 = tpu.memref_slice %arg12[%add3A_984, %swap3A_1258] : memref<208x64xf32, #tpu.memory_space<vmem>> -> memref<1x64xf32, #tpu.memory_space<vmem>>
        %swap3A_1260 = tpu.memref_squeeze %swap3A_1259 : memref<1x64xf32, #tpu.memory_space<vmem>> -> memref<64xf32, #tpu.memory_space<vmem>>
        %swap3A_1261 = arith.constant 16 : index
        %swap3A_1262 = tpu.vector_load %swap3A_1260[%swap3A_1261] {strides = array<i32>} : memref<64xf32, #tpu.memory_space<vmem>>, vector<16xf32>,
        tpu.vector_store %swap3A_1260[%swap3A_1261], %mul3A_1013 {strides = array<i32>} : memref<64xf32, #tpu.memory_space<vmem>>, vector<16xf32>,
        %swap3A_1263 = arith.constant 0 : i32
        %swap3A_1264 = tpu.memref_slice %arg12[%add3A_984, %swap3A_1263] : memref<208x64xf32, #tpu.memory_space<vmem>> -> memref<1x64xf32, #tpu.memory_space<vmem>>
        %swap3A_1265 = tpu.memref_squeeze %swap3A_1264 : memref<1x64xf32, #tpu.memory_space<vmem>> -> memref<64xf32, #tpu.memory_space<vmem>>
        %swap3A_1266 = arith.constant 32 : index
        %swap3A_1267 = tpu.vector_load %swap3A_1265[%swap3A_1266] {strides = array<i32>} : memref<64xf32, #tpu.memory_space<vmem>>, vector<16xf32>,
        tpu.vector_store %swap3A_1265[%swap3A_1266], %mul3A_1021 {strides = array<i32>} : memref<64xf32, #tpu.memory_space<vmem>>, vector<16xf32>,
        %swap3A_1268 = arith.constant 0 : i32
        %swap3A_1269 = tpu.memref_slice %arg12[%add3A_984, %swap3A_1268] : memref<208x64xf32, #tpu.memory_space<vmem>> -> memref<1x64xf32, #tpu.memory_space<vmem>>
        %swap3A_1270 = tpu.memref_squeeze %swap3A_1269 : memref<1x64xf32, #tpu.memory_space<vmem>> -> memref<64xf32, #tpu.memory_space<vmem>>
        %swap3A_1271 = arith.constant 48 : index
        %swap3A_1272 = tpu.vector_load %swap3A_1270[%swap3A_1271] {strides = array<i32>} : memref<64xf32, #tpu.memory_space<vmem>>, vector<16xf32>,
        tpu.vector_store %swap3A_1270[%swap3A_1271], %mul3A_1029 {strides = array<i32>} : memref<64xf32, #tpu.memory_space<vmem>>, vector<16xf32>,
        %swap3A_1273 = arith.constant 0 : i32
        %swap3A_1274 = tpu.memref_slice %arg12[%add3A_986, %swap3A_1273] : memref<208x64xf32, #tpu.memory_space<vmem>> -> memref<1x64xf32, #tpu.memory_space<vmem>>
        %swap3A_1275 = tpu.memref_squeeze %swap3A_1274 : memref<1x64xf32, #tpu.memory_space<vmem>> -> memref<64xf32, #tpu.memory_space<vmem>>
        %swap3A_1276 = arith.constant 0 : index
        %swap3A_1277 = tpu.vector_load %swap3A_1275[%swap3A_1276] {strides = array<i32>} : memref<64xf32, #tpu.memory_space<vmem>>, vector<16xf32>,
        tpu.vector_store %swap3A_1275[%swap3A_1276], %mul3A_1037 {strides = array<i32>} : memref<64xf32, #tpu.memory_space<vmem>>, vector<16xf32>,
        %swap3A_1278 = arith.constant 0 : i32
        %swap3A_1279 = tpu.memref_slice %arg12[%add3A_986, %swap3A_1278] : memref<208x64xf32, #tpu.memory_space<vmem>> -> memref<1x64xf32, #tpu.memory_space<vmem>>
        %swap3A_1280 = tpu.memref_squeeze %swap3A_1279 : memref<1x64xf32, #tpu.memory_space<vmem>> -> memref<64xf32, #tpu.memory_space<vmem>>
        %swap3A_1281 = arith.constant 16 : index
        %swap3A_1282 = tpu.vector_load %swap3A_1280[%swap3A_1281] {strides = array<i32>} : memref<64xf32, #tpu.memory_space<vmem>>, vector<16xf32>,
        tpu.vector_store %swap3A_1280[%swap3A_1281], %mul3A_1045 {strides = array<i32>} : memref<64xf32, #tpu.memory_space<vmem>>, vector<16xf32>,
        %swap3A_1283 = arith.constant 0 : i32
        %swap3A_1284 = tpu.memref_slice %arg12[%add3A_986, %swap3A_1283] : memref<208x64xf32, #tpu.memory_space<vmem>> -> memref<1x64xf32, #tpu.memory_space<vmem>>
        %swap3A_1285 = tpu.memref_squeeze %swap3A_1284 : memref<1x64xf32, #tpu.memory_space<vmem>> -> memref<64xf32, #tpu.memory_space<vmem>>
        %swap3A_1286 = arith.constant 32 : index
        %swap3A_1287 = tpu.vector_load %swap3A_1285[%swap3A_1286] {strides = array<i32>} : memref<64xf32, #tpu.memory_space<vmem>>, vector<16xf32>,
        tpu.vector_store %swap3A_1285[%swap3A_1286], %mul3A_1053 {strides = array<i32>} : memref<64xf32, #tpu.memory_space<vmem>>, vector<16xf32>,
        %swap3A_1288 = arith.constant 0 : i32
        %swap3A_1289 = tpu.memref_slice %arg12[%add3A_986, %swap3A_1288] : memref<208x64xf32, #tpu.memory_space<vmem>> -> memref<1x64xf32, #tpu.memory_space<vmem>>
        %swap3A_1290 = tpu.memref_squeeze %swap3A_1289 : memref<1x64xf32, #tpu.memory_space<vmem>> -> memref<64xf32, #tpu.memory_space<vmem>>
        %swap3A_1291 = arith.constant 48 : index
        %swap3A_1292 = tpu.vector_load %swap3A_1290[%swap3A_1291] {strides = array<i32>} : memref<64xf32, #tpu.memory_space<vmem>>, vector<16xf32>,
        tpu.vector_store %swap3A_1290[%swap3A_1291], %mul3A_1061 {strides = array<i32>} : memref<64xf32, #tpu.memory_space<vmem>>, vector<16xf32>,
        %swap3A_1293 = arith.constant 0 : i32
        %swap3A_1294 = tpu.memref_slice %arg12[%add3A_988, %swap3A_1293] : memref<208x64xf32, #tpu.memory_space<vmem>> -> memref<1x64xf32, #tpu.memory_space<vmem>>
        %swap3A_1295 = tpu.memref_squeeze %swap3A_1294 : memref<1x64xf32, #tpu.memory_space<vmem>> -> memref<64xf32, #tpu.memory_space<vmem>>
        %swap3A_1296 = arith.constant 0 : index
        %swap3A_1297 = tpu.vector_load %swap3A_1295[%swap3A_1296] {strides = array<i32>} : memref<64xf32, #tpu.memory_space<vmem>>, vector<16xf32>,
        tpu.vector_store %swap3A_1295[%swap3A_1296], %mul3A_1069 {strides = array<i32>} : memref<64xf32, #tpu.memory_space<vmem>>, vector<16xf32>,
        %swap3A_1298 = arith.constant 0 : i32
        %swap3A_1299 = tpu.memref_slice %arg12[%add3A_988, %swap3A_1298] : memref<208x64xf32, #tpu.memory_space<vmem>> -> memref<1x64xf32, #tpu.memory_space<vmem>>
        %swap3A_1300 = tpu.memref_squeeze %swap3A_1299 : memref<1x64xf32, #tpu.memory_space<vmem>> -> memref<64xf32, #tpu.memory_space<vmem>>
        %swap3A_1301 = arith.constant 16 : index
        %swap3A_1302 = tpu.vector_load %swap3A_1300[%swap3A_1301] {strides = array<i32>} : memref<64xf32, #tpu.memory_space<vmem>>, vector<16xf32>,
        tpu.vector_store %swap3A_1300[%swap3A_1301], %mul3A_1077 {strides = array<i32>} : memref<64xf32, #tpu.memory_space<vmem>>, vector<16xf32>,
        %swap3A_1303 = arith.constant 0 : i32
        %swap3A_1304 = tpu.memref_slice %arg12[%add3A_988, %swap3A_1303] : memref<208x64xf32, #tpu.memory_space<vmem>> -> memref<1x64xf32, #tpu.memory_space<vmem>>
        %swap3A_1305 = tpu.memref_squeeze %swap3A_1304 : memref<1x64xf32, #tpu.memory_space<vmem>> -> memref<64xf32, #tpu.memory_space<vmem>>
        %swap3A_1306 = arith.constant 32 : index
        %swap3A_1307 = tpu.vector_load %swap3A_1305[%swap3A_1306] {strides = array<i32>} : memref<64xf32, #tpu.memory_space<vmem>>, vector<16xf32>,
        tpu.vector_store %swap3A_1305[%swap3A_1306], %mul3A_1085 {strides = array<i32>} : memref<64xf32, #tpu.memory_space<vmem>>, vector<16xf32>,
        %swap3A_1308 = arith.constant 0 : i32
        %swap3A_1309 = tpu.memref_slice %arg12[%add3A_988, %swap3A_1308] : memref<208x64xf32, #tpu.memory_space<vmem>> -> memref<1x64xf32, #tpu.memory_space<vmem>>
        %swap3A_1310 = tpu.memref_squeeze %swap3A_1309 : memref<1x64xf32, #tpu.memory_space<vmem>> -> memref<64xf32, #tpu.memory_space<vmem>>
        %swap3A_1311 = arith.constant 48 : index
        %swap3A_1312 = tpu.vector_load %swap3A_1310[%swap3A_1311] {strides = array<i32>} : memref<64xf32, #tpu.memory_space<vmem>>, vector<16xf32>,
        tpu.vector_store %swap3A_1310[%swap3A_1311], %mul3A_1093 {strides = array<i32>} : memref<64xf32, #tpu.memory_space<vmem>>, vector<16xf32>,
        %swap3A_1313 = arith.constant 0 : i32
        %swap3A_1314 = tpu.memref_slice %arg12[%add3A_990, %swap3A_1313] : memref<208x64xf32, #tpu.memory_space<vmem>> -> memref<1x64xf32, #tpu.memory_space<vmem>>
        %swap3A_1315 = tpu.memref_squeeze %swap3A_1314 : memref<1x64xf32, #tpu.memory_space<vmem>> -> memref<64xf32, #tpu.memory_space<vmem>>
        %swap3A_1316 = arith.constant 0 : index
        %swap3A_1317 = tpu.vector_load %swap3A_1315[%swap3A_1316] {strides = array<i32>} : memref<64xf32, #tpu.memory_space<vmem>>, vector<16xf32>,
        tpu.vector_store %swap3A_1315[%swap3A_1316], %mul3A_1101 {strides = array<i32>} : memref<64xf32, #tpu.memory_space<vmem>>, vector<16xf32>,
        %swap3A_1318 = arith.constant 0 : i32
        %swap3A_1319 = tpu.memref_slice %arg12[%add3A_990, %swap3A_1318] : memref<208x64xf32, #tpu.memory_space<vmem>> -> memref<1x64xf32, #tpu.memory_space<vmem>>
        %swap3A_1320 = tpu.memref_squeeze %swap3A_1319 : memref<1x64xf32, #tpu.memory_space<vmem>> -> memref<64xf32, #tpu.memory_space<vmem>>
        %swap3A_1321 = arith.constant 16 : index
        %swap3A_1322 = tpu.vector_load %swap3A_1320[%swap3A_1321] {strides = array<i32>} : memref<64xf32, #tpu.memory_space<vmem>>, vector<16xf32>,
        tpu.vector_store %swap3A_1320[%swap3A_1321], %mul3A_1109 {strides = array<i32>} : memref<64xf32, #tpu.memory_space<vmem>>, vector<16xf32>,
        %swap3A_1323 = arith.constant 0 : i32
        %swap3A_1324 = tpu.memref_slice %arg12[%add3A_990, %swap3A_1323] : memref<208x64xf32, #tpu.memory_space<vmem>> -> memref<1x64xf32, #tpu.memory_space<vmem>>
        %swap3A_1325 = tpu.memref_squeeze %swap3A_1324 : memref<1x64xf32, #tpu.memory_space<vmem>> -> memref<64xf32, #tpu.memory_space<vmem>>
        %swap3A_1326 = arith.constant 32 : index
        %swap3A_1327 = tpu.vector_load %swap3A_1325[%swap3A_1326] {strides = array<i32>} : memref<64xf32, #tpu.memory_space<vmem>>, vector<16xf32>,
        tpu.vector_store %swap3A_1325[%swap3A_1326], %mul3A_1117 {strides = array<i32>} : memref<64xf32, #tpu.memory_space<vmem>>, vector<16xf32>,
        %swap3A_1328 = arith.constant 0 : i32
        %swap3A_1329 = tpu.memref_slice %arg12[%add3A_990, %swap3A_1328] : memref<208x64xf32, #tpu.memory_space<vmem>> -> memref<1x64xf32, #tpu.memory_space<vmem>>
        %swap3A_1330 = tpu.memref_squeeze %swap3A_1329 : memref<1x64xf32, #tpu.memory_space<vmem>> -> memref<64xf32, #tpu.memory_space<vmem>>
        %swap3A_1331 = arith.constant 48 : index
        %swap3A_1332 = tpu.vector_load %swap3A_1330[%swap3A_1331] {strides = array<i32>} : memref<64xf32, #tpu.memory_space<vmem>>, vector<16xf32>,
        tpu.vector_store %swap3A_1330[%swap3A_1331], %mul3A_1125 {strides = array<i32>} : memref<64xf32, #tpu.memory_space<vmem>>, vector<16xf32>,
        %swap3A_1333 = arith.constant 0 : i32
        %swap3A_1334 = tpu.memref_slice %arg12[%add3A_992, %swap3A_1333] : memref<208x64xf32, #tpu.memory_space<vmem>> -> memref<1x64xf32, #tpu.memory_space<vmem>>
        %swap3A_1335 = tpu.memref_squeeze %swap3A_1334 : memref<1x64xf32, #tpu.memory_space<vmem>> -> memref<64xf32, #tpu.memory_space<vmem>>
        %swap3A_1336 = arith.constant 0 : index
        %swap3A_1337 = tpu.vector_load %swap3A_1335[%swap3A_1336] {strides = array<i32>} : memref<64xf32, #tpu.memory_space<vmem>>, vector<16xf32>,
        tpu.vector_store %swap3A_1335[%swap3A_1336], %mul3A_1133 {strides = array<i32>} : memref<64xf32, #tpu.memory_space<vmem>>, vector<16xf32>,
        %swap3A_1338 = arith.constant 0 : i32
        %swap3A_1339 = tpu.memref_slice %arg12[%add3A_992, %swap3A_1338] : memref<208x64xf32, #tpu.memory_space<vmem>> -> memref<1x64xf32, #tpu.memory_space<vmem>>
        %swap3A_1340 = tpu.memref_squeeze %swap3A_1339 : memref<1x64xf32, #tpu.memory_space<vmem>> -> memref<64xf32, #tpu.memory_space<vmem>>
        %swap3A_1341 = arith.constant 16 : index
        %swap3A_1342 = tpu.vector_load %swap3A_1340[%swap3A_1341] {strides = array<i32>} : memref<64xf32, #tpu.memory_space<vmem>>, vector<16xf32>,
        tpu.vector_store %swap3A_1340[%swap3A_1341], %mul3A_1141 {strides = array<i32>} : memref<64xf32, #tpu.memory_space<vmem>>, vector<16xf32>,
        %swap3A_1343 = arith.constant 0 : i32
        %swap3A_1344 = tpu.memref_slice %arg12[%add3A_992, %swap3A_1343] : memref<208x64xf32, #tpu.memory_space<vmem>> -> memref<1x64xf32, #tpu.memory_space<vmem>>
        %swap3A_1345 = tpu.memref_squeeze %swap3A_1344 : memref<1x64xf32, #tpu.memory_space<vmem>> -> memref<64xf32, #tpu.memory_space<vmem>>
        %swap3A_1346 = arith.constant 32 : index
        %swap3A_1347 = tpu.vector_load %swap3A_1345[%swap3A_1346] {strides = array<i32>} : memref<64xf32, #tpu.memory_space<vmem>>, vector<16xf32>,
        tpu.vector_store %swap3A_1345[%swap3A_1346], %mul3A_1149 {strides = array<i32>} : memref<64xf32, #tpu.memory_space<vmem>>, vector<16xf32>,
        %swap3A_1348 = arith.constant 0 : i32
        %swap3A_1349 = tpu.memref_slice %arg12[%add3A_992, %swap3A_1348] : memref<208x64xf32, #tpu.memory_space<vmem>> -> memref<1x64xf32, #tpu.memory_space<vmem>>
        %swap3A_1350 = tpu.memref_squeeze %swap3A_1349 : memref<1x64xf32, #tpu.memory_space<vmem>> -> memref<64xf32, #tpu.memory_space<vmem>>
        %swap3A_1351 = arith.constant 48 : index
        %swap3A_1352 = tpu.vector_load %swap3A_1350[%swap3A_1351] {strides = array<i32>} : memref<64xf32, #tpu.memory_space<vmem>>, vector<16xf32>,
        tpu.vector_store %swap3A_1350[%swap3A_1351], %mul3A_1157 {strides = array<i32>} : memref<64xf32, #tpu.memory_space<vmem>>, vector<16xf32>,
        %swap3A_1353 = arith.constant 0 : i32
        %swap3A_1354 = tpu.memref_slice %arg12[%add3A_994, %swap3A_1353] : memref<208x64xf32, #tpu.memory_space<vmem>> -> memref<1x64xf32, #tpu.memory_space<vmem>>
        %swap3A_1355 = tpu.memref_squeeze %swap3A_1354 : memref<1x64xf32, #tpu.memory_space<vmem>> -> memref<64xf32, #tpu.memory_space<vmem>>
        %swap3A_1356 = arith.constant 0 : index
        %swap3A_1357 = tpu.vector_load %swap3A_1355[%swap3A_1356] {strides = array<i32>} : memref<64xf32, #tpu.memory_space<vmem>>, vector<16xf32>,
        tpu.vector_store %swap3A_1355[%swap3A_1356], %mul3A_1165 {strides = array<i32>} : memref<64xf32, #tpu.memory_space<vmem>>, vector<16xf32>,
        %swap3A_1358 = arith.constant 0 : i32
        %swap3A_1359 = tpu.memref_slice %arg12[%add3A_994, %swap3A_1358] : memref<208x64xf32, #tpu.memory_space<vmem>> -> memref<1x64xf32, #tpu.memory_space<vmem>>
        %swap3A_1360 = tpu.memref_squeeze %swap3A_1359 : memref<1x64xf32, #tpu.memory_space<vmem>> -> memref<64xf32, #tpu.memory_space<vmem>>
        %swap3A_1361 = arith.constant 16 : index
        %swap3A_1362 = tpu.vector_load %swap3A_1360[%swap3A_1361] {strides = array<i32>} : memref<64xf32, #tpu.memory_space<vmem>>, vector<16xf32>,
        tpu.vector_store %swap3A_1360[%swap3A_1361], %mul3A_1173 {strides = array<i32>} : memref<64xf32, #tpu.memory_space<vmem>>, vector<16xf32>,
        %swap3A_1363 = arith.constant 0 : i32
        %swap3A_1364 = tpu.memref_slice %arg12[%add3A_994, %swap3A_1363] : memref<208x64xf32, #tpu.memory_space<vmem>> -> memref<1x64xf32, #tpu.memory_space<vmem>>
        %swap3A_1365 = tpu.memref_squeeze %swap3A_1364 : memref<1x64xf32, #tpu.memory_space<vmem>> -> memref<64xf32, #tpu.memory_space<vmem>>
        %swap3A_1366 = arith.constant 32 : index
        %swap3A_1367 = tpu.vector_load %swap3A_1365[%swap3A_1366] {strides = array<i32>} : memref<64xf32, #tpu.memory_space<vmem>>, vector<16xf32>,
        tpu.vector_store %swap3A_1365[%swap3A_1366], %mul3A_1181 {strides = array<i32>} : memref<64xf32, #tpu.memory_space<vmem>>, vector<16xf32>,
        %swap3A_1368 = arith.constant 0 : i32
        %swap3A_1369 = tpu.memref_slice %arg12[%add3A_994, %swap3A_1368] : memref<208x64xf32, #tpu.memory_space<vmem>> -> memref<1x64xf32, #tpu.memory_space<vmem>>
        %swap3A_1370 = tpu.memref_squeeze %swap3A_1369 : memref<1x64xf32, #tpu.memory_space<vmem>> -> memref<64xf32, #tpu.memory_space<vmem>>
        %swap3A_1371 = arith.constant 48 : index
        %swap3A_1372 = tpu.vector_load %swap3A_1370[%swap3A_1371] {strides = array<i32>} : memref<64xf32, #tpu.memory_space<vmem>>, vector<16xf32>,
        tpu.vector_store %swap3A_1370[%swap3A_1371], %mul3A_1189 {strides = array<i32>} : memref<64xf32, #tpu.memory_space<vmem>>, vector<16xf32>,
        %swap3A_1373 = arith.constant 0 : i32
        %swap3A_1374 = tpu.memref_slice %arg12[%add3A_996, %swap3A_1373] : memref<208x64xf32, #tpu.memory_space<vmem>> -> memref<1x64xf32, #tpu.memory_space<vmem>>
        %swap3A_1375 = tpu.memref_squeeze %swap3A_1374 : memref<1x64xf32, #tpu.memory_space<vmem>> -> memref<64xf32, #tpu.memory_space<vmem>>
        %swap3A_1376 = arith.constant 0 : index
        %swap3A_1377 = tpu.vector_load %swap3A_1375[%swap3A_1376] {strides = array<i32>} : memref<64xf32, #tpu.memory_space<vmem>>, vector<16xf32>,
        tpu.vector_store %swap3A_1375[%swap3A_1376], %mul3A_1197 {strides = array<i32>} : memref<64xf32, #tpu.memory_space<vmem>>, vector<16xf32>,
        %swap3A_1378 = arith.constant 0 : i32
        %swap3A_1379 = tpu.memref_slice %arg12[%add3A_996, %swap3A_1378] : memref<208x64xf32, #tpu.memory_space<vmem>> -> memref<1x64xf32, #tpu.memory_space<vmem>>
        %swap3A_1380 = tpu.memref_squeeze %swap3A_1379 : memref<1x64xf32, #tpu.memory_space<vmem>> -> memref<64xf32, #tpu.memory_space<vmem>>
        %swap3A_1381 = arith.constant 16 : index
        %swap3A_1382 = tpu.vector_load %swap3A_1380[%swap3A_1381] {strides = array<i32>} : memref<64xf32, #tpu.memory_space<vmem>>, vector<16xf32>,
        tpu.vector_store %swap3A_1380[%swap3A_1381], %mul3A_1205 {strides = array<i32>} : memref<64xf32, #tpu.memory_space<vmem>>, vector<16xf32>,
        %swap3A_1383 = arith.constant 0 : i32
        %swap3A_1384 = tpu.memref_slice %arg12[%add3A_996, %swap3A_1383] : memref<208x64xf32, #tpu.memory_space<vmem>> -> memref<1x64xf32, #tpu.memory_space<vmem>>
        %swap3A_1385 = tpu.memref_squeeze %swap3A_1384 : memref<1x64xf32, #tpu.memory_space<vmem>> -> memref<64xf32, #tpu.memory_space<vmem>>
        %swap3A_1386 = arith.constant 32 : index
        %swap3A_1387 = tpu.vector_load %swap3A_1385[%swap3A_1386] {strides = array<i32>} : memref<64xf32, #tpu.memory_space<vmem>>, vector<16xf32>,
        tpu.vector_store %swap3A_1385[%swap3A_1386], %mul3A_1213 {strides = array<i32>} : memref<64xf32, #tpu.memory_space<vmem>>, vector<16xf32>,
        %swap3A_1388 = arith.constant 0 : i32
        %swap3A_1389 = tpu.memref_slice %arg12[%add3A_996, %swap3A_1388] : memref<208x64xf32, #tpu.memory_space<vmem>> -> memref<1x64xf32, #tpu.memory_space<vmem>>
        %swap3A_1390 = tpu.memref_squeeze %swap3A_1389 : memref<1x64xf32, #tpu.memory_space<vmem>> -> memref<64xf32, #tpu.memory_space<vmem>>
        %swap3A_1391 = arith.constant 48 : index
        %swap3A_1392 = tpu.vector_load %swap3A_1390[%swap3A_1391] {strides = array<i32>} : memref<64xf32, #tpu.memory_space<vmem>>, vector<16xf32>,
        tpu.vector_store %swap3A_1390[%swap3A_1391], %mul3A_1221 {strides = array<i32>} : memref<64xf32, #tpu.memory_space<vmem>>, vector<16xf32>,
        %swap3A_1393 = arith.constant 0 : i32
        %swap3A_1394 = tpu.memref_slice %arg12[%add3A_998, %swap3A_1393] : memref<208x64xf32, #tpu.memory_space<vmem>> -> memref<1x64xf32, #tpu.memory_space<vmem>>
        %swap3A_1395 = tpu.memref_squeeze %swap3A_1394 : memref<1x64xf32, #tpu.memory_space<vmem>> -> memref<64xf32, #tpu.memory_space<vmem>>
        %swap3A_1396 = arith.constant 0 : index
        %swap3A_1397 = tpu.vector_load %swap3A_1395[%swap3A_1396] {strides = array<i32>} : memref<64xf32, #tpu.memory_space<vmem>>, vector<16xf32>,
        tpu.vector_store %swap3A_1395[%swap3A_1396], %mul3A_1229 {strides = array<i32>} : memref<64xf32, #tpu.memory_space<vmem>>, vector<16xf32>,
        %swap3A_1398 = arith.constant 0 : i32
        %swap3A_1399 = tpu.memref_slice %arg12[%add3A_998, %swap3A_1398] : memref<208x64xf32, #tpu.memory_space<vmem>> -> memref<1x64xf32, #tpu.memory_space<vmem>>
        %swap3A_1400 = tpu.memref_squeeze %swap3A_1399 : memref<1x64xf32, #tpu.memory_space<vmem>> -> memref<64xf32, #tpu.memory_space<vmem>>
        %swap3A_1401 = arith.constant 16 : index
        %swap3A_1402 = tpu.vector_load %swap3A_1400[%swap3A_1401] {strides = array<i32>} : memref<64xf32, #tpu.memory_space<vmem>>, vector<16xf32>,
        tpu.vector_store %swap3A_1400[%swap3A_1401], %mul3A_1237 {strides = array<i32>} : memref<64xf32, #tpu.memory_space<vmem>>, vector<16xf32>,
        %swap3A_1403 = arith.constant 0 : i32
        %swap3A_1404 = tpu.memref_slice %arg12[%add3A_998, %swap3A_1403] : memref<208x64xf32, #tpu.memory_space<vmem>> -> memref<1x64xf32, #tpu.memory_space<vmem>>
        %swap3A_1405 = tpu.memref_squeeze %swap3A_1404 : memref<1x64xf32, #tpu.memory_space<vmem>> -> memref<64xf32, #tpu.memory_space<vmem>>
        %swap3A_1406 = arith.constant 32 : index
        %swap3A_1407 = tpu.vector_load %swap3A_1405[%swap3A_1406] {strides = array<i32>} : memref<64xf32, #tpu.memory_space<vmem>>, vector<16xf32>,
        tpu.vector_store %swap3A_1405[%swap3A_1406], %mul3A_1245 {strides = array<i32>} : memref<64xf32, #tpu.memory_space<vmem>>, vector<16xf32>,
        %swap3A_1408 = arith.constant 0 : i32
        %swap3A_1409 = tpu.memref_slice %arg12[%add3A_998, %swap3A_1408] : memref<208x64xf32, #tpu.memory_space<vmem>> -> memref<1x64xf32, #tpu.memory_space<vmem>>
        %swap3A_1410 = tpu.memref_squeeze %swap3A_1409 : memref<1x64xf32, #tpu.memory_space<vmem>> -> memref<64xf32, #tpu.memory_space<vmem>>
        %swap3A_1411 = arith.constant 48 : index
        %swap3A_1412 = tpu.vector_load %swap3A_1410[%swap3A_1411] {strides = array<i32>} : memref<64xf32, #tpu.memory_space<vmem>>, vector<16xf32>,
        tpu.vector_store %swap3A_1410[%swap3A_1411], %mul3A_1253 {strides = array<i32>} : memref<64xf32, #tpu.memory_space<vmem>>, vector<16xf32>,
      }
      %scan3A_435 = arith.constant 25 : i32
      %dma_start3A_436 = arith.constant 0 : i32
      %dma_start3A_437 = arith.constant 0 : i32
      %dma_start3A_438 = tpu.memref_slice %arg12[%dma_start3A_436, %dma_start3A_437] : memref<208x64xf32, #tpu.memory_space<vmem>> -> memref<200x64xf32, #tpu.memory_space<vmem>>
      %dma_start3A_439 = arith.constant 0 : i32
      %dma_start3A_440 = arith.constant 64 : i32
      %dma_start3A_441 = tpu.memref_slice %arg8[%add3A_236, %dma_start3A_439, %dma_start3A_440] : memref<4096x200x192xf32, #tpu.memory_space<hbm>> -> memref<1x200x64xf32, #tpu.memory_space<hbm>>
      %dma_start3A_442 = tpu.memref_squeeze %dma_start3A_441 : memref<1x200x64xf32, #tpu.memory_space<hbm>> -> memref<200x64xf32, #tpu.memory_space<hbm>>
      %dma_start3A_443 = arith.constant 0 : i32
      %dma_start3A_444 = arith.constant 64 : i32
      %dma_start3A_445 = tpu.memref_slice %arg8[%add3A_236, %dma_start3A_443, %dma_start3A_444] : memref<4096x200x192xf32, #tpu.memory_space<hbm>> -> memref<1x200x64xf32, #tpu.memory_space<hbm>>
      %dma_start3A_446 = tpu.memref_squeeze %dma_start3A_445 : memref<1x200x64xf32, #tpu.memory_space<hbm>> -> memref<200x64xf32, #tpu.memory_space<hbm>>
      %dma_start3A_447 = arith.constant 0 : i32
      %dma_start3A_448 = arith.constant 0 : i32
      %dma_start3A_449 = tpu.memref_slice %arg12[%dma_start3A_447, %dma_start3A_448] : memref<208x64xf32, #tpu.memory_space<vmem>> -> memref<200x64xf32, #tpu.memory_space<vmem>>
      tpu.enqueue_dma source(%dma_start3A_449 : memref<200x64xf32, #tpu.memory_space<vmem>>) target(%dma_start3A_446 : memref<200x64xf32, #tpu.memory_space<hbm>>) target_semaphore(%arg20 : memref<!tpu.dma_semaphore, #tpu.memory_space<semaphore_mem>>)
      %dma_wait3A_450 = arith.constant 0 : i32
      %dma_wait3A_451 = arith.constant 0 : i32
      %dma_wait3A_452 = tpu.memref_slice %arg10[%dma_wait3A_450, %dma_wait3A_451] : memref<6x104xi32, #tpu.memory_space<vmem>> -> memref<1x104xi32, #tpu.memory_space<vmem>>
      %dma_wait3A_453 = tpu.memref_squeeze %dma_wait3A_452 : memref<1x104xi32, #tpu.memory_space<vmem>> -> memref<104xi32, #tpu.memory_space<vmem>>
      %dma_wait3A_454 = arith.constant 0 : i32
      %dma_wait3A_455 = tpu.memref_slice %arg2[%add3A_238, %dma_wait3A_454] : memref<4096x200xi32, #tpu.memory_space<hbm>> -> memref<1x104xi32, #tpu.memory_space<hbm>>
      %dma_wait3A_456 = tpu.memref_squeeze %dma_wait3A_455 : memref<1x104xi32, #tpu.memory_space<hbm>> -> memref<104xi32, #tpu.memory_space<hbm>>
      %dma_wait3A_457 = arith.constant 0 : i32
      %dma_wait3A_458 = tpu.memref_slice %arg10[%dma_wait3A_450, %dma_wait3A_457] : memref<6x104xi32, #tpu.memory_space<vmem>> -> memref<1x104xi32, #tpu.memory_space<vmem>>
      %dma_wait3A_459 = tpu.memref_squeeze %dma_wait3A_458 : memref<1x104xi32, #tpu.memory_space<vmem>> -> memref<104xi32, #tpu.memory_space<vmem>>
      %dma_wait3A_460 = arith.constant 0 : i32
      %dma_wait3A_461 = tpu.memref_slice %arg2[%add3A_238, %dma_wait3A_460] : memref<4096x200xi32, #tpu.memory_space<hbm>> -> memref<1x104xi32, #tpu.memory_space<hbm>>
      %dma_wait3A_462 = tpu.memref_squeeze %dma_wait3A_461 : memref<1x104xi32, #tpu.memory_space<hbm>> -> memref<104xi32, #tpu.memory_space<hbm>>
      tpu.wait_dma2 semaphore(%arg15 : memref<!tpu.dma_semaphore, #tpu.memory_space<semaphore_mem>>) src(%dma_wait3A_462 : memref<104xi32, #tpu.memory_space<hbm>>) dst(%dma_wait3A_459 : memref<104xi32, #tpu.memory_space<vmem>>)
      %dma_wait3A_463 = arith.constant 1 : i32
      %dma_wait3A_464 = arith.constant 0 : i32
      %dma_wait3A_465 = tpu.memref_slice %arg10[%dma_wait3A_463, %dma_wait3A_464] : memref<6x104xi32, #tpu.memory_space<vmem>> -> memref<1x104xi32, #tpu.memory_space<vmem>>
      %dma_wait3A_466 = tpu.memref_squeeze %dma_wait3A_465 : memref<1x104xi32, #tpu.memory_space<vmem>> -> memref<104xi32, #tpu.memory_space<vmem>>
      %dma_wait3A_467 = arith.constant 96 : i32
      %dma_wait3A_468 = tpu.memref_slice %arg2[%add3A_238, %dma_wait3A_467] : memref<4096x200xi32, #tpu.memory_space<hbm>> -> memref<1x104xi32, #tpu.memory_space<hbm>>
      %dma_wait3A_469 = tpu.memref_squeeze %dma_wait3A_468 : memref<1x104xi32, #tpu.memory_space<hbm>> -> memref<104xi32, #tpu.memory_space<hbm>>
      %dma_wait3A_470 = arith.constant 0 : i32
      %dma_wait3A_471 = tpu.memref_slice %arg10[%dma_wait3A_463, %dma_wait3A_470] : memref<6x104xi32, #tpu.memory_space<vmem>> -> memref<1x104xi32, #tpu.memory_space<vmem>>
      %dma_wait3A_472 = tpu.memref_squeeze %dma_wait3A_471 : memref<1x104xi32, #tpu.memory_space<vmem>> -> memref<104xi32, #tpu.memory_space<vmem>>
      %dma_wait3A_473 = arith.constant 96 : i32
      %dma_wait3A_474 = tpu.memref_slice %arg2[%add3A_238, %dma_wait3A_473] : memref<4096x200xi32, #tpu.memory_space<hbm>> -> memref<1x104xi32, #tpu.memory_space<hbm>>
      %dma_wait3A_475 = tpu.memref_squeeze %dma_wait3A_474 : memref<1x104xi32, #tpu.memory_space<hbm>> -> memref<104xi32, #tpu.memory_space<hbm>>
      tpu.wait_dma2 semaphore(%arg15 : memref<!tpu.dma_semaphore, #tpu.memory_space<semaphore_mem>>) src(%dma_wait3A_475 : memref<104xi32, #tpu.memory_space<hbm>>) dst(%dma_wait3A_472 : memref<104xi32, #tpu.memory_space<vmem>>)
      %dma_wait3A_476 = arith.constant 2 : i32
      %dma_wait3A_477 = arith.constant 0 : i32
      %dma_wait3A_478 = tpu.memref_slice %arg10[%dma_wait3A_476, %dma_wait3A_477] : memref<6x104xi32, #tpu.memory_space<vmem>> -> memref<1x104xi32, #tpu.memory_space<vmem>>
      %dma_wait3A_479 = tpu.memref_squeeze %dma_wait3A_478 : memref<1x104xi32, #tpu.memory_space<vmem>> -> memref<104xi32, #tpu.memory_space<vmem>>
      %dma_wait3A_480 = arith.constant 0 : i32
      %dma_wait3A_481 = tpu.memref_slice %arg3[%add3A_238, %dma_wait3A_480] : memref<4096x200xi32, #tpu.memory_space<hbm>> -> memref<1x104xi32, #tpu.memory_space<hbm>>
      %dma_wait3A_482 = tpu.memref_squeeze %dma_wait3A_481 : memref<1x104xi32, #tpu.memory_space<hbm>> -> memref<104xi32, #tpu.memory_space<hbm>>
      %dma_wait3A_483 = arith.constant 0 : i32
      %dma_wait3A_484 = tpu.memref_slice %arg10[%dma_wait3A_476, %dma_wait3A_483] : memref<6x104xi32, #tpu.memory_space<vmem>> -> memref<1x104xi32, #tpu.memory_space<vmem>>
      %dma_wait3A_485 = tpu.memref_squeeze %dma_wait3A_484 : memref<1x104xi32, #tpu.memory_space<vmem>> -> memref<104xi32, #tpu.memory_space<vmem>>
      %dma_wait3A_486 = arith.constant 0 : i32
      %dma_wait3A_487 = tpu.memref_slice %arg3[%add3A_238, %dma_wait3A_486] : memref<4096x200xi32, #tpu.memory_space<hbm>> -> memref<1x104xi32, #tpu.memory_space<hbm>>
      %dma_wait3A_488 = tpu.memref_squeeze %dma_wait3A_487 : memref<1x104xi32, #tpu.memory_space<hbm>> -> memref<104xi32, #tpu.memory_space<hbm>>
      tpu.wait_dma2 semaphore(%arg15 : memref<!tpu.dma_semaphore, #tpu.memory_space<semaphore_mem>>) src(%dma_wait3A_488 : memref<104xi32, #tpu.memory_space<hbm>>) dst(%dma_wait3A_485 : memref<104xi32, #tpu.memory_space<vmem>>)
      %dma_wait3A_489 = arith.constant 3 : i32
      %dma_wait3A_490 = arith.constant 0 : i32
      %dma_wait3A_491 = tpu.memref_slice %arg10[%dma_wait3A_489, %dma_wait3A_490] : memref<6x104xi32, #tpu.memory_space<vmem>> -> memref<1x104xi32, #tpu.memory_space<vmem>>
      %dma_wait3A_492 = tpu.memref_squeeze %dma_wait3A_491 : memref<1x104xi32, #tpu.memory_space<vmem>> -> memref<104xi32, #tpu.memory_space<vmem>>
      %dma_wait3A_493 = arith.constant 96 : i32
      %dma_wait3A_494 = tpu.memref_slice %arg3[%add3A_238, %dma_wait3A_493] : memref<4096x200xi32, #tpu.memory_space<hbm>> -> memref<1x104xi32, #tpu.memory_space<hbm>>
      %dma_wait3A_495 = tpu.memref_squeeze %dma_wait3A_494 : memref<1x104xi32, #tpu.memory_space<hbm>> -> memref<104xi32, #tpu.memory_space<hbm>>
      %dma_wait3A_496 = arith.constant 0 : i32
      %dma_wait3A_497 = tpu.memref_slice %arg10[%dma_wait3A_489, %dma_wait3A_496] : memref<6x104xi32, #tpu.memory_space<vmem>> -> memref<1x104xi32, #tpu.memory_space<vmem>>
      %dma_wait3A_498 = tpu.memref_squeeze %dma_wait3A_497 : memref<1x104xi32, #tpu.memory_space<vmem>> -> memref<104xi32, #tpu.memory_space<vmem>>
      %dma_wait3A_499 = arith.constant 96 : i32
      %dma_wait3A_500 = tpu.memref_slice %arg3[%add3A_238, %dma_wait3A_499] : memref<4096x200xi32, #tpu.memory_space<hbm>> -> memref<1x104xi32, #tpu.memory_space<hbm>>
      %dma_wait3A_501 = tpu.memref_squeeze %dma_wait3A_500 : memref<1x104xi32, #tpu.memory_space<hbm>> -> memref<104xi32, #tpu.memory_space<hbm>>
      tpu.wait_dma2 semaphore(%arg15 : memref<!tpu.dma_semaphore, #tpu.memory_space<semaphore_mem>>) src(%dma_wait3A_501 : memref<104xi32, #tpu.memory_space<hbm>>) dst(%dma_wait3A_498 : memref<104xi32, #tpu.memory_space<vmem>>)
      %dma_wait3A_502 = arith.constant 4 : i32
      %dma_wait3A_503 = arith.constant 0 : i32
      %dma_wait3A_504 = tpu.memref_slice %arg10[%dma_wait3A_502, %dma_wait3A_503] : memref<6x104xi32, #tpu.memory_space<vmem>> -> memref<1x104xi32, #tpu.memory_space<vmem>>
      %dma_wait3A_505 = tpu.memref_squeeze %dma_wait3A_504 : memref<1x104xi32, #tpu.memory_space<vmem>> -> memref<104xi32, #tpu.memory_space<vmem>>
      %dma_wait3A_506 = arith.constant 0 : i32
      %dma_wait3A_507 = tpu.memref_slice %arg4[%add3A_238, %dma_wait3A_506] : memref<4096x200xi32, #tpu.memory_space<hbm>> -> memref<1x104xi32, #tpu.memory_space<hbm>>
      %dma_wait3A_508 = tpu.memref_squeeze %dma_wait3A_507 : memref<1x104xi32, #tpu.memory_space<hbm>> -> memref<104xi32, #tpu.memory_space<hbm>>
      %dma_wait3A_509 = arith.constant 0 : i32
      %dma_wait3A_510 = tpu.memref_slice %arg10[%dma_wait3A_502, %dma_wait3A_509] : memref<6x104xi32, #tpu.memory_space<vmem>> -> memref<1x104xi32, #tpu.memory_space<vmem>>
      %dma_wait3A_511 = tpu.memref_squeeze %dma_wait3A_510 : memref<1x104xi32, #tpu.memory_space<vmem>> -> memref<104xi32, #tpu.memory_space<vmem>>
      %dma_wait3A_512 = arith.constant 0 : i32
      %dma_wait3A_513 = tpu.memref_slice %arg4[%add3A_238, %dma_wait3A_512] : memref<4096x200xi32, #tpu.memory_space<hbm>> -> memref<1x104xi32, #tpu.memory_space<hbm>>
      %dma_wait3A_514 = tpu.memref_squeeze %dma_wait3A_513 : memref<1x104xi32, #tpu.memory_space<hbm>> -> memref<104xi32, #tpu.memory_space<hbm>>
      tpu.wait_dma2 semaphore(%arg15 : memref<!tpu.dma_semaphore, #tpu.memory_space<semaphore_mem>>) src(%dma_wait3A_514 : memref<104xi32, #tpu.memory_space<hbm>>) dst(%dma_wait3A_511 : memref<104xi32, #tpu.memory_space<vmem>>)
      %dma_wait3A_515 = arith.constant 5 : i32
      %dma_wait3A_516 = arith.constant 0 : i32
      %dma_wait3A_517 = tpu.memref_slice %arg10[%dma_wait3A_515, %dma_wait3A_516] : memref<6x104xi32, #tpu.memory_space<vmem>> -> memref<1x104xi32, #tpu.memory_space<vmem>>
      %dma_wait3A_518 = tpu.memref_squeeze %dma_wait3A_517 : memref<1x104xi32, #tpu.memory_space<vmem>> -> memref<104xi32, #tpu.memory_space<vmem>>
      %dma_wait3A_519 = arith.constant 96 : i32
      %dma_wait3A_520 = tpu.memref_slice %arg4[%add3A_238, %dma_wait3A_519] : memref<4096x200xi32, #tpu.memory_space<hbm>> -> memref<1x104xi32, #tpu.memory_space<hbm>>
      %dma_wait3A_521 = tpu.memref_squeeze %dma_wait3A_520 : memref<1x104xi32, #tpu.memory_space<hbm>> -> memref<104xi32, #tpu.memory_space<hbm>>
      %dma_wait3A_522 = arith.constant 0 : i32
      %dma_wait3A_523 = tpu.memref_slice %arg10[%dma_wait3A_515, %dma_wait3A_522] : memref<6x104xi32, #tpu.memory_space<vmem>> -> memref<1x104xi32, #tpu.memory_space<vmem>>
      %dma_wait3A_524 = tpu.memref_squeeze %dma_wait3A_523 : memref<1x104xi32, #tpu.memory_space<vmem>> -> memref<104xi32, #tpu.memory_space<vmem>>
      %dma_wait3A_525 = arith.constant 96 : i32
      %dma_wait3A_526 = tpu.memref_slice %arg4[%add3A_238, %dma_wait3A_525] : memref<4096x200xi32, #tpu.memory_space<hbm>> -> memref<1x104xi32, #tpu.memory_space<hbm>>
      %dma_wait3A_527 = tpu.memref_squeeze %dma_wait3A_526 : memref<1x104xi32, #tpu.memory_space<hbm>> -> memref<104xi32, #tpu.memory_space<hbm>>
      tpu.wait_dma2 semaphore(%arg15 : memref<!tpu.dma_semaphore, #tpu.memory_space<semaphore_mem>>) src(%dma_wait3A_527 : memref<104xi32, #tpu.memory_space<hbm>>) dst(%dma_wait3A_524 : memref<104xi32, #tpu.memory_space<vmem>>)
      %dma_wait3A_528 = arith.constant 0 : i32
      %dma_wait3A_529 = arith.constant 0 : i32
      %dma_wait3A_530 = tpu.memref_slice %arg11[%dma_wait3A_528, %dma_wait3A_529] : memref<208x64xf32, #tpu.memory_space<vmem>> -> memref<200x64xf32, #tpu.memory_space<vmem>>
      %dma_wait3A_531 = arith.constant 0 : i32
      %dma_wait3A_532 = arith.constant 0 : i32
      %dma_wait3A_533 = tpu.memref_slice %arg8[%add3A_236, %dma_wait3A_531, %dma_wait3A_532] : memref<4096x200x192xf32, #tpu.memory_space<hbm>> -> memref<1x200x64xf32, #tpu.memory_space<hbm>>
      %dma_wait3A_534 = tpu.memref_squeeze %dma_wait3A_533 : memref<1x200x64xf32, #tpu.memory_space<hbm>> -> memref<200x64xf32, #tpu.memory_space<hbm>>
      %dma_wait3A_535 = arith.constant 0 : i32
      %dma_wait3A_536 = arith.constant 0 : i32
      %dma_wait3A_537 = tpu.memref_slice %arg8[%add3A_236, %dma_wait3A_535, %dma_wait3A_536] : memref<4096x200x192xf32, #tpu.memory_space<hbm>> -> memref<1x200x64xf32, #tpu.memory_space<hbm>>
      %dma_wait3A_538 = tpu.memref_squeeze %dma_wait3A_537 : memref<1x200x64xf32, #tpu.memory_space<hbm>> -> memref<200x64xf32, #tpu.memory_space<hbm>>
      %dma_wait3A_539 = arith.constant 0 : i32
      %dma_wait3A_540 = arith.constant 0 : i32
      %dma_wait3A_541 = tpu.memref_slice %arg11[%dma_wait3A_539, %dma_wait3A_540] : memref<208x64xf32, #tpu.memory_space<vmem>> -> memref<200x64xf32, #tpu.memory_space<vmem>>
      tpu.wait_dma2 semaphore(%arg19 : memref<!tpu.dma_semaphore, #tpu.memory_space<semaphore_mem>>) src(%dma_wait3A_541 : memref<200x64xf32, #tpu.memory_space<vmem>>) dst(%dma_wait3A_538 : memref<200x64xf32, #tpu.memory_space<hbm>>)
      %dma_start3A_542 = arith.constant 0 : i32
      %dma_start3A_543 = arith.constant 0 : i32
      %dma_start3A_544 = arith.constant 0 : i32
      %dma_start3A_545 = tpu.memref_slice %arg11[%dma_start3A_543, %dma_start3A_544] : memref<208x64xf32, #tpu.memory_space<vmem>> -> memref<104x64xf32, #tpu.memory_space<vmem>>
      %dma_start3A_546 = arith.constant 0 : i32
      %dma_start3A_547 = tpu.memref_slice %arg10[%dma_start3A_542, %dma_start3A_546] : memref<6x104xi32, #tpu.memory_space<vmem>> -> memref<1x104xi32, #tpu.memory_space<vmem>>
      %dma_start3A_548 = tpu.memref_squeeze %dma_start3A_547 : memref<1x104xi32, #tpu.memory_space<vmem>> -> memref<104xi32, #tpu.memory_space<vmem>>
      %dma_start3A_549 = arith.constant 0 : i32
      %dma_start3A_550 = arith.constant 0 : i32
      %dma_start3A_551 = tpu.memref_slice %arg5[%dma_start3A_549, %dma_start3A_550] : memref<100000x64xf32, #tpu.memory_space<hbm>> -> memref<100000x64xf32, #tpu.memory_space<hbm>>
      tpu.enqueue_indirect_dma source(%dma_start3A_551 : memref<100000x64xf32, #tpu.memory_space<hbm>>) target(%dma_start3A_545 : memref<104x64xf32, #tpu.memory_space<vmem>>) offsets(%dma_start3A_548 : memref<104xi32, #tpu.memory_space<vmem>>) semaphore(%arg16 : memref<!tpu.dma_semaphore, #tpu.memory_space<semaphore_mem>>)
      %dma_start3A_552 = arith.constant 1 : i32
      %dma_start3A_553 = arith.constant 96 : i32
      %dma_start3A_554 = arith.constant 0 : i32
      %dma_start3A_555 = tpu.memref_slice %arg11[%dma_start3A_553, %dma_start3A_554] : memref<208x64xf32, #tpu.memory_space<vmem>> -> memref<104x64xf32, #tpu.memory_space<vmem>>
      %dma_start3A_556 = arith.constant 0 : i32
      %dma_start3A_557 = tpu.memref_slice %arg10[%dma_start3A_552, %dma_start3A_556] : memref<6x104xi32, #tpu.memory_space<vmem>> -> memref<1x104xi32, #tpu.memory_space<vmem>>
      %dma_start3A_558 = tpu.memref_squeeze %dma_start3A_557 : memref<1x104xi32, #tpu.memory_space<vmem>> -> memref<104xi32, #tpu.memory_space<vmem>>
      %dma_start3A_559 = arith.constant 0 : i32
      %dma_start3A_560 = arith.constant 0 : i32
      %dma_start3A_561 = tpu.memref_slice %arg5[%dma_start3A_559, %dma_start3A_560] : memref<100000x64xf32, #tpu.memory_space<hbm>> -> memref<100000x64xf32, #tpu.memory_space<hbm>>
      tpu.enqueue_indirect_dma source(%dma_start3A_561 : memref<100000x64xf32, #tpu.memory_space<hbm>>) target(%dma_start3A_555 : memref<104x64xf32, #tpu.memory_space<vmem>>) offsets(%dma_start3A_558 : memref<104xi32, #tpu.memory_space<vmem>>) semaphore(%arg16 : memref<!tpu.dma_semaphore, #tpu.memory_space<semaphore_mem>>)
      %dma_wait3A_562 = arith.constant 4 : i32
      %dma_wait3A_563 = arith.constant 0 : i32
      %dma_wait3A_564 = arith.constant 0 : i32
      %dma_wait3A_565 = tpu.memref_slice %arg13[%dma_wait3A_563, %dma_wait3A_564] : memref<208x64xf32, #tpu.memory_space<vmem>> -> memref<104x64xf32, #tpu.memory_space<vmem>>
      %dma_wait3A_566 = arith.constant 0 : i32
      %dma_wait3A_567 = tpu.memref_slice %arg9[%dma_wait3A_562, %dma_wait3A_566] : memref<6x104xi32, #tpu.memory_space<vmem>> -> memref<1x104xi32, #tpu.memory_space<vmem>>
      %dma_wait3A_568 = tpu.memref_squeeze %dma_wait3A_567 : memref<1x104xi32, #tpu.memory_space<vmem>> -> memref<104xi32, #tpu.memory_space<vmem>>
      %dma_wait3A_569 = arith.constant 0 : i32
      %dma_wait3A_570 = arith.constant 0 : i32
      %dma_wait3A_571 = tpu.memref_slice %arg7[%dma_wait3A_569, %dma_wait3A_570] : memref<100000x64xf32, #tpu.memory_space<hbm>> -> memref<100000x64xf32, #tpu.memory_space<hbm>>
      tpu.wait_indirect_dma semaphore(%arg18 : memref<!tpu.dma_semaphore, #tpu.memory_space<semaphore_mem>>) src(%dma_wait3A_571 : memref<100000x64xf32, #tpu.memory_space<hbm>>) dst(%dma_wait3A_565 : memref<104x64xf32, #tpu.memory_space<vmem>>)
      %dma_wait3A_572 = arith.constant 5 : i32
      %dma_wait3A_573 = arith.constant 96 : i32
      %dma_wait3A_574 = arith.constant 0 : i32
      %dma_wait3A_575 = tpu.memref_slice %arg13[%dma_wait3A_573, %dma_wait3A_574] : memref<208x64xf32, #tpu.memory_space<vmem>> -> memref<104x64xf32, #tpu.memory_space<vmem>>
      %dma_wait3A_576 = arith.constant 0 : i32
      %dma_wait3A_577 = tpu.memref_slice %arg9[%dma_wait3A_572, %dma_wait3A_576] : memref<6x104xi32, #tpu.memory_space<vmem>> -> memref<1x104xi32, #tpu.memory_space<vmem>>
      %dma_wait3A_578 = tpu.memref_squeeze %dma_wait3A_577 : memref<1x104xi32, #tpu.memory_space<vmem>> -> memref<104xi32, #tpu.memory_space<vmem>>
      %dma_wait3A_579 = arith.constant 0 : i32
      %dma_wait3A_580 = arith.constant 0 : i32
      %dma_wait3A_581 = tpu.memref_slice %arg7[%dma_wait3A_579, %dma_wait3A_580] : memref<100000x64xf32, #tpu.memory_space<hbm>> -> memref<100000x64xf32, #tpu.memory_space<hbm>>
      tpu.wait_indirect_dma semaphore(%arg18 : memref<!tpu.dma_semaphore, #tpu.memory_space<semaphore_mem>>) src(%dma_wait3A_581 : memref<100000x64xf32, #tpu.memory_space<hbm>>) dst(%dma_wait3A_575 : memref<104x64xf32, #tpu.memory_space<vmem>>)
      %scan3A_582 = arith.constant 0 : i32
      %scan3A_583 = arith.constant 0 : i32
      %scan3A_584 = arith.constant 25 : i32
      %scan3A_585 = arith.addi %scan3A_583, %scan3A_584 : i32
      %scan3A_586 = arith.constant 1 : i32
      scf.for %scan3A_980 = %scan3A_583 to %scan3A_585 step %scan3A_586  : i32 {
        %mul3A_981 = arith.constant 8 : i32
        %mul3A_982 = arith.muli %scan3A_980, %mul3A_981 : i32
        %add3A_983 = arith.constant 0 : i32
        %add3A_984 = arith.addi %mul3A_982, %add3A_983 : i32
        %add3A_985 = arith.constant 1 : i32
        %add3A_986 = arith.addi %mul3A_982, %add3A_985 : i32
        %add3A_987 = arith.constant 2 : i32
        %add3A_988 = arith.addi %mul3A_982, %add3A_987 : i32
        %add3A_989 = arith.constant 3 : i32
        %add3A_990 = arith.addi %mul3A_982, %add3A_989 : i32
        %add3A_991 = arith.constant 4 : i32
        %add3A_992 = arith.addi %mul3A_982, %add3A_991 : i32
        %add3A_993 = arith.constant 5 : i32
        %add3A_994 = arith.addi %mul3A_982, %add3A_993 : i32
        %add3A_995 = arith.constant 6 : i32
        %add3A_996 = arith.addi %mul3A_982, %add3A_995 : i32
        %add3A_997 = arith.constant 7 : i32
        %add3A_998 = arith.addi %mul3A_982, %add3A_997 : i32
        %get3A = arith.constant 0 : i32
        %get3A_999 = tpu.memref_slice %arg13[%add3A_984, %get3A] : memref<208x64xf32, #tpu.memory_space<vmem>> -> memref<1x64xf32, #tpu.memory_space<vmem>>
        %get3A_1000 = tpu.memref_squeeze %get3A_999 : memref<1x64xf32, #tpu.memory_space<vmem>> -> memref<64xf32, #tpu.memory_space<vmem>>
        %get3A_1001 = arith.constant 0 : index
        %get3A_1002 = tpu.vector_load %get3A_1000[%get3A_1001] {strides = array<i32>} : memref<64xf32, #tpu.memory_space<vmem>>, vector<16xf32>,
        %mul3A_1003 = arith.constant 8.000000e+00 : f32
        %mul3A_1004 = vector.broadcast %mul3A_1003 : f32 to vector<16xf32>
        %mul3A_1005 = arith.mulf %get3A_1002, %mul3A_1004 : vector<16xf32>
        %get3A_1006 = arith.constant 0 : i32
        %get3A_1007 = tpu.memref_slice %arg13[%add3A_984, %get3A_1006] : memref<208x64xf32, #tpu.memory_space<vmem>> -> memref<1x64xf32, #tpu.memory_space<vmem>>
        %get3A_1008 = tpu.memref_squeeze %get3A_1007 : memref<1x64xf32, #tpu.memory_space<vmem>> -> memref<64xf32, #tpu.memory_space<vmem>>
        %get3A_1009 = arith.constant 16 : index
        %get3A_1010 = tpu.vector_load %get3A_1008[%get3A_1009] {strides = array<i32>} : memref<64xf32, #tpu.memory_space<vmem>>, vector<16xf32>,
        %mul3A_1011 = arith.constant 8.000000e+00 : f32
        %mul3A_1012 = vector.broadcast %mul3A_1011 : f32 to vector<16xf32>
        %mul3A_1013 = arith.mulf %get3A_1010, %mul3A_1012 : vector<16xf32>
        %get3A_1014 = arith.constant 0 : i32
        %get3A_1015 = tpu.memref_slice %arg13[%add3A_984, %get3A_1014] : memref<208x64xf32, #tpu.memory_space<vmem>> -> memref<1x64xf32, #tpu.memory_space<vmem>>
        %get3A_1016 = tpu.memref_squeeze %get3A_1015 : memref<1x64xf32, #tpu.memory_space<vmem>> -> memref<64xf32, #tpu.memory_space<vmem>>
        %get3A_1017 = arith.constant 32 : index
        %get3A_1018 = tpu.vector_load %get3A_1016[%get3A_1017] {strides = array<i32>} : memref<64xf32, #tpu.memory_space<vmem>>, vector<16xf32>,
        %mul3A_1019 = arith.constant 8.000000e+00 : f32
        %mul3A_1020 = vector.broadcast %mul3A_1019 : f32 to vector<16xf32>
        %mul3A_1021 = arith.mulf %get3A_1018, %mul3A_1020 : vector<16xf32>
        %get3A_1022 = arith.constant 0 : i32
        %get3A_1023 = tpu.memref_slice %arg13[%add3A_984, %get3A_1022] : memref<208x64xf32, #tpu.memory_space<vmem>> -> memref<1x64xf32, #tpu.memory_space<vmem>>
        %get3A_1024 = tpu.memref_squeeze %get3A_1023 : memref<1x64xf32, #tpu.memory_space<vmem>> -> memref<64xf32, #tpu.memory_space<vmem>>
        %get3A_1025 = arith.constant 48 : index
        %get3A_1026 = tpu.vector_load %get3A_1024[%get3A_1025] {strides = array<i32>} : memref<64xf32, #tpu.memory_space<vmem>>, vector<16xf32>,
        %mul3A_1027 = arith.constant 8.000000e+00 : f32
        %mul3A_1028 = vector.broadcast %mul3A_1027 : f32 to vector<16xf32>
        %mul3A_1029 = arith.mulf %get3A_1026, %mul3A_1028 : vector<16xf32>
        %get3A_1030 = arith.constant 0 : i32
        %get3A_1031 = tpu.memref_slice %arg13[%add3A_986, %get3A_1030] : memref<208x64xf32, #tpu.memory_space<vmem>> -> memref<1x64xf32, #tpu.memory_space<vmem>>
        %get3A_1032 = tpu.memref_squeeze %get3A_1031 : memref<1x64xf32, #tpu.memory_space<vmem>> -> memref<64xf32, #tpu.memory_space<vmem>>
        %get3A_1033 = arith.constant 0 : index
        %get3A_1034 = tpu.vector_load %get3A_1032[%get3A_1033] {strides = array<i32>} : memref<64xf32, #tpu.memory_space<vmem>>, vector<16xf32>,
        %mul3A_1035 = arith.constant 8.000000e+00 : f32
        %mul3A_1036 = vector.broadcast %mul3A_1035 : f32 to vector<16xf32>
        %mul3A_1037 = arith.mulf %get3A_1034, %mul3A_1036 : vector<16xf32>
        %get3A_1038 = arith.constant 0 : i32
        %get3A_1039 = tpu.memref_slice %arg13[%add3A_986, %get3A_1038] : memref<208x64xf32, #tpu.memory_space<vmem>> -> memref<1x64xf32, #tpu.memory_space<vmem>>
        %get3A_1040 = tpu.memref_squeeze %get3A_1039 : memref<1x64xf32, #tpu.memory_space<vmem>> -> memref<64xf32, #tpu.memory_space<vmem>>
        %get3A_1041 = arith.constant 16 : index
        %get3A_1042 = tpu.vector_load %get3A_1040[%get3A_1041] {strides = array<i32>} : memref<64xf32, #tpu.memory_space<vmem>>, vector<16xf32>,
        %mul3A_1043 = arith.constant 8.000000e+00 : f32
        %mul3A_1044 = vector.broadcast %mul3A_1043 : f32 to vector<16xf32>
        %mul3A_1045 = arith.mulf %get3A_1042, %mul3A_1044 : vector<16xf32>
        %get3A_1046 = arith.constant 0 : i32
        %get3A_1047 = tpu.memref_slice %arg13[%add3A_986, %get3A_1046] : memref<208x64xf32, #tpu.memory_space<vmem>> -> memref<1x64xf32, #tpu.memory_space<vmem>>
        %get3A_1048 = tpu.memref_squeeze %get3A_1047 : memref<1x64xf32, #tpu.memory_space<vmem>> -> memref<64xf32, #tpu.memory_space<vmem>>
        %get3A_1049 = arith.constant 32 : index
        %get3A_1050 = tpu.vector_load %get3A_1048[%get3A_1049] {strides = array<i32>} : memref<64xf32, #tpu.memory_space<vmem>>, vector<16xf32>,
        %mul3A_1051 = arith.constant 8.000000e+00 : f32
        %mul3A_1052 = vector.broadcast %mul3A_1051 : f32 to vector<16xf32>
        %mul3A_1053 = arith.mulf %get3A_1050, %mul3A_1052 : vector<16xf32>
        %get3A_1054 = arith.constant 0 : i32
        %get3A_1055 = tpu.memref_slice %arg13[%add3A_986, %get3A_1054] : memref<208x64xf32, #tpu.memory_space<vmem>> -> memref<1x64xf32, #tpu.memory_space<vmem>>
        %get3A_1056 = tpu.memref_squeeze %get3A_1055 : memref<1x64xf32, #tpu.memory_space<vmem>> -> memref<64xf32, #tpu.memory_space<vmem>>
        %get3A_1057 = arith.constant 48 : index
        %get3A_1058 = tpu.vector_load %get3A_1056[%get3A_1057] {strides = array<i32>} : memref<64xf32, #tpu.memory_space<vmem>>, vector<16xf32>,
        %mul3A_1059 = arith.constant 8.000000e+00 : f32
        %mul3A_1060 = vector.broadcast %mul3A_1059 : f32 to vector<16xf32>
        %mul3A_1061 = arith.mulf %get3A_1058, %mul3A_1060 : vector<16xf32>
        %get3A_1062 = arith.constant 0 : i32
        %get3A_1063 = tpu.memref_slice %arg13[%add3A_988, %get3A_1062] : memref<208x64xf32, #tpu.memory_space<vmem>> -> memref<1x64xf32, #tpu.memory_space<vmem>>
        %get3A_1064 = tpu.memref_squeeze %get3A_1063 : memref<1x64xf32, #tpu.memory_space<vmem>> -> memref<64xf32, #tpu.memory_space<vmem>>
        %get3A_1065 = arith.constant 0 : index
        %get3A_1066 = tpu.vector_load %get3A_1064[%get3A_1065] {strides = array<i32>} : memref<64xf32, #tpu.memory_space<vmem>>, vector<16xf32>,
        %mul3A_1067 = arith.constant 8.000000e+00 : f32
        %mul3A_1068 = vector.broadcast %mul3A_1067 : f32 to vector<16xf32>
        %mul3A_1069 = arith.mulf %get3A_1066, %mul3A_1068 : vector<16xf32>
        %get3A_1070 = arith.constant 0 : i32
        %get3A_1071 = tpu.memref_slice %arg13[%add3A_988, %get3A_1070] : memref<208x64xf32, #tpu.memory_space<vmem>> -> memref<1x64xf32, #tpu.memory_space<vmem>>
        %get3A_1072 = tpu.memref_squeeze %get3A_1071 : memref<1x64xf32, #tpu.memory_space<vmem>> -> memref<64xf32, #tpu.memory_space<vmem>>
        %get3A_1073 = arith.constant 16 : index
        %get3A_1074 = tpu.vector_load %get3A_1072[%get3A_1073] {strides = array<i32>} : memref<64xf32, #tpu.memory_space<vmem>>, vector<16xf32>,
        %mul3A_1075 = arith.constant 8.000000e+00 : f32
        %mul3A_1076 = vector.broadcast %mul3A_1075 : f32 to vector<16xf32>
        %mul3A_1077 = arith.mulf %get3A_1074, %mul3A_1076 : vector<16xf32>
        %get3A_1078 = arith.constant 0 : i32
        %get3A_1079 = tpu.memref_slice %arg13[%add3A_988, %get3A_1078] : memref<208x64xf32, #tpu.memory_space<vmem>> -> memref<1x64xf32, #tpu.memory_space<vmem>>
        %get3A_1080 = tpu.memref_squeeze %get3A_1079 : memref<1x64xf32, #tpu.memory_space<vmem>> -> memref<64xf32, #tpu.memory_space<vmem>>
        %get3A_1081 = arith.constant 32 : index
        %get3A_1082 = tpu.vector_load %get3A_1080[%get3A_1081] {strides = array<i32>} : memref<64xf32, #tpu.memory_space<vmem>>, vector<16xf32>,
        %mul3A_1083 = arith.constant 8.000000e+00 : f32
        %mul3A_1084 = vector.broadcast %mul3A_1083 : f32 to vector<16xf32>
        %mul3A_1085 = arith.mulf %get3A_1082, %mul3A_1084 : vector<16xf32>
        %get3A_1086 = arith.constant 0 : i32
        %get3A_1087 = tpu.memref_slice %arg13[%add3A_988, %get3A_1086] : memref<208x64xf32, #tpu.memory_space<vmem>> -> memref<1x64xf32, #tpu.memory_space<vmem>>
        %get3A_1088 = tpu.memref_squeeze %get3A_1087 : memref<1x64xf32, #tpu.memory_space<vmem>> -> memref<64xf32, #tpu.memory_space<vmem>>
        %get3A_1089 = arith.constant 48 : index
        %get3A_1090 = tpu.vector_load %get3A_1088[%get3A_1089] {strides = array<i32>} : memref<64xf32, #tpu.memory_space<vmem>>, vector<16xf32>,
        %mul3A_1091 = arith.constant 8.000000e+00 : f32
        %mul3A_1092 = vector.broadcast %mul3A_1091 : f32 to vector<16xf32>
        %mul3A_1093 = arith.mulf %get3A_1090, %mul3A_1092 : vector<16xf32>
        %get3A_1094 = arith.constant 0 : i32
        %get3A_1095 = tpu.memref_slice %arg13[%add3A_990, %get3A_1094] : memref<208x64xf32, #tpu.memory_space<vmem>> -> memref<1x64xf32, #tpu.memory_space<vmem>>
        %get3A_1096 = tpu.memref_squeeze %get3A_1095 : memref<1x64xf32, #tpu.memory_space<vmem>> -> memref<64xf32, #tpu.memory_space<vmem>>
        %get3A_1097 = arith.constant 0 : index
        %get3A_1098 = tpu.vector_load %get3A_1096[%get3A_1097] {strides = array<i32>} : memref<64xf32, #tpu.memory_space<vmem>>, vector<16xf32>,
        %mul3A_1099 = arith.constant 8.000000e+00 : f32
        %mul3A_1100 = vector.broadcast %mul3A_1099 : f32 to vector<16xf32>
        %mul3A_1101 = arith.mulf %get3A_1098, %mul3A_1100 : vector<16xf32>
        %get3A_1102 = arith.constant 0 : i32
        %get3A_1103 = tpu.memref_slice %arg13[%add3A_990, %get3A_1102] : memref<208x64xf32, #tpu.memory_space<vmem>> -> memref<1x64xf32, #tpu.memory_space<vmem>>
        %get3A_1104 = tpu.memref_squeeze %get3A_1103 : memref<1x64xf32, #tpu.memory_space<vmem>> -> memref<64xf32, #tpu.memory_space<vmem>>
        %get3A_1105 = arith.constant 16 : index
        %get3A_1106 = tpu.vector_load %get3A_1104[%get3A_1105] {strides = array<i32>} : memref<64xf32, #tpu.memory_space<vmem>>, vector<16xf32>,
        %mul3A_1107 = arith.constant 8.000000e+00 : f32
        %mul3A_1108 = vector.broadcast %mul3A_1107 : f32 to vector<16xf32>
        %mul3A_1109 = arith.mulf %get3A_1106, %mul3A_1108 : vector<16xf32>
        %get3A_1110 = arith.constant 0 : i32
        %get3A_1111 = tpu.memref_slice %arg13[%add3A_990, %get3A_1110] : memref<208x64xf32, #tpu.memory_space<vmem>> -> memref<1x64xf32, #tpu.memory_space<vmem>>
        %get3A_1112 = tpu.memref_squeeze %get3A_1111 : memref<1x64xf32, #tpu.memory_space<vmem>> -> memref<64xf32, #tpu.memory_space<vmem>>
        %get3A_1113 = arith.constant 32 : index
        %get3A_1114 = tpu.vector_load %get3A_1112[%get3A_1113] {strides = array<i32>} : memref<64xf32, #tpu.memory_space<vmem>>, vector<16xf32>,
        %mul3A_1115 = arith.constant 8.000000e+00 : f32
        %mul3A_1116 = vector.broadcast %mul3A_1115 : f32 to vector<16xf32>
        %mul3A_1117 = arith.mulf %get3A_1114, %mul3A_1116 : vector<16xf32>
        %get3A_1118 = arith.constant 0 : i32
        %get3A_1119 = tpu.memref_slice %arg13[%add3A_990, %get3A_1118] : memref<208x64xf32, #tpu.memory_space<vmem>> -> memref<1x64xf32, #tpu.memory_space<vmem>>
        %get3A_1120 = tpu.memref_squeeze %get3A_1119 : memref<1x64xf32, #tpu.memory_space<vmem>> -> memref<64xf32, #tpu.memory_space<vmem>>
        %get3A_1121 = arith.constant 48 : index
        %get3A_1122 = tpu.vector_load %get3A_1120[%get3A_1121] {strides = array<i32>} : memref<64xf32, #tpu.memory_space<vmem>>, vector<16xf32>,
        %mul3A_1123 = arith.constant 8.000000e+00 : f32
        %mul3A_1124 = vector.broadcast %mul3A_1123 : f32 to vector<16xf32>
        %mul3A_1125 = arith.mulf %get3A_1122, %mul3A_1124 : vector<16xf32>
        %get3A_1126 = arith.constant 0 : i32
        %get3A_1127 = tpu.memref_slice %arg13[%add3A_992, %get3A_1126] : memref<208x64xf32, #tpu.memory_space<vmem>> -> memref<1x64xf32, #tpu.memory_space<vmem>>
        %get3A_1128 = tpu.memref_squeeze %get3A_1127 : memref<1x64xf32, #tpu.memory_space<vmem>> -> memref<64xf32, #tpu.memory_space<vmem>>
        %get3A_1129 = arith.constant 0 : index
        %get3A_1130 = tpu.vector_load %get3A_1128[%get3A_1129] {strides = array<i32>} : memref<64xf32, #tpu.memory_space<vmem>>, vector<16xf32>,
        %mul3A_1131 = arith.constant 8.000000e+00 : f32
        %mul3A_1132 = vector.broadcast %mul3A_1131 : f32 to vector<16xf32>
        %mul3A_1133 = arith.mulf %get3A_1130, %mul3A_1132 : vector<16xf32>
        %get3A_1134 = arith.constant 0 : i32
        %get3A_1135 = tpu.memref_slice %arg13[%add3A_992, %get3A_1134] : memref<208x64xf32, #tpu.memory_space<vmem>> -> memref<1x64xf32, #tpu.memory_space<vmem>>
        %get3A_1136 = tpu.memref_squeeze %get3A_1135 : memref<1x64xf32, #tpu.memory_space<vmem>> -> memref<64xf32, #tpu.memory_space<vmem>>
        %get3A_1137 = arith.constant 16 : index
        %get3A_1138 = tpu.vector_load %get3A_1136[%get3A_1137] {strides = array<i32>} : memref<64xf32, #tpu.memory_space<vmem>>, vector<16xf32>,
        %mul3A_1139 = arith.constant 8.000000e+00 : f32
        %mul3A_1140 = vector.broadcast %mul3A_1139 : f32 to vector<16xf32>
        %mul3A_1141 = arith.mulf %get3A_1138, %mul3A_1140 : vector<16xf32>
        %get3A_1142 = arith.constant 0 : i32
        %get3A_1143 = tpu.memref_slice %arg13[%add3A_992, %get3A_1142] : memref<208x64xf32, #tpu.memory_space<vmem>> -> memref<1x64xf32, #tpu.memory_space<vmem>>
        %get3A_1144 = tpu.memref_squeeze %get3A_1143 : memref<1x64xf32, #tpu.memory_space<vmem>> -> memref<64xf32, #tpu.memory_space<vmem>>
        %get3A_1145 = arith.constant 32 : index
        %get3A_1146 = tpu.vector_load %get3A_1144[%get3A_1145] {strides = array<i32>} : memref<64xf32, #tpu.memory_space<vmem>>, vector<16xf32>,
        %mul3A_1147 = arith.constant 8.000000e+00 : f32
        %mul3A_1148 = vector.broadcast %mul3A_1147 : f32 to vector<16xf32>
        %mul3A_1149 = arith.mulf %get3A_1146, %mul3A_1148 : vector<16xf32>
        %get3A_1150 = arith.constant 0 : i32
        %get3A_1151 = tpu.memref_slice %arg13[%add3A_992, %get3A_1150] : memref<208x64xf32, #tpu.memory_space<vmem>> -> memref<1x64xf32, #tpu.memory_space<vmem>>
        %get3A_1152 = tpu.memref_squeeze %get3A_1151 : memref<1x64xf32, #tpu.memory_space<vmem>> -> memref<64xf32, #tpu.memory_space<vmem>>
        %get3A_1153 = arith.constant 48 : index
        %get3A_1154 = tpu.vector_load %get3A_1152[%get3A_1153] {strides = array<i32>} : memref<64xf32, #tpu.memory_space<vmem>>, vector<16xf32>,
        %mul3A_1155 = arith.constant 8.000000e+00 : f32
        %mul3A_1156 = vector.broadcast %mul3A_1155 : f32 to vector<16xf32>
        %mul3A_1157 = arith.mulf %get3A_1154, %mul3A_1156 : vector<16xf32>
        %get3A_1158 = arith.constant 0 : i32
        %get3A_1159 = tpu.memref_slice %arg13[%add3A_994, %get3A_1158] : memref<208x64xf32, #tpu.memory_space<vmem>> -> memref<1x64xf32, #tpu.memory_space<vmem>>
        %get3A_1160 = tpu.memref_squeeze %get3A_1159 : memref<1x64xf32, #tpu.memory_space<vmem>> -> memref<64xf32, #tpu.memory_space<vmem>>
        %get3A_1161 = arith.constant 0 : index
        %get3A_1162 = tpu.vector_load %get3A_1160[%get3A_1161] {strides = array<i32>} : memref<64xf32, #tpu.memory_space<vmem>>, vector<16xf32>,
        %mul3A_1163 = arith.constant 8.000000e+00 : f32
        %mul3A_1164 = vector.broadcast %mul3A_1163 : f32 to vector<16xf32>
        %mul3A_1165 = arith.mulf %get3A_1162, %mul3A_1164 : vector<16xf32>
        %get3A_1166 = arith.constant 0 : i32
        %get3A_1167 = tpu.memref_slice %arg13[%add3A_994, %get3A_1166] : memref<208x64xf32, #tpu.memory_space<vmem>> -> memref<1x64xf32, #tpu.memory_space<vmem>>
        %get3A_1168 = tpu.memref_squeeze %get3A_1167 : memref<1x64xf32, #tpu.memory_space<vmem>> -> memref<64xf32, #tpu.memory_space<vmem>>
        %get3A_1169 = arith.constant 16 : index
        %get3A_1170 = tpu.vector_load %get3A_1168[%get3A_1169] {strides = array<i32>} : memref<64xf32, #tpu.memory_space<vmem>>, vector<16xf32>,
        %mul3A_1171 = arith.constant 8.000000e+00 : f32
        %mul3A_1172 = vector.broadcast %mul3A_1171 : f32 to vector<16xf32>
        %mul3A_1173 = arith.mulf %get3A_1170, %mul3A_1172 : vector<16xf32>
        %get3A_1174 = arith.constant 0 : i32
        %get3A_1175 = tpu.memref_slice %arg13[%add3A_994, %get3A_1174] : memref<208x64xf32, #tpu.memory_space<vmem>> -> memref<1x64xf32, #tpu.memory_space<vmem>>
        %get3A_1176 = tpu.memref_squeeze %get3A_1175 : memref<1x64xf32, #tpu.memory_space<vmem>> -> memref<64xf32, #tpu.memory_space<vmem>>
        %get3A_1177 = arith.constant 32 : index
        %get3A_1178 = tpu.vector_load %get3A_1176[%get3A_1177] {strides = array<i32>} : memref<64xf32, #tpu.memory_space<vmem>>, vector<16xf32>,
        %mul3A_1179 = arith.constant 8.000000e+00 : f32
        %mul3A_1180 = vector.broadcast %mul3A_1179 : f32 to vector<16xf32>
        %mul3A_1181 = arith.mulf %get3A_1178, %mul3A_1180 : vector<16xf32>
        %get3A_1182 = arith.constant 0 : i32
        %get3A_1183 = tpu.memref_slice %arg13[%add3A_994, %get3A_1182] : memref<208x64xf32, #tpu.memory_space<vmem>> -> memref<1x64xf32, #tpu.memory_space<vmem>>
        %get3A_1184 = tpu.memref_squeeze %get3A_1183 : memref<1x64xf32, #tpu.memory_space<vmem>> -> memref<64xf32, #tpu.memory_space<vmem>>
        %get3A_1185 = arith.constant 48 : index
        %get3A_1186 = tpu.vector_load %get3A_1184[%get3A_1185] {strides = array<i32>} : memref<64xf32, #tpu.memory_space<vmem>>, vector<16xf32>,
        %mul3A_1187 = arith.constant 8.000000e+00 : f32
        %mul3A_1188 = vector.broadcast %mul3A_1187 : f32 to vector<16xf32>
        %mul3A_1189 = arith.mulf %get3A_1186, %mul3A_1188 : vector<16xf32>
        %get3A_1190 = arith.constant 0 : i32
        %get3A_1191 = tpu.memref_slice %arg13[%add3A_996, %get3A_1190] : memref<208x64xf32, #tpu.memory_space<vmem>> -> memref<1x64xf32, #tpu.memory_space<vmem>>
        %get3A_1192 = tpu.memref_squeeze %get3A_1191 : memref<1x64xf32, #tpu.memory_space<vmem>> -> memref<64xf32, #tpu.memory_space<vmem>>
        %get3A_1193 = arith.constant 0 : index
        %get3A_1194 = tpu.vector_load %get3A_1192[%get3A_1193] {strides = array<i32>} : memref<64xf32, #tpu.memory_space<vmem>>, vector<16xf32>,
        %mul3A_1195 = arith.constant 8.000000e+00 : f32
        %mul3A_1196 = vector.broadcast %mul3A_1195 : f32 to vector<16xf32>
        %mul3A_1197 = arith.mulf %get3A_1194, %mul3A_1196 : vector<16xf32>
        %get3A_1198 = arith.constant 0 : i32
        %get3A_1199 = tpu.memref_slice %arg13[%add3A_996, %get3A_1198] : memref<208x64xf32, #tpu.memory_space<vmem>> -> memref<1x64xf32, #tpu.memory_space<vmem>>
        %get3A_1200 = tpu.memref_squeeze %get3A_1199 : memref<1x64xf32, #tpu.memory_space<vmem>> -> memref<64xf32, #tpu.memory_space<vmem>>
        %get3A_1201 = arith.constant 16 : index
        %get3A_1202 = tpu.vector_load %get3A_1200[%get3A_1201] {strides = array<i32>} : memref<64xf32, #tpu.memory_space<vmem>>, vector<16xf32>,
        %mul3A_1203 = arith.constant 8.000000e+00 : f32
        %mul3A_1204 = vector.broadcast %mul3A_1203 : f32 to vector<16xf32>
        %mul3A_1205 = arith.mulf %get3A_1202, %mul3A_1204 : vector<16xf32>
        %get3A_1206 = arith.constant 0 : i32
        %get3A_1207 = tpu.memref_slice %arg13[%add3A_996, %get3A_1206] : memref<208x64xf32, #tpu.memory_space<vmem>> -> memref<1x64xf32, #tpu.memory_space<vmem>>
        %get3A_1208 = tpu.memref_squeeze %get3A_1207 : memref<1x64xf32, #tpu.memory_space<vmem>> -> memref<64xf32, #tpu.memory_space<vmem>>
        %get3A_1209 = arith.constant 32 : index
        %get3A_1210 = tpu.vector_load %get3A_1208[%get3A_1209] {strides = array<i32>} : memref<64xf32, #tpu.memory_space<vmem>>, vector<16xf32>,
        %mul3A_1211 = arith.constant 8.000000e+00 : f32
        %mul3A_1212 = vector.broadcast %mul3A_1211 : f32 to vector<16xf32>
        %mul3A_1213 = arith.mulf %get3A_1210, %mul3A_1212 : vector<16xf32>
        %get3A_1214 = arith.constant 0 : i32
        %get3A_1215 = tpu.memref_slice %arg13[%add3A_996, %get3A_1214] : memref<208x64xf32, #tpu.memory_space<vmem>> -> memref<1x64xf32, #tpu.memory_space<vmem>>
        %get3A_1216 = tpu.memref_squeeze %get3A_1215 : memref<1x64xf32, #tpu.memory_space<vmem>> -> memref<64xf32, #tpu.memory_space<vmem>>
        %get3A_1217 = arith.constant 48 : index
        %get3A_1218 = tpu.vector_load %get3A_1216[%get3A_1217] {strides = array<i32>} : memref<64xf32, #tpu.memory_space<vmem>>, vector<16xf32>,
        %mul3A_1219 = arith.constant 8.000000e+00 : f32
        %mul3A_1220 = vector.broadcast %mul3A_1219 : f32 to vector<16xf32>
        %mul3A_1221 = arith.mulf %get3A_1218, %mul3A_1220 : vector<16xf32>
        %get3A_1222 = arith.constant 0 : i32
        %get3A_1223 = tpu.memref_slice %arg13[%add3A_998, %get3A_1222] : memref<208x64xf32, #tpu.memory_space<vmem>> -> memref<1x64xf32, #tpu.memory_space<vmem>>
        %get3A_1224 = tpu.memref_squeeze %get3A_1223 : memref<1x64xf32, #tpu.memory_space<vmem>> -> memref<64xf32, #tpu.memory_space<vmem>>
        %get3A_1225 = arith.constant 0 : index
        %get3A_1226 = tpu.vector_load %get3A_1224[%get3A_1225] {strides = array<i32>} : memref<64xf32, #tpu.memory_space<vmem>>, vector<16xf32>,
        %mul3A_1227 = arith.constant 8.000000e+00 : f32
        %mul3A_1228 = vector.broadcast %mul3A_1227 : f32 to vector<16xf32>
        %mul3A_1229 = arith.mulf %get3A_1226, %mul3A_1228 : vector<16xf32>
        %get3A_1230 = arith.constant 0 : i32
        %get3A_1231 = tpu.memref_slice %arg13[%add3A_998, %get3A_1230] : memref<208x64xf32, #tpu.memory_space<vmem>> -> memref<1x64xf32, #tpu.memory_space<vmem>>
        %get3A_1232 = tpu.memref_squeeze %get3A_1231 : memref<1x64xf32, #tpu.memory_space<vmem>> -> memref<64xf32, #tpu.memory_space<vmem>>
        %get3A_1233 = arith.constant 16 : index
        %get3A_1234 = tpu.vector_load %get3A_1232[%get3A_1233] {strides = array<i32>} : memref<64xf32, #tpu.memory_space<vmem>>, vector<16xf32>,
        %mul3A_1235 = arith.constant 8.000000e+00 : f32
        %mul3A_1236 = vector.broadcast %mul3A_1235 : f32 to vector<16xf32>
        %mul3A_1237 = arith.mulf %get3A_1234, %mul3A_1236 : vector<16xf32>
        %get3A_1238 = arith.constant 0 : i32
        %get3A_1239 = tpu.memref_slice %arg13[%add3A_998, %get3A_1238] : memref<208x64xf32, #tpu.memory_space<vmem>> -> memref<1x64xf32, #tpu.memory_space<vmem>>
        %get3A_1240 = tpu.memref_squeeze %get3A_1239 : memref<1x64xf32, #tpu.memory_space<vmem>> -> memref<64xf32, #tpu.memory_space<vmem>>
        %get3A_1241 = arith.constant 32 : index
        %get3A_1242 = tpu.vector_load %get3A_1240[%get3A_1241] {strides = array<i32>} : memref<64xf32, #tpu.memory_space<vmem>>, vector<16xf32>,
        %mul3A_1243 = arith.constant 8.000000e+00 : f32
        %mul3A_1244 = vector.broadcast %mul3A_1243 : f32 to vector<16xf32>
        %mul3A_1245 = arith.mulf %get3A_1242, %mul3A_1244 : vector<16xf32>
        %get3A_1246 = arith.constant 0 : i32
        %get3A_1247 = tpu.memref_slice %arg13[%add3A_998, %get3A_1246] : memref<208x64xf32, #tpu.memory_space<vmem>> -> memref<1x64xf32, #tpu.memory_space<vmem>>
        %get3A_1248 = tpu.memref_squeeze %get3A_1247 : memref<1x64xf32, #tpu.memory_space<vmem>> -> memref<64xf32, #tpu.memory_space<vmem>>
        %get3A_1249 = arith.constant 48 : index
        %get3A_1250 = tpu.vector_load %get3A_1248[%get3A_1249] {strides = array<i32>} : memref<64xf32, #tpu.memory_space<vmem>>, vector<16xf32>,
        %mul3A_1251 = arith.constant 8.000000e+00 : f32
        %mul3A_1252 = vector.broadcast %mul3A_1251 : f32 to vector<16xf32>
        %mul3A_1253 = arith.mulf %get3A_1250, %mul3A_1252 : vector<16xf32>
        %swap3A = arith.constant 0 : i32
        %swap3A_1254 = tpu.memref_slice %arg13[%add3A_984, %swap3A] : memref<208x64xf32, #tpu.memory_space<vmem>> -> memref<1x64xf32, #tpu.memory_space<vmem>>
        %swap3A_1255 = tpu.memref_squeeze %swap3A_1254 : memref<1x64xf32, #tpu.memory_space<vmem>> -> memref<64xf32, #tpu.memory_space<vmem>>
        %swap3A_1256 = arith.constant 0 : index
        %swap3A_1257 = tpu.vector_load %swap3A_1255[%swap3A_1256] {strides = array<i32>} : memref<64xf32, #tpu.memory_space<vmem>>, vector<16xf32>,
        tpu.vector_store %swap3A_1255[%swap3A_1256], %mul3A_1005 {strides = array<i32>} : memref<64xf32, #tpu.memory_space<vmem>>, vector<16xf32>,
        %swap3A_1258 = arith.constant 0 : i32
        %swap3A_1259 = tpu.memref_slice %arg13[%add3A_984, %swap3A_1258] : memref<208x64xf32, #tpu.memory_space<vmem>> -> memref<1x64xf32, #tpu.memory_space<vmem>>
        %swap3A_1260 = tpu.memref_squeeze %swap3A_1259 : memref<1x64xf32, #tpu.memory_space<vmem>> -> memref<64xf32, #tpu.memory_space<vmem>>
        %swap3A_1261 = arith.constant 16 : index
        %swap3A_1262 = tpu.vector_load %swap3A_1260[%swap3A_1261] {strides = array<i32>} : memref<64xf32, #tpu.memory_space<vmem>>, vector<16xf32>,
        tpu.vector_store %swap3A_1260[%swap3A_1261], %mul3A_1013 {strides = array<i32>} : memref<64xf32, #tpu.memory_space<vmem>>, vector<16xf32>,
        %swap3A_1263 = arith.constant 0 : i32
        %swap3A_1264 = tpu.memref_slice %arg13[%add3A_984, %swap3A_1263] : memref<208x64xf32, #tpu.memory_space<vmem>> -> memref<1x64xf32, #tpu.memory_space<vmem>>
        %swap3A_1265 = tpu.memref_squeeze %swap3A_1264 : memref<1x64xf32, #tpu.memory_space<vmem>> -> memref<64xf32, #tpu.memory_space<vmem>>
        %swap3A_1266 = arith.constant 32 : index
        %swap3A_1267 = tpu.vector_load %swap3A_1265[%swap3A_1266] {strides = array<i32>} : memref<64xf32, #tpu.memory_space<vmem>>, vector<16xf32>,
        tpu.vector_store %swap3A_1265[%swap3A_1266], %mul3A_1021 {strides = array<i32>} : memref<64xf32, #tpu.memory_space<vmem>>, vector<16xf32>,
        %swap3A_1268 = arith.constant 0 : i32
        %swap3A_1269 = tpu.memref_slice %arg13[%add3A_984, %swap3A_1268] : memref<208x64xf32, #tpu.memory_space<vmem>> -> memref<1x64xf32, #tpu.memory_space<vmem>>
        %swap3A_1270 = tpu.memref_squeeze %swap3A_1269 : memref<1x64xf32, #tpu.memory_space<vmem>> -> memref<64xf32, #tpu.memory_space<vmem>>
        %swap3A_1271 = arith.constant 48 : index
        %swap3A_1272 = tpu.vector_load %swap3A_1270[%swap3A_1271] {strides = array<i32>} : memref<64xf32, #tpu.memory_space<vmem>>, vector<16xf32>,
        tpu.vector_store %swap3A_1270[%swap3A_1271], %mul3A_1029 {strides = array<i32>} : memref<64xf32, #tpu.memory_space<vmem>>, vector<16xf32>,
        %swap3A_1273 = arith.constant 0 : i32
        %swap3A_1274 = tpu.memref_slice %arg13[%add3A_986, %swap3A_1273] : memref<208x64xf32, #tpu.memory_space<vmem>> -> memref<1x64xf32, #tpu.memory_space<vmem>>
        %swap3A_1275 = tpu.memref_squeeze %swap3A_1274 : memref<1x64xf32, #tpu.memory_space<vmem>> -> memref<64xf32, #tpu.memory_space<vmem>>
        %swap3A_1276 = arith.constant 0 : index
        %swap3A_1277 = tpu.vector_load %swap3A_1275[%swap3A_1276] {strides = array<i32>} : memref<64xf32, #tpu.memory_space<vmem>>, vector<16xf32>,
        tpu.vector_store %swap3A_1275[%swap3A_1276], %mul3A_1037 {strides = array<i32>} : memref<64xf32, #tpu.memory_space<vmem>>, vector<16xf32>,
        %swap3A_1278 = arith.constant 0 : i32
        %swap3A_1279 = tpu.memref_slice %arg13[%add3A_986, %swap3A_1278] : memref<208x64xf32, #tpu.memory_space<vmem>> -> memref<1x64xf32, #tpu.memory_space<vmem>>
        %swap3A_1280 = tpu.memref_squeeze %swap3A_1279 : memref<1x64xf32, #tpu.memory_space<vmem>> -> memref<64xf32, #tpu.memory_space<vmem>>
        %swap3A_1281 = arith.constant 16 : index
        %swap3A_1282 = tpu.vector_load %swap3A_1280[%swap3A_1281] {strides = array<i32>} : memref<64xf32, #tpu.memory_space<vmem>>, vector<16xf32>,
        tpu.vector_store %swap3A_1280[%swap3A_1281], %mul3A_1045 {strides = array<i32>} : memref<64xf32, #tpu.memory_space<vmem>>, vector<16xf32>,
        %swap3A_1283 = arith.constant 0 : i32
        %swap3A_1284 = tpu.memref_slice %arg13[%add3A_986, %swap3A_1283] : memref<208x64xf32, #tpu.memory_space<vmem>> -> memref<1x64xf32, #tpu.memory_space<vmem>>
        %swap3A_1285 = tpu.memref_squeeze %swap3A_1284 : memref<1x64xf32, #tpu.memory_space<vmem>> -> memref<64xf32, #tpu.memory_space<vmem>>
        %swap3A_1286 = arith.constant 32 : index
        %swap3A_1287 = tpu.vector_load %swap3A_1285[%swap3A_1286] {strides = array<i32>} : memref<64xf32, #tpu.memory_space<vmem>>, vector<16xf32>,
        tpu.vector_store %swap3A_1285[%swap3A_1286], %mul3A_1053 {strides = array<i32>} : memref<64xf32, #tpu.memory_space<vmem>>, vector<16xf32>,
        %swap3A_1288 = arith.constant 0 : i32
        %swap3A_1289 = tpu.memref_slice %arg13[%add3A_986, %swap3A_1288] : memref<208x64xf32, #tpu.memory_space<vmem>> -> memref<1x64xf32, #tpu.memory_space<vmem>>
        %swap3A_1290 = tpu.memref_squeeze %swap3A_1289 : memref<1x64xf32, #tpu.memory_space<vmem>> -> memref<64xf32, #tpu.memory_space<vmem>>
        %swap3A_1291 = arith.constant 48 : index
        %swap3A_1292 = tpu.vector_load %swap3A_1290[%swap3A_1291] {strides = array<i32>} : memref<64xf32, #tpu.memory_space<vmem>>, vector<16xf32>,
        tpu.vector_store %swap3A_1290[%swap3A_1291], %mul3A_1061 {strides = array<i32>} : memref<64xf32, #tpu.memory_space<vmem>>, vector<16xf32>,
        %swap3A_1293 = arith.constant 0 : i32
        %swap3A_1294 = tpu.memref_slice %arg13[%add3A_988, %swap3A_1293] : memref<208x64xf32, #tpu.memory_space<vmem>> -> memref<1x64xf32, #tpu.memory_space<vmem>>
        %swap3A_1295 = tpu.memref_squeeze %swap3A_1294 : memref<1x64xf32, #tpu.memory_space<vmem>> -> memref<64xf32, #tpu.memory_space<vmem>>
        %swap3A_1296 = arith.constant 0 : index
        %swap3A_1297 = tpu.vector_load %swap3A_1295[%swap3A_1296] {strides = array<i32>} : memref<64xf32, #tpu.memory_space<vmem>>, vector<16xf32>,
        tpu.vector_store %swap3A_1295[%swap3A_1296], %mul3A_1069 {strides = array<i32>} : memref<64xf32, #tpu.memory_space<vmem>>, vector<16xf32>,
        %swap3A_1298 = arith.constant 0 : i32
        %swap3A_1299 = tpu.memref_slice %arg13[%add3A_988, %swap3A_1298] : memref<208x64xf32, #tpu.memory_space<vmem>> -> memref<1x64xf32, #tpu.memory_space<vmem>>
        %swap3A_1300 = tpu.memref_squeeze %swap3A_1299 : memref<1x64xf32, #tpu.memory_space<vmem>> -> memref<64xf32, #tpu.memory_space<vmem>>
        %swap3A_1301 = arith.constant 16 : index
        %swap3A_1302 = tpu.vector_load %swap3A_1300[%swap3A_1301] {strides = array<i32>} : memref<64xf32, #tpu.memory_space<vmem>>, vector<16xf32>,
        tpu.vector_store %swap3A_1300[%swap3A_1301], %mul3A_1077 {strides = array<i32>} : memref<64xf32, #tpu.memory_space<vmem>>, vector<16xf32>,
        %swap3A_1303 = arith.constant 0 : i32
        %swap3A_1304 = tpu.memref_slice %arg13[%add3A_988, %swap3A_1303] : memref<208x64xf32, #tpu.memory_space<vmem>> -> memref<1x64xf32, #tpu.memory_space<vmem>>
        %swap3A_1305 = tpu.memref_squeeze %swap3A_1304 : memref<1x64xf32, #tpu.memory_space<vmem>> -> memref<64xf32, #tpu.memory_space<vmem>>
        %swap3A_1306 = arith.constant 32 : index
        %swap3A_1307 = tpu.vector_load %swap3A_1305[%swap3A_1306] {strides = array<i32>} : memref<64xf32, #tpu.memory_space<vmem>>, vector<16xf32>,
        tpu.vector_store %swap3A_1305[%swap3A_1306], %mul3A_1085 {strides = array<i32>} : memref<64xf32, #tpu.memory_space<vmem>>, vector<16xf32>,
        %swap3A_1308 = arith.constant 0 : i32
        %swap3A_1309 = tpu.memref_slice %arg13[%add3A_988, %swap3A_1308] : memref<208x64xf32, #tpu.memory_space<vmem>> -> memref<1x64xf32, #tpu.memory_space<vmem>>
        %swap3A_1310 = tpu.memref_squeeze %swap3A_1309 : memref<1x64xf32, #tpu.memory_space<vmem>> -> memref<64xf32, #tpu.memory_space<vmem>>
        %swap3A_1311 = arith.constant 48 : index
        %swap3A_1312 = tpu.vector_load %swap3A_1310[%swap3A_1311] {strides = array<i32>} : memref<64xf32, #tpu.memory_space<vmem>>, vector<16xf32>,
        tpu.vector_store %swap3A_1310[%swap3A_1311], %mul3A_1093 {strides = array<i32>} : memref<64xf32, #tpu.memory_space<vmem>>, vector<16xf32>,
        %swap3A_1313 = arith.constant 0 : i32
        %swap3A_1314 = tpu.memref_slice %arg13[%add3A_990, %swap3A_1313] : memref<208x64xf32, #tpu.memory_space<vmem>> -> memref<1x64xf32, #tpu.memory_space<vmem>>
        %swap3A_1315 = tpu.memref_squeeze %swap3A_1314 : memref<1x64xf32, #tpu.memory_space<vmem>> -> memref<64xf32, #tpu.memory_space<vmem>>
        %swap3A_1316 = arith.constant 0 : index
        %swap3A_1317 = tpu.vector_load %swap3A_1315[%swap3A_1316] {strides = array<i32>} : memref<64xf32, #tpu.memory_space<vmem>>, vector<16xf32>,
        tpu.vector_store %swap3A_1315[%swap3A_1316], %mul3A_1101 {strides = array<i32>} : memref<64xf32, #tpu.memory_space<vmem>>, vector<16xf32>,
        %swap3A_1318 = arith.constant 0 : i32
        %swap3A_1319 = tpu.memref_slice %arg13[%add3A_990, %swap3A_1318] : memref<208x64xf32, #tpu.memory_space<vmem>> -> memref<1x64xf32, #tpu.memory_space<vmem>>
        %swap3A_1320 = tpu.memref_squeeze %swap3A_1319 : memref<1x64xf32, #tpu.memory_space<vmem>> -> memref<64xf32, #tpu.memory_space<vmem>>
        %swap3A_1321 = arith.constant 16 : index
        %swap3A_1322 = tpu.vector_load %swap3A_1320[%swap3A_1321] {strides = array<i32>} : memref<64xf32, #tpu.memory_space<vmem>>, vector<16xf32>,
        tpu.vector_store %swap3A_1320[%swap3A_1321], %mul3A_1109 {strides = array<i32>} : memref<64xf32, #tpu.memory_space<vmem>>, vector<16xf32>,
        %swap3A_1323 = arith.constant 0 : i32
        %swap3A_1324 = tpu.memref_slice %arg13[%add3A_990, %swap3A_1323] : memref<208x64xf32, #tpu.memory_space<vmem>> -> memref<1x64xf32, #tpu.memory_space<vmem>>
        %swap3A_1325 = tpu.memref_squeeze %swap3A_1324 : memref<1x64xf32, #tpu.memory_space<vmem>> -> memref<64xf32, #tpu.memory_space<vmem>>
        %swap3A_1326 = arith.constant 32 : index
        %swap3A_1327 = tpu.vector_load %swap3A_1325[%swap3A_1326] {strides = array<i32>} : memref<64xf32, #tpu.memory_space<vmem>>, vector<16xf32>,
        tpu.vector_store %swap3A_1325[%swap3A_1326], %mul3A_1117 {strides = array<i32>} : memref<64xf32, #tpu.memory_space<vmem>>, vector<16xf32>,
        %swap3A_1328 = arith.constant 0 : i32
        %swap3A_1329 = tpu.memref_slice %arg13[%add3A_990, %swap3A_1328] : memref<208x64xf32, #tpu.memory_space<vmem>> -> memref<1x64xf32, #tpu.memory_space<vmem>>
        %swap3A_1330 = tpu.memref_squeeze %swap3A_1329 : memref<1x64xf32, #tpu.memory_space<vmem>> -> memref<64xf32, #tpu.memory_space<vmem>>
        %swap3A_1331 = arith.constant 48 : index
        %swap3A_1332 = tpu.vector_load %swap3A_1330[%swap3A_1331] {strides = array<i32>} : memref<64xf32, #tpu.memory_space<vmem>>, vector<16xf32>,
        tpu.vector_store %swap3A_1330[%swap3A_1331], %mul3A_1125 {strides = array<i32>} : memref<64xf32, #tpu.memory_space<vmem>>, vector<16xf32>,
        %swap3A_1333 = arith.constant 0 : i32
        %swap3A_1334 = tpu.memref_slice %arg13[%add3A_992, %swap3A_1333] : memref<208x64xf32, #tpu.memory_space<vmem>> -> memref<1x64xf32, #tpu.memory_space<vmem>>
        %swap3A_1335 = tpu.memref_squeeze %swap3A_1334 : memref<1x64xf32, #tpu.memory_space<vmem>> -> memref<64xf32, #tpu.memory_space<vmem>>
        %swap3A_1336 = arith.constant 0 : index
        %swap3A_1337 = tpu.vector_load %swap3A_1335[%swap3A_1336] {strides = array<i32>} : memref<64xf32, #tpu.memory_space<vmem>>, vector<16xf32>,
        tpu.vector_store %swap3A_1335[%swap3A_1336], %mul3A_1133 {strides = array<i32>} : memref<64xf32, #tpu.memory_space<vmem>>, vector<16xf32>,
        %swap3A_1338 = arith.constant 0 : i32
        %swap3A_1339 = tpu.memref_slice %arg13[%add3A_992, %swap3A_1338] : memref<208x64xf32, #tpu.memory_space<vmem>> -> memref<1x64xf32, #tpu.memory_space<vmem>>
        %swap3A_1340 = tpu.memref_squeeze %swap3A_1339 : memref<1x64xf32, #tpu.memory_space<vmem>> -> memref<64xf32, #tpu.memory_space<vmem>>
        %swap3A_1341 = arith.constant 16 : index
        %swap3A_1342 = tpu.vector_load %swap3A_1340[%swap3A_1341] {strides = array<i32>} : memref<64xf32, #tpu.memory_space<vmem>>, vector<16xf32>,
        tpu.vector_store %swap3A_1340[%swap3A_1341], %mul3A_1141 {strides = array<i32>} : memref<64xf32, #tpu.memory_space<vmem>>, vector<16xf32>,
        %swap3A_1343 = arith.constant 0 : i32
        %swap3A_1344 = tpu.memref_slice %arg13[%add3A_992, %swap3A_1343] : memref<208x64xf32, #tpu.memory_space<vmem>> -> memref<1x64xf32, #tpu.memory_space<vmem>>
        %swap3A_1345 = tpu.memref_squeeze %swap3A_1344 : memref<1x64xf32, #tpu.memory_space<vmem>> -> memref<64xf32, #tpu.memory_space<vmem>>
        %swap3A_1346 = arith.constant 32 : index
        %swap3A_1347 = tpu.vector_load %swap3A_1345[%swap3A_1346] {strides = array<i32>} : memref<64xf32, #tpu.memory_space<vmem>>, vector<16xf32>,
        tpu.vector_store %swap3A_1345[%swap3A_1346], %mul3A_1149 {strides = array<i32>} : memref<64xf32, #tpu.memory_space<vmem>>, vector<16xf32>,
        %swap3A_1348 = arith.constant 0 : i32
        %swap3A_1349 = tpu.memref_slice %arg13[%add3A_992, %swap3A_1348] : memref<208x64xf32, #tpu.memory_space<vmem>> -> memref<1x64xf32, #tpu.memory_space<vmem>>
        %swap3A_1350 = tpu.memref_squeeze %swap3A_1349 : memref<1x64xf32, #tpu.memory_space<vmem>> -> memref<64xf32, #tpu.memory_space<vmem>>
        %swap3A_1351 = arith.constant 48 : index
        %swap3A_1352 = tpu.vector_load %swap3A_1350[%swap3A_1351] {strides = array<i32>} : memref<64xf32, #tpu.memory_space<vmem>>, vector<16xf32>,
        tpu.vector_store %swap3A_1350[%swap3A_1351], %mul3A_1157 {strides = array<i32>} : memref<64xf32, #tpu.memory_space<vmem>>, vector<16xf32>,
        %swap3A_1353 = arith.constant 0 : i32
        %swap3A_1354 = tpu.memref_slice %arg13[%add3A_994, %swap3A_1353] : memref<208x64xf32, #tpu.memory_space<vmem>> -> memref<1x64xf32, #tpu.memory_space<vmem>>
        %swap3A_1355 = tpu.memref_squeeze %swap3A_1354 : memref<1x64xf32, #tpu.memory_space<vmem>> -> memref<64xf32, #tpu.memory_space<vmem>>
        %swap3A_1356 = arith.constant 0 : index
        %swap3A_1357 = tpu.vector_load %swap3A_1355[%swap3A_1356] {strides = array<i32>} : memref<64xf32, #tpu.memory_space<vmem>>, vector<16xf32>,
        tpu.vector_store %swap3A_1355[%swap3A_1356], %mul3A_1165 {strides = array<i32>} : memref<64xf32, #tpu.memory_space<vmem>>, vector<16xf32>,
        %swap3A_1358 = arith.constant 0 : i32
        %swap3A_1359 = tpu.memref_slice %arg13[%add3A_994, %swap3A_1358] : memref<208x64xf32, #tpu.memory_space<vmem>> -> memref<1x64xf32, #tpu.memory_space<vmem>>
        %swap3A_1360 = tpu.memref_squeeze %swap3A_1359 : memref<1x64xf32, #tpu.memory_space<vmem>> -> memref<64xf32, #tpu.memory_space<vmem>>
        %swap3A_1361 = arith.constant 16 : index
        %swap3A_1362 = tpu.vector_load %swap3A_1360[%swap3A_1361] {strides = array<i32>} : memref<64xf32, #tpu.memory_space<vmem>>, vector<16xf32>,
        tpu.vector_store %swap3A_1360[%swap3A_1361], %mul3A_1173 {strides = array<i32>} : memref<64xf32, #tpu.memory_space<vmem>>, vector<16xf32>,
        %swap3A_1363 = arith.constant 0 : i32
        %swap3A_1364 = tpu.memref_slice %arg13[%add3A_994, %swap3A_1363] : memref<208x64xf32, #tpu.memory_space<vmem>> -> memref<1x64xf32, #tpu.memory_space<vmem>>
        %swap3A_1365 = tpu.memref_squeeze %swap3A_1364 : memref<1x64xf32, #tpu.memory_space<vmem>> -> memref<64xf32, #tpu.memory_space<vmem>>
        %swap3A_1366 = arith.constant 32 : index
        %swap3A_1367 = tpu.vector_load %swap3A_1365[%swap3A_1366] {strides = array<i32>} : memref<64xf32, #tpu.memory_space<vmem>>, vector<16xf32>,
        tpu.vector_store %swap3A_1365[%swap3A_1366], %mul3A_1181 {strides = array<i32>} : memref<64xf32, #tpu.memory_space<vmem>>, vector<16xf32>,
        %swap3A_1368 = arith.constant 0 : i32
        %swap3A_1369 = tpu.memref_slice %arg13[%add3A_994, %swap3A_1368] : memref<208x64xf32, #tpu.memory_space<vmem>> -> memref<1x64xf32, #tpu.memory_space<vmem>>
        %swap3A_1370 = tpu.memref_squeeze %swap3A_1369 : memref<1x64xf32, #tpu.memory_space<vmem>> -> memref<64xf32, #tpu.memory_space<vmem>>
        %swap3A_1371 = arith.constant 48 : index
        %swap3A_1372 = tpu.vector_load %swap3A_1370[%swap3A_1371] {strides = array<i32>} : memref<64xf32, #tpu.memory_space<vmem>>, vector<16xf32>,
        tpu.vector_store %swap3A_1370[%swap3A_1371], %mul3A_1189 {strides = array<i32>} : memref<64xf32, #tpu.memory_space<vmem>>, vector<16xf32>,
        %swap3A_1373 = arith.constant 0 : i32
        %swap3A_1374 = tpu.memref_slice %arg13[%add3A_996, %swap3A_1373] : memref<208x64xf32, #tpu.memory_space<vmem>> -> memref<1x64xf32, #tpu.memory_space<vmem>>
        %swap3A_1375 = tpu.memref_squeeze %swap3A_1374 : memref<1x64xf32, #tpu.memory_space<vmem>> -> memref<64xf32, #tpu.memory_space<vmem>>
        %swap3A_1376 = arith.constant 0 : index
        %swap3A_1377 = tpu.vector_load %swap3A_1375[%swap3A_1376] {strides = array<i32>} : memref<64xf32, #tpu.memory_space<vmem>>, vector<16xf32>,
        tpu.vector_store %swap3A_1375[%swap3A_1376], %mul3A_1197 {strides = array<i32>} : memref<64xf32, #tpu.memory_space<vmem>>, vector<16xf32>,
        %swap3A_1378 = arith.constant 0 : i32
        %swap3A_1379 = tpu.memref_slice %arg13[%add3A_996, %swap3A_1378] : memref<208x64xf32, #tpu.memory_space<vmem>> -> memref<1x64xf32, #tpu.memory_space<vmem>>
        %swap3A_1380 = tpu.memref_squeeze %swap3A_1379 : memref<1x64xf32, #tpu.memory_space<vmem>> -> memref<64xf32, #tpu.memory_space<vmem>>
        %swap3A_1381 = arith.constant 16 : index
        %swap3A_1382 = tpu.vector_load %swap3A_1380[%swap3A_1381] {strides = array<i32>} : memref<64xf32, #tpu.memory_space<vmem>>, vector<16xf32>,
        tpu.vector_store %swap3A_1380[%swap3A_1381], %mul3A_1205 {strides = array<i32>} : memref<64xf32, #tpu.memory_space<vmem>>, vector<16xf32>,
        %swap3A_1383 = arith.constant 0 : i32
        %swap3A_1384 = tpu.memref_slice %arg13[%add3A_996, %swap3A_1383] : memref<208x64xf32, #tpu.memory_space<vmem>> -> memref<1x64xf32, #tpu.memory_space<vmem>>
        %swap3A_1385 = tpu.memref_squeeze %swap3A_1384 : memref<1x64xf32, #tpu.memory_space<vmem>> -> memref<64xf32, #tpu.memory_space<vmem>>
        %swap3A_1386 = arith.constant 32 : index
        %swap3A_1387 = tpu.vector_load %swap3A_1385[%swap3A_1386] {strides = array<i32>} : memref<64xf32, #tpu.memory_space<vmem>>, vector<16xf32>,
        tpu.vector_store %swap3A_1385[%swap3A_1386], %mul3A_1213 {strides = array<i32>} : memref<64xf32, #tpu.memory_space<vmem>>, vector<16xf32>,
        %swap3A_1388 = arith.constant 0 : i32
        %swap3A_1389 = tpu.memref_slice %arg13[%add3A_996, %swap3A_1388] : memref<208x64xf32, #tpu.memory_space<vmem>> -> memref<1x64xf32, #tpu.memory_space<vmem>>
        %swap3A_1390 = tpu.memref_squeeze %swap3A_1389 : memref<1x64xf32, #tpu.memory_space<vmem>> -> memref<64xf32, #tpu.memory_space<vmem>>
        %swap3A_1391 = arith.constant 48 : index
        %swap3A_1392 = tpu.vector_load %swap3A_1390[%swap3A_1391] {strides = array<i32>} : memref<64xf32, #tpu.memory_space<vmem>>, vector<16xf32>,
        tpu.vector_store %swap3A_1390[%swap3A_1391], %mul3A_1221 {strides = array<i32>} : memref<64xf32, #tpu.memory_space<vmem>>, vector<16xf32>,
        %swap3A_1393 = arith.constant 0 : i32
        %swap3A_1394 = tpu.memref_slice %arg13[%add3A_998, %swap3A_1393] : memref<208x64xf32, #tpu.memory_space<vmem>> -> memref<1x64xf32, #tpu.memory_space<vmem>>
        %swap3A_1395 = tpu.memref_squeeze %swap3A_1394 : memref<1x64xf32, #tpu.memory_space<vmem>> -> memref<64xf32, #tpu.memory_space<vmem>>
        %swap3A_1396 = arith.constant 0 : index
        %swap3A_1397 = tpu.vector_load %swap3A_1395[%swap3A_1396] {strides = array<i32>} : memref<64xf32, #tpu.memory_space<vmem>>, vector<16xf32>,
        tpu.vector_store %swap3A_1395[%swap3A_1396], %mul3A_1229 {strides = array<i32>} : memref<64xf32, #tpu.memory_space<vmem>>, vector<16xf32>,
        %swap3A_1398 = arith.constant 0 : i32
        %swap3A_1399 = tpu.memref_slice %arg13[%add3A_998, %swap3A_1398] : memref<208x64xf32, #tpu.memory_space<vmem>> -> memref<1x64xf32, #tpu.memory_space<vmem>>
        %swap3A_1400 = tpu.memref_squeeze %swap3A_1399 : memref<1x64xf32, #tpu.memory_space<vmem>> -> memref<64xf32, #tpu.memory_space<vmem>>
        %swap3A_1401 = arith.constant 16 : index
        %swap3A_1402 = tpu.vector_load %swap3A_1400[%swap3A_1401] {strides = array<i32>} : memref<64xf32, #tpu.memory_space<vmem>>, vector<16xf32>,
        tpu.vector_store %swap3A_1400[%swap3A_1401], %mul3A_1237 {strides = array<i32>} : memref<64xf32, #tpu.memory_space<vmem>>, vector<16xf32>,
        %swap3A_1403 = arith.constant 0 : i32
        %swap3A_1404 = tpu.memref_slice %arg13[%add3A_998, %swap3A_1403] : memref<208x64xf32, #tpu.memory_space<vmem>> -> memref<1x64xf32, #tpu.memory_space<vmem>>
        %swap3A_1405 = tpu.memref_squeeze %swap3A_1404 : memref<1x64xf32, #tpu.memory_space<vmem>> -> memref<64xf32, #tpu.memory_space<vmem>>
        %swap3A_1406 = arith.constant 32 : index
        %swap3A_1407 = tpu.vector_load %swap3A_1405[%swap3A_1406] {strides = array<i32>} : memref<64xf32, #tpu.memory_space<vmem>>, vector<16xf32>,
        tpu.vector_store %swap3A_1405[%swap3A_1406], %mul3A_1245 {strides = array<i32>} : memref<64xf32, #tpu.memory_space<vmem>>, vector<16xf32>,
        %swap3A_1408 = arith.constant 0 : i32
        %swap3A_1409 = tpu.memref_slice %arg13[%add3A_998, %swap3A_1408] : memref<208x64xf32, #tpu.memory_space<vmem>> -> memref<1x64xf32, #tpu.memory_space<vmem>>
        %swap3A_1410 = tpu.memref_squeeze %swap3A_1409 : memref<1x64xf32, #tpu.memory_space<vmem>> -> memref<64xf32, #tpu.memory_space<vmem>>
        %swap3A_1411 = arith.constant 48 : index
        %swap3A_1412 = tpu.vector_load %swap3A_1410[%swap3A_1411] {strides = array<i32>} : memref<64xf32, #tpu.memory_space<vmem>>, vector<16xf32>,
        tpu.vector_store %swap3A_1410[%swap3A_1411], %mul3A_1253 {strides = array<i32>} : memref<64xf32, #tpu.memory_space<vmem>>, vector<16xf32>,
      }
      %scan3A_587 = arith.constant 25 : i32
      %dma_start3A_588 = arith.constant 0 : i32
      %dma_start3A_589 = arith.constant 0 : i32
      %dma_start3A_590 = tpu.memref_slice %arg13[%dma_start3A_588, %dma_start3A_589] : memref<208x64xf32, #tpu.memory_space<vmem>> -> memref<200x64xf32, #tpu.memory_space<vmem>>
      %dma_start3A_591 = arith.constant 0 : i32
      %dma_start3A_592 = arith.constant 128 : i32
      %dma_start3A_593 = tpu.memref_slice %arg8[%add3A_236, %dma_start3A_591, %dma_start3A_592] : memref<4096x200x192xf32, #tpu.memory_space<hbm>> -> memref<1x200x64xf32, #tpu.memory_space<hbm>>
      %dma_start3A_594 = tpu.memref_squeeze %dma_start3A_593 : memref<1x200x64xf32, #tpu.memory_space<hbm>> -> memref<200x64xf32, #tpu.memory_space<hbm>>
      %dma_start3A_595 = arith.constant 0 : i32
      %dma_start3A_596 = arith.constant 128 : i32
      %dma_start3A_597 = tpu.memref_slice %arg8[%add3A_236, %dma_start3A_595, %dma_start3A_596] : memref<4096x200x192xf32, #tpu.memory_space<hbm>> -> memref<1x200x64xf32, #tpu.memory_space<hbm>>
      %dma_start3A_598 = tpu.memref_squeeze %dma_start3A_597 : memref<1x200x64xf32, #tpu.memory_space<hbm>> -> memref<200x64xf32, #tpu.memory_space<hbm>>
      %dma_start3A_599 = arith.constant 0 : i32
      %dma_start3A_600 = arith.constant 0 : i32
      %dma_start3A_601 = tpu.memref_slice %arg13[%dma_start3A_599, %dma_start3A_600] : memref<208x64xf32, #tpu.memory_space<vmem>> -> memref<200x64xf32, #tpu.memory_space<vmem>>
      tpu.enqueue_dma source(%dma_start3A_601 : memref<200x64xf32, #tpu.memory_space<vmem>>) target(%dma_start3A_598 : memref<200x64xf32, #tpu.memory_space<hbm>>) target_semaphore(%arg21 : memref<!tpu.dma_semaphore, #tpu.memory_space<semaphore_mem>>)
      %dma_start3A_602 = arith.constant 0 : i32
      %dma_start3A_603 = arith.constant 0 : i32
      %dma_start3A_604 = tpu.memref_slice %arg9[%dma_start3A_602, %dma_start3A_603] : memref<6x104xi32, #tpu.memory_space<vmem>> -> memref<1x104xi32, #tpu.memory_space<vmem>>
      %dma_start3A_605 = tpu.memref_squeeze %dma_start3A_604 : memref<1x104xi32, #tpu.memory_space<vmem>> -> memref<104xi32, #tpu.memory_space<vmem>>
      %dma_start3A_606 = arith.constant 0 : i32
      %dma_start3A_607 = tpu.memref_slice %arg2[%add3A_244, %dma_start3A_606] : memref<4096x200xi32, #tpu.memory_space<hbm>> -> memref<1x104xi32, #tpu.memory_space<hbm>>
      %dma_start3A_608 = tpu.memref_squeeze %dma_start3A_607 : memref<1x104xi32, #tpu.memory_space<hbm>> -> memref<104xi32, #tpu.memory_space<hbm>>
      %dma_start3A_609 = arith.constant 0 : i32
      %dma_start3A_610 = tpu.memref_slice %arg9[%dma_start3A_602, %dma_start3A_609] : memref<6x104xi32, #tpu.memory_space<vmem>> -> memref<1x104xi32, #tpu.memory_space<vmem>>
      %dma_start3A_611 = tpu.memref_squeeze %dma_start3A_610 : memref<1x104xi32, #tpu.memory_space<vmem>> -> memref<104xi32, #tpu.memory_space<vmem>>
      %dma_start3A_612 = arith.constant 0 : i32
      %dma_start3A_613 = tpu.memref_slice %arg2[%add3A_244, %dma_start3A_612] : memref<4096x200xi32, #tpu.memory_space<hbm>> -> memref<1x104xi32, #tpu.memory_space<hbm>>
      %dma_start3A_614 = tpu.memref_squeeze %dma_start3A_613 : memref<1x104xi32, #tpu.memory_space<hbm>> -> memref<104xi32, #tpu.memory_space<hbm>>
      tpu.enqueue_dma source(%dma_start3A_614 : memref<104xi32, #tpu.memory_space<hbm>>) target(%dma_start3A_611 : memref<104xi32, #tpu.memory_space<vmem>>) target_semaphore(%arg14 : memref<!tpu.dma_semaphore, #tpu.memory_space<semaphore_mem>>)
      %dma_start3A_615 = arith.constant 1 : i32
      %dma_start3A_616 = arith.constant 0 : i32
      %dma_start3A_617 = tpu.memref_slice %arg9[%dma_start3A_615, %dma_start3A_616] : memref<6x104xi32, #tpu.memory_space<vmem>> -> memref<1x104xi32, #tpu.memory_space<vmem>>
      %dma_start3A_618 = tpu.memref_squeeze %dma_start3A_617 : memref<1x104xi32, #tpu.memory_space<vmem>> -> memref<104xi32, #tpu.memory_space<vmem>>
      %dma_start3A_619 = arith.constant 96 : i32
      %dma_start3A_620 = tpu.memref_slice %arg2[%add3A_244, %dma_start3A_619] : memref<4096x200xi32, #tpu.memory_space<hbm>> -> memref<1x104xi32, #tpu.memory_space<hbm>>
      %dma_start3A_621 = tpu.memref_squeeze %dma_start3A_620 : memref<1x104xi32, #tpu.memory_space<hbm>> -> memref<104xi32, #tpu.memory_space<hbm>>
      %dma_start3A_622 = arith.constant 0 : i32
      %dma_start3A_623 = tpu.memref_slice %arg9[%dma_start3A_615, %dma_start3A_622] : memref<6x104xi32, #tpu.memory_space<vmem>> -> memref<1x104xi32, #tpu.memory_space<vmem>>
      %dma_start3A_624 = tpu.memref_squeeze %dma_start3A_623 : memref<1x104xi32, #tpu.memory_space<vmem>> -> memref<104xi32, #tpu.memory_space<vmem>>
      %dma_start3A_625 = arith.constant 96 : i32
      %dma_start3A_626 = tpu.memref_slice %arg2[%add3A_244, %dma_start3A_625] : memref<4096x200xi32, #tpu.memory_space<hbm>> -> memref<1x104xi32, #tpu.memory_space<hbm>>
      %dma_start3A_627 = tpu.memref_squeeze %dma_start3A_626 : memref<1x104xi32, #tpu.memory_space<hbm>> -> memref<104xi32, #tpu.memory_space<hbm>>
      tpu.enqueue_dma source(%dma_start3A_627 : memref<104xi32, #tpu.memory_space<hbm>>) target(%dma_start3A_624 : memref<104xi32, #tpu.memory_space<vmem>>) target_semaphore(%arg14 : memref<!tpu.dma_semaphore, #tpu.memory_space<semaphore_mem>>)
      %dma_start3A_628 = arith.constant 2 : i32
      %dma_start3A_629 = arith.constant 0 : i32
      %dma_start3A_630 = tpu.memref_slice %arg9[%dma_start3A_628, %dma_start3A_629] : memref<6x104xi32, #tpu.memory_space<vmem>> -> memref<1x104xi32, #tpu.memory_space<vmem>>
      %dma_start3A_631 = tpu.memref_squeeze %dma_start3A_630 : memref<1x104xi32, #tpu.memory_space<vmem>> -> memref<104xi32, #tpu.memory_space<vmem>>
      %dma_start3A_632 = arith.constant 0 : i32
      %dma_start3A_633 = tpu.memref_slice %arg3[%add3A_244, %dma_start3A_632] : memref<4096x200xi32, #tpu.memory_space<hbm>> -> memref<1x104xi32, #tpu.memory_space<hbm>>
      %dma_start3A_634 = tpu.memref_squeeze %dma_start3A_633 : memref<1x104xi32, #tpu.memory_space<hbm>> -> memref<104xi32, #tpu.memory_space<hbm>>
      %dma_start3A_635 = arith.constant 0 : i32
      %dma_start3A_636 = tpu.memref_slice %arg9[%dma_start3A_628, %dma_start3A_635] : memref<6x104xi32, #tpu.memory_space<vmem>> -> memref<1x104xi32, #tpu.memory_space<vmem>>
      %dma_start3A_637 = tpu.memref_squeeze %dma_start3A_636 : memref<1x104xi32, #tpu.memory_space<vmem>> -> memref<104xi32, #tpu.memory_space<vmem>>
      %dma_start3A_638 = arith.constant 0 : i32
      %dma_start3A_639 = tpu.memref_slice %arg3[%add3A_244, %dma_start3A_638] : memref<4096x200xi32, #tpu.memory_space<hbm>> -> memref<1x104xi32, #tpu.memory_space<hbm>>
      %dma_start3A_640 = tpu.memref_squeeze %dma_start3A_639 : memref<1x104xi32, #tpu.memory_space<hbm>> -> memref<104xi32, #tpu.memory_space<hbm>>
      tpu.enqueue_dma source(%dma_start3A_640 : memref<104xi32, #tpu.memory_space<hbm>>) target(%dma_start3A_637 : memref<104xi32, #tpu.memory_space<vmem>>) target_semaphore(%arg14 : memref<!tpu.dma_semaphore, #tpu.memory_space<semaphore_mem>>)
      %dma_start3A_641 = arith.constant 3 : i32
      %dma_start3A_642 = arith.constant 0 : i32
      %dma_start3A_643 = tpu.memref_slice %arg9[%dma_start3A_641, %dma_start3A_642] : memref<6x104xi32, #tpu.memory_space<vmem>> -> memref<1x104xi32, #tpu.memory_space<vmem>>
      %dma_start3A_644 = tpu.memref_squeeze %dma_start3A_643 : memref<1x104xi32, #tpu.memory_space<vmem>> -> memref<104xi32, #tpu.memory_space<vmem>>
      %dma_start3A_645 = arith.constant 96 : i32
      %dma_start3A_646 = tpu.memref_slice %arg3[%add3A_244, %dma_start3A_645] : memref<4096x200xi32, #tpu.memory_space<hbm>> -> memref<1x104xi32, #tpu.memory_space<hbm>>
      %dma_start3A_647 = tpu.memref_squeeze %dma_start3A_646 : memref<1x104xi32, #tpu.memory_space<hbm>> -> memref<104xi32, #tpu.memory_space<hbm>>
      %dma_start3A_648 = arith.constant 0 : i32
      %dma_start3A_649 = tpu.memref_slice %arg9[%dma_start3A_641, %dma_start3A_648] : memref<6x104xi32, #tpu.memory_space<vmem>> -> memref<1x104xi32, #tpu.memory_space<vmem>>
      %dma_start3A_650 = tpu.memref_squeeze %dma_start3A_649 : memref<1x104xi32, #tpu.memory_space<vmem>> -> memref<104xi32, #tpu.memory_space<vmem>>
      %dma_start3A_651 = arith.constant 96 : i32
      %dma_start3A_652 = tpu.memref_slice %arg3[%add3A_244, %dma_start3A_651] : memref<4096x200xi32, #tpu.memory_space<hbm>> -> memref<1x104xi32, #tpu.memory_space<hbm>>
      %dma_start3A_653 = tpu.memref_squeeze %dma_start3A_652 : memref<1x104xi32, #tpu.memory_space<hbm>> -> memref<104xi32, #tpu.memory_space<hbm>>
      tpu.enqueue_dma source(%dma_start3A_653 : memref<104xi32, #tpu.memory_space<hbm>>) target(%dma_start3A_650 : memref<104xi32, #tpu.memory_space<vmem>>) target_semaphore(%arg14 : memref<!tpu.dma_semaphore, #tpu.memory_space<semaphore_mem>>)
      %dma_start3A_654 = arith.constant 4 : i32
      %dma_start3A_655 = arith.constant 0 : i32
      %dma_start3A_656 = tpu.memref_slice %arg9[%dma_start3A_654, %dma_start3A_655] : memref<6x104xi32, #tpu.memory_space<vmem>> -> memref<1x104xi32, #tpu.memory_space<vmem>>
      %dma_start3A_657 = tpu.memref_squeeze %dma_start3A_656 : memref<1x104xi32, #tpu.memory_space<vmem>> -> memref<104xi32, #tpu.memory_space<vmem>>
      %dma_start3A_658 = arith.constant 0 : i32
      %dma_start3A_659 = tpu.memref_slice %arg4[%add3A_244, %dma_start3A_658] : memref<4096x200xi32, #tpu.memory_space<hbm>> -> memref<1x104xi32, #tpu.memory_space<hbm>>
      %dma_start3A_660 = tpu.memref_squeeze %dma_start3A_659 : memref<1x104xi32, #tpu.memory_space<hbm>> -> memref<104xi32, #tpu.memory_space<hbm>>
      %dma_start3A_661 = arith.constant 0 : i32
      %dma_start3A_662 = tpu.memref_slice %arg9[%dma_start3A_654, %dma_start3A_661] : memref<6x104xi32, #tpu.memory_space<vmem>> -> memref<1x104xi32, #tpu.memory_space<vmem>>
      %dma_start3A_663 = tpu.memref_squeeze %dma_start3A_662 : memref<1x104xi32, #tpu.memory_space<vmem>> -> memref<104xi32, #tpu.memory_space<vmem>>
      %dma_start3A_664 = arith.constant 0 : i32
      %dma_start3A_665 = tpu.memref_slice %arg4[%add3A_244, %dma_start3A_664] : memref<4096x200xi32, #tpu.memory_space<hbm>> -> memref<1x104xi32, #tpu.memory_space<hbm>>
      %dma_start3A_666 = tpu.memref_squeeze %dma_start3A_665 : memref<1x104xi32, #tpu.memory_space<hbm>> -> memref<104xi32, #tpu.memory_space<hbm>>
      tpu.enqueue_dma source(%dma_start3A_666 : memref<104xi32, #tpu.memory_space<hbm>>) target(%dma_start3A_663 : memref<104xi32, #tpu.memory_space<vmem>>) target_semaphore(%arg14 : memref<!tpu.dma_semaphore, #tpu.memory_space<semaphore_mem>>)
      %dma_start3A_667 = arith.constant 5 : i32
      %dma_start3A_668 = arith.constant 0 : i32
      %dma_start3A_669 = tpu.memref_slice %arg9[%dma_start3A_667, %dma_start3A_668] : memref<6x104xi32, #tpu.memory_space<vmem>> -> memref<1x104xi32, #tpu.memory_space<vmem>>
      %dma_start3A_670 = tpu.memref_squeeze %dma_start3A_669 : memref<1x104xi32, #tpu.memory_space<vmem>> -> memref<104xi32, #tpu.memory_space<vmem>>
      %dma_start3A_671 = arith.constant 96 : i32
      %dma_start3A_672 = tpu.memref_slice %arg4[%add3A_244, %dma_start3A_671] : memref<4096x200xi32, #tpu.memory_space<hbm>> -> memref<1x104xi32, #tpu.memory_space<hbm>>
      %dma_start3A_673 = tpu.memref_squeeze %dma_start3A_672 : memref<1x104xi32, #tpu.memory_space<hbm>> -> memref<104xi32, #tpu.memory_space<hbm>>
      %dma_start3A_674 = arith.constant 0 : i32
      %dma_start3A_675 = tpu.memref_slice %arg9[%dma_start3A_667, %dma_start3A_674] : memref<6x104xi32, #tpu.memory_space<vmem>> -> memref<1x104xi32, #tpu.memory_space<vmem>>
      %dma_start3A_676 = tpu.memref_squeeze %dma_start3A_675 : memref<1x104xi32, #tpu.memory_space<vmem>> -> memref<104xi32, #tpu.memory_space<vmem>>
      %dma_start3A_677 = arith.constant 96 : i32
      %dma_start3A_678 = tpu.memref_slice %arg4[%add3A_244, %dma_start3A_677] : memref<4096x200xi32, #tpu.memory_space<hbm>> -> memref<1x104xi32, #tpu.memory_space<hbm>>
      %dma_start3A_679 = tpu.memref_squeeze %dma_start3A_678 : memref<1x104xi32, #tpu.memory_space<hbm>> -> memref<104xi32, #tpu.memory_space<hbm>>
      tpu.enqueue_dma source(%dma_start3A_679 : memref<104xi32, #tpu.memory_space<hbm>>) target(%dma_start3A_676 : memref<104xi32, #tpu.memory_space<vmem>>) target_semaphore(%arg14 : memref<!tpu.dma_semaphore, #tpu.memory_space<semaphore_mem>>)
      %dma_wait3A_680 = arith.constant 0 : i32
      %dma_wait3A_681 = arith.constant 0 : i32
      %dma_wait3A_682 = tpu.memref_slice %arg12[%dma_wait3A_680, %dma_wait3A_681] : memref<208x64xf32, #tpu.memory_space<vmem>> -> memref<200x64xf32, #tpu.memory_space<vmem>>
      %dma_wait3A_683 = arith.constant 0 : i32
      %dma_wait3A_684 = arith.constant 64 : i32
      %dma_wait3A_685 = tpu.memref_slice %arg8[%add3A_236, %dma_wait3A_683, %dma_wait3A_684] : memref<4096x200x192xf32, #tpu.memory_space<hbm>> -> memref<1x200x64xf32, #tpu.memory_space<hbm>>
      %dma_wait3A_686 = tpu.memref_squeeze %dma_wait3A_685 : memref<1x200x64xf32, #tpu.memory_space<hbm>> -> memref<200x64xf32, #tpu.memory_space<hbm>>
      %dma_wait3A_687 = arith.constant 0 : i32
      %dma_wait3A_688 = arith.constant 64 : i32
      %dma_wait3A_689 = tpu.memref_slice %arg8[%add3A_236, %dma_wait3A_687, %dma_wait3A_688] : memref<4096x200x192xf32, #tpu.memory_space<hbm>> -> memref<1x200x64xf32, #tpu.memory_space<hbm>>
      %dma_wait3A_690 = tpu.memref_squeeze %dma_wait3A_689 : memref<1x200x64xf32, #tpu.memory_space<hbm>> -> memref<200x64xf32, #tpu.memory_space<hbm>>
      %dma_wait3A_691 = arith.constant 0 : i32
      %dma_wait3A_692 = arith.constant 0 : i32
      %dma_wait3A_693 = tpu.memref_slice %arg12[%dma_wait3A_691, %dma_wait3A_692] : memref<208x64xf32, #tpu.memory_space<vmem>> -> memref<200x64xf32, #tpu.memory_space<vmem>>
      tpu.wait_dma2 semaphore(%arg20 : memref<!tpu.dma_semaphore, #tpu.memory_space<semaphore_mem>>) src(%dma_wait3A_693 : memref<200x64xf32, #tpu.memory_space<vmem>>) dst(%dma_wait3A_690 : memref<200x64xf32, #tpu.memory_space<hbm>>)
      %dma_start3A_694 = arith.constant 2 : i32
      %dma_start3A_695 = arith.constant 0 : i32
      %dma_start3A_696 = arith.constant 0 : i32
      %dma_start3A_697 = tpu.memref_slice %arg12[%dma_start3A_695, %dma_start3A_696] : memref<208x64xf32, #tpu.memory_space<vmem>> -> memref<104x64xf32, #tpu.memory_space<vmem>>
      %dma_start3A_698 = arith.constant 0 : i32
      %dma_start3A_699 = tpu.memref_slice %arg10[%dma_start3A_694, %dma_start3A_698] : memref<6x104xi32, #tpu.memory_space<vmem>> -> memref<1x104xi32, #tpu.memory_space<vmem>>
      %dma_start3A_700 = tpu.memref_squeeze %dma_start3A_699 : memref<1x104xi32, #tpu.memory_space<vmem>> -> memref<104xi32, #tpu.memory_space<vmem>>
      %dma_start3A_701 = arith.constant 0 : i32
      %dma_start3A_702 = arith.constant 0 : i32
      %dma_start3A_703 = tpu.memref_slice %arg6[%dma_start3A_701, %dma_start3A_702] : memref<100000x64xf32, #tpu.memory_space<hbm>> -> memref<100000x64xf32, #tpu.memory_space<hbm>>
      tpu.enqueue_indirect_dma source(%dma_start3A_703 : memref<100000x64xf32, #tpu.memory_space<hbm>>) target(%dma_start3A_697 : memref<104x64xf32, #tpu.memory_space<vmem>>) offsets(%dma_start3A_700 : memref<104xi32, #tpu.memory_space<vmem>>) semaphore(%arg17 : memref<!tpu.dma_semaphore, #tpu.memory_space<semaphore_mem>>)
      %dma_start3A_704 = arith.constant 3 : i32
      %dma_start3A_705 = arith.constant 96 : i32
      %dma_start3A_706 = arith.constant 0 : i32
      %dma_start3A_707 = tpu.memref_slice %arg12[%dma_start3A_705, %dma_start3A_706] : memref<208x64xf32, #tpu.memory_space<vmem>> -> memref<104x64xf32, #tpu.memory_space<vmem>>
      %dma_start3A_708 = arith.constant 0 : i32
      %dma_start3A_709 = tpu.memref_slice %arg10[%dma_start3A_704, %dma_start3A_708] : memref<6x104xi32, #tpu.memory_space<vmem>> -> memref<1x104xi32, #tpu.memory_space<vmem>>
      %dma_start3A_710 = tpu.memref_squeeze %dma_start3A_709 : memref<1x104xi32, #tpu.memory_space<vmem>> -> memref<104xi32, #tpu.memory_space<vmem>>
      %dma_start3A_711 = arith.constant 0 : i32
      %dma_start3A_712 = arith.constant 0 : i32
      %dma_start3A_713 = tpu.memref_slice %arg6[%dma_start3A_711, %dma_start3A_712] : memref<100000x64xf32, #tpu.memory_space<hbm>> -> memref<100000x64xf32, #tpu.memory_space<hbm>>
      tpu.enqueue_indirect_dma source(%dma_start3A_713 : memref<100000x64xf32, #tpu.memory_space<hbm>>) target(%dma_start3A_707 : memref<104x64xf32, #tpu.memory_space<vmem>>) offsets(%dma_start3A_710 : memref<104xi32, #tpu.memory_space<vmem>>) semaphore(%arg17 : memref<!tpu.dma_semaphore, #tpu.memory_space<semaphore_mem>>)
      %dma_wait3A_714 = arith.constant 0 : i32
      %dma_wait3A_715 = arith.constant 0 : i32
      %dma_wait3A_716 = arith.constant 0 : i32
      %dma_wait3A_717 = tpu.memref_slice %arg11[%dma_wait3A_715, %dma_wait3A_716] : memref<208x64xf32, #tpu.memory_space<vmem>> -> memref<104x64xf32, #tpu.memory_space<vmem>>
      %dma_wait3A_718 = arith.constant 0 : i32
      %dma_wait3A_719 = tpu.memref_slice %arg10[%dma_wait3A_714, %dma_wait3A_718] : memref<6x104xi32, #tpu.memory_space<vmem>> -> memref<1x104xi32, #tpu.memory_space<vmem>>
      %dma_wait3A_720 = tpu.memref_squeeze %dma_wait3A_719 : memref<1x104xi32, #tpu.memory_space<vmem>> -> memref<104xi32, #tpu.memory_space<vmem>>
      %dma_wait3A_721 = arith.constant 0 : i32
      %dma_wait3A_722 = arith.constant 0 : i32
      %dma_wait3A_723 = tpu.memref_slice %arg5[%dma_wait3A_721, %dma_wait3A_722] : memref<100000x64xf32, #tpu.memory_space<hbm>> -> memref<100000x64xf32, #tpu.memory_space<hbm>>
      tpu.wait_indirect_dma semaphore(%arg16 : memref<!tpu.dma_semaphore, #tpu.memory_space<semaphore_mem>>) src(%dma_wait3A_723 : memref<100000x64xf32, #tpu.memory_space<hbm>>) dst(%dma_wait3A_717 : memref<104x64xf32, #tpu.memory_space<vmem>>)
      %dma_wait3A_724 = arith.constant 1 : i32
      %dma_wait3A_725 = arith.constant 96 : i32
      %dma_wait3A_726 = arith.constant 0 : i32
      %dma_wait3A_727 = tpu.memref_slice %arg11[%dma_wait3A_725, %dma_wait3A_726] : memref<208x64xf32, #tpu.memory_space<vmem>> -> memref<104x64xf32, #tpu.memory_space<vmem>>
      %dma_wait3A_728 = arith.constant 0 : i32
      %dma_wait3A_729 = tpu.memref_slice %arg10[%dma_wait3A_724, %dma_wait3A_728] : memref<6x104xi32, #tpu.memory_space<vmem>> -> memref<1x104xi32, #tpu.memory_space<vmem>>
      %dma_wait3A_730 = tpu.memref_squeeze %dma_wait3A_729 : memref<1x104xi32, #tpu.memory_space<vmem>> -> memref<104xi32, #tpu.memory_space<vmem>>
      %dma_wait3A_731 = arith.constant 0 : i32
      %dma_wait3A_732 = arith.constant 0 : i32
      %dma_wait3A_733 = tpu.memref_slice %arg5[%dma_wait3A_731, %dma_wait3A_732] : memref<100000x64xf32, #tpu.memory_space<hbm>> -> memref<100000x64xf32, #tpu.memory_space<hbm>>
      tpu.wait_indirect_dma semaphore(%arg16 : memref<!tpu.dma_semaphore, #tpu.memory_space<semaphore_mem>>) src(%dma_wait3A_733 : memref<100000x64xf32, #tpu.memory_space<hbm>>) dst(%dma_wait3A_727 : memref<104x64xf32, #tpu.memory_space<vmem>>)
      %scan3A_734 = arith.constant 0 : i32
      %scan3A_735 = arith.constant 0 : i32
      %scan3A_736 = arith.constant 25 : i32
      %scan3A_737 = arith.addi %scan3A_735, %scan3A_736 : i32
      %scan3A_738 = arith.constant 1 : i32
      scf.for %scan3A_980 = %scan3A_735 to %scan3A_737 step %scan3A_738  : i32 {
        %mul3A_981 = arith.constant 8 : i32
        %mul3A_982 = arith.muli %scan3A_980, %mul3A_981 : i32
        %add3A_983 = arith.constant 0 : i32
        %add3A_984 = arith.addi %mul3A_982, %add3A_983 : i32
        %add3A_985 = arith.constant 1 : i32
        %add3A_986 = arith.addi %mul3A_982, %add3A_985 : i32
        %add3A_987 = arith.constant 2 : i32
        %add3A_988 = arith.addi %mul3A_982, %add3A_987 : i32
        %add3A_989 = arith.constant 3 : i32
        %add3A_990 = arith.addi %mul3A_982, %add3A_989 : i32
        %add3A_991 = arith.constant 4 : i32
        %add3A_992 = arith.addi %mul3A_982, %add3A_991 : i32
        %add3A_993 = arith.constant 5 : i32
        %add3A_994 = arith.addi %mul3A_982, %add3A_993 : i32
        %add3A_995 = arith.constant 6 : i32
        %add3A_996 = arith.addi %mul3A_982, %add3A_995 : i32
        %add3A_997 = arith.constant 7 : i32
        %add3A_998 = arith.addi %mul3A_982, %add3A_997 : i32
        %get3A = arith.constant 0 : i32
        %get3A_999 = tpu.memref_slice %arg11[%add3A_984, %get3A] : memref<208x64xf32, #tpu.memory_space<vmem>> -> memref<1x64xf32, #tpu.memory_space<vmem>>
        %get3A_1000 = tpu.memref_squeeze %get3A_999 : memref<1x64xf32, #tpu.memory_space<vmem>> -> memref<64xf32, #tpu.memory_space<vmem>>
        %get3A_1001 = arith.constant 0 : index
        %get3A_1002 = tpu.vector_load %get3A_1000[%get3A_1001] {strides = array<i32>} : memref<64xf32, #tpu.memory_space<vmem>>, vector<16xf32>,
        %mul3A_1003 = arith.constant 8.000000e+00 : f32
        %mul3A_1004 = vector.broadcast %mul3A_1003 : f32 to vector<16xf32>
        %mul3A_1005 = arith.mulf %get3A_1002, %mul3A_1004 : vector<16xf32>
        %get3A_1006 = arith.constant 0 : i32
        %get3A_1007 = tpu.memref_slice %arg11[%add3A_984, %get3A_1006] : memref<208x64xf32, #tpu.memory_space<vmem>> -> memref<1x64xf32, #tpu.memory_space<vmem>>
        %get3A_1008 = tpu.memref_squeeze %get3A_1007 : memref<1x64xf32, #tpu.memory_space<vmem>> -> memref<64xf32, #tpu.memory_space<vmem>>
        %get3A_1009 = arith.constant 16 : index
        %get3A_1010 = tpu.vector_load %get3A_1008[%get3A_1009] {strides = array<i32>} : memref<64xf32, #tpu.memory_space<vmem>>, vector<16xf32>,
        %mul3A_1011 = arith.constant 8.000000e+00 : f32
        %mul3A_1012 = vector.broadcast %mul3A_1011 : f32 to vector<16xf32>
        %mul3A_1013 = arith.mulf %get3A_1010, %mul3A_1012 : vector<16xf32>
        %get3A_1014 = arith.constant 0 : i32
        %get3A_1015 = tpu.memref_slice %arg11[%add3A_984, %get3A_1014] : memref<208x64xf32, #tpu.memory_space<vmem>> -> memref<1x64xf32, #tpu.memory_space<vmem>>
        %get3A_1016 = tpu.memref_squeeze %get3A_1015 : memref<1x64xf32, #tpu.memory_space<vmem>> -> memref<64xf32, #tpu.memory_space<vmem>>
        %get3A_1017 = arith.constant 32 : index
        %get3A_1018 = tpu.vector_load %get3A_1016[%get3A_1017] {strides = array<i32>} : memref<64xf32, #tpu.memory_space<vmem>>, vector<16xf32>,
        %mul3A_1019 = arith.constant 8.000000e+00 : f32
        %mul3A_1020 = vector.broadcast %mul3A_1019 : f32 to vector<16xf32>
        %mul3A_1021 = arith.mulf %get3A_1018, %mul3A_1020 : vector<16xf32>
        %get3A_1022 = arith.constant 0 : i32
        %get3A_1023 = tpu.memref_slice %arg11[%add3A_984, %get3A_1022] : memref<208x64xf32, #tpu.memory_space<vmem>> -> memref<1x64xf32, #tpu.memory_space<vmem>>
        %get3A_1024 = tpu.memref_squeeze %get3A_1023 : memref<1x64xf32, #tpu.memory_space<vmem>> -> memref<64xf32, #tpu.memory_space<vmem>>
        %get3A_1025 = arith.constant 48 : index
        %get3A_1026 = tpu.vector_load %get3A_1024[%get3A_1025] {strides = array<i32>} : memref<64xf32, #tpu.memory_space<vmem>>, vector<16xf32>,
        %mul3A_1027 = arith.constant 8.000000e+00 : f32
        %mul3A_1028 = vector.broadcast %mul3A_1027 : f32 to vector<16xf32>
        %mul3A_1029 = arith.mulf %get3A_1026, %mul3A_1028 : vector<16xf32>
        %get3A_1030 = arith.constant 0 : i32
        %get3A_1031 = tpu.memref_slice %arg11[%add3A_986, %get3A_1030] : memref<208x64xf32, #tpu.memory_space<vmem>> -> memref<1x64xf32, #tpu.memory_space<vmem>>
        %get3A_1032 = tpu.memref_squeeze %get3A_1031 : memref<1x64xf32, #tpu.memory_space<vmem>> -> memref<64xf32, #tpu.memory_space<vmem>>
        %get3A_1033 = arith.constant 0 : index
        %get3A_1034 = tpu.vector_load %get3A_1032[%get3A_1033] {strides = array<i32>} : memref<64xf32, #tpu.memory_space<vmem>>, vector<16xf32>,
        %mul3A_1035 = arith.constant 8.000000e+00 : f32
        %mul3A_1036 = vector.broadcast %mul3A_1035 : f32 to vector<16xf32>
        %mul3A_1037 = arith.mulf %get3A_1034, %mul3A_1036 : vector<16xf32>
        %get3A_1038 = arith.constant 0 : i32
        %get3A_1039 = tpu.memref_slice %arg11[%add3A_986, %get3A_1038] : memref<208x64xf32, #tpu.memory_space<vmem>> -> memref<1x64xf32, #tpu.memory_space<vmem>>
        %get3A_1040 = tpu.memref_squeeze %get3A_1039 : memref<1x64xf32, #tpu.memory_space<vmem>> -> memref<64xf32, #tpu.memory_space<vmem>>
        %get3A_1041 = arith.constant 16 : index
        %get3A_1042 = tpu.vector_load %get3A_1040[%get3A_1041] {strides = array<i32>} : memref<64xf32, #tpu.memory_space<vmem>>, vector<16xf32>,
        %mul3A_1043 = arith.constant 8.000000e+00 : f32
        %mul3A_1044 = vector.broadcast %mul3A_1043 : f32 to vector<16xf32>
        %mul3A_1045 = arith.mulf %get3A_1042, %mul3A_1044 : vector<16xf32>
        %get3A_1046 = arith.constant 0 : i32
        %get3A_1047 = tpu.memref_slice %arg11[%add3A_986, %get3A_1046] : memref<208x64xf32, #tpu.memory_space<vmem>> -> memref<1x64xf32, #tpu.memory_space<vmem>>
        %get3A_1048 = tpu.memref_squeeze %get3A_1047 : memref<1x64xf32, #tpu.memory_space<vmem>> -> memref<64xf32, #tpu.memory_space<vmem>>
        %get3A_1049 = arith.constant 32 : index
        %get3A_1050 = tpu.vector_load %get3A_1048[%get3A_1049] {strides = array<i32>} : memref<64xf32, #tpu.memory_space<vmem>>, vector<16xf32>,
        %mul3A_1051 = arith.constant 8.000000e+00 : f32
        %mul3A_1052 = vector.broadcast %mul3A_1051 : f32 to vector<16xf32>
        %mul3A_1053 = arith.mulf %get3A_1050, %mul3A_1052 : vector<16xf32>
        %get3A_1054 = arith.constant 0 : i32
        %get3A_1055 = tpu.memref_slice %arg11[%add3A_986, %get3A_1054] : memref<208x64xf32, #tpu.memory_space<vmem>> -> memref<1x64xf32, #tpu.memory_space<vmem>>
        %get3A_1056 = tpu.memref_squeeze %get3A_1055 : memref<1x64xf32, #tpu.memory_space<vmem>> -> memref<64xf32, #tpu.memory_space<vmem>>
        %get3A_1057 = arith.constant 48 : index
        %get3A_1058 = tpu.vector_load %get3A_1056[%get3A_1057] {strides = array<i32>} : memref<64xf32, #tpu.memory_space<vmem>>, vector<16xf32>,
        %mul3A_1059 = arith.constant 8.000000e+00 : f32
        %mul3A_1060 = vector.broadcast %mul3A_1059 : f32 to vector<16xf32>
        %mul3A_1061 = arith.mulf %get3A_1058, %mul3A_1060 : vector<16xf32>
        %get3A_1062 = arith.constant 0 : i32
        %get3A_1063 = tpu.memref_slice %arg11[%add3A_988, %get3A_1062] : memref<208x64xf32, #tpu.memory_space<vmem>> -> memref<1x64xf32, #tpu.memory_space<vmem>>
        %get3A_1064 = tpu.memref_squeeze %get3A_1063 : memref<1x64xf32, #tpu.memory_space<vmem>> -> memref<64xf32, #tpu.memory_space<vmem>>
        %get3A_1065 = arith.constant 0 : index
        %get3A_1066 = tpu.vector_load %get3A_1064[%get3A_1065] {strides = array<i32>} : memref<64xf32, #tpu.memory_space<vmem>>, vector<16xf32>,
        %mul3A_1067 = arith.constant 8.000000e+00 : f32
        %mul3A_1068 = vector.broadcast %mul3A_1067 : f32 to vector<16xf32>
        %mul3A_1069 = arith.mulf %get3A_1066, %mul3A_1068 : vector<16xf32>
        %get3A_1070 = arith.constant 0 : i32
        %get3A_1071 = tpu.memref_slice %arg11[%add3A_988, %get3A_1070] : memref<208x64xf32, #tpu.memory_space<vmem>> -> memref<1x64xf32, #tpu.memory_space<vmem>>
        %get3A_1072 = tpu.memref_squeeze %get3A_1071 : memref<1x64xf32, #tpu.memory_space<vmem>> -> memref<64xf32, #tpu.memory_space<vmem>>
        %get3A_1073 = arith.constant 16 : index
        %get3A_1074 = tpu.vector_load %get3A_1072[%get3A_1073] {strides = array<i32>} : memref<64xf32, #tpu.memory_space<vmem>>, vector<16xf32>,
        %mul3A_1075 = arith.constant 8.000000e+00 : f32
        %mul3A_1076 = vector.broadcast %mul3A_1075 : f32 to vector<16xf32>
        %mul3A_1077 = arith.mulf %get3A_1074, %mul3A_1076 : vector<16xf32>
        %get3A_1078 = arith.constant 0 : i32
        %get3A_1079 = tpu.memref_slice %arg11[%add3A_988, %get3A_1078] : memref<208x64xf32, #tpu.memory_space<vmem>> -> memref<1x64xf32, #tpu.memory_space<vmem>>
        %get3A_1080 = tpu.memref_squeeze %get3A_1079 : memref<1x64xf32, #tpu.memory_space<vmem>> -> memref<64xf32, #tpu.memory_space<vmem>>
        %get3A_1081 = arith.constant 32 : index
        %get3A_1082 = tpu.vector_load %get3A_1080[%get3A_1081] {strides = array<i32>} : memref<64xf32, #tpu.memory_space<vmem>>, vector<16xf32>,
        %mul3A_1083 = arith.constant 8.000000e+00 : f32
        %mul3A_1084 = vector.broadcast %mul3A_1083 : f32 to vector<16xf32>
        %mul3A_1085 = arith.mulf %get3A_1082, %mul3A_1084 : vector<16xf32>
        %get3A_1086 = arith.constant 0 : i32
        %get3A_1087 = tpu.memref_slice %arg11[%add3A_988, %get3A_1086] : memref<208x64xf32, #tpu.memory_space<vmem>> -> memref<1x64xf32, #tpu.memory_space<vmem>>
        %get3A_1088 = tpu.memref_squeeze %get3A_1087 : memref<1x64xf32, #tpu.memory_space<vmem>> -> memref<64xf32, #tpu.memory_space<vmem>>
        %get3A_1089 = arith.constant 48 : index
        %get3A_1090 = tpu.vector_load %get3A_1088[%get3A_1089] {strides = array<i32>} : memref<64xf32, #tpu.memory_space<vmem>>, vector<16xf32>,
        %mul3A_1091 = arith.constant 8.000000e+00 : f32
        %mul3A_1092 = vector.broadcast %mul3A_1091 : f32 to vector<16xf32>
        %mul3A_1093 = arith.mulf %get3A_1090, %mul3A_1092 : vector<16xf32>
        %get3A_1094 = arith.constant 0 : i32
        %get3A_1095 = tpu.memref_slice %arg11[%add3A_990, %get3A_1094] : memref<208x64xf32, #tpu.memory_space<vmem>> -> memref<1x64xf32, #tpu.memory_space<vmem>>
        %get3A_1096 = tpu.memref_squeeze %get3A_1095 : memref<1x64xf32, #tpu.memory_space<vmem>> -> memref<64xf32, #tpu.memory_space<vmem>>
        %get3A_1097 = arith.constant 0 : index
        %get3A_1098 = tpu.vector_load %get3A_1096[%get3A_1097] {strides = array<i32>} : memref<64xf32, #tpu.memory_space<vmem>>, vector<16xf32>,
        %mul3A_1099 = arith.constant 8.000000e+00 : f32
        %mul3A_1100 = vector.broadcast %mul3A_1099 : f32 to vector<16xf32>
        %mul3A_1101 = arith.mulf %get3A_1098, %mul3A_1100 : vector<16xf32>
        %get3A_1102 = arith.constant 0 : i32
        %get3A_1103 = tpu.memref_slice %arg11[%add3A_990, %get3A_1102] : memref<208x64xf32, #tpu.memory_space<vmem>> -> memref<1x64xf32, #tpu.memory_space<vmem>>
        %get3A_1104 = tpu.memref_squeeze %get3A_1103 : memref<1x64xf32, #tpu.memory_space<vmem>> -> memref<64xf32, #tpu.memory_space<vmem>>
        %get3A_1105 = arith.constant 16 : index
        %get3A_1106 = tpu.vector_load %get3A_1104[%get3A_1105] {strides = array<i32>} : memref<64xf32, #tpu.memory_space<vmem>>, vector<16xf32>,
        %mul3A_1107 = arith.constant 8.000000e+00 : f32
        %mul3A_1108 = vector.broadcast %mul3A_1107 : f32 to vector<16xf32>
        %mul3A_1109 = arith.mulf %get3A_1106, %mul3A_1108 : vector<16xf32>
        %get3A_1110 = arith.constant 0 : i32
        %get3A_1111 = tpu.memref_slice %arg11[%add3A_990, %get3A_1110] : memref<208x64xf32, #tpu.memory_space<vmem>> -> memref<1x64xf32, #tpu.memory_space<vmem>>
        %get3A_1112 = tpu.memref_squeeze %get3A_1111 : memref<1x64xf32, #tpu.memory_space<vmem>> -> memref<64xf32, #tpu.memory_space<vmem>>
        %get3A_1113 = arith.constant 32 : index
        %get3A_1114 = tpu.vector_load %get3A_1112[%get3A_1113] {strides = array<i32>} : memref<64xf32, #tpu.memory_space<vmem>>, vector<16xf32>,
        %mul3A_1115 = arith.constant 8.000000e+00 : f32
        %mul3A_1116 = vector.broadcast %mul3A_1115 : f32 to vector<16xf32>
        %mul3A_1117 = arith.mulf %get3A_1114, %mul3A_1116 : vector<16xf32>
        %get3A_1118 = arith.constant 0 : i32
        %get3A_1119 = tpu.memref_slice %arg11[%add3A_990, %get3A_1118] : memref<208x64xf32, #tpu.memory_space<vmem>> -> memref<1x64xf32, #tpu.memory_space<vmem>>
        %get3A_1120 = tpu.memref_squeeze %get3A_1119 : memref<1x64xf32, #tpu.memory_space<vmem>> -> memref<64xf32, #tpu.memory_space<vmem>>
        %get3A_1121 = arith.constant 48 : index
        %get3A_1122 = tpu.vector_load %get3A_1120[%get3A_1121] {strides = array<i32>} : memref<64xf32, #tpu.memory_space<vmem>>, vector<16xf32>,
        %mul3A_1123 = arith.constant 8.000000e+00 : f32
        %mul3A_1124 = vector.broadcast %mul3A_1123 : f32 to vector<16xf32>
        %mul3A_1125 = arith.mulf %get3A_1122, %mul3A_1124 : vector<16xf32>
        %get3A_1126 = arith.constant 0 : i32
        %get3A_1127 = tpu.memref_slice %arg11[%add3A_992, %get3A_1126] : memref<208x64xf32, #tpu.memory_space<vmem>> -> memref<1x64xf32, #tpu.memory_space<vmem>>
        %get3A_1128 = tpu.memref_squeeze %get3A_1127 : memref<1x64xf32, #tpu.memory_space<vmem>> -> memref<64xf32, #tpu.memory_space<vmem>>
        %get3A_1129 = arith.constant 0 : index
        %get3A_1130 = tpu.vector_load %get3A_1128[%get3A_1129] {strides = array<i32>} : memref<64xf32, #tpu.memory_space<vmem>>, vector<16xf32>,
        %mul3A_1131 = arith.constant 8.000000e+00 : f32
        %mul3A_1132 = vector.broadcast %mul3A_1131 : f32 to vector<16xf32>
        %mul3A_1133 = arith.mulf %get3A_1130, %mul3A_1132 : vector<16xf32>
        %get3A_1134 = arith.constant 0 : i32
        %get3A_1135 = tpu.memref_slice %arg11[%add3A_992, %get3A_1134] : memref<208x64xf32, #tpu.memory_space<vmem>> -> memref<1x64xf32, #tpu.memory_space<vmem>>
        %get3A_1136 = tpu.memref_squeeze %get3A_1135 : memref<1x64xf32, #tpu.memory_space<vmem>> -> memref<64xf32, #tpu.memory_space<vmem>>
        %get3A_1137 = arith.constant 16 : index
        %get3A_1138 = tpu.vector_load %get3A_1136[%get3A_1137] {strides = array<i32>} : memref<64xf32, #tpu.memory_space<vmem>>, vector<16xf32>,
        %mul3A_1139 = arith.constant 8.000000e+00 : f32
        %mul3A_1140 = vector.broadcast %mul3A_1139 : f32 to vector<16xf32>
        %mul3A_1141 = arith.mulf %get3A_1138, %mul3A_1140 : vector<16xf32>
        %get3A_1142 = arith.constant 0 : i32
        %get3A_1143 = tpu.memref_slice %arg11[%add3A_992, %get3A_1142] : memref<208x64xf32, #tpu.memory_space<vmem>> -> memref<1x64xf32, #tpu.memory_space<vmem>>
        %get3A_1144 = tpu.memref_squeeze %get3A_1143 : memref<1x64xf32, #tpu.memory_space<vmem>> -> memref<64xf32, #tpu.memory_space<vmem>>
        %get3A_1145 = arith.constant 32 : index
        %get3A_1146 = tpu.vector_load %get3A_1144[%get3A_1145] {strides = array<i32>} : memref<64xf32, #tpu.memory_space<vmem>>, vector<16xf32>,
        %mul3A_1147 = arith.constant 8.000000e+00 : f32
        %mul3A_1148 = vector.broadcast %mul3A_1147 : f32 to vector<16xf32>
        %mul3A_1149 = arith.mulf %get3A_1146, %mul3A_1148 : vector<16xf32>
        %get3A_1150 = arith.constant 0 : i32
        %get3A_1151 = tpu.memref_slice %arg11[%add3A_992, %get3A_1150] : memref<208x64xf32, #tpu.memory_space<vmem>> -> memref<1x64xf32, #tpu.memory_space<vmem>>
        %get3A_1152 = tpu.memref_squeeze %get3A_1151 : memref<1x64xf32, #tpu.memory_space<vmem>> -> memref<64xf32, #tpu.memory_space<vmem>>
        %get3A_1153 = arith.constant 48 : index
        %get3A_1154 = tpu.vector_load %get3A_1152[%get3A_1153] {strides = array<i32>} : memref<64xf32, #tpu.memory_space<vmem>>, vector<16xf32>,
        %mul3A_1155 = arith.constant 8.000000e+00 : f32
        %mul3A_1156 = vector.broadcast %mul3A_1155 : f32 to vector<16xf32>
        %mul3A_1157 = arith.mulf %get3A_1154, %mul3A_1156 : vector<16xf32>
        %get3A_1158 = arith.constant 0 : i32
        %get3A_1159 = tpu.memref_slice %arg11[%add3A_994, %get3A_1158] : memref<208x64xf32, #tpu.memory_space<vmem>> -> memref<1x64xf32, #tpu.memory_space<vmem>>
        %get3A_1160 = tpu.memref_squeeze %get3A_1159 : memref<1x64xf32, #tpu.memory_space<vmem>> -> memref<64xf32, #tpu.memory_space<vmem>>
        %get3A_1161 = arith.constant 0 : index
        %get3A_1162 = tpu.vector_load %get3A_1160[%get3A_1161] {strides = array<i32>} : memref<64xf32, #tpu.memory_space<vmem>>, vector<16xf32>,
        %mul3A_1163 = arith.constant 8.000000e+00 : f32
        %mul3A_1164 = vector.broadcast %mul3A_1163 : f32 to vector<16xf32>
        %mul3A_1165 = arith.mulf %get3A_1162, %mul3A_1164 : vector<16xf32>
        %get3A_1166 = arith.constant 0 : i32
        %get3A_1167 = tpu.memref_slice %arg11[%add3A_994, %get3A_1166] : memref<208x64xf32, #tpu.memory_space<vmem>> -> memref<1x64xf32, #tpu.memory_space<vmem>>
        %get3A_1168 = tpu.memref_squeeze %get3A_1167 : memref<1x64xf32, #tpu.memory_space<vmem>> -> memref<64xf32, #tpu.memory_space<vmem>>
        %get3A_1169 = arith.constant 16 : index
        %get3A_1170 = tpu.vector_load %get3A_1168[%get3A_1169] {strides = array<i32>} : memref<64xf32, #tpu.memory_space<vmem>>, vector<16xf32>,
        %mul3A_1171 = arith.constant 8.000000e+00 : f32
        %mul3A_1172 = vector.broadcast %mul3A_1171 : f32 to vector<16xf32>
        %mul3A_1173 = arith.mulf %get3A_1170, %mul3A_1172 : vector<16xf32>
        %get3A_1174 = arith.constant 0 : i32
        %get3A_1175 = tpu.memref_slice %arg11[%add3A_994, %get3A_1174] : memref<208x64xf32, #tpu.memory_space<vmem>> -> memref<1x64xf32, #tpu.memory_space<vmem>>
        %get3A_1176 = tpu.memref_squeeze %get3A_1175 : memref<1x64xf32, #tpu.memory_space<vmem>> -> memref<64xf32, #tpu.memory_space<vmem>>
        %get3A_1177 = arith.constant 32 : index
        %get3A_1178 = tpu.vector_load %get3A_1176[%get3A_1177] {strides = array<i32>} : memref<64xf32, #tpu.memory_space<vmem>>, vector<16xf32>,
        %mul3A_1179 = arith.constant 8.000000e+00 : f32
        %mul3A_1180 = vector.broadcast %mul3A_1179 : f32 to vector<16xf32>
        %mul3A_1181 = arith.mulf %get3A_1178, %mul3A_1180 : vector<16xf32>
        %get3A_1182 = arith.constant 0 : i32
        %get3A_1183 = tpu.memref_slice %arg11[%add3A_994, %get3A_1182] : memref<208x64xf32, #tpu.memory_space<vmem>> -> memref<1x64xf32, #tpu.memory_space<vmem>>
        %get3A_1184 = tpu.memref_squeeze %get3A_1183 : memref<1x64xf32, #tpu.memory_space<vmem>> -> memref<64xf32, #tpu.memory_space<vmem>>
        %get3A_1185 = arith.constant 48 : index
        %get3A_1186 = tpu.vector_load %get3A_1184[%get3A_1185] {strides = array<i32>} : memref<64xf32, #tpu.memory_space<vmem>>, vector<16xf32>,
        %mul3A_1187 = arith.constant 8.000000e+00 : f32
        %mul3A_1188 = vector.broadcast %mul3A_1187 : f32 to vector<16xf32>
        %mul3A_1189 = arith.mulf %get3A_1186, %mul3A_1188 : vector<16xf32>
        %get3A_1190 = arith.constant 0 : i32
        %get3A_1191 = tpu.memref_slice %arg11[%add3A_996, %get3A_1190] : memref<208x64xf32, #tpu.memory_space<vmem>> -> memref<1x64xf32, #tpu.memory_space<vmem>>
        %get3A_1192 = tpu.memref_squeeze %get3A_1191 : memref<1x64xf32, #tpu.memory_space<vmem>> -> memref<64xf32, #tpu.memory_space<vmem>>
        %get3A_1193 = arith.constant 0 : index
        %get3A_1194 = tpu.vector_load %get3A_1192[%get3A_1193] {strides = array<i32>} : memref<64xf32, #tpu.memory_space<vmem>>, vector<16xf32>,
        %mul3A_1195 = arith.constant 8.000000e+00 : f32
        %mul3A_1196 = vector.broadcast %mul3A_1195 : f32 to vector<16xf32>
        %mul3A_1197 = arith.mulf %get3A_1194, %mul3A_1196 : vector<16xf32>
        %get3A_1198 = arith.constant 0 : i32
        %get3A_1199 = tpu.memref_slice %arg11[%add3A_996, %get3A_1198] : memref<208x64xf32, #tpu.memory_space<vmem>> -> memref<1x64xf32, #tpu.memory_space<vmem>>
        %get3A_1200 = tpu.memref_squeeze %get3A_1199 : memref<1x64xf32, #tpu.memory_space<vmem>> -> memref<64xf32, #tpu.memory_space<vmem>>
        %get3A_1201 = arith.constant 16 : index
        %get3A_1202 = tpu.vector_load %get3A_1200[%get3A_1201] {strides = array<i32>} : memref<64xf32, #tpu.memory_space<vmem>>, vector<16xf32>,
        %mul3A_1203 = arith.constant 8.000000e+00 : f32
        %mul3A_1204 = vector.broadcast %mul3A_1203 : f32 to vector<16xf32>
        %mul3A_1205 = arith.mulf %get3A_1202, %mul3A_1204 : vector<16xf32>
        %get3A_1206 = arith.constant 0 : i32
        %get3A_1207 = tpu.memref_slice %arg11[%add3A_996, %get3A_1206] : memref<208x64xf32, #tpu.memory_space<vmem>> -> memref<1x64xf32, #tpu.memory_space<vmem>>
        %get3A_1208 = tpu.memref_squeeze %get3A_1207 : memref<1x64xf32, #tpu.memory_space<vmem>> -> memref<64xf32, #tpu.memory_space<vmem>>
        %get3A_1209 = arith.constant 32 : index
        %get3A_1210 = tpu.vector_load %get3A_1208[%get3A_1209] {strides = array<i32>} : memref<64xf32, #tpu.memory_space<vmem>>, vector<16xf32>,
        %mul3A_1211 = arith.constant 8.000000e+00 : f32
        %mul3A_1212 = vector.broadcast %mul3A_1211 : f32 to vector<16xf32>
        %mul3A_1213 = arith.mulf %get3A_1210, %mul3A_1212 : vector<16xf32>
        %get3A_1214 = arith.constant 0 : i32
        %get3A_1215 = tpu.memref_slice %arg11[%add3A_996, %get3A_1214] : memref<208x64xf32, #tpu.memory_space<vmem>> -> memref<1x64xf32, #tpu.memory_space<vmem>>
        %get3A_1216 = tpu.memref_squeeze %get3A_1215 : memref<1x64xf32, #tpu.memory_space<vmem>> -> memref<64xf32, #tpu.memory_space<vmem>>
        %get3A_1217 = arith.constant 48 : index
        %get3A_1218 = tpu.vector_load %get3A_1216[%get3A_1217] {strides = array<i32>} : memref<64xf32, #tpu.memory_space<vmem>>, vector<16xf32>,
        %mul3A_1219 = arith.constant 8.000000e+00 : f32
        %mul3A_1220 = vector.broadcast %mul3A_1219 : f32 to vector<16xf32>
        %mul3A_1221 = arith.mulf %get3A_1218, %mul3A_1220 : vector<16xf32>
        %get3A_1222 = arith.constant 0 : i32
        %get3A_1223 = tpu.memref_slice %arg11[%add3A_998, %get3A_1222] : memref<208x64xf32, #tpu.memory_space<vmem>> -> memref<1x64xf32, #tpu.memory_space<vmem>>
        %get3A_1224 = tpu.memref_squeeze %get3A_1223 : memref<1x64xf32, #tpu.memory_space<vmem>> -> memref<64xf32, #tpu.memory_space<vmem>>
        %get3A_1225 = arith.constant 0 : index
        %get3A_1226 = tpu.vector_load %get3A_1224[%get3A_1225] {strides = array<i32>} : memref<64xf32, #tpu.memory_space<vmem>>, vector<16xf32>,
        %mul3A_1227 = arith.constant 8.000000e+00 : f32
        %mul3A_1228 = vector.broadcast %mul3A_1227 : f32 to vector<16xf32>
        %mul3A_1229 = arith.mulf %get3A_1226, %mul3A_1228 : vector<16xf32>
        %get3A_1230 = arith.constant 0 : i32
        %get3A_1231 = tpu.memref_slice %arg11[%add3A_998, %get3A_1230] : memref<208x64xf32, #tpu.memory_space<vmem>> -> memref<1x64xf32, #tpu.memory_space<vmem>>
        %get3A_1232 = tpu.memref_squeeze %get3A_1231 : memref<1x64xf32, #tpu.memory_space<vmem>> -> memref<64xf32, #tpu.memory_space<vmem>>
        %get3A_1233 = arith.constant 16 : index
        %get3A_1234 = tpu.vector_load %get3A_1232[%get3A_1233] {strides = array<i32>} : memref<64xf32, #tpu.memory_space<vmem>>, vector<16xf32>,
        %mul3A_1235 = arith.constant 8.000000e+00 : f32
        %mul3A_1236 = vector.broadcast %mul3A_1235 : f32 to vector<16xf32>
        %mul3A_1237 = arith.mulf %get3A_1234, %mul3A_1236 : vector<16xf32>
        %get3A_1238 = arith.constant 0 : i32
        %get3A_1239 = tpu.memref_slice %arg11[%add3A_998, %get3A_1238] : memref<208x64xf32, #tpu.memory_space<vmem>> -> memref<1x64xf32, #tpu.memory_space<vmem>>
        %get3A_1240 = tpu.memref_squeeze %get3A_1239 : memref<1x64xf32, #tpu.memory_space<vmem>> -> memref<64xf32, #tpu.memory_space<vmem>>
        %get3A_1241 = arith.constant 32 : index
        %get3A_1242 = tpu.vector_load %get3A_1240[%get3A_1241] {strides = array<i32>} : memref<64xf32, #tpu.memory_space<vmem>>, vector<16xf32>,
        %mul3A_1243 = arith.constant 8.000000e+00 : f32
        %mul3A_1244 = vector.broadcast %mul3A_1243 : f32 to vector<16xf32>
        %mul3A_1245 = arith.mulf %get3A_1242, %mul3A_1244 : vector<16xf32>
        %get3A_1246 = arith.constant 0 : i32
        %get3A_1247 = tpu.memref_slice %arg11[%add3A_998, %get3A_1246] : memref<208x64xf32, #tpu.memory_space<vmem>> -> memref<1x64xf32, #tpu.memory_space<vmem>>
        %get3A_1248 = tpu.memref_squeeze %get3A_1247 : memref<1x64xf32, #tpu.memory_space<vmem>> -> memref<64xf32, #tpu.memory_space<vmem>>
        %get3A_1249 = arith.constant 48 : index
        %get3A_1250 = tpu.vector_load %get3A_1248[%get3A_1249] {strides = array<i32>} : memref<64xf32, #tpu.memory_space<vmem>>, vector<16xf32>,
        %mul3A_1251 = arith.constant 8.000000e+00 : f32
        %mul3A_1252 = vector.broadcast %mul3A_1251 : f32 to vector<16xf32>
        %mul3A_1253 = arith.mulf %get3A_1250, %mul3A_1252 : vector<16xf32>
        %swap3A = arith.constant 0 : i32
        %swap3A_1254 = tpu.memref_slice %arg11[%add3A_984, %swap3A] : memref<208x64xf32, #tpu.memory_space<vmem>> -> memref<1x64xf32, #tpu.memory_space<vmem>>
        %swap3A_1255 = tpu.memref_squeeze %swap3A_1254 : memref<1x64xf32, #tpu.memory_space<vmem>> -> memref<64xf32, #tpu.memory_space<vmem>>
        %swap3A_1256 = arith.constant 0 : index
        %swap3A_1257 = tpu.vector_load %swap3A_1255[%swap3A_1256] {strides = array<i32>} : memref<64xf32, #tpu.memory_space<vmem>>, vector<16xf32>,
        tpu.vector_store %swap3A_1255[%swap3A_1256], %mul3A_1005 {strides = array<i32>} : memref<64xf32, #tpu.memory_space<vmem>>, vector<16xf32>,
        %swap3A_1258 = arith.constant 0 : i32
        %swap3A_1259 = tpu.memref_slice %arg11[%add3A_984, %swap3A_1258] : memref<208x64xf32, #tpu.memory_space<vmem>> -> memref<1x64xf32, #tpu.memory_space<vmem>>
        %swap3A_1260 = tpu.memref_squeeze %swap3A_1259 : memref<1x64xf32, #tpu.memory_space<vmem>> -> memref<64xf32, #tpu.memory_space<vmem>>
        %swap3A_1261 = arith.constant 16 : index
        %swap3A_1262 = tpu.vector_load %swap3A_1260[%swap3A_1261] {strides = array<i32>} : memref<64xf32, #tpu.memory_space<vmem>>, vector<16xf32>,
        tpu.vector_store %swap3A_1260[%swap3A_1261], %mul3A_1013 {strides = array<i32>} : memref<64xf32, #tpu.memory_space<vmem>>, vector<16xf32>,
        %swap3A_1263 = arith.constant 0 : i32
        %swap3A_1264 = tpu.memref_slice %arg11[%add3A_984, %swap3A_1263] : memref<208x64xf32, #tpu.memory_space<vmem>> -> memref<1x64xf32, #tpu.memory_space<vmem>>
        %swap3A_1265 = tpu.memref_squeeze %swap3A_1264 : memref<1x64xf32, #tpu.memory_space<vmem>> -> memref<64xf32, #tpu.memory_space<vmem>>
        %swap3A_1266 = arith.constant 32 : index
        %swap3A_1267 = tpu.vector_load %swap3A_1265[%swap3A_1266] {strides = array<i32>} : memref<64xf32, #tpu.memory_space<vmem>>, vector<16xf32>,
        tpu.vector_store %swap3A_1265[%swap3A_1266], %mul3A_1021 {strides = array<i32>} : memref<64xf32, #tpu.memory_space<vmem>>, vector<16xf32>,
        %swap3A_1268 = arith.constant 0 : i32
        %swap3A_1269 = tpu.memref_slice %arg11[%add3A_984, %swap3A_1268] : memref<208x64xf32, #tpu.memory_space<vmem>> -> memref<1x64xf32, #tpu.memory_space<vmem>>
        %swap3A_1270 = tpu.memref_squeeze %swap3A_1269 : memref<1x64xf32, #tpu.memory_space<vmem>> -> memref<64xf32, #tpu.memory_space<vmem>>
        %swap3A_1271 = arith.constant 48 : index
        %swap3A_1272 = tpu.vector_load %swap3A_1270[%swap3A_1271] {strides = array<i32>} : memref<64xf32, #tpu.memory_space<vmem>>, vector<16xf32>,
        tpu.vector_store %swap3A_1270[%swap3A_1271], %mul3A_1029 {strides = array<i32>} : memref<64xf32, #tpu.memory_space<vmem>>, vector<16xf32>,
        %swap3A_1273 = arith.constant 0 : i32
        %swap3A_1274 = tpu.memref_slice %arg11[%add3A_986, %swap3A_1273] : memref<208x64xf32, #tpu.memory_space<vmem>> -> memref<1x64xf32, #tpu.memory_space<vmem>>
        %swap3A_1275 = tpu.memref_squeeze %swap3A_1274 : memref<1x64xf32, #tpu.memory_space<vmem>> -> memref<64xf32, #tpu.memory_space<vmem>>
        %swap3A_1276 = arith.constant 0 : index
        %swap3A_1277 = tpu.vector_load %swap3A_1275[%swap3A_1276] {strides = array<i32>} : memref<64xf32, #tpu.memory_space<vmem>>, vector<16xf32>,
        tpu.vector_store %swap3A_1275[%swap3A_1276], %mul3A_1037 {strides = array<i32>} : memref<64xf32, #tpu.memory_space<vmem>>, vector<16xf32>,
        %swap3A_1278 = arith.constant 0 : i32
        %swap3A_1279 = tpu.memref_slice %arg11[%add3A_986, %swap3A_1278] : memref<208x64xf32, #tpu.memory_space<vmem>> -> memref<1x64xf32, #tpu.memory_space<vmem>>
        %swap3A_1280 = tpu.memref_squeeze %swap3A_1279 : memref<1x64xf32, #tpu.memory_space<vmem>> -> memref<64xf32, #tpu.memory_space<vmem>>
        %swap3A_1281 = arith.constant 16 : index
        %swap3A_1282 = tpu.vector_load %swap3A_1280[%swap3A_1281] {strides = array<i32>} : memref<64xf32, #tpu.memory_space<vmem>>, vector<16xf32>,
        tpu.vector_store %swap3A_1280[%swap3A_1281], %mul3A_1045 {strides = array<i32>} : memref<64xf32, #tpu.memory_space<vmem>>, vector<16xf32>,
        %swap3A_1283 = arith.constant 0 : i32
        %swap3A_1284 = tpu.memref_slice %arg11[%add3A_986, %swap3A_1283] : memref<208x64xf32, #tpu.memory_space<vmem>> -> memref<1x64xf32, #tpu.memory_space<vmem>>
        %swap3A_1285 = tpu.memref_squeeze %swap3A_1284 : memref<1x64xf32, #tpu.memory_space<vmem>> -> memref<64xf32, #tpu.memory_space<vmem>>
        %swap3A_1286 = arith.constant 32 : index
        %swap3A_1287 = tpu.vector_load %swap3A_1285[%swap3A_1286] {strides = array<i32>} : memref<64xf32, #tpu.memory_space<vmem>>, vector<16xf32>,
        tpu.vector_store %swap3A_1285[%swap3A_1286], %mul3A_1053 {strides = array<i32>} : memref<64xf32, #tpu.memory_space<vmem>>, vector<16xf32>,
        %swap3A_1288 = arith.constant 0 : i32
        %swap3A_1289 = tpu.memref_slice %arg11[%add3A_986, %swap3A_1288] : memref<208x64xf32, #tpu.memory_space<vmem>> -> memref<1x64xf32, #tpu.memory_space<vmem>>
        %swap3A_1290 = tpu.memref_squeeze %swap3A_1289 : memref<1x64xf32, #tpu.memory_space<vmem>> -> memref<64xf32, #tpu.memory_space<vmem>>
        %swap3A_1291 = arith.constant 48 : index
        %swap3A_1292 = tpu.vector_load %swap3A_1290[%swap3A_1291] {strides = array<i32>} : memref<64xf32, #tpu.memory_space<vmem>>, vector<16xf32>,
        tpu.vector_store %swap3A_1290[%swap3A_1291], %mul3A_1061 {strides = array<i32>} : memref<64xf32, #tpu.memory_space<vmem>>, vector<16xf32>,
        %swap3A_1293 = arith.constant 0 : i32
        %swap3A_1294 = tpu.memref_slice %arg11[%add3A_988, %swap3A_1293] : memref<208x64xf32, #tpu.memory_space<vmem>> -> memref<1x64xf32, #tpu.memory_space<vmem>>
        %swap3A_1295 = tpu.memref_squeeze %swap3A_1294 : memref<1x64xf32, #tpu.memory_space<vmem>> -> memref<64xf32, #tpu.memory_space<vmem>>
        %swap3A_1296 = arith.constant 0 : index
        %swap3A_1297 = tpu.vector_load %swap3A_1295[%swap3A_1296] {strides = array<i32>} : memref<64xf32, #tpu.memory_space<vmem>>, vector<16xf32>,
        tpu.vector_store %swap3A_1295[%swap3A_1296], %mul3A_1069 {strides = array<i32>} : memref<64xf32, #tpu.memory_space<vmem>>, vector<16xf32>,
        %swap3A_1298 = arith.constant 0 : i32
        %swap3A_1299 = tpu.memref_slice %arg11[%add3A_988, %swap3A_1298] : memref<208x64xf32, #tpu.memory_space<vmem>> -> memref<1x64xf32, #tpu.memory_space<vmem>>
        %swap3A_1300 = tpu.memref_squeeze %swap3A_1299 : memref<1x64xf32, #tpu.memory_space<vmem>> -> memref<64xf32, #tpu.memory_space<vmem>>
        %swap3A_1301 = arith.constant 16 : index
        %swap3A_1302 = tpu.vector_load %swap3A_1300[%swap3A_1301] {strides = array<i32>} : memref<64xf32, #tpu.memory_space<vmem>>, vector<16xf32>,
        tpu.vector_store %swap3A_1300[%swap3A_1301], %mul3A_1077 {strides = array<i32>} : memref<64xf32, #tpu.memory_space<vmem>>, vector<16xf32>,
        %swap3A_1303 = arith.constant 0 : i32
        %swap3A_1304 = tpu.memref_slice %arg11[%add3A_988, %swap3A_1303] : memref<208x64xf32, #tpu.memory_space<vmem>> -> memref<1x64xf32, #tpu.memory_space<vmem>>
        %swap3A_1305 = tpu.memref_squeeze %swap3A_1304 : memref<1x64xf32, #tpu.memory_space<vmem>> -> memref<64xf32, #tpu.memory_space<vmem>>
        %swap3A_1306 = arith.constant 32 : index
        %swap3A_1307 = tpu.vector_load %swap3A_1305[%swap3A_1306] {strides = array<i32>} : memref<64xf32, #tpu.memory_space<vmem>>, vector<16xf32>,
        tpu.vector_store %swap3A_1305[%swap3A_1306], %mul3A_1085 {strides = array<i32>} : memref<64xf32, #tpu.memory_space<vmem>>, vector<16xf32>,
        %swap3A_1308 = arith.constant 0 : i32
        %swap3A_1309 = tpu.memref_slice %arg11[%add3A_988, %swap3A_1308] : memref<208x64xf32, #tpu.memory_space<vmem>> -> memref<1x64xf32, #tpu.memory_space<vmem>>
        %swap3A_1310 = tpu.memref_squeeze %swap3A_1309 : memref<1x64xf32, #tpu.memory_space<vmem>> -> memref<64xf32, #tpu.memory_space<vmem>>
        %swap3A_1311 = arith.constant 48 : index
        %swap3A_1312 = tpu.vector_load %swap3A_1310[%swap3A_1311] {strides = array<i32>} : memref<64xf32, #tpu.memory_space<vmem>>, vector<16xf32>,
        tpu.vector_store %swap3A_1310[%swap3A_1311], %mul3A_1093 {strides = array<i32>} : memref<64xf32, #tpu.memory_space<vmem>>, vector<16xf32>,
        %swap3A_1313 = arith.constant 0 : i32
        %swap3A_1314 = tpu.memref_slice %arg11[%add3A_990, %swap3A_1313] : memref<208x64xf32, #tpu.memory_space<vmem>> -> memref<1x64xf32, #tpu.memory_space<vmem>>
        %swap3A_1315 = tpu.memref_squeeze %swap3A_1314 : memref<1x64xf32, #tpu.memory_space<vmem>> -> memref<64xf32, #tpu.memory_space<vmem>>
        %swap3A_1316 = arith.constant 0 : index
        %swap3A_1317 = tpu.vector_load %swap3A_1315[%swap3A_1316] {strides = array<i32>} : memref<64xf32, #tpu.memory_space<vmem>>, vector<16xf32>,
        tpu.vector_store %swap3A_1315[%swap3A_1316], %mul3A_1101 {strides = array<i32>} : memref<64xf32, #tpu.memory_space<vmem>>, vector<16xf32>,
        %swap3A_1318 = arith.constant 0 : i32
        %swap3A_1319 = tpu.memref_slice %arg11[%add3A_990, %swap3A_1318] : memref<208x64xf32, #tpu.memory_space<vmem>> -> memref<1x64xf32, #tpu.memory_space<vmem>>
        %swap3A_1320 = tpu.memref_squeeze %swap3A_1319 : memref<1x64xf32, #tpu.memory_space<vmem>> -> memref<64xf32, #tpu.memory_space<vmem>>
        %swap3A_1321 = arith.constant 16 : index
        %swap3A_1322 = tpu.vector_load %swap3A_1320[%swap3A_1321] {strides = array<i32>} : memref<64xf32, #tpu.memory_space<vmem>>, vector<16xf32>,
        tpu.vector_store %swap3A_1320[%swap3A_1321], %mul3A_1109 {strides = array<i32>} : memref<64xf32, #tpu.memory_space<vmem>>, vector<16xf32>,
        %swap3A_1323 = arith.constant 0 : i32
        %swap3A_1324 = tpu.memref_slice %arg11[%add3A_990, %swap3A_1323] : memref<208x64xf32, #tpu.memory_space<vmem>> -> memref<1x64xf32, #tpu.memory_space<vmem>>
        %swap3A_1325 = tpu.memref_squeeze %swap3A_1324 : memref<1x64xf32, #tpu.memory_space<vmem>> -> memref<64xf32, #tpu.memory_space<vmem>>
        %swap3A_1326 = arith.constant 32 : index
        %swap3A_1327 = tpu.vector_load %swap3A_1325[%swap3A_1326] {strides = array<i32>} : memref<64xf32, #tpu.memory_space<vmem>>, vector<16xf32>,
        tpu.vector_store %swap3A_1325[%swap3A_1326], %mul3A_1117 {strides = array<i32>} : memref<64xf32, #tpu.memory_space<vmem>>, vector<16xf32>,
        %swap3A_1328 = arith.constant 0 : i32
        %swap3A_1329 = tpu.memref_slice %arg11[%add3A_990, %swap3A_1328] : memref<208x64xf32, #tpu.memory_space<vmem>> -> memref<1x64xf32, #tpu.memory_space<vmem>>
        %swap3A_1330 = tpu.memref_squeeze %swap3A_1329 : memref<1x64xf32, #tpu.memory_space<vmem>> -> memref<64xf32, #tpu.memory_space<vmem>>
        %swap3A_1331 = arith.constant 48 : index
        %swap3A_1332 = tpu.vector_load %swap3A_1330[%swap3A_1331] {strides = array<i32>} : memref<64xf32, #tpu.memory_space<vmem>>, vector<16xf32>,
        tpu.vector_store %swap3A_1330[%swap3A_1331], %mul3A_1125 {strides = array<i32>} : memref<64xf32, #tpu.memory_space<vmem>>, vector<16xf32>,
        %swap3A_1333 = arith.constant 0 : i32
        %swap3A_1334 = tpu.memref_slice %arg11[%add3A_992, %swap3A_1333] : memref<208x64xf32, #tpu.memory_space<vmem>> -> memref<1x64xf32, #tpu.memory_space<vmem>>
        %swap3A_1335 = tpu.memref_squeeze %swap3A_1334 : memref<1x64xf32, #tpu.memory_space<vmem>> -> memref<64xf32, #tpu.memory_space<vmem>>
        %swap3A_1336 = arith.constant 0 : index
        %swap3A_1337 = tpu.vector_load %swap3A_1335[%swap3A_1336] {strides = array<i32>} : memref<64xf32, #tpu.memory_space<vmem>>, vector<16xf32>,
        tpu.vector_store %swap3A_1335[%swap3A_1336], %mul3A_1133 {strides = array<i32>} : memref<64xf32, #tpu.memory_space<vmem>>, vector<16xf32>,
        %swap3A_1338 = arith.constant 0 : i32
        %swap3A_1339 = tpu.memref_slice %arg11[%add3A_992, %swap3A_1338] : memref<208x64xf32, #tpu.memory_space<vmem>> -> memref<1x64xf32, #tpu.memory_space<vmem>>
        %swap3A_1340 = tpu.memref_squeeze %swap3A_1339 : memref<1x64xf32, #tpu.memory_space<vmem>> -> memref<64xf32, #tpu.memory_space<vmem>>
        %swap3A_1341 = arith.constant 16 : index
        %swap3A_1342 = tpu.vector_load %swap3A_1340[%swap3A_1341] {strides = array<i32>} : memref<64xf32, #tpu.memory_space<vmem>>, vector<16xf32>,
        tpu.vector_store %swap3A_1340[%swap3A_1341], %mul3A_1141 {strides = array<i32>} : memref<64xf32, #tpu.memory_space<vmem>>, vector<16xf32>,
        %swap3A_1343 = arith.constant 0 : i32
        %swap3A_1344 = tpu.memref_slice %arg11[%add3A_992, %swap3A_1343] : memref<208x64xf32, #tpu.memory_space<vmem>> -> memref<1x64xf32, #tpu.memory_space<vmem>>
        %swap3A_1345 = tpu.memref_squeeze %swap3A_1344 : memref<1x64xf32, #tpu.memory_space<vmem>> -> memref<64xf32, #tpu.memory_space<vmem>>
        %swap3A_1346 = arith.constant 32 : index
        %swap3A_1347 = tpu.vector_load %swap3A_1345[%swap3A_1346] {strides = array<i32>} : memref<64xf32, #tpu.memory_space<vmem>>, vector<16xf32>,
        tpu.vector_store %swap3A_1345[%swap3A_1346], %mul3A_1149 {strides = array<i32>} : memref<64xf32, #tpu.memory_space<vmem>>, vector<16xf32>,
        %swap3A_1348 = arith.constant 0 : i32
        %swap3A_1349 = tpu.memref_slice %arg11[%add3A_992, %swap3A_1348] : memref<208x64xf32, #tpu.memory_space<vmem>> -> memref<1x64xf32, #tpu.memory_space<vmem>>
        %swap3A_1350 = tpu.memref_squeeze %swap3A_1349 : memref<1x64xf32, #tpu.memory_space<vmem>> -> memref<64xf32, #tpu.memory_space<vmem>>
        %swap3A_1351 = arith.constant 48 : index
        %swap3A_1352 = tpu.vector_load %swap3A_1350[%swap3A_1351] {strides = array<i32>} : memref<64xf32, #tpu.memory_space<vmem>>, vector<16xf32>,
        tpu.vector_store %swap3A_1350[%swap3A_1351], %mul3A_1157 {strides = array<i32>} : memref<64xf32, #tpu.memory_space<vmem>>, vector<16xf32>,
        %swap3A_1353 = arith.constant 0 : i32
        %swap3A_1354 = tpu.memref_slice %arg11[%add3A_994, %swap3A_1353] : memref<208x64xf32, #tpu.memory_space<vmem>> -> memref<1x64xf32, #tpu.memory_space<vmem>>
        %swap3A_1355 = tpu.memref_squeeze %swap3A_1354 : memref<1x64xf32, #tpu.memory_space<vmem>> -> memref<64xf32, #tpu.memory_space<vmem>>
        %swap3A_1356 = arith.constant 0 : index
        %swap3A_1357 = tpu.vector_load %swap3A_1355[%swap3A_1356] {strides = array<i32>} : memref<64xf32, #tpu.memory_space<vmem>>, vector<16xf32>,
        tpu.vector_store %swap3A_1355[%swap3A_1356], %mul3A_1165 {strides = array<i32>} : memref<64xf32, #tpu.memory_space<vmem>>, vector<16xf32>,
        %swap3A_1358 = arith.constant 0 : i32
        %swap3A_1359 = tpu.memref_slice %arg11[%add3A_994, %swap3A_1358] : memref<208x64xf32, #tpu.memory_space<vmem>> -> memref<1x64xf32, #tpu.memory_space<vmem>>
        %swap3A_1360 = tpu.memref_squeeze %swap3A_1359 : memref<1x64xf32, #tpu.memory_space<vmem>> -> memref<64xf32, #tpu.memory_space<vmem>>
        %swap3A_1361 = arith.constant 16 : index
        %swap3A_1362 = tpu.vector_load %swap3A_1360[%swap3A_1361] {strides = array<i32>} : memref<64xf32, #tpu.memory_space<vmem>>, vector<16xf32>,
        tpu.vector_store %swap3A_1360[%swap3A_1361], %mul3A_1173 {strides = array<i32>} : memref<64xf32, #tpu.memory_space<vmem>>, vector<16xf32>,
        %swap3A_1363 = arith.constant 0 : i32
        %swap3A_1364 = tpu.memref_slice %arg11[%add3A_994, %swap3A_1363] : memref<208x64xf32, #tpu.memory_space<vmem>> -> memref<1x64xf32, #tpu.memory_space<vmem>>
        %swap3A_1365 = tpu.memref_squeeze %swap3A_1364 : memref<1x64xf32, #tpu.memory_space<vmem>> -> memref<64xf32, #tpu.memory_space<vmem>>
        %swap3A_1366 = arith.constant 32 : index
        %swap3A_1367 = tpu.vector_load %swap3A_1365[%swap3A_1366] {strides = array<i32>} : memref<64xf32, #tpu.memory_space<vmem>>, vector<16xf32>,
        tpu.vector_store %swap3A_1365[%swap3A_1366], %mul3A_1181 {strides = array<i32>} : memref<64xf32, #tpu.memory_space<vmem>>, vector<16xf32>,
        %swap3A_1368 = arith.constant 0 : i32
        %swap3A_1369 = tpu.memref_slice %arg11[%add3A_994, %swap3A_1368] : memref<208x64xf32, #tpu.memory_space<vmem>> -> memref<1x64xf32, #tpu.memory_space<vmem>>
        %swap3A_1370 = tpu.memref_squeeze %swap3A_1369 : memref<1x64xf32, #tpu.memory_space<vmem>> -> memref<64xf32, #tpu.memory_space<vmem>>
        %swap3A_1371 = arith.constant 48 : index
        %swap3A_1372 = tpu.vector_load %swap3A_1370[%swap3A_1371] {strides = array<i32>} : memref<64xf32, #tpu.memory_space<vmem>>, vector<16xf32>,
        tpu.vector_store %swap3A_1370[%swap3A_1371], %mul3A_1189 {strides = array<i32>} : memref<64xf32, #tpu.memory_space<vmem>>, vector<16xf32>,
        %swap3A_1373 = arith.constant 0 : i32
        %swap3A_1374 = tpu.memref_slice %arg11[%add3A_996, %swap3A_1373] : memref<208x64xf32, #tpu.memory_space<vmem>> -> memref<1x64xf32, #tpu.memory_space<vmem>>
        %swap3A_1375 = tpu.memref_squeeze %swap3A_1374 : memref<1x64xf32, #tpu.memory_space<vmem>> -> memref<64xf32, #tpu.memory_space<vmem>>
        %swap3A_1376 = arith.constant 0 : index
        %swap3A_1377 = tpu.vector_load %swap3A_1375[%swap3A_1376] {strides = array<i32>} : memref<64xf32, #tpu.memory_space<vmem>>, vector<16xf32>,
        tpu.vector_store %swap3A_1375[%swap3A_1376], %mul3A_1197 {strides = array<i32>} : memref<64xf32, #tpu.memory_space<vmem>>, vector<16xf32>,
        %swap3A_1378 = arith.constant 0 : i32
        %swap3A_1379 = tpu.memref_slice %arg11[%add3A_996, %swap3A_1378] : memref<208x64xf32, #tpu.memory_space<vmem>> -> memref<1x64xf32, #tpu.memory_space<vmem>>
        %swap3A_1380 = tpu.memref_squeeze %swap3A_1379 : memref<1x64xf32, #tpu.memory_space<vmem>> -> memref<64xf32, #tpu.memory_space<vmem>>
        %swap3A_1381 = arith.constant 16 : index
        %swap3A_1382 = tpu.vector_load %swap3A_1380[%swap3A_1381] {strides = array<i32>} : memref<64xf32, #tpu.memory_space<vmem>>, vector<16xf32>,
        tpu.vector_store %swap3A_1380[%swap3A_1381], %mul3A_1205 {strides = array<i32>} : memref<64xf32, #tpu.memory_space<vmem>>, vector<16xf32>,
        %swap3A_1383 = arith.constant 0 : i32
        %swap3A_1384 = tpu.memref_slice %arg11[%add3A_996, %swap3A_1383] : memref<208x64xf32, #tpu.memory_space<vmem>> -> memref<1x64xf32, #tpu.memory_space<vmem>>
        %swap3A_1385 = tpu.memref_squeeze %swap3A_1384 : memref<1x64xf32, #tpu.memory_space<vmem>> -> memref<64xf32, #tpu.memory_space<vmem>>
        %swap3A_1386 = arith.constant 32 : index
        %swap3A_1387 = tpu.vector_load %swap3A_1385[%swap3A_1386] {strides = array<i32>} : memref<64xf32, #tpu.memory_space<vmem>>, vector<16xf32>,
        tpu.vector_store %swap3A_1385[%swap3A_1386], %mul3A_1213 {strides = array<i32>} : memref<64xf32, #tpu.memory_space<vmem>>, vector<16xf32>,
        %swap3A_1388 = arith.constant 0 : i32
        %swap3A_1389 = tpu.memref_slice %arg11[%add3A_996, %swap3A_1388] : memref<208x64xf32, #tpu.memory_space<vmem>> -> memref<1x64xf32, #tpu.memory_space<vmem>>
        %swap3A_1390 = tpu.memref_squeeze %swap3A_1389 : memref<1x64xf32, #tpu.memory_space<vmem>> -> memref<64xf32, #tpu.memory_space<vmem>>
        %swap3A_1391 = arith.constant 48 : index
        %swap3A_1392 = tpu.vector_load %swap3A_1390[%swap3A_1391] {strides = array<i32>} : memref<64xf32, #tpu.memory_space<vmem>>, vector<16xf32>,
        tpu.vector_store %swap3A_1390[%swap3A_1391], %mul3A_1221 {strides = array<i32>} : memref<64xf32, #tpu.memory_space<vmem>>, vector<16xf32>,
        %swap3A_1393 = arith.constant 0 : i32
        %swap3A_1394 = tpu.memref_slice %arg11[%add3A_998, %swap3A_1393] : memref<208x64xf32, #tpu.memory_space<vmem>> -> memref<1x64xf32, #tpu.memory_space<vmem>>
        %swap3A_1395 = tpu.memref_squeeze %swap3A_1394 : memref<1x64xf32, #tpu.memory_space<vmem>> -> memref<64xf32, #tpu.memory_space<vmem>>
        %swap3A_1396 = arith.constant 0 : index
        %swap3A_1397 = tpu.vector_load %swap3A_1395[%swap3A_1396] {strides = array<i32>} : memref<64xf32, #tpu.memory_space<vmem>>, vector<16xf32>,
        tpu.vector_store %swap3A_1395[%swap3A_1396], %mul3A_1229 {strides = array<i32>} : memref<64xf32, #tpu.memory_space<vmem>>, vector<16xf32>,
        %swap3A_1398 = arith.constant 0 : i32
        %swap3A_1399 = tpu.memref_slice %arg11[%add3A_998, %swap3A_1398] : memref<208x64xf32, #tpu.memory_space<vmem>> -> memref<1x64xf32, #tpu.memory_space<vmem>>
        %swap3A_1400 = tpu.memref_squeeze %swap3A_1399 : memref<1x64xf32, #tpu.memory_space<vmem>> -> memref<64xf32, #tpu.memory_space<vmem>>
        %swap3A_1401 = arith.constant 16 : index
        %swap3A_1402 = tpu.vector_load %swap3A_1400[%swap3A_1401] {strides = array<i32>} : memref<64xf32, #tpu.memory_space<vmem>>, vector<16xf32>,
        tpu.vector_store %swap3A_1400[%swap3A_1401], %mul3A_1237 {strides = array<i32>} : memref<64xf32, #tpu.memory_space<vmem>>, vector<16xf32>,
        %swap3A_1403 = arith.constant 0 : i32
        %swap3A_1404 = tpu.memref_slice %arg11[%add3A_998, %swap3A_1403] : memref<208x64xf32, #tpu.memory_space<vmem>> -> memref<1x64xf32, #tpu.memory_space<vmem>>
        %swap3A_1405 = tpu.memref_squeeze %swap3A_1404 : memref<1x64xf32, #tpu.memory_space<vmem>> -> memref<64xf32, #tpu.memory_space<vmem>>
        %swap3A_1406 = arith.constant 32 : index
        %swap3A_1407 = tpu.vector_load %swap3A_1405[%swap3A_1406] {strides = array<i32>} : memref<64xf32, #tpu.memory_space<vmem>>, vector<16xf32>,
        tpu.vector_store %swap3A_1405[%swap3A_1406], %mul3A_1245 {strides = array<i32>} : memref<64xf32, #tpu.memory_space<vmem>>, vector<16xf32>,
        %swap3A_1408 = arith.constant 0 : i32
        %swap3A_1409 = tpu.memref_slice %arg11[%add3A_998, %swap3A_1408] : memref<208x64xf32, #tpu.memory_space<vmem>> -> memref<1x64xf32, #tpu.memory_space<vmem>>
        %swap3A_1410 = tpu.memref_squeeze %swap3A_1409 : memref<1x64xf32, #tpu.memory_space<vmem>> -> memref<64xf32, #tpu.memory_space<vmem>>
        %swap3A_1411 = arith.constant 48 : index
        %swap3A_1412 = tpu.vector_load %swap3A_1410[%swap3A_1411] {strides = array<i32>} : memref<64xf32, #tpu.memory_space<vmem>>, vector<16xf32>,
        tpu.vector_store %swap3A_1410[%swap3A_1411], %mul3A_1253 {strides = array<i32>} : memref<64xf32, #tpu.memory_space<vmem>>, vector<16xf32>,
      }
      %scan3A_739 = arith.constant 25 : i32
      %dma_start3A_740 = arith.constant 0 : i32
      %dma_start3A_741 = arith.constant 0 : i32
      %dma_start3A_742 = tpu.memref_slice %arg11[%dma_start3A_740, %dma_start3A_741] : memref<208x64xf32, #tpu.memory_space<vmem>> -> memref<200x64xf32, #tpu.memory_space<vmem>>
      %dma_start3A_743 = arith.constant 0 : i32
      %dma_start3A_744 = arith.constant 0 : i32
      %dma_start3A_745 = tpu.memref_slice %arg8[%add3A_238, %dma_start3A_743, %dma_start3A_744] : memref<4096x200x192xf32, #tpu.memory_space<hbm>> -> memref<1x200x64xf32, #tpu.memory_space<hbm>>
      %dma_start3A_746 = tpu.memref_squeeze %dma_start3A_745 : memref<1x200x64xf32, #tpu.memory_space<hbm>> -> memref<200x64xf32, #tpu.memory_space<hbm>>
      %dma_start3A_747 = arith.constant 0 : i32
      %dma_start3A_748 = arith.constant 0 : i32
      %dma_start3A_749 = tpu.memref_slice %arg8[%add3A_238, %dma_start3A_747, %dma_start3A_748] : memref<4096x200x192xf32, #tpu.memory_space<hbm>> -> memref<1x200x64xf32, #tpu.memory_space<hbm>>
      %dma_start3A_750 = tpu.memref_squeeze %dma_start3A_749 : memref<1x200x64xf32, #tpu.memory_space<hbm>> -> memref<200x64xf32, #tpu.memory_space<hbm>>
      %dma_start3A_751 = arith.constant 0 : i32
      %dma_start3A_752 = arith.constant 0 : i32
      %dma_start3A_753 = tpu.memref_slice %arg11[%dma_start3A_751, %dma_start3A_752] : memref<208x64xf32, #tpu.memory_space<vmem>> -> memref<200x64xf32, #tpu.memory_space<vmem>>
      tpu.enqueue_dma source(%dma_start3A_753 : memref<200x64xf32, #tpu.memory_space<vmem>>) target(%dma_start3A_750 : memref<200x64xf32, #tpu.memory_space<hbm>>) target_semaphore(%arg19 : memref<!tpu.dma_semaphore, #tpu.memory_space<semaphore_mem>>)
      %dma_wait3A_754 = arith.constant 0 : i32
      %dma_wait3A_755 = arith.constant 0 : i32
      %dma_wait3A_756 = tpu.memref_slice %arg13[%dma_wait3A_754, %dma_wait3A_755] : memref<208x64xf32, #tpu.memory_space<vmem>> -> memref<200x64xf32, #tpu.memory_space<vmem>>
      %dma_wait3A_757 = arith.constant 0 : i32
      %dma_wait3A_758 = arith.constant 128 : i32
      %dma_wait3A_759 = tpu.memref_slice %arg8[%add3A_236, %dma_wait3A_757, %dma_wait3A_758] : memref<4096x200x192xf32, #tpu.memory_space<hbm>> -> memref<1x200x64xf32, #tpu.memory_space<hbm>>
      %dma_wait3A_760 = tpu.memref_squeeze %dma_wait3A_759 : memref<1x200x64xf32, #tpu.memory_space<hbm>> -> memref<200x64xf32, #tpu.memory_space<hbm>>
      %dma_wait3A_761 = arith.constant 0 : i32
      %dma_wait3A_762 = arith.constant 128 : i32
      %dma_wait3A_763 = tpu.memref_slice %arg8[%add3A_236, %dma_wait3A_761, %dma_wait3A_762] : memref<4096x200x192xf32, #tpu.memory_space<hbm>> -> memref<1x200x64xf32, #tpu.memory_space<hbm>>
      %dma_wait3A_764 = tpu.memref_squeeze %dma_wait3A_763 : memref<1x200x64xf32, #tpu.memory_space<hbm>> -> memref<200x64xf32, #tpu.memory_space<hbm>>
      %dma_wait3A_765 = arith.constant 0 : i32
      %dma_wait3A_766 = arith.constant 0 : i32
      %dma_wait3A_767 = tpu.memref_slice %arg13[%dma_wait3A_765, %dma_wait3A_766] : memref<208x64xf32, #tpu.memory_space<vmem>> -> memref<200x64xf32, #tpu.memory_space<vmem>>
      tpu.wait_dma2 semaphore(%arg21 : memref<!tpu.dma_semaphore, #tpu.memory_space<semaphore_mem>>) src(%dma_wait3A_767 : memref<200x64xf32, #tpu.memory_space<vmem>>) dst(%dma_wait3A_764 : memref<200x64xf32, #tpu.memory_space<hbm>>)
      %dma_start3A_768 = arith.constant 4 : i32
      %dma_start3A_769 = arith.constant 0 : i32
      %dma_start3A_770 = arith.constant 0 : i32
      %dma_start3A_771 = tpu.memref_slice %arg13[%dma_start3A_769, %dma_start3A_770] : memref<208x64xf32, #tpu.memory_space<vmem>> -> memref<104x64xf32, #tpu.memory_space<vmem>>
      %dma_start3A_772 = arith.constant 0 : i32
      %dma_start3A_773 = tpu.memref_slice %arg10[%dma_start3A_768, %dma_start3A_772] : memref<6x104xi32, #tpu.memory_space<vmem>> -> memref<1x104xi32, #tpu.memory_space<vmem>>
      %dma_start3A_774 = tpu.memref_squeeze %dma_start3A_773 : memref<1x104xi32, #tpu.memory_space<vmem>> -> memref<104xi32, #tpu.memory_space<vmem>>
      %dma_start3A_775 = arith.constant 0 : i32
      %dma_start3A_776 = arith.constant 0 : i32
      %dma_start3A_777 = tpu.memref_slice %arg7[%dma_start3A_775, %dma_start3A_776] : memref<100000x64xf32, #tpu.memory_space<hbm>> -> memref<100000x64xf32, #tpu.memory_space<hbm>>
      tpu.enqueue_indirect_dma source(%dma_start3A_777 : memref<100000x64xf32, #tpu.memory_space<hbm>>) target(%dma_start3A_771 : memref<104x64xf32, #tpu.memory_space<vmem>>) offsets(%dma_start3A_774 : memref<104xi32, #tpu.memory_space<vmem>>) semaphore(%arg18 : memref<!tpu.dma_semaphore, #tpu.memory_space<semaphore_mem>>)
      %dma_start3A_778 = arith.constant 5 : i32
      %dma_start3A_779 = arith.constant 96 : i32
      %dma_start3A_780 = arith.constant 0 : i32
      %dma_start3A_781 = tpu.memref_slice %arg13[%dma_start3A_779, %dma_start3A_780] : memref<208x64xf32, #tpu.memory_space<vmem>> -> memref<104x64xf32, #tpu.memory_space<vmem>>
      %dma_start3A_782 = arith.constant 0 : i32
      %dma_start3A_783 = tpu.memref_slice %arg10[%dma_start3A_778, %dma_start3A_782] : memref<6x104xi32, #tpu.memory_space<vmem>> -> memref<1x104xi32, #tpu.memory_space<vmem>>
      %dma_start3A_784 = tpu.memref_squeeze %dma_start3A_783 : memref<1x104xi32, #tpu.memory_space<vmem>> -> memref<104xi32, #tpu.memory_space<vmem>>
      %dma_start3A_785 = arith.constant 0 : i32
      %dma_start3A_786 = arith.constant 0 : i32
      %dma_start3A_787 = tpu.memref_slice %arg7[%dma_start3A_785, %dma_start3A_786] : memref<100000x64xf32, #tpu.memory_space<hbm>> -> memref<100000x64xf32, #tpu.memory_space<hbm>>
      tpu.enqueue_indirect_dma source(%dma_start3A_787 : memref<100000x64xf32, #tpu.memory_space<hbm>>) target(%dma_start3A_781 : memref<104x64xf32, #tpu.memory_space<vmem>>) offsets(%dma_start3A_784 : memref<104xi32, #tpu.memory_space<vmem>>) semaphore(%arg18 : memref<!tpu.dma_semaphore, #tpu.memory_space<semaphore_mem>>)
      %dma_wait3A_788 = arith.constant 2 : i32
      %dma_wait3A_789 = arith.constant 0 : i32
      %dma_wait3A_790 = arith.constant 0 : i32
      %dma_wait3A_791 = tpu.memref_slice %arg12[%dma_wait3A_789, %dma_wait3A_790] : memref<208x64xf32, #tpu.memory_space<vmem>> -> memref<104x64xf32, #tpu.memory_space<vmem>>
      %dma_wait3A_792 = arith.constant 0 : i32
      %dma_wait3A_793 = tpu.memref_slice %arg10[%dma_wait3A_788, %dma_wait3A_792] : memref<6x104xi32, #tpu.memory_space<vmem>> -> memref<1x104xi32, #tpu.memory_space<vmem>>
      %dma_wait3A_794 = tpu.memref_squeeze %dma_wait3A_793 : memref<1x104xi32, #tpu.memory_space<vmem>> -> memref<104xi32, #tpu.memory_space<vmem>>
      %dma_wait3A_795 = arith.constant 0 : i32
      %dma_wait3A_796 = arith.constant 0 : i32
      %dma_wait3A_797 = tpu.memref_slice %arg6[%dma_wait3A_795, %dma_wait3A_796] : memref<100000x64xf32, #tpu.memory_space<hbm>> -> memref<100000x64xf32, #tpu.memory_space<hbm>>
      tpu.wait_indirect_dma semaphore(%arg17 : memref<!tpu.dma_semaphore, #tpu.memory_space<semaphore_mem>>) src(%dma_wait3A_797 : memref<100000x64xf32, #tpu.memory_space<hbm>>) dst(%dma_wait3A_791 : memref<104x64xf32, #tpu.memory_space<vmem>>)
      %dma_wait3A_798 = arith.constant 3 : i32
      %dma_wait3A_799 = arith.constant 96 : i32
      %dma_wait3A_800 = arith.constant 0 : i32
      %dma_wait3A_801 = tpu.memref_slice %arg12[%dma_wait3A_799, %dma_wait3A_800] : memref<208x64xf32, #tpu.memory_space<vmem>> -> memref<104x64xf32, #tpu.memory_space<vmem>>
      %dma_wait3A_802 = arith.constant 0 : i32
      %dma_wait3A_803 = tpu.memref_slice %arg10[%dma_wait3A_798, %dma_wait3A_802] : memref<6x104xi32, #tpu.memory_space<vmem>> -> memref<1x104xi32, #tpu.memory_space<vmem>>
      %dma_wait3A_804 = tpu.memref_squeeze %dma_wait3A_803 : memref<1x104xi32, #tpu.memory_space<vmem>> -> memref<104xi32, #tpu.memory_space<vmem>>
      %dma_wait3A_805 = arith.constant 0 : i32
      %dma_wait3A_806 = arith.constant 0 : i32
      %dma_wait3A_807 = tpu.memref_slice %arg6[%dma_wait3A_805, %dma_wait3A_806] : memref<100000x64xf32, #tpu.memory_space<hbm>> -> memref<100000x64xf32, #tpu.memory_space<hbm>>
      tpu.wait_indirect_dma semaphore(%arg17 : memref<!tpu.dma_semaphore, #tpu.memory_space<semaphore_mem>>) src(%dma_wait3A_807 : memref<100000x64xf32, #tpu.memory_space<hbm>>) dst(%dma_wait3A_801 : memref<104x64xf32, #tpu.memory_space<vmem>>)
      %scan3A_808 = arith.constant 0 : i32
      %scan3A_809 = arith.constant 0 : i32
      %scan3A_810 = arith.constant 25 : i32
      %scan3A_811 = arith.addi %scan3A_809, %scan3A_810 : i32
      %scan3A_812 = arith.constant 1 : i32
      scf.for %scan3A_980 = %scan3A_809 to %scan3A_811 step %scan3A_812  : i32 {
        %mul3A_981 = arith.constant 8 : i32
        %mul3A_982 = arith.muli %scan3A_980, %mul3A_981 : i32
        %add3A_983 = arith.constant 0 : i32
        %add3A_984 = arith.addi %mul3A_982, %add3A_983 : i32
        %add3A_985 = arith.constant 1 : i32
        %add3A_986 = arith.addi %mul3A_982, %add3A_985 : i32
        %add3A_987 = arith.constant 2 : i32
        %add3A_988 = arith.addi %mul3A_982, %add3A_987 : i32
        %add3A_989 = arith.constant 3 : i32
        %add3A_990 = arith.addi %mul3A_982, %add3A_989 : i32
        %add3A_991 = arith.constant 4 : i32
        %add3A_992 = arith.addi %mul3A_982, %add3A_991 : i32
        %add3A_993 = arith.constant 5 : i32
        %add3A_994 = arith.addi %mul3A_982, %add3A_993 : i32
        %add3A_995 = arith.constant 6 : i32
        %add3A_996 = arith.addi %mul3A_982, %add3A_995 : i32
        %add3A_997 = arith.constant 7 : i32
        %add3A_998 = arith.addi %mul3A_982, %add3A_997 : i32
        %get3A = arith.constant 0 : i32
        %get3A_999 = tpu.memref_slice %arg12[%add3A_984, %get3A] : memref<208x64xf32, #tpu.memory_space<vmem>> -> memref<1x64xf32, #tpu.memory_space<vmem>>
        %get3A_1000 = tpu.memref_squeeze %get3A_999 : memref<1x64xf32, #tpu.memory_space<vmem>> -> memref<64xf32, #tpu.memory_space<vmem>>
        %get3A_1001 = arith.constant 0 : index
        %get3A_1002 = tpu.vector_load %get3A_1000[%get3A_1001] {strides = array<i32>} : memref<64xf32, #tpu.memory_space<vmem>>, vector<16xf32>,
        %mul3A_1003 = arith.constant 8.000000e+00 : f32
        %mul3A_1004 = vector.broadcast %mul3A_1003 : f32 to vector<16xf32>
        %mul3A_1005 = arith.mulf %get3A_1002, %mul3A_1004 : vector<16xf32>
        %get3A_1006 = arith.constant 0 : i32
        %get3A_1007 = tpu.memref_slice %arg12[%add3A_984, %get3A_1006] : memref<208x64xf32, #tpu.memory_space<vmem>> -> memref<1x64xf32, #tpu.memory_space<vmem>>
        %get3A_1008 = tpu.memref_squeeze %get3A_1007 : memref<1x64xf32, #tpu.memory_space<vmem>> -> memref<64xf32, #tpu.memory_space<vmem>>
        %get3A_1009 = arith.constant 16 : index
        %get3A_1010 = tpu.vector_load %get3A_1008[%get3A_1009] {strides = array<i32>} : memref<64xf32, #tpu.memory_space<vmem>>, vector<16xf32>,
        %mul3A_1011 = arith.constant 8.000000e+00 : f32
        %mul3A_1012 = vector.broadcast %mul3A_1011 : f32 to vector<16xf32>
        %mul3A_1013 = arith.mulf %get3A_1010, %mul3A_1012 : vector<16xf32>
        %get3A_1014 = arith.constant 0 : i32
        %get3A_1015 = tpu.memref_slice %arg12[%add3A_984, %get3A_1014] : memref<208x64xf32, #tpu.memory_space<vmem>> -> memref<1x64xf32, #tpu.memory_space<vmem>>
        %get3A_1016 = tpu.memref_squeeze %get3A_1015 : memref<1x64xf32, #tpu.memory_space<vmem>> -> memref<64xf32, #tpu.memory_space<vmem>>
        %get3A_1017 = arith.constant 32 : index
        %get3A_1018 = tpu.vector_load %get3A_1016[%get3A_1017] {strides = array<i32>} : memref<64xf32, #tpu.memory_space<vmem>>, vector<16xf32>,
        %mul3A_1019 = arith.constant 8.000000e+00 : f32
        %mul3A_1020 = vector.broadcast %mul3A_1019 : f32 to vector<16xf32>
        %mul3A_1021 = arith.mulf %get3A_1018, %mul3A_1020 : vector<16xf32>
        %get3A_1022 = arith.constant 0 : i32
        %get3A_1023 = tpu.memref_slice %arg12[%add3A_984, %get3A_1022] : memref<208x64xf32, #tpu.memory_space<vmem>> -> memref<1x64xf32, #tpu.memory_space<vmem>>
        %get3A_1024 = tpu.memref_squeeze %get3A_1023 : memref<1x64xf32, #tpu.memory_space<vmem>> -> memref<64xf32, #tpu.memory_space<vmem>>
        %get3A_1025 = arith.constant 48 : index
        %get3A_1026 = tpu.vector_load %get3A_1024[%get3A_1025] {strides = array<i32>} : memref<64xf32, #tpu.memory_space<vmem>>, vector<16xf32>,
        %mul3A_1027 = arith.constant 8.000000e+00 : f32
        %mul3A_1028 = vector.broadcast %mul3A_1027 : f32 to vector<16xf32>
        %mul3A_1029 = arith.mulf %get3A_1026, %mul3A_1028 : vector<16xf32>
        %get3A_1030 = arith.constant 0 : i32
        %get3A_1031 = tpu.memref_slice %arg12[%add3A_986, %get3A_1030] : memref<208x64xf32, #tpu.memory_space<vmem>> -> memref<1x64xf32, #tpu.memory_space<vmem>>
        %get3A_1032 = tpu.memref_squeeze %get3A_1031 : memref<1x64xf32, #tpu.memory_space<vmem>> -> memref<64xf32, #tpu.memory_space<vmem>>
        %get3A_1033 = arith.constant 0 : index
        %get3A_1034 = tpu.vector_load %get3A_1032[%get3A_1033] {strides = array<i32>} : memref<64xf32, #tpu.memory_space<vmem>>, vector<16xf32>,
        %mul3A_1035 = arith.constant 8.000000e+00 : f32
        %mul3A_1036 = vector.broadcast %mul3A_1035 : f32 to vector<16xf32>
        %mul3A_1037 = arith.mulf %get3A_1034, %mul3A_1036 : vector<16xf32>
        %get3A_1038 = arith.constant 0 : i32
        %get3A_1039 = tpu.memref_slice %arg12[%add3A_986, %get3A_1038] : memref<208x64xf32, #tpu.memory_space<vmem>> -> memref<1x64xf32, #tpu.memory_space<vmem>>
        %get3A_1040 = tpu.memref_squeeze %get3A_1039 : memref<1x64xf32, #tpu.memory_space<vmem>> -> memref<64xf32, #tpu.memory_space<vmem>>
        %get3A_1041 = arith.constant 16 : index
        %get3A_1042 = tpu.vector_load %get3A_1040[%get3A_1041] {strides = array<i32>} : memref<64xf32, #tpu.memory_space<vmem>>, vector<16xf32>,
        %mul3A_1043 = arith.constant 8.000000e+00 : f32
        %mul3A_1044 = vector.broadcast %mul3A_1043 : f32 to vector<16xf32>
        %mul3A_1045 = arith.mulf %get3A_1042, %mul3A_1044 : vector<16xf32>
        %get3A_1046 = arith.constant 0 : i32
        %get3A_1047 = tpu.memref_slice %arg12[%add3A_986, %get3A_1046] : memref<208x64xf32, #tpu.memory_space<vmem>> -> memref<1x64xf32, #tpu.memory_space<vmem>>
        %get3A_1048 = tpu.memref_squeeze %get3A_1047 : memref<1x64xf32, #tpu.memory_space<vmem>> -> memref<64xf32, #tpu.memory_space<vmem>>
        %get3A_1049 = arith.constant 32 : index
        %get3A_1050 = tpu.vector_load %get3A_1048[%get3A_1049] {strides = array<i32>} : memref<64xf32, #tpu.memory_space<vmem>>, vector<16xf32>,
        %mul3A_1051 = arith.constant 8.000000e+00 : f32
        %mul3A_1052 = vector.broadcast %mul3A_1051 : f32 to vector<16xf32>
        %mul3A_1053 = arith.mulf %get3A_1050, %mul3A_1052 : vector<16xf32>
        %get3A_1054 = arith.constant 0 : i32
        %get3A_1055 = tpu.memref_slice %arg12[%add3A_986, %get3A_1054] : memref<208x64xf32, #tpu.memory_space<vmem>> -> memref<1x64xf32, #tpu.memory_space<vmem>>
        %get3A_1056 = tpu.memref_squeeze %get3A_1055 : memref<1x64xf32, #tpu.memory_space<vmem>> -> memref<64xf32, #tpu.memory_space<vmem>>
        %get3A_1057 = arith.constant 48 : index
        %get3A_1058 = tpu.vector_load %get3A_1056[%get3A_1057] {strides = array<i32>} : memref<64xf32, #tpu.memory_space<vmem>>, vector<16xf32>,
        %mul3A_1059 = arith.constant 8.000000e+00 : f32
        %mul3A_1060 = vector.broadcast %mul3A_1059 : f32 to vector<16xf32>
        %mul3A_1061 = arith.mulf %get3A_1058, %mul3A_1060 : vector<16xf32>
        %get3A_1062 = arith.constant 0 : i32
        %get3A_1063 = tpu.memref_slice %arg12[%add3A_988, %get3A_1062] : memref<208x64xf32, #tpu.memory_space<vmem>> -> memref<1x64xf32, #tpu.memory_space<vmem>>
        %get3A_1064 = tpu.memref_squeeze %get3A_1063 : memref<1x64xf32, #tpu.memory_space<vmem>> -> memref<64xf32, #tpu.memory_space<vmem>>
        %get3A_1065 = arith.constant 0 : index
        %get3A_1066 = tpu.vector_load %get3A_1064[%get3A_1065] {strides = array<i32>} : memref<64xf32, #tpu.memory_space<vmem>>, vector<16xf32>,
        %mul3A_1067 = arith.constant 8.000000e+00 : f32
        %mul3A_1068 = vector.broadcast %mul3A_1067 : f32 to vector<16xf32>
        %mul3A_1069 = arith.mulf %get3A_1066, %mul3A_1068 : vector<16xf32>
        %get3A_1070 = arith.constant 0 : i32
        %get3A_1071 = tpu.memref_slice %arg12[%add3A_988, %get3A_1070] : memref<208x64xf32, #tpu.memory_space<vmem>> -> memref<1x64xf32, #tpu.memory_space<vmem>>
        %get3A_1072 = tpu.memref_squeeze %get3A_1071 : memref<1x64xf32, #tpu.memory_space<vmem>> -> memref<64xf32, #tpu.memory_space<vmem>>
        %get3A_1073 = arith.constant 16 : index
        %get3A_1074 = tpu.vector_load %get3A_1072[%get3A_1073] {strides = array<i32>} : memref<64xf32, #tpu.memory_space<vmem>>, vector<16xf32>,
        %mul3A_1075 = arith.constant 8.000000e+00 : f32
        %mul3A_1076 = vector.broadcast %mul3A_1075 : f32 to vector<16xf32>
        %mul3A_1077 = arith.mulf %get3A_1074, %mul3A_1076 : vector<16xf32>
        %get3A_1078 = arith.constant 0 : i32
        %get3A_1079 = tpu.memref_slice %arg12[%add3A_988, %get3A_1078] : memref<208x64xf32, #tpu.memory_space<vmem>> -> memref<1x64xf32, #tpu.memory_space<vmem>>
        %get3A_1080 = tpu.memref_squeeze %get3A_1079 : memref<1x64xf32, #tpu.memory_space<vmem>> -> memref<64xf32, #tpu.memory_space<vmem>>
        %get3A_1081 = arith.constant 32 : index
        %get3A_1082 = tpu.vector_load %get3A_1080[%get3A_1081] {strides = array<i32>} : memref<64xf32, #tpu.memory_space<vmem>>, vector<16xf32>,
        %mul3A_1083 = arith.constant 8.000000e+00 : f32
        %mul3A_1084 = vector.broadcast %mul3A_1083 : f32 to vector<16xf32>
        %mul3A_1085 = arith.mulf %get3A_1082, %mul3A_1084 : vector<16xf32>
        %get3A_1086 = arith.constant 0 : i32
        %get3A_1087 = tpu.memref_slice %arg12[%add3A_988, %get3A_1086] : memref<208x64xf32, #tpu.memory_space<vmem>> -> memref<1x64xf32, #tpu.memory_space<vmem>>
        %get3A_1088 = tpu.memref_squeeze %get3A_1087 : memref<1x64xf32, #tpu.memory_space<vmem>> -> memref<64xf32, #tpu.memory_space<vmem>>
        %get3A_1089 = arith.constant 48 : index
        %get3A_1090 = tpu.vector_load %get3A_1088[%get3A_1089] {strides = array<i32>} : memref<64xf32, #tpu.memory_space<vmem>>, vector<16xf32>,
        %mul3A_1091 = arith.constant 8.000000e+00 : f32
        %mul3A_1092 = vector.broadcast %mul3A_1091 : f32 to vector<16xf32>
        %mul3A_1093 = arith.mulf %get3A_1090, %mul3A_1092 : vector<16xf32>
        %get3A_1094 = arith.constant 0 : i32
        %get3A_1095 = tpu.memref_slice %arg12[%add3A_990, %get3A_1094] : memref<208x64xf32, #tpu.memory_space<vmem>> -> memref<1x64xf32, #tpu.memory_space<vmem>>
        %get3A_1096 = tpu.memref_squeeze %get3A_1095 : memref<1x64xf32, #tpu.memory_space<vmem>> -> memref<64xf32, #tpu.memory_space<vmem>>
        %get3A_1097 = arith.constant 0 : index
        %get3A_1098 = tpu.vector_load %get3A_1096[%get3A_1097] {strides = array<i32>} : memref<64xf32, #tpu.memory_space<vmem>>, vector<16xf32>,
        %mul3A_1099 = arith.constant 8.000000e+00 : f32
        %mul3A_1100 = vector.broadcast %mul3A_1099 : f32 to vector<16xf32>
        %mul3A_1101 = arith.mulf %get3A_1098, %mul3A_1100 : vector<16xf32>
        %get3A_1102 = arith.constant 0 : i32
        %get3A_1103 = tpu.memref_slice %arg12[%add3A_990, %get3A_1102] : memref<208x64xf32, #tpu.memory_space<vmem>> -> memref<1x64xf32, #tpu.memory_space<vmem>>
        %get3A_1104 = tpu.memref_squeeze %get3A_1103 : memref<1x64xf32, #tpu.memory_space<vmem>> -> memref<64xf32, #tpu.memory_space<vmem>>
        %get3A_1105 = arith.constant 16 : index
        %get3A_1106 = tpu.vector_load %get3A_1104[%get3A_1105] {strides = array<i32>} : memref<64xf32, #tpu.memory_space<vmem>>, vector<16xf32>,
        %mul3A_1107 = arith.constant 8.000000e+00 : f32
        %mul3A_1108 = vector.broadcast %mul3A_1107 : f32 to vector<16xf32>
        %mul3A_1109 = arith.mulf %get3A_1106, %mul3A_1108 : vector<16xf32>
        %get3A_1110 = arith.constant 0 : i32
        %get3A_1111 = tpu.memref_slice %arg12[%add3A_990, %get3A_1110] : memref<208x64xf32, #tpu.memory_space<vmem>> -> memref<1x64xf32, #tpu.memory_space<vmem>>
        %get3A_1112 = tpu.memref_squeeze %get3A_1111 : memref<1x64xf32, #tpu.memory_space<vmem>> -> memref<64xf32, #tpu.memory_space<vmem>>
        %get3A_1113 = arith.constant 32 : index
        %get3A_1114 = tpu.vector_load %get3A_1112[%get3A_1113] {strides = array<i32>} : memref<64xf32, #tpu.memory_space<vmem>>, vector<16xf32>,
        %mul3A_1115 = arith.constant 8.000000e+00 : f32
        %mul3A_1116 = vector.broadcast %mul3A_1115 : f32 to vector<16xf32>
        %mul3A_1117 = arith.mulf %get3A_1114, %mul3A_1116 : vector<16xf32>
        %get3A_1118 = arith.constant 0 : i32
        %get3A_1119 = tpu.memref_slice %arg12[%add3A_990, %get3A_1118] : memref<208x64xf32, #tpu.memory_space<vmem>> -> memref<1x64xf32, #tpu.memory_space<vmem>>
        %get3A_1120 = tpu.memref_squeeze %get3A_1119 : memref<1x64xf32, #tpu.memory_space<vmem>> -> memref<64xf32, #tpu.memory_space<vmem>>
        %get3A_1121 = arith.constant 48 : index
        %get3A_1122 = tpu.vector_load %get3A_1120[%get3A_1121] {strides = array<i32>} : memref<64xf32, #tpu.memory_space<vmem>>, vector<16xf32>,
        %mul3A_1123 = arith.constant 8.000000e+00 : f32
        %mul3A_1124 = vector.broadcast %mul3A_1123 : f32 to vector<16xf32>
        %mul3A_1125 = arith.mulf %get3A_1122, %mul3A_1124 : vector<16xf32>
        %get3A_1126 = arith.constant 0 : i32
        %get3A_1127 = tpu.memref_slice %arg12[%add3A_992, %get3A_1126] : memref<208x64xf32, #tpu.memory_space<vmem>> -> memref<1x64xf32, #tpu.memory_space<vmem>>
        %get3A_1128 = tpu.memref_squeeze %get3A_1127 : memref<1x64xf32, #tpu.memory_space<vmem>> -> memref<64xf32, #tpu.memory_space<vmem>>
        %get3A_1129 = arith.constant 0 : index
        %get3A_1130 = tpu.vector_load %get3A_1128[%get3A_1129] {strides = array<i32>} : memref<64xf32, #tpu.memory_space<vmem>>, vector<16xf32>,
        %mul3A_1131 = arith.constant 8.000000e+00 : f32
        %mul3A_1132 = vector.broadcast %mul3A_1131 : f32 to vector<16xf32>
        %mul3A_1133 = arith.mulf %get3A_1130, %mul3A_1132 : vector<16xf32>
        %get3A_1134 = arith.constant 0 : i32
        %get3A_1135 = tpu.memref_slice %arg12[%add3A_992, %get3A_1134] : memref<208x64xf32, #tpu.memory_space<vmem>> -> memref<1x64xf32, #tpu.memory_space<vmem>>
        %get3A_1136 = tpu.memref_squeeze %get3A_1135 : memref<1x64xf32, #tpu.memory_space<vmem>> -> memref<64xf32, #tpu.memory_space<vmem>>
        %get3A_1137 = arith.constant 16 : index
        %get3A_1138 = tpu.vector_load %get3A_1136[%get3A_1137] {strides = array<i32>} : memref<64xf32, #tpu.memory_space<vmem>>, vector<16xf32>,
        %mul3A_1139 = arith.constant 8.000000e+00 : f32
        %mul3A_1140 = vector.broadcast %mul3A_1139 : f32 to vector<16xf32>
        %mul3A_1141 = arith.mulf %get3A_1138, %mul3A_1140 : vector<16xf32>
        %get3A_1142 = arith.constant 0 : i32
        %get3A_1143 = tpu.memref_slice %arg12[%add3A_992, %get3A_1142] : memref<208x64xf32, #tpu.memory_space<vmem>> -> memref<1x64xf32, #tpu.memory_space<vmem>>
        %get3A_1144 = tpu.memref_squeeze %get3A_1143 : memref<1x64xf32, #tpu.memory_space<vmem>> -> memref<64xf32, #tpu.memory_space<vmem>>
        %get3A_1145 = arith.constant 32 : index
        %get3A_1146 = tpu.vector_load %get3A_1144[%get3A_1145] {strides = array<i32>} : memref<64xf32, #tpu.memory_space<vmem>>, vector<16xf32>,
        %mul3A_1147 = arith.constant 8.000000e+00 : f32
        %mul3A_1148 = vector.broadcast %mul3A_1147 : f32 to vector<16xf32>
        %mul3A_1149 = arith.mulf %get3A_1146, %mul3A_1148 : vector<16xf32>
        %get3A_1150 = arith.constant 0 : i32
        %get3A_1151 = tpu.memref_slice %arg12[%add3A_992, %get3A_1150] : memref<208x64xf32, #tpu.memory_space<vmem>> -> memref<1x64xf32, #tpu.memory_space<vmem>>
        %get3A_1152 = tpu.memref_squeeze %get3A_1151 : memref<1x64xf32, #tpu.memory_space<vmem>> -> memref<64xf32, #tpu.memory_space<vmem>>
        %get3A_1153 = arith.constant 48 : index
        %get3A_1154 = tpu.vector_load %get3A_1152[%get3A_1153] {strides = array<i32>} : memref<64xf32, #tpu.memory_space<vmem>>, vector<16xf32>,
        %mul3A_1155 = arith.constant 8.000000e+00 : f32
        %mul3A_1156 = vector.broadcast %mul3A_1155 : f32 to vector<16xf32>
        %mul3A_1157 = arith.mulf %get3A_1154, %mul3A_1156 : vector<16xf32>
        %get3A_1158 = arith.constant 0 : i32
        %get3A_1159 = tpu.memref_slice %arg12[%add3A_994, %get3A_1158] : memref<208x64xf32, #tpu.memory_space<vmem>> -> memref<1x64xf32, #tpu.memory_space<vmem>>
        %get3A_1160 = tpu.memref_squeeze %get3A_1159 : memref<1x64xf32, #tpu.memory_space<vmem>> -> memref<64xf32, #tpu.memory_space<vmem>>
        %get3A_1161 = arith.constant 0 : index
        %get3A_1162 = tpu.vector_load %get3A_1160[%get3A_1161] {strides = array<i32>} : memref<64xf32, #tpu.memory_space<vmem>>, vector<16xf32>,
        %mul3A_1163 = arith.constant 8.000000e+00 : f32
        %mul3A_1164 = vector.broadcast %mul3A_1163 : f32 to vector<16xf32>
        %mul3A_1165 = arith.mulf %get3A_1162, %mul3A_1164 : vector<16xf32>
        %get3A_1166 = arith.constant 0 : i32
        %get3A_1167 = tpu.memref_slice %arg12[%add3A_994, %get3A_1166] : memref<208x64xf32, #tpu.memory_space<vmem>> -> memref<1x64xf32, #tpu.memory_space<vmem>>
        %get3A_1168 = tpu.memref_squeeze %get3A_1167 : memref<1x64xf32, #tpu.memory_space<vmem>> -> memref<64xf32, #tpu.memory_space<vmem>>
        %get3A_1169 = arith.constant 16 : index
        %get3A_1170 = tpu.vector_load %get3A_1168[%get3A_1169] {strides = array<i32>} : memref<64xf32, #tpu.memory_space<vmem>>, vector<16xf32>,
        %mul3A_1171 = arith.constant 8.000000e+00 : f32
        %mul3A_1172 = vector.broadcast %mul3A_1171 : f32 to vector<16xf32>
        %mul3A_1173 = arith.mulf %get3A_1170, %mul3A_1172 : vector<16xf32>
        %get3A_1174 = arith.constant 0 : i32
        %get3A_1175 = tpu.memref_slice %arg12[%add3A_994, %get3A_1174] : memref<208x64xf32, #tpu.memory_space<vmem>> -> memref<1x64xf32, #tpu.memory_space<vmem>>
        %get3A_1176 = tpu.memref_squeeze %get3A_1175 : memref<1x64xf32, #tpu.memory_space<vmem>> -> memref<64xf32, #tpu.memory_space<vmem>>
        %get3A_1177 = arith.constant 32 : index
        %get3A_1178 = tpu.vector_load %get3A_1176[%get3A_1177] {strides = array<i32>} : memref<64xf32, #tpu.memory_space<vmem>>, vector<16xf32>,
        %mul3A_1179 = arith.constant 8.000000e+00 : f32
        %mul3A_1180 = vector.broadcast %mul3A_1179 : f32 to vector<16xf32>
        %mul3A_1181 = arith.mulf %get3A_1178, %mul3A_1180 : vector<16xf32>
        %get3A_1182 = arith.constant 0 : i32
        %get3A_1183 = tpu.memref_slice %arg12[%add3A_994, %get3A_1182] : memref<208x64xf32, #tpu.memory_space<vmem>> -> memref<1x64xf32, #tpu.memory_space<vmem>>
        %get3A_1184 = tpu.memref_squeeze %get3A_1183 : memref<1x64xf32, #tpu.memory_space<vmem>> -> memref<64xf32, #tpu.memory_space<vmem>>
        %get3A_1185 = arith.constant 48 : index
        %get3A_1186 = tpu.vector_load %get3A_1184[%get3A_1185] {strides = array<i32>} : memref<64xf32, #tpu.memory_space<vmem>>, vector<16xf32>,
        %mul3A_1187 = arith.constant 8.000000e+00 : f32
        %mul3A_1188 = vector.broadcast %mul3A_1187 : f32 to vector<16xf32>
        %mul3A_1189 = arith.mulf %get3A_1186, %mul3A_1188 : vector<16xf32>
        %get3A_1190 = arith.constant 0 : i32
        %get3A_1191 = tpu.memref_slice %arg12[%add3A_996, %get3A_1190] : memref<208x64xf32, #tpu.memory_space<vmem>> -> memref<1x64xf32, #tpu.memory_space<vmem>>
        %get3A_1192 = tpu.memref_squeeze %get3A_1191 : memref<1x64xf32, #tpu.memory_space<vmem>> -> memref<64xf32, #tpu.memory_space<vmem>>
        %get3A_1193 = arith.constant 0 : index
        %get3A_1194 = tpu.vector_load %get3A_1192[%get3A_1193] {strides = array<i32>} : memref<64xf32, #tpu.memory_space<vmem>>, vector<16xf32>,
        %mul3A_1195 = arith.constant 8.000000e+00 : f32
        %mul3A_1196 = vector.broadcast %mul3A_1195 : f32 to vector<16xf32>
        %mul3A_1197 = arith.mulf %get3A_1194, %mul3A_1196 : vector<16xf32>
        %get3A_1198 = arith.constant 0 : i32
        %get3A_1199 = tpu.memref_slice %arg12[%add3A_996, %get3A_1198] : memref<208x64xf32, #tpu.memory_space<vmem>> -> memref<1x64xf32, #tpu.memory_space<vmem>>
        %get3A_1200 = tpu.memref_squeeze %get3A_1199 : memref<1x64xf32, #tpu.memory_space<vmem>> -> memref<64xf32, #tpu.memory_space<vmem>>
        %get3A_1201 = arith.constant 16 : index
        %get3A_1202 = tpu.vector_load %get3A_1200[%get3A_1201] {strides = array<i32>} : memref<64xf32, #tpu.memory_space<vmem>>, vector<16xf32>,
        %mul3A_1203 = arith.constant 8.000000e+00 : f32
        %mul3A_1204 = vector.broadcast %mul3A_1203 : f32 to vector<16xf32>
        %mul3A_1205 = arith.mulf %get3A_1202, %mul3A_1204 : vector<16xf32>
        %get3A_1206 = arith.constant 0 : i32
        %get3A_1207 = tpu.memref_slice %arg12[%add3A_996, %get3A_1206] : memref<208x64xf32, #tpu.memory_space<vmem>> -> memref<1x64xf32, #tpu.memory_space<vmem>>
        %get3A_1208 = tpu.memref_squeeze %get3A_1207 : memref<1x64xf32, #tpu.memory_space<vmem>> -> memref<64xf32, #tpu.memory_space<vmem>>
        %get3A_1209 = arith.constant 32 : index
        %get3A_1210 = tpu.vector_load %get3A_1208[%get3A_1209] {strides = array<i32>} : memref<64xf32, #tpu.memory_space<vmem>>, vector<16xf32>,
        %mul3A_1211 = arith.constant 8.000000e+00 : f32
        %mul3A_1212 = vector.broadcast %mul3A_1211 : f32 to vector<16xf32>
        %mul3A_1213 = arith.mulf %get3A_1210, %mul3A_1212 : vector<16xf32>
        %get3A_1214 = arith.constant 0 : i32
        %get3A_1215 = tpu.memref_slice %arg12[%add3A_996, %get3A_1214] : memref<208x64xf32, #tpu.memory_space<vmem>> -> memref<1x64xf32, #tpu.memory_space<vmem>>
        %get3A_1216 = tpu.memref_squeeze %get3A_1215 : memref<1x64xf32, #tpu.memory_space<vmem>> -> memref<64xf32, #tpu.memory_space<vmem>>
        %get3A_1217 = arith.constant 48 : index
        %get3A_1218 = tpu.vector_load %get3A_1216[%get3A_1217] {strides = array<i32>} : memref<64xf32, #tpu.memory_space<vmem>>, vector<16xf32>,
        %mul3A_1219 = arith.constant 8.000000e+00 : f32
        %mul3A_1220 = vector.broadcast %mul3A_1219 : f32 to vector<16xf32>
        %mul3A_1221 = arith.mulf %get3A_1218, %mul3A_1220 : vector<16xf32>
        %get3A_1222 = arith.constant 0 : i32
        %get3A_1223 = tpu.memref_slice %arg12[%add3A_998, %get3A_1222] : memref<208x64xf32, #tpu.memory_space<vmem>> -> memref<1x64xf32, #tpu.memory_space<vmem>>
        %get3A_1224 = tpu.memref_squeeze %get3A_1223 : memref<1x64xf32, #tpu.memory_space<vmem>> -> memref<64xf32, #tpu.memory_space<vmem>>
        %get3A_1225 = arith.constant 0 : index
        %get3A_1226 = tpu.vector_load %get3A_1224[%get3A_1225] {strides = array<i32>} : memref<64xf32, #tpu.memory_space<vmem>>, vector<16xf32>,
        %mul3A_1227 = arith.constant 8.000000e+00 : f32
        %mul3A_1228 = vector.broadcast %mul3A_1227 : f32 to vector<16xf32>
        %mul3A_1229 = arith.mulf %get3A_1226, %mul3A_1228 : vector<16xf32>
        %get3A_1230 = arith.constant 0 : i32
        %get3A_1231 = tpu.memref_slice %arg12[%add3A_998, %get3A_1230] : memref<208x64xf32, #tpu.memory_space<vmem>> -> memref<1x64xf32, #tpu.memory_space<vmem>>
        %get3A_1232 = tpu.memref_squeeze %get3A_1231 : memref<1x64xf32, #tpu.memory_space<vmem>> -> memref<64xf32, #tpu.memory_space<vmem>>
        %get3A_1233 = arith.constant 16 : index
        %get3A_1234 = tpu.vector_load %get3A_1232[%get3A_1233] {strides = array<i32>} : memref<64xf32, #tpu.memory_space<vmem>>, vector<16xf32>,
        %mul3A_1235 = arith.constant 8.000000e+00 : f32
        %mul3A_1236 = vector.broadcast %mul3A_1235 : f32 to vector<16xf32>
        %mul3A_1237 = arith.mulf %get3A_1234, %mul3A_1236 : vector<16xf32>
        %get3A_1238 = arith.constant 0 : i32
        %get3A_1239 = tpu.memref_slice %arg12[%add3A_998, %get3A_1238] : memref<208x64xf32, #tpu.memory_space<vmem>> -> memref<1x64xf32, #tpu.memory_space<vmem>>
        %get3A_1240 = tpu.memref_squeeze %get3A_1239 : memref<1x64xf32, #tpu.memory_space<vmem>> -> memref<64xf32, #tpu.memory_space<vmem>>
        %get3A_1241 = arith.constant 32 : index
        %get3A_1242 = tpu.vector_load %get3A_1240[%get3A_1241] {strides = array<i32>} : memref<64xf32, #tpu.memory_space<vmem>>, vector<16xf32>,
        %mul3A_1243 = arith.constant 8.000000e+00 : f32
        %mul3A_1244 = vector.broadcast %mul3A_1243 : f32 to vector<16xf32>
        %mul3A_1245 = arith.mulf %get3A_1242, %mul3A_1244 : vector<16xf32>
        %get3A_1246 = arith.constant 0 : i32
        %get3A_1247 = tpu.memref_slice %arg12[%add3A_998, %get3A_1246] : memref<208x64xf32, #tpu.memory_space<vmem>> -> memref<1x64xf32, #tpu.memory_space<vmem>>
        %get3A_1248 = tpu.memref_squeeze %get3A_1247 : memref<1x64xf32, #tpu.memory_space<vmem>> -> memref<64xf32, #tpu.memory_space<vmem>>
        %get3A_1249 = arith.constant 48 : index
        %get3A_1250 = tpu.vector_load %get3A_1248[%get3A_1249] {strides = array<i32>} : memref<64xf32, #tpu.memory_space<vmem>>, vector<16xf32>,
        %mul3A_1251 = arith.constant 8.000000e+00 : f32
        %mul3A_1252 = vector.broadcast %mul3A_1251 : f32 to vector<16xf32>
        %mul3A_1253 = arith.mulf %get3A_1250, %mul3A_1252 : vector<16xf32>
        %swap3A = arith.constant 0 : i32
        %swap3A_1254 = tpu.memref_slice %arg12[%add3A_984, %swap3A] : memref<208x64xf32, #tpu.memory_space<vmem>> -> memref<1x64xf32, #tpu.memory_space<vmem>>
        %swap3A_1255 = tpu.memref_squeeze %swap3A_1254 : memref<1x64xf32, #tpu.memory_space<vmem>> -> memref<64xf32, #tpu.memory_space<vmem>>
        %swap3A_1256 = arith.constant 0 : index
        %swap3A_1257 = tpu.vector_load %swap3A_1255[%swap3A_1256] {strides = array<i32>} : memref<64xf32, #tpu.memory_space<vmem>>, vector<16xf32>,
        tpu.vector_store %swap3A_1255[%swap3A_1256], %mul3A_1005 {strides = array<i32>} : memref<64xf32, #tpu.memory_space<vmem>>, vector<16xf32>,
        %swap3A_1258 = arith.constant 0 : i32
        %swap3A_1259 = tpu.memref_slice %arg12[%add3A_984, %swap3A_1258] : memref<208x64xf32, #tpu.memory_space<vmem>> -> memref<1x64xf32, #tpu.memory_space<vmem>>
        %swap3A_1260 = tpu.memref_squeeze %swap3A_1259 : memref<1x64xf32, #tpu.memory_space<vmem>> -> memref<64xf32, #tpu.memory_space<vmem>>
        %swap3A_1261 = arith.constant 16 : index
        %swap3A_1262 = tpu.vector_load %swap3A_1260[%swap3A_1261] {strides = array<i32>} : memref<64xf32, #tpu.memory_space<vmem>>, vector<16xf32>,
        tpu.vector_store %swap3A_1260[%swap3A_1261], %mul3A_1013 {strides = array<i32>} : memref<64xf32, #tpu.memory_space<vmem>>, vector<16xf32>,
        %swap3A_1263 = arith.constant 0 : i32
        %swap3A_1264 = tpu.memref_slice %arg12[%add3A_984, %swap3A_1263] : memref<208x64xf32, #tpu.memory_space<vmem>> -> memref<1x64xf32, #tpu.memory_space<vmem>>
        %swap3A_1265 = tpu.memref_squeeze %swap3A_1264 : memref<1x64xf32, #tpu.memory_space<vmem>> -> memref<64xf32, #tpu.memory_space<vmem>>
        %swap3A_1266 = arith.constant 32 : index
        %swap3A_1267 = tpu.vector_load %swap3A_1265[%swap3A_1266] {strides = array<i32>} : memref<64xf32, #tpu.memory_space<vmem>>, vector<16xf32>,
        tpu.vector_store %swap3A_1265[%swap3A_1266], %mul3A_1021 {strides = array<i32>} : memref<64xf32, #tpu.memory_space<vmem>>, vector<16xf32>,
        %swap3A_1268 = arith.constant 0 : i32
        %swap3A_1269 = tpu.memref_slice %arg12[%add3A_984, %swap3A_1268] : memref<208x64xf32, #tpu.memory_space<vmem>> -> memref<1x64xf32, #tpu.memory_space<vmem>>
        %swap3A_1270 = tpu.memref_squeeze %swap3A_1269 : memref<1x64xf32, #tpu.memory_space<vmem>> -> memref<64xf32, #tpu.memory_space<vmem>>
        %swap3A_1271 = arith.constant 48 : index
        %swap3A_1272 = tpu.vector_load %swap3A_1270[%swap3A_1271] {strides = array<i32>} : memref<64xf32, #tpu.memory_space<vmem>>, vector<16xf32>,
        tpu.vector_store %swap3A_1270[%swap3A_1271], %mul3A_1029 {strides = array<i32>} : memref<64xf32, #tpu.memory_space<vmem>>, vector<16xf32>,
        %swap3A_1273 = arith.constant 0 : i32
        %swap3A_1274 = tpu.memref_slice %arg12[%add3A_986, %swap3A_1273] : memref<208x64xf32, #tpu.memory_space<vmem>> -> memref<1x64xf32, #tpu.memory_space<vmem>>
        %swap3A_1275 = tpu.memref_squeeze %swap3A_1274 : memref<1x64xf32, #tpu.memory_space<vmem>> -> memref<64xf32, #tpu.memory_space<vmem>>
        %swap3A_1276 = arith.constant 0 : index
        %swap3A_1277 = tpu.vector_load %swap3A_1275[%swap3A_1276] {strides = array<i32>} : memref<64xf32, #tpu.memory_space<vmem>>, vector<16xf32>,
        tpu.vector_store %swap3A_1275[%swap3A_1276], %mul3A_1037 {strides = array<i32>} : memref<64xf32, #tpu.memory_space<vmem>>, vector<16xf32>,
        %swap3A_1278 = arith.constant 0 : i32
        %swap3A_1279 = tpu.memref_slice %arg12[%add3A_986, %swap3A_1278] : memref<208x64xf32, #tpu.memory_space<vmem>> -> memref<1x64xf32, #tpu.memory_space<vmem>>
        %swap3A_1280 = tpu.memref_squeeze %swap3A_1279 : memref<1x64xf32, #tpu.memory_space<vmem>> -> memref<64xf32, #tpu.memory_space<vmem>>
        %swap3A_1281 = arith.constant 16 : index
        %swap3A_1282 = tpu.vector_load %swap3A_1280[%swap3A_1281] {strides = array<i32>} : memref<64xf32, #tpu.memory_space<vmem>>, vector<16xf32>,
        tpu.vector_store %swap3A_1280[%swap3A_1281], %mul3A_1045 {strides = array<i32>} : memref<64xf32, #tpu.memory_space<vmem>>, vector<16xf32>,
        %swap3A_1283 = arith.constant 0 : i32
        %swap3A_1284 = tpu.memref_slice %arg12[%add3A_986, %swap3A_1283] : memref<208x64xf32, #tpu.memory_space<vmem>> -> memref<1x64xf32, #tpu.memory_space<vmem>>
        %swap3A_1285 = tpu.memref_squeeze %swap3A_1284 : memref<1x64xf32, #tpu.memory_space<vmem>> -> memref<64xf32, #tpu.memory_space<vmem>>
        %swap3A_1286 = arith.constant 32 : index
        %swap3A_1287 = tpu.vector_load %swap3A_1285[%swap3A_1286] {strides = array<i32>} : memref<64xf32, #tpu.memory_space<vmem>>, vector<16xf32>,
        tpu.vector_store %swap3A_1285[%swap3A_1286], %mul3A_1053 {strides = array<i32>} : memref<64xf32, #tpu.memory_space<vmem>>, vector<16xf32>,
        %swap3A_1288 = arith.constant 0 : i32
        %swap3A_1289 = tpu.memref_slice %arg12[%add3A_986, %swap3A_1288] : memref<208x64xf32, #tpu.memory_space<vmem>> -> memref<1x64xf32, #tpu.memory_space<vmem>>
        %swap3A_1290 = tpu.memref_squeeze %swap3A_1289 : memref<1x64xf32, #tpu.memory_space<vmem>> -> memref<64xf32, #tpu.memory_space<vmem>>
        %swap3A_1291 = arith.constant 48 : index
        %swap3A_1292 = tpu.vector_load %swap3A_1290[%swap3A_1291] {strides = array<i32>} : memref<64xf32, #tpu.memory_space<vmem>>, vector<16xf32>,
        tpu.vector_store %swap3A_1290[%swap3A_1291], %mul3A_1061 {strides = array<i32>} : memref<64xf32, #tpu.memory_space<vmem>>, vector<16xf32>,
        %swap3A_1293 = arith.constant 0 : i32
        %swap3A_1294 = tpu.memref_slice %arg12[%add3A_988, %swap3A_1293] : memref<208x64xf32, #tpu.memory_space<vmem>> -> memref<1x64xf32, #tpu.memory_space<vmem>>
        %swap3A_1295 = tpu.memref_squeeze %swap3A_1294 : memref<1x64xf32, #tpu.memory_space<vmem>> -> memref<64xf32, #tpu.memory_space<vmem>>
        %swap3A_1296 = arith.constant 0 : index
        %swap3A_1297 = tpu.vector_load %swap3A_1295[%swap3A_1296] {strides = array<i32>} : memref<64xf32, #tpu.memory_space<vmem>>, vector<16xf32>,
        tpu.vector_store %swap3A_1295[%swap3A_1296], %mul3A_1069 {strides = array<i32>} : memref<64xf32, #tpu.memory_space<vmem>>, vector<16xf32>,
        %swap3A_1298 = arith.constant 0 : i32
        %swap3A_1299 = tpu.memref_slice %arg12[%add3A_988, %swap3A_1298] : memref<208x64xf32, #tpu.memory_space<vmem>> -> memref<1x64xf32, #tpu.memory_space<vmem>>
        %swap3A_1300 = tpu.memref_squeeze %swap3A_1299 : memref<1x64xf32, #tpu.memory_space<vmem>> -> memref<64xf32, #tpu.memory_space<vmem>>
        %swap3A_1301 = arith.constant 16 : index
        %swap3A_1302 = tpu.vector_load %swap3A_1300[%swap3A_1301] {strides = array<i32>} : memref<64xf32, #tpu.memory_space<vmem>>, vector<16xf32>,
        tpu.vector_store %swap3A_1300[%swap3A_1301], %mul3A_1077 {strides = array<i32>} : memref<64xf32, #tpu.memory_space<vmem>>, vector<16xf32>,
        %swap3A_1303 = arith.constant 0 : i32
        %swap3A_1304 = tpu.memref_slice %arg12[%add3A_988, %swap3A_1303] : memref<208x64xf32, #tpu.memory_space<vmem>> -> memref<1x64xf32, #tpu.memory_space<vmem>>
        %swap3A_1305 = tpu.memref_squeeze %swap3A_1304 : memref<1x64xf32, #tpu.memory_space<vmem>> -> memref<64xf32, #tpu.memory_space<vmem>>
        %swap3A_1306 = arith.constant 32 : index
        %swap3A_1307 = tpu.vector_load %swap3A_1305[%swap3A_1306] {strides = array<i32>} : memref<64xf32, #tpu.memory_space<vmem>>, vector<16xf32>,
        tpu.vector_store %swap3A_1305[%swap3A_1306], %mul3A_1085 {strides = array<i32>} : memref<64xf32, #tpu.memory_space<vmem>>, vector<16xf32>,
        %swap3A_1308 = arith.constant 0 : i32
        %swap3A_1309 = tpu.memref_slice %arg12[%add3A_988, %swap3A_1308] : memref<208x64xf32, #tpu.memory_space<vmem>> -> memref<1x64xf32, #tpu.memory_space<vmem>>
        %swap3A_1310 = tpu.memref_squeeze %swap3A_1309 : memref<1x64xf32, #tpu.memory_space<vmem>> -> memref<64xf32, #tpu.memory_space<vmem>>
        %swap3A_1311 = arith.constant 48 : index
        %swap3A_1312 = tpu.vector_load %swap3A_1310[%swap3A_1311] {strides = array<i32>} : memref<64xf32, #tpu.memory_space<vmem>>, vector<16xf32>,
        tpu.vector_store %swap3A_1310[%swap3A_1311], %mul3A_1093 {strides = array<i32>} : memref<64xf32, #tpu.memory_space<vmem>>, vector<16xf32>,
        %swap3A_1313 = arith.constant 0 : i32
        %swap3A_1314 = tpu.memref_slice %arg12[%add3A_990, %swap3A_1313] : memref<208x64xf32, #tpu.memory_space<vmem>> -> memref<1x64xf32, #tpu.memory_space<vmem>>
        %swap3A_1315 = tpu.memref_squeeze %swap3A_1314 : memref<1x64xf32, #tpu.memory_space<vmem>> -> memref<64xf32, #tpu.memory_space<vmem>>
        %swap3A_1316 = arith.constant 0 : index
        %swap3A_1317 = tpu.vector_load %swap3A_1315[%swap3A_1316] {strides = array<i32>} : memref<64xf32, #tpu.memory_space<vmem>>, vector<16xf32>,
        tpu.vector_store %swap3A_1315[%swap3A_1316], %mul3A_1101 {strides = array<i32>} : memref<64xf32, #tpu.memory_space<vmem>>, vector<16xf32>,
        %swap3A_1318 = arith.constant 0 : i32
        %swap3A_1319 = tpu.memref_slice %arg12[%add3A_990, %swap3A_1318] : memref<208x64xf32, #tpu.memory_space<vmem>> -> memref<1x64xf32, #tpu.memory_space<vmem>>
        %swap3A_1320 = tpu.memref_squeeze %swap3A_1319 : memref<1x64xf32, #tpu.memory_space<vmem>> -> memref<64xf32, #tpu.memory_space<vmem>>
        %swap3A_1321 = arith.constant 16 : index
        %swap3A_1322 = tpu.vector_load %swap3A_1320[%swap3A_1321] {strides = array<i32>} : memref<64xf32, #tpu.memory_space<vmem>>, vector<16xf32>,
        tpu.vector_store %swap3A_1320[%swap3A_1321], %mul3A_1109 {strides = array<i32>} : memref<64xf32, #tpu.memory_space<vmem>>, vector<16xf32>,
        %swap3A_1323 = arith.constant 0 : i32
        %swap3A_1324 = tpu.memref_slice %arg12[%add3A_990, %swap3A_1323] : memref<208x64xf32, #tpu.memory_space<vmem>> -> memref<1x64xf32, #tpu.memory_space<vmem>>
        %swap3A_1325 = tpu.memref_squeeze %swap3A_1324 : memref<1x64xf32, #tpu.memory_space<vmem>> -> memref<64xf32, #tpu.memory_space<vmem>>
        %swap3A_1326 = arith.constant 32 : index
        %swap3A_1327 = tpu.vector_load %swap3A_1325[%swap3A_1326] {strides = array<i32>} : memref<64xf32, #tpu.memory_space<vmem>>, vector<16xf32>,
        tpu.vector_store %swap3A_1325[%swap3A_1326], %mul3A_1117 {strides = array<i32>} : memref<64xf32, #tpu.memory_space<vmem>>, vector<16xf32>,
        %swap3A_1328 = arith.constant 0 : i32
        %swap3A_1329 = tpu.memref_slice %arg12[%add3A_990, %swap3A_1328] : memref<208x64xf32, #tpu.memory_space<vmem>> -> memref<1x64xf32, #tpu.memory_space<vmem>>
        %swap3A_1330 = tpu.memref_squeeze %swap3A_1329 : memref<1x64xf32, #tpu.memory_space<vmem>> -> memref<64xf32, #tpu.memory_space<vmem>>
        %swap3A_1331 = arith.constant 48 : index
        %swap3A_1332 = tpu.vector_load %swap3A_1330[%swap3A_1331] {strides = array<i32>} : memref<64xf32, #tpu.memory_space<vmem>>, vector<16xf32>,
        tpu.vector_store %swap3A_1330[%swap3A_1331], %mul3A_1125 {strides = array<i32>} : memref<64xf32, #tpu.memory_space<vmem>>, vector<16xf32>,
        %swap3A_1333 = arith.constant 0 : i32
        %swap3A_1334 = tpu.memref_slice %arg12[%add3A_992, %swap3A_1333] : memref<208x64xf32, #tpu.memory_space<vmem>> -> memref<1x64xf32, #tpu.memory_space<vmem>>
        %swap3A_1335 = tpu.memref_squeeze %swap3A_1334 : memref<1x64xf32, #tpu.memory_space<vmem>> -> memref<64xf32, #tpu.memory_space<vmem>>
        %swap3A_1336 = arith.constant 0 : index
        %swap3A_1337 = tpu.vector_load %swap3A_1335[%swap3A_1336] {strides = array<i32>} : memref<64xf32, #tpu.memory_space<vmem>>, vector<16xf32>,
        tpu.vector_store %swap3A_1335[%swap3A_1336], %mul3A_1133 {strides = array<i32>} : memref<64xf32, #tpu.memory_space<vmem>>, vector<16xf32>,
        %swap3A_1338 = arith.constant 0 : i32
        %swap3A_1339 = tpu.memref_slice %arg12[%add3A_992, %swap3A_1338] : memref<208x64xf32, #tpu.memory_space<vmem>> -> memref<1x64xf32, #tpu.memory_space<vmem>>
        %swap3A_1340 = tpu.memref_squeeze %swap3A_1339 : memref<1x64xf32, #tpu.memory_space<vmem>> -> memref<64xf32, #tpu.memory_space<vmem>>
        %swap3A_1341 = arith.constant 16 : index
        %swap3A_1342 = tpu.vector_load %swap3A_1340[%swap3A_1341] {strides = array<i32>} : memref<64xf32, #tpu.memory_space<vmem>>, vector<16xf32>,
        tpu.vector_store %swap3A_1340[%swap3A_1341], %mul3A_1141 {strides = array<i32>} : memref<64xf32, #tpu.memory_space<vmem>>, vector<16xf32>,
        %swap3A_1343 = arith.constant 0 : i32
        %swap3A_1344 = tpu.memref_slice %arg12[%add3A_992, %swap3A_1343] : memref<208x64xf32, #tpu.memory_space<vmem>> -> memref<1x64xf32, #tpu.memory_space<vmem>>
        %swap3A_1345 = tpu.memref_squeeze %swap3A_1344 : memref<1x64xf32, #tpu.memory_space<vmem>> -> memref<64xf32, #tpu.memory_space<vmem>>
        %swap3A_1346 = arith.constant 32 : index
        %swap3A_1347 = tpu.vector_load %swap3A_1345[%swap3A_1346] {strides = array<i32>} : memref<64xf32, #tpu.memory_space<vmem>>, vector<16xf32>,
        tpu.vector_store %swap3A_1345[%swap3A_1346], %mul3A_1149 {strides = array<i32>} : memref<64xf32, #tpu.memory_space<vmem>>, vector<16xf32>,
        %swap3A_1348 = arith.constant 0 : i32
        %swap3A_1349 = tpu.memref_slice %arg12[%add3A_992, %swap3A_1348] : memref<208x64xf32, #tpu.memory_space<vmem>> -> memref<1x64xf32, #tpu.memory_space<vmem>>
        %swap3A_1350 = tpu.memref_squeeze %swap3A_1349 : memref<1x64xf32, #tpu.memory_space<vmem>> -> memref<64xf32, #tpu.memory_space<vmem>>
        %swap3A_1351 = arith.constant 48 : index
        %swap3A_1352 = tpu.vector_load %swap3A_1350[%swap3A_1351] {strides = array<i32>} : memref<64xf32, #tpu.memory_space<vmem>>, vector<16xf32>,
        tpu.vector_store %swap3A_1350[%swap3A_1351], %mul3A_1157 {strides = array<i32>} : memref<64xf32, #tpu.memory_space<vmem>>, vector<16xf32>,
        %swap3A_1353 = arith.constant 0 : i32
        %swap3A_1354 = tpu.memref_slice %arg12[%add3A_994, %swap3A_1353] : memref<208x64xf32, #tpu.memory_space<vmem>> -> memref<1x64xf32, #tpu.memory_space<vmem>>
        %swap3A_1355 = tpu.memref_squeeze %swap3A_1354 : memref<1x64xf32, #tpu.memory_space<vmem>> -> memref<64xf32, #tpu.memory_space<vmem>>
        %swap3A_1356 = arith.constant 0 : index
        %swap3A_1357 = tpu.vector_load %swap3A_1355[%swap3A_1356] {strides = array<i32>} : memref<64xf32, #tpu.memory_space<vmem>>, vector<16xf32>,
        tpu.vector_store %swap3A_1355[%swap3A_1356], %mul3A_1165 {strides = array<i32>} : memref<64xf32, #tpu.memory_space<vmem>>, vector<16xf32>,
        %swap3A_1358 = arith.constant 0 : i32
        %swap3A_1359 = tpu.memref_slice %arg12[%add3A_994, %swap3A_1358] : memref<208x64xf32, #tpu.memory_space<vmem>> -> memref<1x64xf32, #tpu.memory_space<vmem>>
        %swap3A_1360 = tpu.memref_squeeze %swap3A_1359 : memref<1x64xf32, #tpu.memory_space<vmem>> -> memref<64xf32, #tpu.memory_space<vmem>>
        %swap3A_1361 = arith.constant 16 : index
        %swap3A_1362 = tpu.vector_load %swap3A_1360[%swap3A_1361] {strides = array<i32>} : memref<64xf32, #tpu.memory_space<vmem>>, vector<16xf32>,
        tpu.vector_store %swap3A_1360[%swap3A_1361], %mul3A_1173 {strides = array<i32>} : memref<64xf32, #tpu.memory_space<vmem>>, vector<16xf32>,
        %swap3A_1363 = arith.constant 0 : i32
        %swap3A_1364 = tpu.memref_slice %arg12[%add3A_994, %swap3A_1363] : memref<208x64xf32, #tpu.memory_space<vmem>> -> memref<1x64xf32, #tpu.memory_space<vmem>>
        %swap3A_1365 = tpu.memref_squeeze %swap3A_1364 : memref<1x64xf32, #tpu.memory_space<vmem>> -> memref<64xf32, #tpu.memory_space<vmem>>
        %swap3A_1366 = arith.constant 32 : index
        %swap3A_1367 = tpu.vector_load %swap3A_1365[%swap3A_1366] {strides = array<i32>} : memref<64xf32, #tpu.memory_space<vmem>>, vector<16xf32>,
        tpu.vector_store %swap3A_1365[%swap3A_1366], %mul3A_1181 {strides = array<i32>} : memref<64xf32, #tpu.memory_space<vmem>>, vector<16xf32>,
        %swap3A_1368 = arith.constant 0 : i32
        %swap3A_1369 = tpu.memref_slice %arg12[%add3A_994, %swap3A_1368] : memref<208x64xf32, #tpu.memory_space<vmem>> -> memref<1x64xf32, #tpu.memory_space<vmem>>
        %swap3A_1370 = tpu.memref_squeeze %swap3A_1369 : memref<1x64xf32, #tpu.memory_space<vmem>> -> memref<64xf32, #tpu.memory_space<vmem>>
        %swap3A_1371 = arith.constant 48 : index
        %swap3A_1372 = tpu.vector_load %swap3A_1370[%swap3A_1371] {strides = array<i32>} : memref<64xf32, #tpu.memory_space<vmem>>, vector<16xf32>,
        tpu.vector_store %swap3A_1370[%swap3A_1371], %mul3A_1189 {strides = array<i32>} : memref<64xf32, #tpu.memory_space<vmem>>, vector<16xf32>,
        %swap3A_1373 = arith.constant 0 : i32
        %swap3A_1374 = tpu.memref_slice %arg12[%add3A_996, %swap3A_1373] : memref<208x64xf32, #tpu.memory_space<vmem>> -> memref<1x64xf32, #tpu.memory_space<vmem>>
        %swap3A_1375 = tpu.memref_squeeze %swap3A_1374 : memref<1x64xf32, #tpu.memory_space<vmem>> -> memref<64xf32, #tpu.memory_space<vmem>>
        %swap3A_1376 = arith.constant 0 : index
        %swap3A_1377 = tpu.vector_load %swap3A_1375[%swap3A_1376] {strides = array<i32>} : memref<64xf32, #tpu.memory_space<vmem>>, vector<16xf32>,
        tpu.vector_store %swap3A_1375[%swap3A_1376], %mul3A_1197 {strides = array<i32>} : memref<64xf32, #tpu.memory_space<vmem>>, vector<16xf32>,
        %swap3A_1378 = arith.constant 0 : i32
        %swap3A_1379 = tpu.memref_slice %arg12[%add3A_996, %swap3A_1378] : memref<208x64xf32, #tpu.memory_space<vmem>> -> memref<1x64xf32, #tpu.memory_space<vmem>>
        %swap3A_1380 = tpu.memref_squeeze %swap3A_1379 : memref<1x64xf32, #tpu.memory_space<vmem>> -> memref<64xf32, #tpu.memory_space<vmem>>
        %swap3A_1381 = arith.constant 16 : index
        %swap3A_1382 = tpu.vector_load %swap3A_1380[%swap3A_1381] {strides = array<i32>} : memref<64xf32, #tpu.memory_space<vmem>>, vector<16xf32>,
        tpu.vector_store %swap3A_1380[%swap3A_1381], %mul3A_1205 {strides = array<i32>} : memref<64xf32, #tpu.memory_space<vmem>>, vector<16xf32>,
        %swap3A_1383 = arith.constant 0 : i32
        %swap3A_1384 = tpu.memref_slice %arg12[%add3A_996, %swap3A_1383] : memref<208x64xf32, #tpu.memory_space<vmem>> -> memref<1x64xf32, #tpu.memory_space<vmem>>
        %swap3A_1385 = tpu.memref_squeeze %swap3A_1384 : memref<1x64xf32, #tpu.memory_space<vmem>> -> memref<64xf32, #tpu.memory_space<vmem>>
        %swap3A_1386 = arith.constant 32 : index
        %swap3A_1387 = tpu.vector_load %swap3A_1385[%swap3A_1386] {strides = array<i32>} : memref<64xf32, #tpu.memory_space<vmem>>, vector<16xf32>,
        tpu.vector_store %swap3A_1385[%swap3A_1386], %mul3A_1213 {strides = array<i32>} : memref<64xf32, #tpu.memory_space<vmem>>, vector<16xf32>,
        %swap3A_1388 = arith.constant 0 : i32
        %swap3A_1389 = tpu.memref_slice %arg12[%add3A_996, %swap3A_1388] : memref<208x64xf32, #tpu.memory_space<vmem>> -> memref<1x64xf32, #tpu.memory_space<vmem>>
        %swap3A_1390 = tpu.memref_squeeze %swap3A_1389 : memref<1x64xf32, #tpu.memory_space<vmem>> -> memref<64xf32, #tpu.memory_space<vmem>>
        %swap3A_1391 = arith.constant 48 : index
        %swap3A_1392 = tpu.vector_load %swap3A_1390[%swap3A_1391] {strides = array<i32>} : memref<64xf32, #tpu.memory_space<vmem>>, vector<16xf32>,
        tpu.vector_store %swap3A_1390[%swap3A_1391], %mul3A_1221 {strides = array<i32>} : memref<64xf32, #tpu.memory_space<vmem>>, vector<16xf32>,
        %swap3A_1393 = arith.constant 0 : i32
        %swap3A_1394 = tpu.memref_slice %arg12[%add3A_998, %swap3A_1393] : memref<208x64xf32, #tpu.memory_space<vmem>> -> memref<1x64xf32, #tpu.memory_space<vmem>>
        %swap3A_1395 = tpu.memref_squeeze %swap3A_1394 : memref<1x64xf32, #tpu.memory_space<vmem>> -> memref<64xf32, #tpu.memory_space<vmem>>
        %swap3A_1396 = arith.constant 0 : index
        %swap3A_1397 = tpu.vector_load %swap3A_1395[%swap3A_1396] {strides = array<i32>} : memref<64xf32, #tpu.memory_space<vmem>>, vector<16xf32>,
        tpu.vector_store %swap3A_1395[%swap3A_1396], %mul3A_1229 {strides = array<i32>} : memref<64xf32, #tpu.memory_space<vmem>>, vector<16xf32>,
        %swap3A_1398 = arith.constant 0 : i32
        %swap3A_1399 = tpu.memref_slice %arg12[%add3A_998, %swap3A_1398] : memref<208x64xf32, #tpu.memory_space<vmem>> -> memref<1x64xf32, #tpu.memory_space<vmem>>
        %swap3A_1400 = tpu.memref_squeeze %swap3A_1399 : memref<1x64xf32, #tpu.memory_space<vmem>> -> memref<64xf32, #tpu.memory_space<vmem>>
        %swap3A_1401 = arith.constant 16 : index
        %swap3A_1402 = tpu.vector_load %swap3A_1400[%swap3A_1401] {strides = array<i32>} : memref<64xf32, #tpu.memory_space<vmem>>, vector<16xf32>,
        tpu.vector_store %swap3A_1400[%swap3A_1401], %mul3A_1237 {strides = array<i32>} : memref<64xf32, #tpu.memory_space<vmem>>, vector<16xf32>,
        %swap3A_1403 = arith.constant 0 : i32
        %swap3A_1404 = tpu.memref_slice %arg12[%add3A_998, %swap3A_1403] : memref<208x64xf32, #tpu.memory_space<vmem>> -> memref<1x64xf32, #tpu.memory_space<vmem>>
        %swap3A_1405 = tpu.memref_squeeze %swap3A_1404 : memref<1x64xf32, #tpu.memory_space<vmem>> -> memref<64xf32, #tpu.memory_space<vmem>>
        %swap3A_1406 = arith.constant 32 : index
        %swap3A_1407 = tpu.vector_load %swap3A_1405[%swap3A_1406] {strides = array<i32>} : memref<64xf32, #tpu.memory_space<vmem>>, vector<16xf32>,
        tpu.vector_store %swap3A_1405[%swap3A_1406], %mul3A_1245 {strides = array<i32>} : memref<64xf32, #tpu.memory_space<vmem>>, vector<16xf32>,
        %swap3A_1408 = arith.constant 0 : i32
        %swap3A_1409 = tpu.memref_slice %arg12[%add3A_998, %swap3A_1408] : memref<208x64xf32, #tpu.memory_space<vmem>> -> memref<1x64xf32, #tpu.memory_space<vmem>>
        %swap3A_1410 = tpu.memref_squeeze %swap3A_1409 : memref<1x64xf32, #tpu.memory_space<vmem>> -> memref<64xf32, #tpu.memory_space<vmem>>
        %swap3A_1411 = arith.constant 48 : index
        %swap3A_1412 = tpu.vector_load %swap3A_1410[%swap3A_1411] {strides = array<i32>} : memref<64xf32, #tpu.memory_space<vmem>>, vector<16xf32>,
        tpu.vector_store %swap3A_1410[%swap3A_1411], %mul3A_1253 {strides = array<i32>} : memref<64xf32, #tpu.memory_space<vmem>>, vector<16xf32>,
      }
      %scan3A_813 = arith.constant 25 : i32
      %dma_start3A_814 = arith.constant 0 : i32
      %dma_start3A_815 = arith.constant 0 : i32
      %dma_start3A_816 = tpu.memref_slice %arg12[%dma_start3A_814, %dma_start3A_815] : memref<208x64xf32, #tpu.memory_space<vmem>> -> memref<200x64xf32, #tpu.memory_space<vmem>>
      %dma_start3A_817 = arith.constant 0 : i32
      %dma_start3A_818 = arith.constant 64 : i32
      %dma_start3A_819 = tpu.memref_slice %arg8[%add3A_238, %dma_start3A_817, %dma_start3A_818] : memref<4096x200x192xf32, #tpu.memory_space<hbm>> -> memref<1x200x64xf32, #tpu.memory_space<hbm>>
      %dma_start3A_820 = tpu.memref_squeeze %dma_start3A_819 : memref<1x200x64xf32, #tpu.memory_space<hbm>> -> memref<200x64xf32, #tpu.memory_space<hbm>>
      %dma_start3A_821 = arith.constant 0 : i32
      %dma_start3A_822 = arith.constant 64 : i32
      %dma_start3A_823 = tpu.memref_slice %arg8[%add3A_238, %dma_start3A_821, %dma_start3A_822] : memref<4096x200x192xf32, #tpu.memory_space<hbm>> -> memref<1x200x64xf32, #tpu.memory_space<hbm>>
      %dma_start3A_824 = tpu.memref_squeeze %dma_start3A_823 : memref<1x200x64xf32, #tpu.memory_space<hbm>> -> memref<200x64xf32, #tpu.memory_space<hbm>>
      %dma_start3A_825 = arith.constant 0 : i32
      %dma_start3A_826 = arith.constant 0 : i32
      %dma_start3A_827 = tpu.memref_slice %arg12[%dma_start3A_825, %dma_start3A_826] : memref<208x64xf32, #tpu.memory_space<vmem>> -> memref<200x64xf32, #tpu.memory_space<vmem>>
      tpu.enqueue_dma source(%dma_start3A_827 : memref<200x64xf32, #tpu.memory_space<vmem>>) target(%dma_start3A_824 : memref<200x64xf32, #tpu.memory_space<hbm>>) target_semaphore(%arg20 : memref<!tpu.dma_semaphore, #tpu.memory_space<semaphore_mem>>)
      %dma_wait3A_828 = arith.constant 0 : i32
      %dma_wait3A_829 = arith.constant 0 : i32
      %dma_wait3A_830 = tpu.memref_slice %arg9[%dma_wait3A_828, %dma_wait3A_829] : memref<6x104xi32, #tpu.memory_space<vmem>> -> memref<1x104xi32, #tpu.memory_space<vmem>>
      %dma_wait3A_831 = tpu.memref_squeeze %dma_wait3A_830 : memref<1x104xi32, #tpu.memory_space<vmem>> -> memref<104xi32, #tpu.memory_space<vmem>>
      %dma_wait3A_832 = arith.constant 0 : i32
      %dma_wait3A_833 = tpu.memref_slice %arg2[%add3A_244, %dma_wait3A_832] : memref<4096x200xi32, #tpu.memory_space<hbm>> -> memref<1x104xi32, #tpu.memory_space<hbm>>
      %dma_wait3A_834 = tpu.memref_squeeze %dma_wait3A_833 : memref<1x104xi32, #tpu.memory_space<hbm>> -> memref<104xi32, #tpu.memory_space<hbm>>
      %dma_wait3A_835 = arith.constant 0 : i32
      %dma_wait3A_836 = tpu.memref_slice %arg9[%dma_wait3A_828, %dma_wait3A_835] : memref<6x104xi32, #tpu.memory_space<vmem>> -> memref<1x104xi32, #tpu.memory_space<vmem>>
      %dma_wait3A_837 = tpu.memref_squeeze %dma_wait3A_836 : memref<1x104xi32, #tpu.memory_space<vmem>> -> memref<104xi32, #tpu.memory_space<vmem>>
      %dma_wait3A_838 = arith.constant 0 : i32
      %dma_wait3A_839 = tpu.memref_slice %arg2[%add3A_244, %dma_wait3A_838] : memref<4096x200xi32, #tpu.memory_space<hbm>> -> memref<1x104xi32, #tpu.memory_space<hbm>>
      %dma_wait3A_840 = tpu.memref_squeeze %dma_wait3A_839 : memref<1x104xi32, #tpu.memory_space<hbm>> -> memref<104xi32, #tpu.memory_space<hbm>>
      tpu.wait_dma2 semaphore(%arg14 : memref<!tpu.dma_semaphore, #tpu.memory_space<semaphore_mem>>) src(%dma_wait3A_840 : memref<104xi32, #tpu.memory_space<hbm>>) dst(%dma_wait3A_837 : memref<104xi32, #tpu.memory_space<vmem>>)
      %dma_wait3A_841 = arith.constant 1 : i32
      %dma_wait3A_842 = arith.constant 0 : i32
      %dma_wait3A_843 = tpu.memref_slice %arg9[%dma_wait3A_841, %dma_wait3A_842] : memref<6x104xi32, #tpu.memory_space<vmem>> -> memref<1x104xi32, #tpu.memory_space<vmem>>
      %dma_wait3A_844 = tpu.memref_squeeze %dma_wait3A_843 : memref<1x104xi32, #tpu.memory_space<vmem>> -> memref<104xi32, #tpu.memory_space<vmem>>
      %dma_wait3A_845 = arith.constant 96 : i32
      %dma_wait3A_846 = tpu.memref_slice %arg2[%add3A_244, %dma_wait3A_845] : memref<4096x200xi32, #tpu.memory_space<hbm>> -> memref<1x104xi32, #tpu.memory_space<hbm>>
      %dma_wait3A_847 = tpu.memref_squeeze %dma_wait3A_846 : memref<1x104xi32, #tpu.memory_space<hbm>> -> memref<104xi32, #tpu.memory_space<hbm>>
      %dma_wait3A_848 = arith.constant 0 : i32
      %dma_wait3A_849 = tpu.memref_slice %arg9[%dma_wait3A_841, %dma_wait3A_848] : memref<6x104xi32, #tpu.memory_space<vmem>> -> memref<1x104xi32, #tpu.memory_space<vmem>>
      %dma_wait3A_850 = tpu.memref_squeeze %dma_wait3A_849 : memref<1x104xi32, #tpu.memory_space<vmem>> -> memref<104xi32, #tpu.memory_space<vmem>>
      %dma_wait3A_851 = arith.constant 96 : i32
      %dma_wait3A_852 = tpu.memref_slice %arg2[%add3A_244, %dma_wait3A_851] : memref<4096x200xi32, #tpu.memory_space<hbm>> -> memref<1x104xi32, #tpu.memory_space<hbm>>
      %dma_wait3A_853 = tpu.memref_squeeze %dma_wait3A_852 : memref<1x104xi32, #tpu.memory_space<hbm>> -> memref<104xi32, #tpu.memory_space<hbm>>
      tpu.wait_dma2 semaphore(%arg14 : memref<!tpu.dma_semaphore, #tpu.memory_space<semaphore_mem>>) src(%dma_wait3A_853 : memref<104xi32, #tpu.memory_space<hbm>>) dst(%dma_wait3A_850 : memref<104xi32, #tpu.memory_space<vmem>>)
      %dma_wait3A_854 = arith.constant 2 : i32
      %dma_wait3A_855 = arith.constant 0 : i32
      %dma_wait3A_856 = tpu.memref_slice %arg9[%dma_wait3A_854, %dma_wait3A_855] : memref<6x104xi32, #tpu.memory_space<vmem>> -> memref<1x104xi32, #tpu.memory_space<vmem>>
      %dma_wait3A_857 = tpu.memref_squeeze %dma_wait3A_856 : memref<1x104xi32, #tpu.memory_space<vmem>> -> memref<104xi32, #tpu.memory_space<vmem>>
      %dma_wait3A_858 = arith.constant 0 : i32
      %dma_wait3A_859 = tpu.memref_slice %arg3[%add3A_244, %dma_wait3A_858] : memref<4096x200xi32, #tpu.memory_space<hbm>> -> memref<1x104xi32, #tpu.memory_space<hbm>>
      %dma_wait3A_860 = tpu.memref_squeeze %dma_wait3A_859 : memref<1x104xi32, #tpu.memory_space<hbm>> -> memref<104xi32, #tpu.memory_space<hbm>>
      %dma_wait3A_861 = arith.constant 0 : i32
      %dma_wait3A_862 = tpu.memref_slice %arg9[%dma_wait3A_854, %dma_wait3A_861] : memref<6x104xi32, #tpu.memory_space<vmem>> -> memref<1x104xi32, #tpu.memory_space<vmem>>
      %dma_wait3A_863 = tpu.memref_squeeze %dma_wait3A_862 : memref<1x104xi32, #tpu.memory_space<vmem>> -> memref<104xi32, #tpu.memory_space<vmem>>
      %dma_wait3A_864 = arith.constant 0 : i32
      %dma_wait3A_865 = tpu.memref_slice %arg3[%add3A_244, %dma_wait3A_864] : memref<4096x200xi32, #tpu.memory_space<hbm>> -> memref<1x104xi32, #tpu.memory_space<hbm>>
      %dma_wait3A_866 = tpu.memref_squeeze %dma_wait3A_865 : memref<1x104xi32, #tpu.memory_space<hbm>> -> memref<104xi32, #tpu.memory_space<hbm>>
      tpu.wait_dma2 semaphore(%arg14 : memref<!tpu.dma_semaphore, #tpu.memory_space<semaphore_mem>>) src(%dma_wait3A_866 : memref<104xi32, #tpu.memory_space<hbm>>) dst(%dma_wait3A_863 : memref<104xi32, #tpu.memory_space<vmem>>)
      %dma_wait3A_867 = arith.constant 3 : i32
      %dma_wait3A_868 = arith.constant 0 : i32
      %dma_wait3A_869 = tpu.memref_slice %arg9[%dma_wait3A_867, %dma_wait3A_868] : memref<6x104xi32, #tpu.memory_space<vmem>> -> memref<1x104xi32, #tpu.memory_space<vmem>>
      %dma_wait3A_870 = tpu.memref_squeeze %dma_wait3A_869 : memref<1x104xi32, #tpu.memory_space<vmem>> -> memref<104xi32, #tpu.memory_space<vmem>>
      %dma_wait3A_871 = arith.constant 96 : i32
      %dma_wait3A_872 = tpu.memref_slice %arg3[%add3A_244, %dma_wait3A_871] : memref<4096x200xi32, #tpu.memory_space<hbm>> -> memref<1x104xi32, #tpu.memory_space<hbm>>
      %dma_wait3A_873 = tpu.memref_squeeze %dma_wait3A_872 : memref<1x104xi32, #tpu.memory_space<hbm>> -> memref<104xi32, #tpu.memory_space<hbm>>
      %dma_wait3A_874 = arith.constant 0 : i32
      %dma_wait3A_875 = tpu.memref_slice %arg9[%dma_wait3A_867, %dma_wait3A_874] : memref<6x104xi32, #tpu.memory_space<vmem>> -> memref<1x104xi32, #tpu.memory_space<vmem>>
      %dma_wait3A_876 = tpu.memref_squeeze %dma_wait3A_875 : memref<1x104xi32, #tpu.memory_space<vmem>> -> memref<104xi32, #tpu.memory_space<vmem>>
      %dma_wait3A_877 = arith.constant 96 : i32
      %dma_wait3A_878 = tpu.memref_slice %arg3[%add3A_244, %dma_wait3A_877] : memref<4096x200xi32, #tpu.memory_space<hbm>> -> memref<1x104xi32, #tpu.memory_space<hbm>>
      %dma_wait3A_879 = tpu.memref_squeeze %dma_wait3A_878 : memref<1x104xi32, #tpu.memory_space<hbm>> -> memref<104xi32, #tpu.memory_space<hbm>>
      tpu.wait_dma2 semaphore(%arg14 : memref<!tpu.dma_semaphore, #tpu.memory_space<semaphore_mem>>) src(%dma_wait3A_879 : memref<104xi32, #tpu.memory_space<hbm>>) dst(%dma_wait3A_876 : memref<104xi32, #tpu.memory_space<vmem>>)
      %dma_wait3A_880 = arith.constant 4 : i32
      %dma_wait3A_881 = arith.constant 0 : i32
      %dma_wait3A_882 = tpu.memref_slice %arg9[%dma_wait3A_880, %dma_wait3A_881] : memref<6x104xi32, #tpu.memory_space<vmem>> -> memref<1x104xi32, #tpu.memory_space<vmem>>
      %dma_wait3A_883 = tpu.memref_squeeze %dma_wait3A_882 : memref<1x104xi32, #tpu.memory_space<vmem>> -> memref<104xi32, #tpu.memory_space<vmem>>
      %dma_wait3A_884 = arith.constant 0 : i32
      %dma_wait3A_885 = tpu.memref_slice %arg4[%add3A_244, %dma_wait3A_884] : memref<4096x200xi32, #tpu.memory_space<hbm>> -> memref<1x104xi32, #tpu.memory_space<hbm>>
      %dma_wait3A_886 = tpu.memref_squeeze %dma_wait3A_885 : memref<1x104xi32, #tpu.memory_space<hbm>> -> memref<104xi32, #tpu.memory_space<hbm>>
      %dma_wait3A_887 = arith.constant 0 : i32
      %dma_wait3A_888 = tpu.memref_slice %arg9[%dma_wait3A_880, %dma_wait3A_887] : memref<6x104xi32, #tpu.memory_space<vmem>> -> memref<1x104xi32, #tpu.memory_space<vmem>>
      %dma_wait3A_889 = tpu.memref_squeeze %dma_wait3A_888 : memref<1x104xi32, #tpu.memory_space<vmem>> -> memref<104xi32, #tpu.memory_space<vmem>>
      %dma_wait3A_890 = arith.constant 0 : i32
      %dma_wait3A_891 = tpu.memref_slice %arg4[%add3A_244, %dma_wait3A_890] : memref<4096x200xi32, #tpu.memory_space<hbm>> -> memref<1x104xi32, #tpu.memory_space<hbm>>
      %dma_wait3A_892 = tpu.memref_squeeze %dma_wait3A_891 : memref<1x104xi32, #tpu.memory_space<hbm>> -> memref<104xi32, #tpu.memory_space<hbm>>
      tpu.wait_dma2 semaphore(%arg14 : memref<!tpu.dma_semaphore, #tpu.memory_space<semaphore_mem>>) src(%dma_wait3A_892 : memref<104xi32, #tpu.memory_space<hbm>>) dst(%dma_wait3A_889 : memref<104xi32, #tpu.memory_space<vmem>>)
      %dma_wait3A_893 = arith.constant 5 : i32
      %dma_wait3A_894 = arith.constant 0 : i32
      %dma_wait3A_895 = tpu.memref_slice %arg9[%dma_wait3A_893, %dma_wait3A_894] : memref<6x104xi32, #tpu.memory_space<vmem>> -> memref<1x104xi32, #tpu.memory_space<vmem>>
      %dma_wait3A_896 = tpu.memref_squeeze %dma_wait3A_895 : memref<1x104xi32, #tpu.memory_space<vmem>> -> memref<104xi32, #tpu.memory_space<vmem>>
      %dma_wait3A_897 = arith.constant 96 : i32
      %dma_wait3A_898 = tpu.memref_slice %arg4[%add3A_244, %dma_wait3A_897] : memref<4096x200xi32, #tpu.memory_space<hbm>> -> memref<1x104xi32, #tpu.memory_space<hbm>>
      %dma_wait3A_899 = tpu.memref_squeeze %dma_wait3A_898 : memref<1x104xi32, #tpu.memory_space<hbm>> -> memref<104xi32, #tpu.memory_space<hbm>>
      %dma_wait3A_900 = arith.constant 0 : i32
      %dma_wait3A_901 = tpu.memref_slice %arg9[%dma_wait3A_893, %dma_wait3A_900] : memref<6x104xi32, #tpu.memory_space<vmem>> -> memref<1x104xi32, #tpu.memory_space<vmem>>
      %dma_wait3A_902 = tpu.memref_squeeze %dma_wait3A_901 : memref<1x104xi32, #tpu.memory_space<vmem>> -> memref<104xi32, #tpu.memory_space<vmem>>
      %dma_wait3A_903 = arith.constant 96 : i32
      %dma_wait3A_904 = tpu.memref_slice %arg4[%add3A_244, %dma_wait3A_903] : memref<4096x200xi32, #tpu.memory_space<hbm>> -> memref<1x104xi32, #tpu.memory_space<hbm>>
      %dma_wait3A_905 = tpu.memref_squeeze %dma_wait3A_904 : memref<1x104xi32, #tpu.memory_space<hbm>> -> memref<104xi32, #tpu.memory_space<hbm>>
      tpu.wait_dma2 semaphore(%arg14 : memref<!tpu.dma_semaphore, #tpu.memory_space<semaphore_mem>>) src(%dma_wait3A_905 : memref<104xi32, #tpu.memory_space<hbm>>) dst(%dma_wait3A_902 : memref<104xi32, #tpu.memory_space<vmem>>)
      %dma_wait3A_906 = arith.constant 0 : i32
      %dma_wait3A_907 = arith.constant 0 : i32
      %dma_wait3A_908 = tpu.memref_slice %arg11[%dma_wait3A_906, %dma_wait3A_907] : memref<208x64xf32, #tpu.memory_space<vmem>> -> memref<200x64xf32, #tpu.memory_space<vmem>>
      %dma_wait3A_909 = arith.constant 0 : i32
      %dma_wait3A_910 = arith.constant 0 : i32
      %dma_wait3A_911 = tpu.memref_slice %arg8[%add3A_238, %dma_wait3A_909, %dma_wait3A_910] : memref<4096x200x192xf32, #tpu.memory_space<hbm>> -> memref<1x200x64xf32, #tpu.memory_space<hbm>>
      %dma_wait3A_912 = tpu.memref_squeeze %dma_wait3A_911 : memref<1x200x64xf32, #tpu.memory_space<hbm>> -> memref<200x64xf32, #tpu.memory_space<hbm>>
      %dma_wait3A_913 = arith.constant 0 : i32
      %dma_wait3A_914 = arith.constant 0 : i32
      %dma_wait3A_915 = tpu.memref_slice %arg8[%add3A_238, %dma_wait3A_913, %dma_wait3A_914] : memref<4096x200x192xf32, #tpu.memory_space<hbm>> -> memref<1x200x64xf32, #tpu.memory_space<hbm>>
      %dma_wait3A_916 = tpu.memref_squeeze %dma_wait3A_915 : memref<1x200x64xf32, #tpu.memory_space<hbm>> -> memref<200x64xf32, #tpu.memory_space<hbm>>
      %dma_wait3A_917 = arith.constant 0 : i32
      %dma_wait3A_918 = arith.constant 0 : i32
      %dma_wait3A_919 = tpu.memref_slice %arg11[%dma_wait3A_917, %dma_wait3A_918] : memref<208x64xf32, #tpu.memory_space<vmem>> -> memref<200x64xf32, #tpu.memory_space<vmem>>
      tpu.wait_dma2 semaphore(%arg19 : memref<!tpu.dma_semaphore, #tpu.memory_space<semaphore_mem>>) src(%dma_wait3A_919 : memref<200x64xf32, #tpu.memory_space<vmem>>) dst(%dma_wait3A_916 : memref<200x64xf32, #tpu.memory_space<hbm>>)
      %dma_start3A_920 = arith.constant 0 : i32
      %dma_start3A_921 = arith.constant 0 : i32
      %dma_start3A_922 = arith.constant 0 : i32
      %dma_start3A_923 = tpu.memref_slice %arg11[%dma_start3A_921, %dma_start3A_922] : memref<208x64xf32, #tpu.memory_space<vmem>> -> memref<104x64xf32, #tpu.memory_space<vmem>>
      %dma_start3A_924 = arith.constant 0 : i32
      %dma_start3A_925 = tpu.memref_slice %arg9[%dma_start3A_920, %dma_start3A_924] : memref<6x104xi32, #tpu.memory_space<vmem>> -> memref<1x104xi32, #tpu.memory_space<vmem>>
      %dma_start3A_926 = tpu.memref_squeeze %dma_start3A_925 : memref<1x104xi32, #tpu.memory_space<vmem>> -> memref<104xi32, #tpu.memory_space<vmem>>
      %dma_start3A_927 = arith.constant 0 : i32
      %dma_start3A_928 = arith.constant 0 : i32
      %dma_start3A_929 = tpu.memref_slice %arg5[%dma_start3A_927, %dma_start3A_928] : memref<100000x64xf32, #tpu.memory_space<hbm>> -> memref<100000x64xf32, #tpu.memory_space<hbm>>
      tpu.enqueue_indirect_dma source(%dma_start3A_929 : memref<100000x64xf32, #tpu.memory_space<hbm>>) target(%dma_start3A_923 : memref<104x64xf32, #tpu.memory_space<vmem>>) offsets(%dma_start3A_926 : memref<104xi32, #tpu.memory_space<vmem>>) semaphore(%arg16 : memref<!tpu.dma_semaphore, #tpu.memory_space<semaphore_mem>>)
      %dma_start3A_930 = arith.constant 1 : i32
      %dma_start3A_931 = arith.constant 96 : i32
      %dma_start3A_932 = arith.constant 0 : i32
      %dma_start3A_933 = tpu.memref_slice %arg11[%dma_start3A_931, %dma_start3A_932] : memref<208x64xf32, #tpu.memory_space<vmem>> -> memref<104x64xf32, #tpu.memory_space<vmem>>
      %dma_start3A_934 = arith.constant 0 : i32
      %dma_start3A_935 = tpu.memref_slice %arg9[%dma_start3A_930, %dma_start3A_934] : memref<6x104xi32, #tpu.memory_space<vmem>> -> memref<1x104xi32, #tpu.memory_space<vmem>>
      %dma_start3A_936 = tpu.memref_squeeze %dma_start3A_935 : memref<1x104xi32, #tpu.memory_space<vmem>> -> memref<104xi32, #tpu.memory_space<vmem>>
      %dma_start3A_937 = arith.constant 0 : i32
      %dma_start3A_938 = arith.constant 0 : i32
      %dma_start3A_939 = tpu.memref_slice %arg5[%dma_start3A_937, %dma_start3A_938] : memref<100000x64xf32, #tpu.memory_space<hbm>> -> memref<100000x64xf32, #tpu.memory_space<hbm>>
      tpu.enqueue_indirect_dma source(%dma_start3A_939 : memref<100000x64xf32, #tpu.memory_space<hbm>>) target(%dma_start3A_933 : memref<104x64xf32, #tpu.memory_space<vmem>>) offsets(%dma_start3A_936 : memref<104xi32, #tpu.memory_space<vmem>>) semaphore(%arg16 : memref<!tpu.dma_semaphore, #tpu.memory_space<semaphore_mem>>)
      %dma_wait3A_940 = arith.constant 4 : i32
      %dma_wait3A_941 = arith.constant 0 : i32
      %dma_wait3A_942 = arith.constant 0 : i32
      %dma_wait3A_943 = tpu.memref_slice %arg13[%dma_wait3A_941, %dma_wait3A_942] : memref<208x64xf32, #tpu.memory_space<vmem>> -> memref<104x64xf32, #tpu.memory_space<vmem>>
      %dma_wait3A_944 = arith.constant 0 : i32
      %dma_wait3A_945 = tpu.memref_slice %arg10[%dma_wait3A_940, %dma_wait3A_944] : memref<6x104xi32, #tpu.memory_space<vmem>> -> memref<1x104xi32, #tpu.memory_space<vmem>>
      %dma_wait3A_946 = tpu.memref_squeeze %dma_wait3A_945 : memref<1x104xi32, #tpu.memory_space<vmem>> -> memref<104xi32, #tpu.memory_space<vmem>>
      %dma_wait3A_947 = arith.constant 0 : i32
      %dma_wait3A_948 = arith.constant 0 : i32
      %dma_wait3A_949 = tpu.memref_slice %arg7[%dma_wait3A_947, %dma_wait3A_948] : memref<100000x64xf32, #tpu.memory_space<hbm>> -> memref<100000x64xf32, #tpu.memory_space<hbm>>
      tpu.wait_indirect_dma semaphore(%arg18 : memref<!tpu.dma_semaphore, #tpu.memory_space<semaphore_mem>>) src(%dma_wait3A_949 : memref<100000x64xf32, #tpu.memory_space<hbm>>) dst(%dma_wait3A_943 : memref<104x64xf32, #tpu.memory_space<vmem>>)
      %dma_wait3A_950 = arith.constant 5 : i32
      %dma_wait3A_951 = arith.constant 96 : i32
      %dma_wait3A_952 = arith.constant 0 : i32
      %dma_wait3A_953 = tpu.memref_slice %arg13[%dma_wait3A_951, %dma_wait3A_952] : memref<208x64xf32, #tpu.memory_space<vmem>> -> memref<104x64xf32, #tpu.memory_space<vmem>>
      %dma_wait3A_954 = arith.constant 0 : i32
      %dma_wait3A_955 = tpu.memref_slice %arg10[%dma_wait3A_950, %dma_wait3A_954] : memref<6x104xi32, #tpu.memory_space<vmem>> -> memref<1x104xi32, #tpu.memory_space<vmem>>
      %dma_wait3A_956 = tpu.memref_squeeze %dma_wait3A_955 : memref<1x104xi32, #tpu.memory_space<vmem>> -> memref<104xi32, #tpu.memory_space<vmem>>
      %dma_wait3A_957 = arith.constant 0 : i32
      %dma_wait3A_958 = arith.constant 0 : i32
      %dma_wait3A_959 = tpu.memref_slice %arg7[%dma_wait3A_957, %dma_wait3A_958] : memref<100000x64xf32, #tpu.memory_space<hbm>> -> memref<100000x64xf32, #tpu.memory_space<hbm>>
      tpu.wait_indirect_dma semaphore(%arg18 : memref<!tpu.dma_semaphore, #tpu.memory_space<semaphore_mem>>) src(%dma_wait3A_959 : memref<100000x64xf32, #tpu.memory_space<hbm>>) dst(%dma_wait3A_953 : memref<104x64xf32, #tpu.memory_space<vmem>>)
      %scan3A_960 = arith.constant 0 : i32
      %scan3A_961 = arith.constant 0 : i32
      %scan3A_962 = arith.constant 25 : i32
      %scan3A_963 = arith.addi %scan3A_961, %scan3A_962 : i32
      %scan3A_964 = arith.constant 1 : i32
      scf.for %scan3A_980 = %scan3A_961 to %scan3A_963 step %scan3A_964  : i32 {
        %mul3A_981 = arith.constant 8 : i32
        %mul3A_982 = arith.muli %scan3A_980, %mul3A_981 : i32
        %add3A_983 = arith.constant 0 : i32
        %add3A_984 = arith.addi %mul3A_982, %add3A_983 : i32
        %add3A_985 = arith.constant 1 : i32
        %add3A_986 = arith.addi %mul3A_982, %add3A_985 : i32
        %add3A_987 = arith.constant 2 : i32
        %add3A_988 = arith.addi %mul3A_982, %add3A_987 : i32
        %add3A_989 = arith.constant 3 : i32
        %add3A_990 = arith.addi %mul3A_982, %add3A_989 : i32
        %add3A_991 = arith.constant 4 : i32
        %add3A_992 = arith.addi %mul3A_982, %add3A_991 : i32
        %add3A_993 = arith.constant 5 : i32
        %add3A_994 = arith.addi %mul3A_982, %add3A_993 : i32
        %add3A_995 = arith.constant 6 : i32
        %add3A_996 = arith.addi %mul3A_982, %add3A_995 : i32
        %add3A_997 = arith.constant 7 : i32
        %add3A_998 = arith.addi %mul3A_982, %add3A_997 : i32
        %get3A = arith.constant 0 : i32
        %get3A_999 = tpu.memref_slice %arg13[%add3A_984, %get3A] : memref<208x64xf32, #tpu.memory_space<vmem>> -> memref<1x64xf32, #tpu.memory_space<vmem>>
        %get3A_1000 = tpu.memref_squeeze %get3A_999 : memref<1x64xf32, #tpu.memory_space<vmem>> -> memref<64xf32, #tpu.memory_space<vmem>>
        %get3A_1001 = arith.constant 0 : index
        %get3A_1002 = tpu.vector_load %get3A_1000[%get3A_1001] {strides = array<i32>} : memref<64xf32, #tpu.memory_space<vmem>>, vector<16xf32>,
        %mul3A_1003 = arith.constant 8.000000e+00 : f32
        %mul3A_1004 = vector.broadcast %mul3A_1003 : f32 to vector<16xf32>
        %mul3A_1005 = arith.mulf %get3A_1002, %mul3A_1004 : vector<16xf32>
        %get3A_1006 = arith.constant 0 : i32
        %get3A_1007 = tpu.memref_slice %arg13[%add3A_984, %get3A_1006] : memref<208x64xf32, #tpu.memory_space<vmem>> -> memref<1x64xf32, #tpu.memory_space<vmem>>
        %get3A_1008 = tpu.memref_squeeze %get3A_1007 : memref<1x64xf32, #tpu.memory_space<vmem>> -> memref<64xf32, #tpu.memory_space<vmem>>
        %get3A_1009 = arith.constant 16 : index
        %get3A_1010 = tpu.vector_load %get3A_1008[%get3A_1009] {strides = array<i32>} : memref<64xf32, #tpu.memory_space<vmem>>, vector<16xf32>,
        %mul3A_1011 = arith.constant 8.000000e+00 : f32
        %mul3A_1012 = vector.broadcast %mul3A_1011 : f32 to vector<16xf32>
        %mul3A_1013 = arith.mulf %get3A_1010, %mul3A_1012 : vector<16xf32>
        %get3A_1014 = arith.constant 0 : i32
        %get3A_1015 = tpu.memref_slice %arg13[%add3A_984, %get3A_1014] : memref<208x64xf32, #tpu.memory_space<vmem>> -> memref<1x64xf32, #tpu.memory_space<vmem>>
        %get3A_1016 = tpu.memref_squeeze %get3A_1015 : memref<1x64xf32, #tpu.memory_space<vmem>> -> memref<64xf32, #tpu.memory_space<vmem>>
        %get3A_1017 = arith.constant 32 : index
        %get3A_1018 = tpu.vector_load %get3A_1016[%get3A_1017] {strides = array<i32>} : memref<64xf32, #tpu.memory_space<vmem>>, vector<16xf32>,
        %mul3A_1019 = arith.constant 8.000000e+00 : f32
        %mul3A_1020 = vector.broadcast %mul3A_1019 : f32 to vector<16xf32>
        %mul3A_1021 = arith.mulf %get3A_1018, %mul3A_1020 : vector<16xf32>
        %get3A_1022 = arith.constant 0 : i32
        %get3A_1023 = tpu.memref_slice %arg13[%add3A_984, %get3A_1022] : memref<208x64xf32, #tpu.memory_space<vmem>> -> memref<1x64xf32, #tpu.memory_space<vmem>>
        %get3A_1024 = tpu.memref_squeeze %get3A_1023 : memref<1x64xf32, #tpu.memory_space<vmem>> -> memref<64xf32, #tpu.memory_space<vmem>>
        %get3A_1025 = arith.constant 48 : index
        %get3A_1026 = tpu.vector_load %get3A_1024[%get3A_1025] {strides = array<i32>} : memref<64xf32, #tpu.memory_space<vmem>>, vector<16xf32>,
        %mul3A_1027 = arith.constant 8.000000e+00 : f32
        %mul3A_1028 = vector.broadcast %mul3A_1027 : f32 to vector<16xf32>
        %mul3A_1029 = arith.mulf %get3A_1026, %mul3A_1028 : vector<16xf32>
        %get3A_1030 = arith.constant 0 : i32
        %get3A_1031 = tpu.memref_slice %arg13[%add3A_986, %get3A_1030] : memref<208x64xf32, #tpu.memory_space<vmem>> -> memref<1x64xf32, #tpu.memory_space<vmem>>
        %get3A_1032 = tpu.memref_squeeze %get3A_1031 : memref<1x64xf32, #tpu.memory_space<vmem>> -> memref<64xf32, #tpu.memory_space<vmem>>
        %get3A_1033 = arith.constant 0 : index
        %get3A_1034 = tpu.vector_load %get3A_1032[%get3A_1033] {strides = array<i32>} : memref<64xf32, #tpu.memory_space<vmem>>, vector<16xf32>,
        %mul3A_1035 = arith.constant 8.000000e+00 : f32
        %mul3A_1036 = vector.broadcast %mul3A_1035 : f32 to vector<16xf32>
        %mul3A_1037 = arith.mulf %get3A_1034, %mul3A_1036 : vector<16xf32>
        %get3A_1038 = arith.constant 0 : i32
        %get3A_1039 = tpu.memref_slice %arg13[%add3A_986, %get3A_1038] : memref<208x64xf32, #tpu.memory_space<vmem>> -> memref<1x64xf32, #tpu.memory_space<vmem>>
        %get3A_1040 = tpu.memref_squeeze %get3A_1039 : memref<1x64xf32, #tpu.memory_space<vmem>> -> memref<64xf32, #tpu.memory_space<vmem>>
        %get3A_1041 = arith.constant 16 : index
        %get3A_1042 = tpu.vector_load %get3A_1040[%get3A_1041] {strides = array<i32>} : memref<64xf32, #tpu.memory_space<vmem>>, vector<16xf32>,
        %mul3A_1043 = arith.constant 8.000000e+00 : f32
        %mul3A_1044 = vector.broadcast %mul3A_1043 : f32 to vector<16xf32>
        %mul3A_1045 = arith.mulf %get3A_1042, %mul3A_1044 : vector<16xf32>
        %get3A_1046 = arith.constant 0 : i32
        %get3A_1047 = tpu.memref_slice %arg13[%add3A_986, %get3A_1046] : memref<208x64xf32, #tpu.memory_space<vmem>> -> memref<1x64xf32, #tpu.memory_space<vmem>>
        %get3A_1048 = tpu.memref_squeeze %get3A_1047 : memref<1x64xf32, #tpu.memory_space<vmem>> -> memref<64xf32, #tpu.memory_space<vmem>>
        %get3A_1049 = arith.constant 32 : index
        %get3A_1050 = tpu.vector_load %get3A_1048[%get3A_1049] {strides = array<i32>} : memref<64xf32, #tpu.memory_space<vmem>>, vector<16xf32>,
        %mul3A_1051 = arith.constant 8.000000e+00 : f32
        %mul3A_1052 = vector.broadcast %mul3A_1051 : f32 to vector<16xf32>
        %mul3A_1053 = arith.mulf %get3A_1050, %mul3A_1052 : vector<16xf32>
        %get3A_1054 = arith.constant 0 : i32
        %get3A_1055 = tpu.memref_slice %arg13[%add3A_986, %get3A_1054] : memref<208x64xf32, #tpu.memory_space<vmem>> -> memref<1x64xf32, #tpu.memory_space<vmem>>
        %get3A_1056 = tpu.memref_squeeze %get3A_1055 : memref<1x64xf32, #tpu.memory_space<vmem>> -> memref<64xf32, #tpu.memory_space<vmem>>
        %get3A_1057 = arith.constant 48 : index
        %get3A_1058 = tpu.vector_load %get3A_1056[%get3A_1057] {strides = array<i32>} : memref<64xf32, #tpu.memory_space<vmem>>, vector<16xf32>,
        %mul3A_1059 = arith.constant 8.000000e+00 : f32
        %mul3A_1060 = vector.broadcast %mul3A_1059 : f32 to vector<16xf32>
        %mul3A_1061 = arith.mulf %get3A_1058, %mul3A_1060 : vector<16xf32>
        %get3A_1062 = arith.constant 0 : i32
        %get3A_1063 = tpu.memref_slice %arg13[%add3A_988, %get3A_1062] : memref<208x64xf32, #tpu.memory_space<vmem>> -> memref<1x64xf32, #tpu.memory_space<vmem>>
        %get3A_1064 = tpu.memref_squeeze %get3A_1063 : memref<1x64xf32, #tpu.memory_space<vmem>> -> memref<64xf32, #tpu.memory_space<vmem>>
        %get3A_1065 = arith.constant 0 : index
        %get3A_1066 = tpu.vector_load %get3A_1064[%get3A_1065] {strides = array<i32>} : memref<64xf32, #tpu.memory_space<vmem>>, vector<16xf32>,
        %mul3A_1067 = arith.constant 8.000000e+00 : f32
        %mul3A_1068 = vector.broadcast %mul3A_1067 : f32 to vector<16xf32>
        %mul3A_1069 = arith.mulf %get3A_1066, %mul3A_1068 : vector<16xf32>
        %get3A_1070 = arith.constant 0 : i32
        %get3A_1071 = tpu.memref_slice %arg13[%add3A_988, %get3A_1070] : memref<208x64xf32, #tpu.memory_space<vmem>> -> memref<1x64xf32, #tpu.memory_space<vmem>>
        %get3A_1072 = tpu.memref_squeeze %get3A_1071 : memref<1x64xf32, #tpu.memory_space<vmem>> -> memref<64xf32, #tpu.memory_space<vmem>>
        %get3A_1073 = arith.constant 16 : index
        %get3A_1074 = tpu.vector_load %get3A_1072[%get3A_1073] {strides = array<i32>} : memref<64xf32, #tpu.memory_space<vmem>>, vector<16xf32>,
        %mul3A_1075 = arith.constant 8.000000e+00 : f32
        %mul3A_1076 = vector.broadcast %mul3A_1075 : f32 to vector<16xf32>
        %mul3A_1077 = arith.mulf %get3A_1074, %mul3A_1076 : vector<16xf32>
        %get3A_1078 = arith.constant 0 : i32
        %get3A_1079 = tpu.memref_slice %arg13[%add3A_988, %get3A_1078] : memref<208x64xf32, #tpu.memory_space<vmem>> -> memref<1x64xf32, #tpu.memory_space<vmem>>
        %get3A_1080 = tpu.memref_squeeze %get3A_1079 : memref<1x64xf32, #tpu.memory_space<vmem>> -> memref<64xf32, #tpu.memory_space<vmem>>
        %get3A_1081 = arith.constant 32 : index
        %get3A_1082 = tpu.vector_load %get3A_1080[%get3A_1081] {strides = array<i32>} : memref<64xf32, #tpu.memory_space<vmem>>, vector<16xf32>,
        %mul3A_1083 = arith.constant 8.000000e+00 : f32
        %mul3A_1084 = vector.broadcast %mul3A_1083 : f32 to vector<16xf32>
        %mul3A_1085 = arith.mulf %get3A_1082, %mul3A_1084 : vector<16xf32>
        %get3A_1086 = arith.constant 0 : i32
        %get3A_1087 = tpu.memref_slice %arg13[%add3A_988, %get3A_1086] : memref<208x64xf32, #tpu.memory_space<vmem>> -> memref<1x64xf32, #tpu.memory_space<vmem>>
        %get3A_1088 = tpu.memref_squeeze %get3A_1087 : memref<1x64xf32, #tpu.memory_space<vmem>> -> memref<64xf32, #tpu.memory_space<vmem>>
        %get3A_1089 = arith.constant 48 : index
        %get3A_1090 = tpu.vector_load %get3A_1088[%get3A_1089] {strides = array<i32>} : memref<64xf32, #tpu.memory_space<vmem>>, vector<16xf32>,
        %mul3A_1091 = arith.constant 8.000000e+00 : f32
        %mul3A_1092 = vector.broadcast %mul3A_1091 : f32 to vector<16xf32>
        %mul3A_1093 = arith.mulf %get3A_1090, %mul3A_1092 : vector<16xf32>
        %get3A_1094 = arith.constant 0 : i32
        %get3A_1095 = tpu.memref_slice %arg13[%add3A_990, %get3A_1094] : memref<208x64xf32, #tpu.memory_space<vmem>> -> memref<1x64xf32, #tpu.memory_space<vmem>>
        %get3A_1096 = tpu.memref_squeeze %get3A_1095 : memref<1x64xf32, #tpu.memory_space<vmem>> -> memref<64xf32, #tpu.memory_space<vmem>>
        %get3A_1097 = arith.constant 0 : index
        %get3A_1098 = tpu.vector_load %get3A_1096[%get3A_1097] {strides = array<i32>} : memref<64xf32, #tpu.memory_space<vmem>>, vector<16xf32>,
        %mul3A_1099 = arith.constant 8.000000e+00 : f32
        %mul3A_1100 = vector.broadcast %mul3A_1099 : f32 to vector<16xf32>
        %mul3A_1101 = arith.mulf %get3A_1098, %mul3A_1100 : vector<16xf32>
        %get3A_1102 = arith.constant 0 : i32
        %get3A_1103 = tpu.memref_slice %arg13[%add3A_990, %get3A_1102] : memref<208x64xf32, #tpu.memory_space<vmem>> -> memref<1x64xf32, #tpu.memory_space<vmem>>
        %get3A_1104 = tpu.memref_squeeze %get3A_1103 : memref<1x64xf32, #tpu.memory_space<vmem>> -> memref<64xf32, #tpu.memory_space<vmem>>
        %get3A_1105 = arith.constant 16 : index
        %get3A_1106 = tpu.vector_load %get3A_1104[%get3A_1105] {strides = array<i32>} : memref<64xf32, #tpu.memory_space<vmem>>, vector<16xf32>,
        %mul3A_1107 = arith.constant 8.000000e+00 : f32
        %mul3A_1108 = vector.broadcast %mul3A_1107 : f32 to vector<16xf32>
        %mul3A_1109 = arith.mulf %get3A_1106, %mul3A_1108 : vector<16xf32>
        %get3A_1110 = arith.constant 0 : i32
        %get3A_1111 = tpu.memref_slice %arg13[%add3A_990, %get3A_1110] : memref<208x64xf32, #tpu.memory_space<vmem>> -> memref<1x64xf32, #tpu.memory_space<vmem>>
        %get3A_1112 = tpu.memref_squeeze %get3A_1111 : memref<1x64xf32, #tpu.memory_space<vmem>> -> memref<64xf32, #tpu.memory_space<vmem>>
        %get3A_1113 = arith.constant 32 : index
        %get3A_1114 = tpu.vector_load %get3A_1112[%get3A_1113] {strides = array<i32>} : memref<64xf32, #tpu.memory_space<vmem>>, vector<16xf32>,
        %mul3A_1115 = arith.constant 8.000000e+00 : f32
        %mul3A_1116 = vector.broadcast %mul3A_1115 : f32 to vector<16xf32>
        %mul3A_1117 = arith.mulf %get3A_1114, %mul3A_1116 : vector<16xf32>
        %get3A_1118 = arith.constant 0 : i32
        %get3A_1119 = tpu.memref_slice %arg13[%add3A_990, %get3A_1118] : memref<208x64xf32, #tpu.memory_space<vmem>> -> memref<1x64xf32, #tpu.memory_space<vmem>>
        %get3A_1120 = tpu.memref_squeeze %get3A_1119 : memref<1x64xf32, #tpu.memory_space<vmem>> -> memref<64xf32, #tpu.memory_space<vmem>>
        %get3A_1121 = arith.constant 48 : index
        %get3A_1122 = tpu.vector_load %get3A_1120[%get3A_1121] {strides = array<i32>} : memref<64xf32, #tpu.memory_space<vmem>>, vector<16xf32>,
        %mul3A_1123 = arith.constant 8.000000e+00 : f32
        %mul3A_1124 = vector.broadcast %mul3A_1123 : f32 to vector<16xf32>
        %mul3A_1125 = arith.mulf %get3A_1122, %mul3A_1124 : vector<16xf32>
        %get3A_1126 = arith.constant 0 : i32
        %get3A_1127 = tpu.memref_slice %arg13[%add3A_992, %get3A_1126] : memref<208x64xf32, #tpu.memory_space<vmem>> -> memref<1x64xf32, #tpu.memory_space<vmem>>
        %get3A_1128 = tpu.memref_squeeze %get3A_1127 : memref<1x64xf32, #tpu.memory_space<vmem>> -> memref<64xf32, #tpu.memory_space<vmem>>
        %get3A_1129 = arith.constant 0 : index
        %get3A_1130 = tpu.vector_load %get3A_1128[%get3A_1129] {strides = array<i32>} : memref<64xf32, #tpu.memory_space<vmem>>, vector<16xf32>,
        %mul3A_1131 = arith.constant 8.000000e+00 : f32
        %mul3A_1132 = vector.broadcast %mul3A_1131 : f32 to vector<16xf32>
        %mul3A_1133 = arith.mulf %get3A_1130, %mul3A_1132 : vector<16xf32>
        %get3A_1134 = arith.constant 0 : i32
        %get3A_1135 = tpu.memref_slice %arg13[%add3A_992, %get3A_1134] : memref<208x64xf32, #tpu.memory_space<vmem>> -> memref<1x64xf32, #tpu.memory_space<vmem>>
        %get3A_1136 = tpu.memref_squeeze %get3A_1135 : memref<1x64xf32, #tpu.memory_space<vmem>> -> memref<64xf32, #tpu.memory_space<vmem>>
        %get3A_1137 = arith.constant 16 : index
        %get3A_1138 = tpu.vector_load %get3A_1136[%get3A_1137] {strides = array<i32>} : memref<64xf32, #tpu.memory_space<vmem>>, vector<16xf32>,
        %mul3A_1139 = arith.constant 8.000000e+00 : f32
        %mul3A_1140 = vector.broadcast %mul3A_1139 : f32 to vector<16xf32>
        %mul3A_1141 = arith.mulf %get3A_1138, %mul3A_1140 : vector<16xf32>
        %get3A_1142 = arith.constant 0 : i32
        %get3A_1143 = tpu.memref_slice %arg13[%add3A_992, %get3A_1142] : memref<208x64xf32, #tpu.memory_space<vmem>> -> memref<1x64xf32, #tpu.memory_space<vmem>>
        %get3A_1144 = tpu.memref_squeeze %get3A_1143 : memref<1x64xf32, #tpu.memory_space<vmem>> -> memref<64xf32, #tpu.memory_space<vmem>>
        %get3A_1145 = arith.constant 32 : index
        %get3A_1146 = tpu.vector_load %get3A_1144[%get3A_1145] {strides = array<i32>} : memref<64xf32, #tpu.memory_space<vmem>>, vector<16xf32>,
        %mul3A_1147 = arith.constant 8.000000e+00 : f32
        %mul3A_1148 = vector.broadcast %mul3A_1147 : f32 to vector<16xf32>
        %mul3A_1149 = arith.mulf %get3A_1146, %mul3A_1148 : vector<16xf32>
        %get3A_1150 = arith.constant 0 : i32
        %get3A_1151 = tpu.memref_slice %arg13[%add3A_992, %get3A_1150] : memref<208x64xf32, #tpu.memory_space<vmem>> -> memref<1x64xf32, #tpu.memory_space<vmem>>
        %get3A_1152 = tpu.memref_squeeze %get3A_1151 : memref<1x64xf32, #tpu.memory_space<vmem>> -> memref<64xf32, #tpu.memory_space<vmem>>
        %get3A_1153 = arith.constant 48 : index
        %get3A_1154 = tpu.vector_load %get3A_1152[%get3A_1153] {strides = array<i32>} : memref<64xf32, #tpu.memory_space<vmem>>, vector<16xf32>,
        %mul3A_1155 = arith.constant 8.000000e+00 : f32
        %mul3A_1156 = vector.broadcast %mul3A_1155 : f32 to vector<16xf32>
        %mul3A_1157 = arith.mulf %get3A_1154, %mul3A_1156 : vector<16xf32>
        %get3A_1158 = arith.constant 0 : i32
        %get3A_1159 = tpu.memref_slice %arg13[%add3A_994, %get3A_1158] : memref<208x64xf32, #tpu.memory_space<vmem>> -> memref<1x64xf32, #tpu.memory_space<vmem>>
        %get3A_1160 = tpu.memref_squeeze %get3A_1159 : memref<1x64xf32, #tpu.memory_space<vmem>> -> memref<64xf32, #tpu.memory_space<vmem>>
        %get3A_1161 = arith.constant 0 : index
        %get3A_1162 = tpu.vector_load %get3A_1160[%get3A_1161] {strides = array<i32>} : memref<64xf32, #tpu.memory_space<vmem>>, vector<16xf32>,
        %mul3A_1163 = arith.constant 8.000000e+00 : f32
        %mul3A_1164 = vector.broadcast %mul3A_1163 : f32 to vector<16xf32>
        %mul3A_1165 = arith.mulf %get3A_1162, %mul3A_1164 : vector<16xf32>
        %get3A_1166 = arith.constant 0 : i32
        %get3A_1167 = tpu.memref_slice %arg13[%add3A_994, %get3A_1166] : memref<208x64xf32, #tpu.memory_space<vmem>> -> memref<1x64xf32, #tpu.memory_space<vmem>>
        %get3A_1168 = tpu.memref_squeeze %get3A_1167 : memref<1x64xf32, #tpu.memory_space<vmem>> -> memref<64xf32, #tpu.memory_space<vmem>>
        %get3A_1169 = arith.constant 16 : index
        %get3A_1170 = tpu.vector_load %get3A_1168[%get3A_1169] {strides = array<i32>} : memref<64xf32, #tpu.memory_space<vmem>>, vector<16xf32>,
        %mul3A_1171 = arith.constant 8.000000e+00 : f32
        %mul3A_1172 = vector.broadcast %mul3A_1171 : f32 to vector<16xf32>
        %mul3A_1173 = arith.mulf %get3A_1170, %mul3A_1172 : vector<16xf32>
        %get3A_1174 = arith.constant 0 : i32
        %get3A_1175 = tpu.memref_slice %arg13[%add3A_994, %get3A_1174] : memref<208x64xf32, #tpu.memory_space<vmem>> -> memref<1x64xf32, #tpu.memory_space<vmem>>
        %get3A_1176 = tpu.memref_squeeze %get3A_1175 : memref<1x64xf32, #tpu.memory_space<vmem>> -> memref<64xf32, #tpu.memory_space<vmem>>
        %get3A_1177 = arith.constant 32 : index
        %get3A_1178 = tpu.vector_load %get3A_1176[%get3A_1177] {strides = array<i32>} : memref<64xf32, #tpu.memory_space<vmem>>, vector<16xf32>,
        %mul3A_1179 = arith.constant 8.000000e+00 : f32
        %mul3A_1180 = vector.broadcast %mul3A_1179 : f32 to vector<16xf32>
        %mul3A_1181 = arith.mulf %get3A_1178, %mul3A_1180 : vector<16xf32>
        %get3A_1182 = arith.constant 0 : i32
        %get3A_1183 = tpu.memref_slice %arg13[%add3A_994, %get3A_1182] : memref<208x64xf32, #tpu.memory_space<vmem>> -> memref<1x64xf32, #tpu.memory_space<vmem>>
        %get3A_1184 = tpu.memref_squeeze %get3A_1183 : memref<1x64xf32, #tpu.memory_space<vmem>> -> memref<64xf32, #tpu.memory_space<vmem>>
        %get3A_1185 = arith.constant 48 : index
        %get3A_1186 = tpu.vector_load %get3A_1184[%get3A_1185] {strides = array<i32>} : memref<64xf32, #tpu.memory_space<vmem>>, vector<16xf32>,
        %mul3A_1187 = arith.constant 8.000000e+00 : f32
        %mul3A_1188 = vector.broadcast %mul3A_1187 : f32 to vector<16xf32>
        %mul3A_1189 = arith.mulf %get3A_1186, %mul3A_1188 : vector<16xf32>
        %get3A_1190 = arith.constant 0 : i32
        %get3A_1191 = tpu.memref_slice %arg13[%add3A_996, %get3A_1190] : memref<208x64xf32, #tpu.memory_space<vmem>> -> memref<1x64xf32, #tpu.memory_space<vmem>>
        %get3A_1192 = tpu.memref_squeeze %get3A_1191 : memref<1x64xf32, #tpu.memory_space<vmem>> -> memref<64xf32, #tpu.memory_space<vmem>>
        %get3A_1193 = arith.constant 0 : index
        %get3A_1194 = tpu.vector_load %get3A_1192[%get3A_1193] {strides = array<i32>} : memref<64xf32, #tpu.memory_space<vmem>>, vector<16xf32>,
        %mul3A_1195 = arith.constant 8.000000e+00 : f32
        %mul3A_1196 = vector.broadcast %mul3A_1195 : f32 to vector<16xf32>
        %mul3A_1197 = arith.mulf %get3A_1194, %mul3A_1196 : vector<16xf32>
        %get3A_1198 = arith.constant 0 : i32
        %get3A_1199 = tpu.memref_slice %arg13[%add3A_996, %get3A_1198] : memref<208x64xf32, #tpu.memory_space<vmem>> -> memref<1x64xf32, #tpu.memory_space<vmem>>
        %get3A_1200 = tpu.memref_squeeze %get3A_1199 : memref<1x64xf32, #tpu.memory_space<vmem>> -> memref<64xf32, #tpu.memory_space<vmem>>
        %get3A_1201 = arith.constant 16 : index
        %get3A_1202 = tpu.vector_load %get3A_1200[%get3A_1201] {strides = array<i32>} : memref<64xf32, #tpu.memory_space<vmem>>, vector<16xf32>,
        %mul3A_1203 = arith.constant 8.000000e+00 : f32
        %mul3A_1204 = vector.broadcast %mul3A_1203 : f32 to vector<16xf32>
        %mul3A_1205 = arith.mulf %get3A_1202, %mul3A_1204 : vector<16xf32>
        %get3A_1206 = arith.constant 0 : i32
        %get3A_1207 = tpu.memref_slice %arg13[%add3A_996, %get3A_1206] : memref<208x64xf32, #tpu.memory_space<vmem>> -> memref<1x64xf32, #tpu.memory_space<vmem>>
        %get3A_1208 = tpu.memref_squeeze %get3A_1207 : memref<1x64xf32, #tpu.memory_space<vmem>> -> memref<64xf32, #tpu.memory_space<vmem>>
        %get3A_1209 = arith.constant 32 : index
        %get3A_1210 = tpu.vector_load %get3A_1208[%get3A_1209] {strides = array<i32>} : memref<64xf32, #tpu.memory_space<vmem>>, vector<16xf32>,
        %mul3A_1211 = arith.constant 8.000000e+00 : f32
        %mul3A_1212 = vector.broadcast %mul3A_1211 : f32 to vector<16xf32>
        %mul3A_1213 = arith.mulf %get3A_1210, %mul3A_1212 : vector<16xf32>
        %get3A_1214 = arith.constant 0 : i32
        %get3A_1215 = tpu.memref_slice %arg13[%add3A_996, %get3A_1214] : memref<208x64xf32, #tpu.memory_space<vmem>> -> memref<1x64xf32, #tpu.memory_space<vmem>>
        %get3A_1216 = tpu.memref_squeeze %get3A_1215 : memref<1x64xf32, #tpu.memory_space<vmem>> -> memref<64xf32, #tpu.memory_space<vmem>>
        %get3A_1217 = arith.constant 48 : index
        %get3A_1218 = tpu.vector_load %get3A_1216[%get3A_1217] {strides = array<i32>} : memref<64xf32, #tpu.memory_space<vmem>>, vector<16xf32>,
        %mul3A_1219 = arith.constant 8.000000e+00 : f32
        %mul3A_1220 = vector.broadcast %mul3A_1219 : f32 to vector<16xf32>
        %mul3A_1221 = arith.mulf %get3A_1218, %mul3A_1220 : vector<16xf32>
        %get3A_1222 = arith.constant 0 : i32
        %get3A_1223 = tpu.memref_slice %arg13[%add3A_998, %get3A_1222] : memref<208x64xf32, #tpu.memory_space<vmem>> -> memref<1x64xf32, #tpu.memory_space<vmem>>
        %get3A_1224 = tpu.memref_squeeze %get3A_1223 : memref<1x64xf32, #tpu.memory_space<vmem>> -> memref<64xf32, #tpu.memory_space<vmem>>
        %get3A_1225 = arith.constant 0 : index
        %get3A_1226 = tpu.vector_load %get3A_1224[%get3A_1225] {strides = array<i32>} : memref<64xf32, #tpu.memory_space<vmem>>, vector<16xf32>,
        %mul3A_1227 = arith.constant 8.000000e+00 : f32
        %mul3A_1228 = vector.broadcast %mul3A_1227 : f32 to vector<16xf32>
        %mul3A_1229 = arith.mulf %get3A_1226, %mul3A_1228 : vector<16xf32>
        %get3A_1230 = arith.constant 0 : i32
        %get3A_1231 = tpu.memref_slice %arg13[%add3A_998, %get3A_1230] : memref<208x64xf32, #tpu.memory_space<vmem>> -> memref<1x64xf32, #tpu.memory_space<vmem>>
        %get3A_1232 = tpu.memref_squeeze %get3A_1231 : memref<1x64xf32, #tpu.memory_space<vmem>> -> memref<64xf32, #tpu.memory_space<vmem>>
        %get3A_1233 = arith.constant 16 : index
        %get3A_1234 = tpu.vector_load %get3A_1232[%get3A_1233] {strides = array<i32>} : memref<64xf32, #tpu.memory_space<vmem>>, vector<16xf32>,
        %mul3A_1235 = arith.constant 8.000000e+00 : f32
        %mul3A_1236 = vector.broadcast %mul3A_1235 : f32 to vector<16xf32>
        %mul3A_1237 = arith.mulf %get3A_1234, %mul3A_1236 : vector<16xf32>
        %get3A_1238 = arith.constant 0 : i32
        %get3A_1239 = tpu.memref_slice %arg13[%add3A_998, %get3A_1238] : memref<208x64xf32, #tpu.memory_space<vmem>> -> memref<1x64xf32, #tpu.memory_space<vmem>>
        %get3A_1240 = tpu.memref_squeeze %get3A_1239 : memref<1x64xf32, #tpu.memory_space<vmem>> -> memref<64xf32, #tpu.memory_space<vmem>>
        %get3A_1241 = arith.constant 32 : index
        %get3A_1242 = tpu.vector_load %get3A_1240[%get3A_1241] {strides = array<i32>} : memref<64xf32, #tpu.memory_space<vmem>>, vector<16xf32>,
        %mul3A_1243 = arith.constant 8.000000e+00 : f32
        %mul3A_1244 = vector.broadcast %mul3A_1243 : f32 to vector<16xf32>
        %mul3A_1245 = arith.mulf %get3A_1242, %mul3A_1244 : vector<16xf32>
        %get3A_1246 = arith.constant 0 : i32
        %get3A_1247 = tpu.memref_slice %arg13[%add3A_998, %get3A_1246] : memref<208x64xf32, #tpu.memory_space<vmem>> -> memref<1x64xf32, #tpu.memory_space<vmem>>
        %get3A_1248 = tpu.memref_squeeze %get3A_1247 : memref<1x64xf32, #tpu.memory_space<vmem>> -> memref<64xf32, #tpu.memory_space<vmem>>
        %get3A_1249 = arith.constant 48 : index
        %get3A_1250 = tpu.vector_load %get3A_1248[%get3A_1249] {strides = array<i32>} : memref<64xf32, #tpu.memory_space<vmem>>, vector<16xf32>,
        %mul3A_1251 = arith.constant 8.000000e+00 : f32
        %mul3A_1252 = vector.broadcast %mul3A_1251 : f32 to vector<16xf32>
        %mul3A_1253 = arith.mulf %get3A_1250, %mul3A_1252 : vector<16xf32>
        %swap3A = arith.constant 0 : i32
        %swap3A_1254 = tpu.memref_slice %arg13[%add3A_984, %swap3A] : memref<208x64xf32, #tpu.memory_space<vmem>> -> memref<1x64xf32, #tpu.memory_space<vmem>>
        %swap3A_1255 = tpu.memref_squeeze %swap3A_1254 : memref<1x64xf32, #tpu.memory_space<vmem>> -> memref<64xf32, #tpu.memory_space<vmem>>
        %swap3A_1256 = arith.constant 0 : index
        %swap3A_1257 = tpu.vector_load %swap3A_1255[%swap3A_1256] {strides = array<i32>} : memref<64xf32, #tpu.memory_space<vmem>>, vector<16xf32>,
        tpu.vector_store %swap3A_1255[%swap3A_1256], %mul3A_1005 {strides = array<i32>} : memref<64xf32, #tpu.memory_space<vmem>>, vector<16xf32>,
        %swap3A_1258 = arith.constant 0 : i32
        %swap3A_1259 = tpu.memref_slice %arg13[%add3A_984, %swap3A_1258] : memref<208x64xf32, #tpu.memory_space<vmem>> -> memref<1x64xf32, #tpu.memory_space<vmem>>
        %swap3A_1260 = tpu.memref_squeeze %swap3A_1259 : memref<1x64xf32, #tpu.memory_space<vmem>> -> memref<64xf32, #tpu.memory_space<vmem>>
        %swap3A_1261 = arith.constant 16 : index
        %swap3A_1262 = tpu.vector_load %swap3A_1260[%swap3A_1261] {strides = array<i32>} : memref<64xf32, #tpu.memory_space<vmem>>, vector<16xf32>,
        tpu.vector_store %swap3A_1260[%swap3A_1261], %mul3A_1013 {strides = array<i32>} : memref<64xf32, #tpu.memory_space<vmem>>, vector<16xf32>,
        %swap3A_1263 = arith.constant 0 : i32
        %swap3A_1264 = tpu.memref_slice %arg13[%add3A_984, %swap3A_1263] : memref<208x64xf32, #tpu.memory_space<vmem>> -> memref<1x64xf32, #tpu.memory_space<vmem>>
        %swap3A_1265 = tpu.memref_squeeze %swap3A_1264 : memref<1x64xf32, #tpu.memory_space<vmem>> -> memref<64xf32, #tpu.memory_space<vmem>>
        %swap3A_1266 = arith.constant 32 : index
        %swap3A_1267 = tpu.vector_load %swap3A_1265[%swap3A_1266] {strides = array<i32>} : memref<64xf32, #tpu.memory_space<vmem>>, vector<16xf32>,
        tpu.vector_store %swap3A_1265[%swap3A_1266], %mul3A_1021 {strides = array<i32>} : memref<64xf32, #tpu.memory_space<vmem>>, vector<16xf32>,
        %swap3A_1268 = arith.constant 0 : i32
        %swap3A_1269 = tpu.memref_slice %arg13[%add3A_984, %swap3A_1268] : memref<208x64xf32, #tpu.memory_space<vmem>> -> memref<1x64xf32, #tpu.memory_space<vmem>>
        %swap3A_1270 = tpu.memref_squeeze %swap3A_1269 : memref<1x64xf32, #tpu.memory_space<vmem>> -> memref<64xf32, #tpu.memory_space<vmem>>
        %swap3A_1271 = arith.constant 48 : index
        %swap3A_1272 = tpu.vector_load %swap3A_1270[%swap3A_1271] {strides = array<i32>} : memref<64xf32, #tpu.memory_space<vmem>>, vector<16xf32>,
        tpu.vector_store %swap3A_1270[%swap3A_1271], %mul3A_1029 {strides = array<i32>} : memref<64xf32, #tpu.memory_space<vmem>>, vector<16xf32>,
        %swap3A_1273 = arith.constant 0 : i32
        %swap3A_1274 = tpu.memref_slice %arg13[%add3A_986, %swap3A_1273] : memref<208x64xf32, #tpu.memory_space<vmem>> -> memref<1x64xf32, #tpu.memory_space<vmem>>
        %swap3A_1275 = tpu.memref_squeeze %swap3A_1274 : memref<1x64xf32, #tpu.memory_space<vmem>> -> memref<64xf32, #tpu.memory_space<vmem>>
        %swap3A_1276 = arith.constant 0 : index
        %swap3A_1277 = tpu.vector_load %swap3A_1275[%swap3A_1276] {strides = array<i32>} : memref<64xf32, #tpu.memory_space<vmem>>, vector<16xf32>,
        tpu.vector_store %swap3A_1275[%swap3A_1276], %mul3A_1037 {strides = array<i32>} : memref<64xf32, #tpu.memory_space<vmem>>, vector<16xf32>,
        %swap3A_1278 = arith.constant 0 : i32
        %swap3A_1279 = tpu.memref_slice %arg13[%add3A_986, %swap3A_1278] : memref<208x64xf32, #tpu.memory_space<vmem>> -> memref<1x64xf32, #tpu.memory_space<vmem>>
        %swap3A_1280 = tpu.memref_squeeze %swap3A_1279 : memref<1x64xf32, #tpu.memory_space<vmem>> -> memref<64xf32, #tpu.memory_space<vmem>>
        %swap3A_1281 = arith.constant 16 : index
        %swap3A_1282 = tpu.vector_load %swap3A_1280[%swap3A_1281] {strides = array<i32>} : memref<64xf32, #tpu.memory_space<vmem>>, vector<16xf32>,
        tpu.vector_store %swap3A_1280[%swap3A_1281], %mul3A_1045 {strides = array<i32>} : memref<64xf32, #tpu.memory_space<vmem>>, vector<16xf32>,
        %swap3A_1283 = arith.constant 0 : i32
        %swap3A_1284 = tpu.memref_slice %arg13[%add3A_986, %swap3A_1283] : memref<208x64xf32, #tpu.memory_space<vmem>> -> memref<1x64xf32, #tpu.memory_space<vmem>>
        %swap3A_1285 = tpu.memref_squeeze %swap3A_1284 : memref<1x64xf32, #tpu.memory_space<vmem>> -> memref<64xf32, #tpu.memory_space<vmem>>
        %swap3A_1286 = arith.constant 32 : index
        %swap3A_1287 = tpu.vector_load %swap3A_1285[%swap3A_1286] {strides = array<i32>} : memref<64xf32, #tpu.memory_space<vmem>>, vector<16xf32>,
        tpu.vector_store %swap3A_1285[%swap3A_1286], %mul3A_1053 {strides = array<i32>} : memref<64xf32, #tpu.memory_space<vmem>>, vector<16xf32>,
        %swap3A_1288 = arith.constant 0 : i32
        %swap3A_1289 = tpu.memref_slice %arg13[%add3A_986, %swap3A_1288] : memref<208x64xf32, #tpu.memory_space<vmem>> -> memref<1x64xf32, #tpu.memory_space<vmem>>
        %swap3A_1290 = tpu.memref_squeeze %swap3A_1289 : memref<1x64xf32, #tpu.memory_space<vmem>> -> memref<64xf32, #tpu.memory_space<vmem>>
        %swap3A_1291 = arith.constant 48 : index
        %swap3A_1292 = tpu.vector_load %swap3A_1290[%swap3A_1291] {strides = array<i32>} : memref<64xf32, #tpu.memory_space<vmem>>, vector<16xf32>,
        tpu.vector_store %swap3A_1290[%swap3A_1291], %mul3A_1061 {strides = array<i32>} : memref<64xf32, #tpu.memory_space<vmem>>, vector<16xf32>,
        %swap3A_1293 = arith.constant 0 : i32
        %swap3A_1294 = tpu.memref_slice %arg13[%add3A_988, %swap3A_1293] : memref<208x64xf32, #tpu.memory_space<vmem>> -> memref<1x64xf32, #tpu.memory_space<vmem>>
        %swap3A_1295 = tpu.memref_squeeze %swap3A_1294 : memref<1x64xf32, #tpu.memory_space<vmem>> -> memref<64xf32, #tpu.memory_space<vmem>>
        %swap3A_1296 = arith.constant 0 : index
        %swap3A_1297 = tpu.vector_load %swap3A_1295[%swap3A_1296] {strides = array<i32>} : memref<64xf32, #tpu.memory_space<vmem>>, vector<16xf32>,
        tpu.vector_store %swap3A_1295[%swap3A_1296], %mul3A_1069 {strides = array<i32>} : memref<64xf32, #tpu.memory_space<vmem>>, vector<16xf32>,
        %swap3A_1298 = arith.constant 0 : i32
        %swap3A_1299 = tpu.memref_slice %arg13[%add3A_988, %swap3A_1298] : memref<208x64xf32, #tpu.memory_space<vmem>> -> memref<1x64xf32, #tpu.memory_space<vmem>>
        %swap3A_1300 = tpu.memref_squeeze %swap3A_1299 : memref<1x64xf32, #tpu.memory_space<vmem>> -> memref<64xf32, #tpu.memory_space<vmem>>
        %swap3A_1301 = arith.constant 16 : index
        %swap3A_1302 = tpu.vector_load %swap3A_1300[%swap3A_1301] {strides = array<i32>} : memref<64xf32, #tpu.memory_space<vmem>>, vector<16xf32>,
        tpu.vector_store %swap3A_1300[%swap3A_1301], %mul3A_1077 {strides = array<i32>} : memref<64xf32, #tpu.memory_space<vmem>>, vector<16xf32>,
        %swap3A_1303 = arith.constant 0 : i32
        %swap3A_1304 = tpu.memref_slice %arg13[%add3A_988, %swap3A_1303] : memref<208x64xf32, #tpu.memory_space<vmem>> -> memref<1x64xf32, #tpu.memory_space<vmem>>
        %swap3A_1305 = tpu.memref_squeeze %swap3A_1304 : memref<1x64xf32, #tpu.memory_space<vmem>> -> memref<64xf32, #tpu.memory_space<vmem>>
        %swap3A_1306 = arith.constant 32 : index
        %swap3A_1307 = tpu.vector_load %swap3A_1305[%swap3A_1306] {strides = array<i32>} : memref<64xf32, #tpu.memory_space<vmem>>, vector<16xf32>,
        tpu.vector_store %swap3A_1305[%swap3A_1306], %mul3A_1085 {strides = array<i32>} : memref<64xf32, #tpu.memory_space<vmem>>, vector<16xf32>,
        %swap3A_1308 = arith.constant 0 : i32
        %swap3A_1309 = tpu.memref_slice %arg13[%add3A_988, %swap3A_1308] : memref<208x64xf32, #tpu.memory_space<vmem>> -> memref<1x64xf32, #tpu.memory_space<vmem>>
        %swap3A_1310 = tpu.memref_squeeze %swap3A_1309 : memref<1x64xf32, #tpu.memory_space<vmem>> -> memref<64xf32, #tpu.memory_space<vmem>>
        %swap3A_1311 = arith.constant 48 : index
        %swap3A_1312 = tpu.vector_load %swap3A_1310[%swap3A_1311] {strides = array<i32>} : memref<64xf32, #tpu.memory_space<vmem>>, vector<16xf32>,
        tpu.vector_store %swap3A_1310[%swap3A_1311], %mul3A_1093 {strides = array<i32>} : memref<64xf32, #tpu.memory_space<vmem>>, vector<16xf32>,
        %swap3A_1313 = arith.constant 0 : i32
        %swap3A_1314 = tpu.memref_slice %arg13[%add3A_990, %swap3A_1313] : memref<208x64xf32, #tpu.memory_space<vmem>> -> memref<1x64xf32, #tpu.memory_space<vmem>>
        %swap3A_1315 = tpu.memref_squeeze %swap3A_1314 : memref<1x64xf32, #tpu.memory_space<vmem>> -> memref<64xf32, #tpu.memory_space<vmem>>
        %swap3A_1316 = arith.constant 0 : index
        %swap3A_1317 = tpu.vector_load %swap3A_1315[%swap3A_1316] {strides = array<i32>} : memref<64xf32, #tpu.memory_space<vmem>>, vector<16xf32>,
        tpu.vector_store %swap3A_1315[%swap3A_1316], %mul3A_1101 {strides = array<i32>} : memref<64xf32, #tpu.memory_space<vmem>>, vector<16xf32>,
        %swap3A_1318 = arith.constant 0 : i32
        %swap3A_1319 = tpu.memref_slice %arg13[%add3A_990, %swap3A_1318] : memref<208x64xf32, #tpu.memory_space<vmem>> -> memref<1x64xf32, #tpu.memory_space<vmem>>
        %swap3A_1320 = tpu.memref_squeeze %swap3A_1319 : memref<1x64xf32, #tpu.memory_space<vmem>> -> memref<64xf32, #tpu.memory_space<vmem>>
        %swap3A_1321 = arith.constant 16 : index
        %swap3A_1322 = tpu.vector_load %swap3A_1320[%swap3A_1321] {strides = array<i32>} : memref<64xf32, #tpu.memory_space<vmem>>, vector<16xf32>,
        tpu.vector_store %swap3A_1320[%swap3A_1321], %mul3A_1109 {strides = array<i32>} : memref<64xf32, #tpu.memory_space<vmem>>, vector<16xf32>,
        %swap3A_1323 = arith.constant 0 : i32
        %swap3A_1324 = tpu.memref_slice %arg13[%add3A_990, %swap3A_1323] : memref<208x64xf32, #tpu.memory_space<vmem>> -> memref<1x64xf32, #tpu.memory_space<vmem>>
        %swap3A_1325 = tpu.memref_squeeze %swap3A_1324 : memref<1x64xf32, #tpu.memory_space<vmem>> -> memref<64xf32, #tpu.memory_space<vmem>>
        %swap3A_1326 = arith.constant 32 : index
        %swap3A_1327 = tpu.vector_load %swap3A_1325[%swap3A_1326] {strides = array<i32>} : memref<64xf32, #tpu.memory_space<vmem>>, vector<16xf32>,
        tpu.vector_store %swap3A_1325[%swap3A_1326], %mul3A_1117 {strides = array<i32>} : memref<64xf32, #tpu.memory_space<vmem>>, vector<16xf32>,
        %swap3A_1328 = arith.constant 0 : i32
        %swap3A_1329 = tpu.memref_slice %arg13[%add3A_990, %swap3A_1328] : memref<208x64xf32, #tpu.memory_space<vmem>> -> memref<1x64xf32, #tpu.memory_space<vmem>>
        %swap3A_1330 = tpu.memref_squeeze %swap3A_1329 : memref<1x64xf32, #tpu.memory_space<vmem>> -> memref<64xf32, #tpu.memory_space<vmem>>
        %swap3A_1331 = arith.constant 48 : index
        %swap3A_1332 = tpu.vector_load %swap3A_1330[%swap3A_1331] {strides = array<i32>} : memref<64xf32, #tpu.memory_space<vmem>>, vector<16xf32>,
        tpu.vector_store %swap3A_1330[%swap3A_1331], %mul3A_1125 {strides = array<i32>} : memref<64xf32, #tpu.memory_space<vmem>>, vector<16xf32>,
        %swap3A_1333 = arith.constant 0 : i32
        %swap3A_1334 = tpu.memref_slice %arg13[%add3A_992, %swap3A_1333] : memref<208x64xf32, #tpu.memory_space<vmem>> -> memref<1x64xf32, #tpu.memory_space<vmem>>
        %swap3A_1335 = tpu.memref_squeeze %swap3A_1334 : memref<1x64xf32, #tpu.memory_space<vmem>> -> memref<64xf32, #tpu.memory_space<vmem>>
        %swap3A_1336 = arith.constant 0 : index
        %swap3A_1337 = tpu.vector_load %swap3A_1335[%swap3A_1336] {strides = array<i32>} : memref<64xf32, #tpu.memory_space<vmem>>, vector<16xf32>,
        tpu.vector_store %swap3A_1335[%swap3A_1336], %mul3A_1133 {strides = array<i32>} : memref<64xf32, #tpu.memory_space<vmem>>, vector<16xf32>,
        %swap3A_1338 = arith.constant 0 : i32
        %swap3A_1339 = tpu.memref_slice %arg13[%add3A_992, %swap3A_1338] : memref<208x64xf32, #tpu.memory_space<vmem>> -> memref<1x64xf32, #tpu.memory_space<vmem>>
        %swap3A_1340 = tpu.memref_squeeze %swap3A_1339 : memref<1x64xf32, #tpu.memory_space<vmem>> -> memref<64xf32, #tpu.memory_space<vmem>>
        %swap3A_1341 = arith.constant 16 : index
        %swap3A_1342 = tpu.vector_load %swap3A_1340[%swap3A_1341] {strides = array<i32>} : memref<64xf32, #tpu.memory_space<vmem>>, vector<16xf32>,
        tpu.vector_store %swap3A_1340[%swap3A_1341], %mul3A_1141 {strides = array<i32>} : memref<64xf32, #tpu.memory_space<vmem>>, vector<16xf32>,
        %swap3A_1343 = arith.constant 0 : i32
        %swap3A_1344 = tpu.memref_slice %arg13[%add3A_992, %swap3A_1343] : memref<208x64xf32, #tpu.memory_space<vmem>> -> memref<1x64xf32, #tpu.memory_space<vmem>>
        %swap3A_1345 = tpu.memref_squeeze %swap3A_1344 : memref<1x64xf32, #tpu.memory_space<vmem>> -> memref<64xf32, #tpu.memory_space<vmem>>
        %swap3A_1346 = arith.constant 32 : index
        %swap3A_1347 = tpu.vector_load %swap3A_1345[%swap3A_1346] {strides = array<i32>} : memref<64xf32, #tpu.memory_space<vmem>>, vector<16xf32>,
        tpu.vector_store %swap3A_1345[%swap3A_1346], %mul3A_1149 {strides = array<i32>} : memref<64xf32, #tpu.memory_space<vmem>>, vector<16xf32>,
        %swap3A_1348 = arith.constant 0 : i32
        %swap3A_1349 = tpu.memref_slice %arg13[%add3A_992, %swap3A_1348] : memref<208x64xf32, #tpu.memory_space<vmem>> -> memref<1x64xf32, #tpu.memory_space<vmem>>
        %swap3A_1350 = tpu.memref_squeeze %swap3A_1349 : memref<1x64xf32, #tpu.memory_space<vmem>> -> memref<64xf32, #tpu.memory_space<vmem>>
        %swap3A_1351 = arith.constant 48 : index
        %swap3A_1352 = tpu.vector_load %swap3A_1350[%swap3A_1351] {strides = array<i32>} : memref<64xf32, #tpu.memory_space<vmem>>, vector<16xf32>,
        tpu.vector_store %swap3A_1350[%swap3A_1351], %mul3A_1157 {strides = array<i32>} : memref<64xf32, #tpu.memory_space<vmem>>, vector<16xf32>,
        %swap3A_1353 = arith.constant 0 : i32
        %swap3A_1354 = tpu.memref_slice %arg13[%add3A_994, %swap3A_1353] : memref<208x64xf32, #tpu.memory_space<vmem>> -> memref<1x64xf32, #tpu.memory_space<vmem>>
        %swap3A_1355 = tpu.memref_squeeze %swap3A_1354 : memref<1x64xf32, #tpu.memory_space<vmem>> -> memref<64xf32, #tpu.memory_space<vmem>>
        %swap3A_1356 = arith.constant 0 : index
        %swap3A_1357 = tpu.vector_load %swap3A_1355[%swap3A_1356] {strides = array<i32>} : memref<64xf32, #tpu.memory_space<vmem>>, vector<16xf32>,
        tpu.vector_store %swap3A_1355[%swap3A_1356], %mul3A_1165 {strides = array<i32>} : memref<64xf32, #tpu.memory_space<vmem>>, vector<16xf32>,
        %swap3A_1358 = arith.constant 0 : i32
        %swap3A_1359 = tpu.memref_slice %arg13[%add3A_994, %swap3A_1358] : memref<208x64xf32, #tpu.memory_space<vmem>> -> memref<1x64xf32, #tpu.memory_space<vmem>>
        %swap3A_1360 = tpu.memref_squeeze %swap3A_1359 : memref<1x64xf32, #tpu.memory_space<vmem>> -> memref<64xf32, #tpu.memory_space<vmem>>
        %swap3A_1361 = arith.constant 16 : index
        %swap3A_1362 = tpu.vector_load %swap3A_1360[%swap3A_1361] {strides = array<i32>} : memref<64xf32, #tpu.memory_space<vmem>>, vector<16xf32>,
        tpu.vector_store %swap3A_1360[%swap3A_1361], %mul3A_1173 {strides = array<i32>} : memref<64xf32, #tpu.memory_space<vmem>>, vector<16xf32>,
        %swap3A_1363 = arith.constant 0 : i32
        %swap3A_1364 = tpu.memref_slice %arg13[%add3A_994, %swap3A_1363] : memref<208x64xf32, #tpu.memory_space<vmem>> -> memref<1x64xf32, #tpu.memory_space<vmem>>
        %swap3A_1365 = tpu.memref_squeeze %swap3A_1364 : memref<1x64xf32, #tpu.memory_space<vmem>> -> memref<64xf32, #tpu.memory_space<vmem>>
        %swap3A_1366 = arith.constant 32 : index
        %swap3A_1367 = tpu.vector_load %swap3A_1365[%swap3A_1366] {strides = array<i32>} : memref<64xf32, #tpu.memory_space<vmem>>, vector<16xf32>,
        tpu.vector_store %swap3A_1365[%swap3A_1366], %mul3A_1181 {strides = array<i32>} : memref<64xf32, #tpu.memory_space<vmem>>, vector<16xf32>,
        %swap3A_1368 = arith.constant 0 : i32
        %swap3A_1369 = tpu.memref_slice %arg13[%add3A_994, %swap3A_1368] : memref<208x64xf32, #tpu.memory_space<vmem>> -> memref<1x64xf32, #tpu.memory_space<vmem>>
        %swap3A_1370 = tpu.memref_squeeze %swap3A_1369 : memref<1x64xf32, #tpu.memory_space<vmem>> -> memref<64xf32, #tpu.memory_space<vmem>>
        %swap3A_1371 = arith.constant 48 : index
        %swap3A_1372 = tpu.vector_load %swap3A_1370[%swap3A_1371] {strides = array<i32>} : memref<64xf32, #tpu.memory_space<vmem>>, vector<16xf32>,
        tpu.vector_store %swap3A_1370[%swap3A_1371], %mul3A_1189 {strides = array<i32>} : memref<64xf32, #tpu.memory_space<vmem>>, vector<16xf32>,
        %swap3A_1373 = arith.constant 0 : i32
        %swap3A_1374 = tpu.memref_slice %arg13[%add3A_996, %swap3A_1373] : memref<208x64xf32, #tpu.memory_space<vmem>> -> memref<1x64xf32, #tpu.memory_space<vmem>>
        %swap3A_1375 = tpu.memref_squeeze %swap3A_1374 : memref<1x64xf32, #tpu.memory_space<vmem>> -> memref<64xf32, #tpu.memory_space<vmem>>
        %swap3A_1376 = arith.constant 0 : index
        %swap3A_1377 = tpu.vector_load %swap3A_1375[%swap3A_1376] {strides = array<i32>} : memref<64xf32, #tpu.memory_space<vmem>>, vector<16xf32>,
        tpu.vector_store %swap3A_1375[%swap3A_1376], %mul3A_1197 {strides = array<i32>} : memref<64xf32, #tpu.memory_space<vmem>>, vector<16xf32>,
        %swap3A_1378 = arith.constant 0 : i32
        %swap3A_1379 = tpu.memref_slice %arg13[%add3A_996, %swap3A_1378] : memref<208x64xf32, #tpu.memory_space<vmem>> -> memref<1x64xf32, #tpu.memory_space<vmem>>
        %swap3A_1380 = tpu.memref_squeeze %swap3A_1379 : memref<1x64xf32, #tpu.memory_space<vmem>> -> memref<64xf32, #tpu.memory_space<vmem>>
        %swap3A_1381 = arith.constant 16 : index
        %swap3A_1382 = tpu.vector_load %swap3A_1380[%swap3A_1381] {strides = array<i32>} : memref<64xf32, #tpu.memory_space<vmem>>, vector<16xf32>,
        tpu.vector_store %swap3A_1380[%swap3A_1381], %mul3A_1205 {strides = array<i32>} : memref<64xf32, #tpu.memory_space<vmem>>, vector<16xf32>,
        %swap3A_1383 = arith.constant 0 : i32
        %swap3A_1384 = tpu.memref_slice %arg13[%add3A_996, %swap3A_1383] : memref<208x64xf32, #tpu.memory_space<vmem>> -> memref<1x64xf32, #tpu.memory_space<vmem>>
        %swap3A_1385 = tpu.memref_squeeze %swap3A_1384 : memref<1x64xf32, #tpu.memory_space<vmem>> -> memref<64xf32, #tpu.memory_space<vmem>>
        %swap3A_1386 = arith.constant 32 : index
        %swap3A_1387 = tpu.vector_load %swap3A_1385[%swap3A_1386] {strides = array<i32>} : memref<64xf32, #tpu.memory_space<vmem>>, vector<16xf32>,
        tpu.vector_store %swap3A_1385[%swap3A_1386], %mul3A_1213 {strides = array<i32>} : memref<64xf32, #tpu.memory_space<vmem>>, vector<16xf32>,
        %swap3A_1388 = arith.constant 0 : i32
        %swap3A_1389 = tpu.memref_slice %arg13[%add3A_996, %swap3A_1388] : memref<208x64xf32, #tpu.memory_space<vmem>> -> memref<1x64xf32, #tpu.memory_space<vmem>>
        %swap3A_1390 = tpu.memref_squeeze %swap3A_1389 : memref<1x64xf32, #tpu.memory_space<vmem>> -> memref<64xf32, #tpu.memory_space<vmem>>
        %swap3A_1391 = arith.constant 48 : index
        %swap3A_1392 = tpu.vector_load %swap3A_1390[%swap3A_1391] {strides = array<i32>} : memref<64xf32, #tpu.memory_space<vmem>>, vector<16xf32>,
        tpu.vector_store %swap3A_1390[%swap3A_1391], %mul3A_1221 {strides = array<i32>} : memref<64xf32, #tpu.memory_space<vmem>>, vector<16xf32>,
        %swap3A_1393 = arith.constant 0 : i32
        %swap3A_1394 = tpu.memref_slice %arg13[%add3A_998, %swap3A_1393] : memref<208x64xf32, #tpu.memory_space<vmem>> -> memref<1x64xf32, #tpu.memory_space<vmem>>
        %swap3A_1395 = tpu.memref_squeeze %swap3A_1394 : memref<1x64xf32, #tpu.memory_space<vmem>> -> memref<64xf32, #tpu.memory_space<vmem>>
        %swap3A_1396 = arith.constant 0 : index
        %swap3A_1397 = tpu.vector_load %swap3A_1395[%swap3A_1396] {strides = array<i32>} : memref<64xf32, #tpu.memory_space<vmem>>, vector<16xf32>,
        tpu.vector_store %swap3A_1395[%swap3A_1396], %mul3A_1229 {strides = array<i32>} : memref<64xf32, #tpu.memory_space<vmem>>, vector<16xf32>,
        %swap3A_1398 = arith.constant 0 : i32
        %swap3A_1399 = tpu.memref_slice %arg13[%add3A_998, %swap3A_1398] : memref<208x64xf32, #tpu.memory_space<vmem>> -> memref<1x64xf32, #tpu.memory_space<vmem>>
        %swap3A_1400 = tpu.memref_squeeze %swap3A_1399 : memref<1x64xf32, #tpu.memory_space<vmem>> -> memref<64xf32, #tpu.memory_space<vmem>>
        %swap3A_1401 = arith.constant 16 : index
        %swap3A_1402 = tpu.vector_load %swap3A_1400[%swap3A_1401] {strides = array<i32>} : memref<64xf32, #tpu.memory_space<vmem>>, vector<16xf32>,
        tpu.vector_store %swap3A_1400[%swap3A_1401], %mul3A_1237 {strides = array<i32>} : memref<64xf32, #tpu.memory_space<vmem>>, vector<16xf32>,
        %swap3A_1403 = arith.constant 0 : i32
        %swap3A_1404 = tpu.memref_slice %arg13[%add3A_998, %swap3A_1403] : memref<208x64xf32, #tpu.memory_space<vmem>> -> memref<1x64xf32, #tpu.memory_space<vmem>>
        %swap3A_1405 = tpu.memref_squeeze %swap3A_1404 : memref<1x64xf32, #tpu.memory_space<vmem>> -> memref<64xf32, #tpu.memory_space<vmem>>
        %swap3A_1406 = arith.constant 32 : index
        %swap3A_1407 = tpu.vector_load %swap3A_1405[%swap3A_1406] {strides = array<i32>} : memref<64xf32, #tpu.memory_space<vmem>>, vector<16xf32>,
        tpu.vector_store %swap3A_1405[%swap3A_1406], %mul3A_1245 {strides = array<i32>} : memref<64xf32, #tpu.memory_space<vmem>>, vector<16xf32>,
        %swap3A_1408 = arith.constant 0 : i32
        %swap3A_1409 = tpu.memref_slice %arg13[%add3A_998, %swap3A_1408] : memref<208x64xf32, #tpu.memory_space<vmem>> -> memref<1x64xf32, #tpu.memory_space<vmem>>
        %swap3A_1410 = tpu.memref_squeeze %swap3A_1409 : memref<1x64xf32, #tpu.memory_space<vmem>> -> memref<64xf32, #tpu.memory_space<vmem>>
        %swap3A_1411 = arith.constant 48 : index
        %swap3A_1412 = tpu.vector_load %swap3A_1410[%swap3A_1411] {strides = array<i32>} : memref<64xf32, #tpu.memory_space<vmem>>, vector<16xf32>,
        tpu.vector_store %swap3A_1410[%swap3A_1411], %mul3A_1253 {strides = array<i32>} : memref<64xf32, #tpu.memory_space<vmem>>, vector<16xf32>,
      }
      %scan3A_965 = arith.constant 25 : i32
      %dma_start3A_966 = arith.constant 0 : i32
      %dma_start3A_967 = arith.constant 0 : i32
      %dma_start3A_968 = tpu.memref_slice %arg13[%dma_start3A_966, %dma_start3A_967] : memref<208x64xf32, #tpu.memory_space<vmem>> -> memref<200x64xf32, #tpu.memory_space<vmem>>
      %dma_start3A_969 = arith.constant 0 : i32
      %dma_start3A_970 = arith.constant 128 : i32
      %dma_start3A_971 = tpu.memref_slice %arg8[%add3A_238, %dma_start3A_969, %dma_start3A_970] : memref<4096x200x192xf32, #tpu.memory_space<hbm>> -> memref<1x200x64xf32, #tpu.memory_space<hbm>>
      %dma_start3A_972 = tpu.memref_squeeze %dma_start3A_971 : memref<1x200x64xf32, #tpu.memory_space<hbm>> -> memref<200x64xf32, #tpu.memory_space<hbm>>
      %dma_start3A_973 = arith.constant 0 : i32
      %dma_start3A_974 = arith.constant 128 : i32
      %dma_start3A_975 = tpu.memref_slice %arg8[%add3A_238, %dma_start3A_973, %dma_start3A_974] : memref<4096x200x192xf32, #tpu.memory_space<hbm>> -> memref<1x200x64xf32, #tpu.memory_space<hbm>>
      %dma_start3A_976 = tpu.memref_squeeze %dma_start3A_975 : memref<1x200x64xf32, #tpu.memory_space<hbm>> -> memref<200x64xf32, #tpu.memory_space<hbm>>
      %dma_start3A_977 = arith.constant 0 : i32
      %dma_start3A_978 = arith.constant 0 : i32
      %dma_start3A_979 = tpu.memref_slice %arg13[%dma_start3A_977, %dma_start3A_978] : memref<208x64xf32, #tpu.memory_space<vmem>> -> memref<200x64xf32, #tpu.memory_space<vmem>>
      tpu.enqueue_dma source(%dma_start3A_979 : memref<200x64xf32, #tpu.memory_space<vmem>>) target(%dma_start3A_976 : memref<200x64xf32, #tpu.memory_space<hbm>>) target_semaphore(%arg21 : memref<!tpu.dma_semaphore, #tpu.memory_space<semaphore_mem>>)
    }
    %scan3A_181 = arith.constant 64 : i32
    %add3A_182 = arith.constant 128 : i32
    %add3A_183 = arith.addi %mul3A_2, %add3A_182 : i32
    %sub3A = arith.constant 1 : i32
    %sub3A_184 = arith.subi %add3A_183, %sub3A : i32
    %dma_wait3A_185 = arith.constant 0 : i32
    %dma_wait3A_186 = arith.constant 0 : i32
    %dma_wait3A_187 = arith.constant 0 : i32
    %dma_wait3A_188 = tpu.memref_slice %arg11[%dma_wait3A_186, %dma_wait3A_187] : memref<208x64xf32, #tpu.memory_space<vmem>> -> memref<104x64xf32, #tpu.memory_space<vmem>>
    %dma_wait3A_189 = arith.constant 0 : i32
    %dma_wait3A_190 = tpu.memref_slice %arg9[%dma_wait3A_185, %dma_wait3A_189] : memref<6x104xi32, #tpu.memory_space<vmem>> -> memref<1x104xi32, #tpu.memory_space<vmem>>
    %dma_wait3A_191 = tpu.memref_squeeze %dma_wait3A_190 : memref<1x104xi32, #tpu.memory_space<vmem>> -> memref<104xi32, #tpu.memory_space<vmem>>
    %dma_wait3A_192 = arith.constant 0 : i32
    %dma_wait3A_193 = arith.constant 0 : i32
    %dma_wait3A_194 = tpu.memref_slice %arg5[%dma_wait3A_192, %dma_wait3A_193] : memref<100000x64xf32, #tpu.memory_space<hbm>> -> memref<100000x64xf32, #tpu.memory_space<hbm>>
    tpu.wait_indirect_dma semaphore(%arg16 : memref<!tpu.dma_semaphore, #tpu.memory_space<semaphore_mem>>) src(%dma_wait3A_194 : memref<100000x64xf32, #tpu.memory_space<hbm>>) dst(%dma_wait3A_188 : memref<104x64xf32, #tpu.memory_space<vmem>>)
    %dma_wait3A_195 = arith.constant 1 : i32
    %dma_wait3A_196 = arith.constant 96 : i32
    %dma_wait3A_197 = arith.constant 0 : i32
    %dma_wait3A_198 = tpu.memref_slice %arg11[%dma_wait3A_196, %dma_wait3A_197] : memref<208x64xf32, #tpu.memory_space<vmem>> -> memref<104x64xf32, #tpu.memory_space<vmem>>
    %dma_wait3A_199 = arith.constant 0 : i32
    %dma_wait3A_200 = tpu.memref_slice %arg9[%dma_wait3A_195, %dma_wait3A_199] : memref<6x104xi32, #tpu.memory_space<vmem>> -> memref<1x104xi32, #tpu.memory_space<vmem>>
    %dma_wait3A_201 = tpu.memref_squeeze %dma_wait3A_200 : memref<1x104xi32, #tpu.memory_space<vmem>> -> memref<104xi32, #tpu.memory_space<vmem>>
    %dma_wait3A_202 = arith.constant 0 : i32
    %dma_wait3A_203 = arith.constant 0 : i32
    %dma_wait3A_204 = tpu.memref_slice %arg5[%dma_wait3A_202, %dma_wait3A_203] : memref<100000x64xf32, #tpu.memory_space<hbm>> -> memref<100000x64xf32, #tpu.memory_space<hbm>>
    tpu.wait_indirect_dma semaphore(%arg16 : memref<!tpu.dma_semaphore, #tpu.memory_space<semaphore_mem>>) src(%dma_wait3A_204 : memref<100000x64xf32, #tpu.memory_space<hbm>>) dst(%dma_wait3A_198 : memref<104x64xf32, #tpu.memory_space<vmem>>)
    %dma_wait3A_205 = arith.constant 0 : i32
    %dma_wait3A_206 = arith.constant 0 : i32
    %dma_wait3A_207 = tpu.memref_slice %arg12[%dma_wait3A_205, %dma_wait3A_206] : memref<208x64xf32, #tpu.memory_space<vmem>> -> memref<200x64xf32, #tpu.memory_space<vmem>>
    %dma_wait3A_208 = arith.constant 0 : i32
    %dma_wait3A_209 = arith.constant 64 : i32
    %dma_wait3A_210 = tpu.memref_slice %arg8[%sub3A_184, %dma_wait3A_208, %dma_wait3A_209] : memref<4096x200x192xf32, #tpu.memory_space<hbm>> -> memref<1x200x64xf32, #tpu.memory_space<hbm>>
    %dma_wait3A_211 = tpu.memref_squeeze %dma_wait3A_210 : memref<1x200x64xf32, #tpu.memory_space<hbm>> -> memref<200x64xf32, #tpu.memory_space<hbm>>
    %dma_wait3A_212 = arith.constant 0 : i32
    %dma_wait3A_213 = arith.constant 64 : i32
    %dma_wait3A_214 = tpu.memref_slice %arg8[%sub3A_184, %dma_wait3A_212, %dma_wait3A_213] : memref<4096x200x192xf32, #tpu.memory_space<hbm>> -> memref<1x200x64xf32, #tpu.memory_space<hbm>>
    %dma_wait3A_215 = tpu.memref_squeeze %dma_wait3A_214 : memref<1x200x64xf32, #tpu.memory_space<hbm>> -> memref<200x64xf32, #tpu.memory_space<hbm>>
    %dma_wait3A_216 = arith.constant 0 : i32
    %dma_wait3A_217 = arith.constant 0 : i32
    %dma_wait3A_218 = tpu.memref_slice %arg12[%dma_wait3A_216, %dma_wait3A_217] : memref<208x64xf32, #tpu.memory_space<vmem>> -> memref<200x64xf32, #tpu.memory_space<vmem>>
    tpu.wait_dma2 semaphore(%arg20 : memref<!tpu.dma_semaphore, #tpu.memory_space<semaphore_mem>>) src(%dma_wait3A_218 : memref<200x64xf32, #tpu.memory_space<vmem>>) dst(%dma_wait3A_215 : memref<200x64xf32, #tpu.memory_space<hbm>>)
    %dma_wait3A_219 = arith.constant 0 : i32
    %dma_wait3A_220 = arith.constant 0 : i32
    %dma_wait3A_221 = tpu.memref_slice %arg13[%dma_wait3A_219, %dma_wait3A_220] : memref<208x64xf32, #tpu.memory_space<vmem>> -> memref<200x64xf32, #tpu.memory_space<vmem>>
    %dma_wait3A_222 = arith.constant 0 : i32
    %dma_wait3A_223 = arith.constant 128 : i32
    %dma_wait3A_224 = tpu.memref_slice %arg8[%sub3A_184, %dma_wait3A_222, %dma_wait3A_223] : memref<4096x200x192xf32, #tpu.memory_space<hbm>> -> memref<1x200x64xf32, #tpu.memory_space<hbm>>
    %dma_wait3A_225 = tpu.memref_squeeze %dma_wait3A_224 : memref<1x200x64xf32, #tpu.memory_space<hbm>> -> memref<200x64xf32, #tpu.memory_space<hbm>>
    %dma_wait3A_226 = arith.constant 0 : i32
    %dma_wait3A_227 = arith.constant 128 : i32
    %dma_wait3A_228 = tpu.memref_slice %arg8[%sub3A_184, %dma_wait3A_226, %dma_wait3A_227] : memref<4096x200x192xf32, #tpu.memory_space<hbm>> -> memref<1x200x64xf32, #tpu.memory_space<hbm>>
    %dma_wait3A_229 = tpu.memref_squeeze %dma_wait3A_228 : memref<1x200x64xf32, #tpu.memory_space<hbm>> -> memref<200x64xf32, #tpu.memory_space<hbm>>
    %dma_wait3A_230 = arith.constant 0 : i32
    %dma_wait3A_231 = arith.constant 0 : i32
    %dma_wait3A_232 = tpu.memref_slice %arg13[%dma_wait3A_230, %dma_wait3A_231] : memref<208x64xf32, #tpu.memory_space<vmem>> -> memref<200x64xf32, #tpu.memory_space<vmem>>
    tpu.wait_dma2 semaphore(%arg21 : memref<!tpu.dma_semaphore, #tpu.memory_space<semaphore_mem>>) src(%dma_wait3A_232 : memref<200x64xf32, #tpu.memory_space<vmem>>) dst(%dma_wait3A_229 : memref<200x64xf32, #tpu.memory_space<hbm>>)
    return
  }
}

</mosaic_0001>

<sc_bundles>
// kernel: kernel.3.cloned.1.call-start
scs
__scs_entry_jumppad:
0x0: {  	(pc) =	sbr.rel $0x88, $3  }
0x1: {  	(tag) =	ssettag $0x0;
	lr =	simm.s32 $0x1  }
0x2: {  	[smem:$0x3F9B] =	sst lr;
	_ =	strace $0xD0000000  }
0x3: {  	_ = 	snop  }
0x4: {  	_ = 	snop  }
0x5: {  	_ = 	snop  }
0x6: {  	_ = 	snop  }
0x7: {  	_ = 	snop  }
__scs_overlays_trampoline_lowered:
0x8: {  	[smem:$0x3FAA] =	sst s0  }
0x9: {  	[smem:$0x3FAB] =	sst s1  }
0xa: {  	[smem:$0x3FAC] =	sst s2  }
0xb: {  	[smem:$0x3FAD] =	sst s3  }
0xc: {  	[smem:$0x3FAE] =	sst s4  }
0xd: {  	[smem:$0x3FAF] =	sst s5  }
0xe: {  	[smem:$0x3FB0] =	sst s6  }
0xf: {  	[smem:$0x3FB1] =	sst s7  }
0x10: {  	[smem:$0x3FB2] =	sst s8  }
0x11: {  	[smem:$0x3FB3] =	sst s9;
	s0 =	simm.s32 @!p0 $0x0  }
0x12: {  	s1 =	sld [smem:$0x3F99];
	s0 =	simm.s32 @p0 $0x1  }
0x13: {  	[smem:$0x3FB4] =	sst s0;
	s0 =	simm.s32 @!p1 $0x0  }
0x14: {  	s2 =	sld [smem:$0x3F98];
	s0 =	simm.s32 @p1 $0x1  }
0x15: {  	[smem:$0x3FB5] =	sst s0;
	s0 =	simm.s32 @!p2 $0x0  }
0x16: {  	s3 =	sld [smem:$0x3FDB];
	s0 =	simm.s32 @p2 $0x1  }
0x17: {  	s4 =	simm.s32 $0x1BF5;
	[smem:$0x3FB7] =	sst s0  }
0x18: {  	s0 =	sld [smem:$0x3F9A];
	_ =	swait.ge [sflag:s4], $0x0  }
0x19: {  	s7 =	sld [smem:$0x3F9B]  }
0x1a: {  	s8 =	sadd.s32 $0xFFFFE003, lr  }
0x1b: {  	s9 =	sadd.s32 $0xFFFFFEF7, lr;
	s5 =	simm.s32 $0xFFFFFFFF;
	p2 =	slt.u32 s8, $0xFFFFF086  }
0x1c: {  	p1 =	slt.u32 s9, $0xF7A;
	s5 =	simm.s32 @!p2 $0x0  }
0x1d: {  	s5 =	simm.s32 @p1 $0x1;
	p0 =	seq.s32 s7, s2  }
0x1e: {  	s7 =	smul.u32 @!p0 $0xF7A, s2;
	p2 =	seq.s32 @!p0 s5, $0x0  }
0x1f: {  	s9 =	smul.u32 $0xF7A, s1;
	s8 =	simm.s32 @!p0 $0x1BF5;
	p2 =	por !p2, p0  }
0x20: {  	[sflag:s8] =	ssyncset.s32 @!p0 $0xFFFFF086;
	s6 =	sadd.s32 @!p0 s3, s7;
	s7 =	simm.s32 @!p0 $0x108  }
0x21: {  	s3 =	sadd.s32 s3, s9;
	s6 =	sadd.s32 @!p0 $0x88, s6;
	s7 =	simm.s32 @p2 $0x1082  }
0x22: {  	[simem:s7], [sflag:s8] =	dma.local @!p0 [hbm:s6], $0xF7A  }
0x23: {  	s9 =	sor.u32 $0xD0000000, s2;
	s6 =	simm.s32 $0x108;
	_ =	swait.ge @!p0 [sflag:s8], $0x0  }
0x24: {  	s3 =	sadd.s32 $0x88, s3;
	s6 =	simm.s32 @!p1 $0x1082;
	[sflag:s4] =	ssyncset.s32 $0xFFFFF086  }
0x25: {  	[simem:s6], [sflag:s4] =	dma.local [hbm:s3], $0xF7A  }
0x26: {  	[smem:$0x3F9B] =	sst s1;
	(tag) =	ssettag s2;
	_ =	strace s9  }
0x27: {  	s1 =	sld [smem:$0x3FAB]  }
0x28: {  	s2 =	sld [smem:$0x3FAC]  }
0x29: {  	s4 =	sld [smem:$0x3FAE]  }
0x2a: {  	p0 =	seq.s32 s5, $0x0;
	s5 =	sld [smem:$0x3FAF]  }
0x2b: {  	s6 =	sld [smem:$0x3FB0]  }
0x2c: {  	s7 =	sld [smem:$0x3FB1]  }
0x2d: {  	s3 =	simm.s32 $0x108;
	s8 =	sld [smem:$0x3FB2]  }
0x2e: {  	s3 =	simm.s32 @!p0 $0x1082;
	s9 =	sld [smem:$0x3FB3]  }
0x2f: {  	lr =	sadd.s32 s0, s3;
	s0 =	sld [smem:$0x3FAA]  }
0x30: {  	s3 =	sld [smem:$0x3FAD]  }
0x31: {  	[smem:$0x3FB6] =	sst s10  }
0x32: {  	s10 =	sld [smem:$0x3FB4];
	_ =	sdelay $0x3  }
0x33: {  	p0 =	seq.s32 s10, $0x1;
	s10 =	sld [smem:$0x3FB6];
	_ =	sdelay $0x3  }
0x34: {  	[smem:$0x3FB6] =	sst s10  }
0x35: {  	s10 =	sld [smem:$0x3FB5];
	_ =	sdelay $0x3  }
0x36: {  	p1 =	seq.s32 s10, $0x1;
	s10 =	sld [smem:$0x3FB6];
	_ =	sdelay $0x3  }
0x37: {  	[smem:$0x3FB6] =	sst s10  }
0x38: {  	s10 =	sld [smem:$0x3FB7]  }
0x39: {  	_ = 	snop;
	(pc) =	sbr.ind lr, $3  }
0x3a: {  	_ = 	snop  }
0x3b: {  	_ = 	snop  }
0x3c: {  	p2 =	seq.s32 s10, $0x1;
	s10 =	sld [smem:$0x3FB6]  }
0x3d: {  	_ =	shalt  }
0x3e: {  	_ =	shalt  }
0x3f: {  	_ =	shalt  }
0x40: {  	_ =	shalt  }
0x41: {  	_ =	shalt  }
0x42: {  	_ =	shalt  }
0x43: {  	_ =	shalt  }
0x44: {  	_ =	shalt  }
0x45: {  	_ =	shalt  }
0x46: {  	_ =	shalt  }
0x47: {  	_ =	shalt  }
0x48: {  	_ =	shalt  }
0x49: {  	_ =	shalt  }
0x4a: {  	_ =	shalt  }
0x4b: {  	_ =	shalt  }
0x4c: {  	_ =	shalt  }
0x4d: {  	_ =	shalt  }
0x4e: {  	_ =	shalt  }
0x4f: {  	_ =	shalt  }
0x50: {  	_ =	shalt  }
0x51: {  	_ =	shalt  }
0x52: {  	_ =	shalt  }
0x53: {  	_ =	shalt  }
0x54: {  	_ =	shalt  }
0x55: {  	_ =	shalt  }
0x56: {  	_ =	shalt  }
0x57: {  	_ =	shalt  }
0x58: {  	_ =	shalt  }
0x59: {  	_ =	shalt  }
0x5a: {  	_ =	shalt  }
0x5b: {  	_ =	shalt  }
0x5c: {  	_ =	shalt  }
0x5d: {  	_ =	shalt  }
0x5e: {  	_ =	shalt  }
0x5f: {  	_ =	shalt  }
0x60: {  	_ =	shalt  }
0x61: {  	_ =	shalt  }
0x62: {  	_ =	shalt  }
0x63: {  	_ =	shalt  }
0x64: {  	_ =	shalt  }
0x65: {  	_ =	shalt  }
0x66: {  	_ =	shalt  }
0x67: {  	_ =	shalt  }
0x68: {  	_ =	shalt  }
0x69: {  	_ =	shalt  }
0x6a: {  	_ =	shalt  }
0x6b: {  	_ =	shalt  }
0x6c: {  	_ =	shalt  }
0x6d: {  	_ =	shalt  }
0x6e: {  	_ =	shalt  }
0x6f: {  	_ =	shalt  }
0x70: {  	_ =	shalt  }
0x71: {  	_ =	shalt  }
0x72: {  	_ =	shalt  }
0x73: {  	_ =	shalt  }
0x74: {  	_ =	shalt  }
0x75: {  	_ =	shalt  }
0x76: {  	_ =	shalt  }
0x77: {  	_ =	shalt  }
0x78: {  	_ =	shalt  }
0x79: {  	_ =	shalt  }
0x7a: {  	_ =	shalt  }
0x7b: {  	_ =	shalt  }
0x7c: {  	_ =	shalt  }
0x7d: {  	_ =	shalt  }
0x7e: {  	_ =	shalt  }
0x7f: {  	_ =	shalt  }
0x80: {  	_ =	shalt  }
0x81: {  	_ =	shalt  }
0x82: {  	_ =	shalt  }
0x83: {  	_ =	shalt  }
0x84: {  	_ =	shalt  }
0x85: {  	_ =	shalt  }
0x86: {  	_ =	shalt  }
0x87: {  	_ =	shalt  }
.Lfunc_end0:
.L_simem_size_0:
called_computation.1_lowered:
.L_overlay_start_0:
0x88: {  	s2 =	sld [smem:$0x3FD9]  }
0x89: {  	s3 =	sld [smem:$0x3FFE];
	_ =	sdelay $0x1  }
0x8a: {  	s1 =	srdreg.scid  }
0x8b: {  	s0 =	sand.u32 $0x1, s1  }
0x8c: {  	s17 =	sshll.u32 s0, $0xA;
	s2 =	sadd.s32 s3, s2  }
0x8d: {  	s2 =	sadd.s32 s2, s17  }
0x8e: {  	[smem:$0x3FC2] =	sst s2  }
0x8f: {  	_ = 	snop  }
0x90: {  	s2 =	sld [smem:$0x3FD0];
	(tm) =	ssettm $0x1  }
0x91: {  	s18 =	sld [smem:$0x3FFB];
	_ =	sdelay $0x3  }
0x92: {  	_ =	strace s18  }
0x93: {  	s3 =	sld [smem:$0x3FFC];
	_ =	sdelay $0x3  }
0x94: {  	_ =	strace s3  }
0x95: {  	s3 =	sld [smem:$0x3FFD];
	_ =	sdelay $0x3  }
0x96: {  	_ =	strace s3  }
0x97: {  	_ =	strace $0x8FFFFFFF  }
0x98: {  	s19 =	sld [smem:$0x3FDB];
	_ =	sdelay $0x1  }
0x99: {  	s4 =	simm.s32 $_scs_section_size  }
0x9a: {  	s5 =	simm.s32 $_size__tile_overlayer_lowered;
	s6 =	simm.s32 $_tile_overlayer_lowered  }
0x9b: {  	s22 =	simm.s32 $0x1BFF;
	s21 =	sshll.u32 s6, $0x1;
	s3 =	sadd.s32 s4, s19  }
0x9c: {  	s7 =	simm.s32 $0x0;
	s20 =	sshll.u32 s5, $0x1;
	s5 =	sadd.s32 s21, s3  }
0x9d: {  	[timem:s7], [sflag:s22] =	dma.local [hbm:s5], s20  }
0x9e: {  	_ =	swait.ge [sflag:s22], s20  }
0x9f: {  	s4 =	ssub.s32 $0x0, s20;
	[sflag:s22] =	ssyncset.done $0x0  }
0xa0: {  	[sflag:s22] =	ssyncadd.s32 s4;
	_ =	sdelay $0x1  }
0xa1: {  	s23 =	simm.s32 $0x1B8B  }
0xa2: {  	_ =	swait.ge [sflag:s23], $0x1  }
0xa3: {  	[sflag:s23] =	ssyncset.done $0x0  }
0xa4: {  	s25 =	simm.s32 $0x1B8E;
	s24 =	sld [smem:$0x3FFE];
	[sflag:s23] =	ssyncadd.s32 $0xFFFFFFFF  }
0xa5: {  	s26 =	simm.s32 $execute0_lowered;
	[smem:$0x3FD2] =	sst s25  }
0xa6: {  	s5 =	sshll.u32 s26, $0x1;
	_ =	strace $0x80000046;
	[dreg:$0x1] =	wrdreg $0xFFFFFFFF  }
0xa7: {  	s28 =	simm.s32 $_size_execute0_lowered;
	s3 =	sadd.s32 s3, s5;
	[dreg:$0x0] =	wrdreg $0x0  }
0xa8: {  	s5 =	sshll.u32 s28, $0x1;
	[dreg:$0x2] =	wrdreg s3  }
0xa9: {  	[dreg:$0x3] =	wrdreg s5  }
0xaa: {  	[dreg:$0x4] =	wrdreg $0xC0  }
0xab: {  	_ =	task [dreg:s7], $0x5FFFF  }
0xac: {  	[dreg:$0x1] =	wrdreg $0xFFFFFFFF  }
0xad: {  	[dreg:$0x0] =	wrdreg $0x60  }
0xae: {  	[dreg:$0x2] =	wrdreg s24  }
0xaf: {  	[dreg:$0x3] =	wrdreg s2  }
0xb0: {  	[dreg:$0x4] =	wrdreg $0x9  }
0xb1: {  	_ =	task.clear_ibuf [dreg:s7], $0x5FFFF;
	_ =	strace $0x90000046  }
0xb2: {  	s29 =	simm.s32 $0x9;
	_ =	strace $0x80000048  }
0xb3: {  	_ =	swait.ge [sflag:s29], $0x1  }
0xb4: {  	[sflag:s29] =	ssyncadd.s32 $0xFFFFFFFF  }
0xb5: {  	_ =	strace $0x90000048  }
0xb6: {  	_ =	sfence  }
0xb7: {  	s30 =	sld [smem:$0x0];
	_ =	sdelay $0x2  }
0xb8: {  	s31 =	sshll.u32 s1, $0xD;
	s1 =	sshrl.u32 s1, $0x2  }
0xb9: {  	s3 =	sand.u32 $0x4000, s31;
	s1 =	sadd.s32 s1, s30  }
0xba: {  	s0 =	sor.u32 s3, s0;
	s1 =	sshll.u32 s1, $0x11  }
0xbb: {  	s0 =	sor.u32 s1, s0  }
0xbc: {  	s0 =	sadd.s32 $0x8F2B, s0  }
0xbd: {  	[sflag:s0] =	ssyncadd.remote.s32 $0x1  }
0xbe: {  	_ =	sfence.sel $0xFFFF  }
0xbf: {  	[dreg:$0x0] =	wrdreg $0xFFFFFFFF;
	(pc) =	sbr.abs _section_cstart, $3  }
0xc0: {  	[dreg:$0x1] =	wrdreg $0xFFFFFFFF  }
0xc1: {  	_ =	task.clear_ibuf [dreg:s7], $0x2FFFF;
	_ =	strace $0x9FFFFFFF  }
0xc2: {  	(tm) =	ssettm $0x7FFFFFFF  }
0xc3: {  	_ =	shalt  }
tec
execute0_lowered:
.L_overlay_start_1:
0x0: {  	(tag) =	ssettag $0x1  }
0x1: {  	s0 =	rddreg [dreg:$0x0]  }
0x2: {  	s11 =	rddreg [dreg:$0x1];
	s1 =	srdreg.scid  }
0x3: {  	s3 =	simm.s32 $0x0;
	s2 =	stileid.u32;
	s28 =	simm.s32 $0x4E0  }
0x4: {  	s29 =	simm.s32 $0x1CE0;
	s13 =	simm.s32 $0x38E0;
	s15 =	simm.s32 $0x3  }
0x5: {  	s16 =	simm.s32 $0x40;
	s17 =	simm.s32 $0x4;
	s30 =	simm.s32 $0x2  }
0x6: {  	s31 =	simm.s32 $0x6;
	s1 =	sand.u32 $0x1, s1;
	[smem:$0x7FF] =	sst s3  }
0x7: {  	s2 =	sshll.u32 s2, $0x8;
	s4 =	sadd.s32 $0x2800, s0;
	s6 =	sadd.s32 $0x1B800, s0  }
0x8: {  	s7 =	sadd.s32 $0x34800, s0;
	s8 =	sadd.s32 $0x4D800, s0;
	s9 =	sadd.s32 $0x110E00, s0  }
0x9: {  	s10 =	sadd.s32 $0x1D4400, s0;
	s5 =	sshll.u32 s1, $0x7;
	s1 =	ssub.s32 $0x2, s1  }
0xa: {  	_ =	strace $0x80000047;
	s12 =	sor.u32 s5, s2;
	s18 =	sshrl.u32 s1, $0x1  }
0xb: {  	s2 =	smul.u32 $0x19, s12;
	s0 =	ssub.s32 s1, s18;
	[dreg:$0x3] =	wrdreg s12  }
0xc: {  	s26 =	sor.u32 $0x2, s12;
	s18 =	sadd.s32 $0x8, s11;
	s1 =	simm.s32 $0x7  }
0xd: {  	s12 =	simm.s32 $0x0;
	[dreg:$0xa] =	wrdreg s26;
	s0 =	smax.u32 s0, $0x1  }
0xe: {  	s26 =	simm.s32 $0x1;
	s20 =	sadd.s32 s4, s2;
	[dreg:$0xb] =	wrdreg s0  }
0xf: {  	s19 =	sor.u32 $0xC, s2;
	s22 =	sadd.s32 s6, s2;
	[dreg:$0x4] =	wrdreg s20  }
0x10: {  	s24 =	sadd.s32 s7, s2;
	s2 =	simm.s32 $0x6CE0;
	[dreg:$0x6] =	wrdreg s22  }
0x11: {  	s0 =	simm.s32 $0x5;
	s21 =	sadd.s32 s4, s19;
	[dreg:$0x8] =	wrdreg s24  }
0x12: {  	s23 =	sadd.s32 s6, s19;
	s25 =	sadd.s32 s7, s19;
	[dreg:$0x5] =	wrdreg s21  }
0x13: {  	s19 =	sadd.s32 $0x10, s11;
	s20 =	simm.s32 $0xC0;
	[dreg:$0x7] =	wrdreg s23  }
0x14: {  	s11 =	simm.s32 $0x8;
	[dreg:$0x9] =	wrdreg s25;
	s21 =	simm.s32 $0x68  }
.LBB2_1:
0x15: {  	[dreg:$0xc] =	wrdreg s12  }
0x16: {  	s5 =	rddreg [dreg:$0x4]  }
0x17: {  	[tilespmem:s3], [sflag:$0x1] =	stream.linear.gather [hbm4b:s5+s3], $0x68, $0x38;
	[tilespmem:$0xA0E0] =	vst v63  }
0x18: {  	s23 =	rddreg [dreg:$0x5]  }
0x19: {  	[tilespmem:s21], [sflag:$0x1] =	stream.linear.gather [hbm4b:s23+s3], $0x68, $0x38;
	[tilespmem:$0xA0E0] =	vst v63  }
0x1a: {  	s24 =	rddreg [dreg:$0x6];
	s25 =	simm.s32 $0xD0  }
0x1b: {  	[tilespmem:s25], [sflag:$0x1] =	stream.linear.gather [hbm4b:s24+s3], $0x68, $0x38;
	[tilespmem:$0xA0E0] =	vst v63  }
0x1c: {  	s12 =	rddreg [dreg:$0x7];
	s14 =	simm.s32 $0x138  }
0x1d: {  	[tilespmem:s14], [sflag:$0x1] =	stream.linear.gather [hbm4b:s12+s3], $0x68, $0x38;
	[tilespmem:$0xA0E0] =	vst v63  }
0x1e: {  	s22 =	rddreg [dreg:$0x8];
	s23 =	simm.s32 $0x1A0  }
0x1f: {  	[tilespmem:s23], [sflag:$0x1] =	stream.linear.gather [hbm4b:s22+s3], $0x68, $0x38;
	[tilespmem:$0xA0E0] =	vst v63  }
0x20: {  	s24 =	rddreg [dreg:$0x9];
	s25 =	simm.s32 $0x208  }
0x21: {  	[tilespmem:s25], [sflag:$0x1] =	stream.linear.gather [hbm4b:s24+s3], $0x68, $0x38;
	[tilespmem:$0xA0E0] =	vst v63  }
0x22: {  	_ =	swait.ge [sflag:s26], $0x68  }
0x23: {  	[sflag:s26] =	ssyncset.done $0x0  }
0x24: {  	[sflag:s26] =	ssyncadd.s32 $0xFFFFFF98  }
0x25: {  	_ =	swait.ge [sflag:s26], $0x68  }
0x26: {  	[sflag:s26] =	ssyncset.done $0x0  }
0x27: {  	[sflag:s26] =	ssyncadd.s32 $0xFFFFFF98  }
0x28: {  	_ =	swait.ge [sflag:s26], $0x68  }
0x29: {  	[sflag:s26] =	ssyncset.done $0x0  }
0x2a: {  	[sflag:s26] =	ssyncadd.s32 $0xFFFFFF98  }
0x2b: {  	_ =	swait.ge [sflag:s26], $0x68  }
0x2c: {  	[sflag:s26] =	ssyncset.done $0x0  }
0x2d: {  	[sflag:s26] =	ssyncadd.s32 $0xFFFFFF98  }
0x2e: {  	_ =	swait.ge [sflag:s26], $0x68  }
0x2f: {  	[sflag:s26] =	ssyncset.done $0x0  }
0x30: {  	[sflag:s26] =	ssyncadd.s32 $0xFFFFFF98  }
0x31: {  	_ =	swait.ge [sflag:s26], $0x68  }
0x32: {  	[sflag:s26] =	ssyncset.done $0x0  }
0x33: {  	[sflag:s26] =	ssyncadd.s32 $0xFFFFFF98  }
0x34: {  	[tilespmem:s28], [sflag:$0x3] =	stream.indirect.gather [hbm4b:s8+s21], $0x40, s3, s21, $0xb8;
	[tilespmem:$0xA0E0] =	vst v63  }
0x35: {  	s12 =	simm.s32 $0x0  }
0x36: {  	[tilespmem:s29], [sflag:$0x3] =	stream.indirect.gather [hbm4b:s8+s21], $0x40, s21, s21, $0xb8;
	[tilespmem:$0xA0E0] =	vst v63  }
.LBB2_2:
0x37: {  	s5 =	sshll.u32 s12, $0x1;
	s14 =	rddreg [dreg:$0x3]  }
0x38: {  	s22 =	sor.u32 s14, s5  }
0x39: {  	s14 =	sor.u32 $0x1, s22  }
0x3a: {  	s23 =	smul.u32 $0xC8, s14;
	_ =	sdelay $0x1  }
0x3b: {  	s23 =	sshrl.u32 s23, $0x3  }
0x3c: {  	s25 =	simm.s32 $0x270;
	s24 =	sadd.s32 s4, s23  }
0x3d: {  	[tilespmem:s25], [sflag:$0x2] =	stream.linear.gather [hbm4b:s24+s3], $0x68, $0x38;
	[tilespmem:$0xA0E0] =	vst v63  }
0x3e: {  	s24 =	sadd.s32 $0xC, s23  }
0x3f: {  	s29 =	simm.s32 $0x2D8;
	s25 =	sadd.s32 s4, s24  }
0x40: {  	[tilespmem:s29], [sflag:$0x2] =	stream.linear.gather [hbm4b:s25+s3], $0x68, $0x38;
	[tilespmem:$0xA0E0] =	vst v63  }
0x41: {  	s25 =	sadd.s32 s6, s23;
	s29 =	simm.s32 $0x340  }
0x42: {  	[tilespmem:s29], [sflag:$0x2] =	stream.linear.gather [hbm4b:s25+s3], $0x68, $0x38;
	[tilespmem:$0xA0E0] =	vst v63  }
0x43: {  	s25 =	sadd.s32 s6, s24;
	s29 =	simm.s32 $0x3A8  }
0x44: {  	[tilespmem:s29], [sflag:$0x2] =	stream.linear.gather [hbm4b:s25+s3], $0x68, $0x38;
	[tilespmem:$0xA0E0] =	vst v63  }
0x45: {  	p0 =	seq.s32 s12, $0x0;
	s23 =	sadd.s32 s7, s23;
	s29 =	simm.s32 $0x410  }
0x46: {  	[tilespmem:s29], [sflag:$0x2] =	stream.linear.gather [hbm4b:s23+s3], $0x68, $0x38;
	[tilespmem:$0xA0E0] =	vst v63  }
0x47: {  	s24 =	sadd.s32 s7, s24;
	s25 =	simm.s32 $0x478;
	s23 =	simm.s32 @!p0 $0x7  }
0x48: {  	[tilespmem:s25], [sflag:$0x2] =	stream.linear.gather [hbm4b:s24+s3], $0x68, $0x38;
	[tilespmem:$0xA0E0] =	vst v63  }
0x49: {  	_ =	swait.ge @!p0 [sflag:s23], $0x3200  }
0x4a: {  	[sflag:s23] =	ssyncset.done @!p0 $0x0  }
0x4b: {  	s29 =	simm.s32 $0xD0;
	[sflag:s23] =	ssyncadd.s32 @!p0 $0xFFFFCE00  }
0x4c: {  	[tilespmem:s13], [sflag:$0x4] =	stream.indirect.gather [hbm4b:s9+s21], $0x40, s29, s21, $0xb8;
	[tilespmem:$0xA0E0] =	vst v63  }
0x4d: {  	s24 =	simm.s32 $0x138;
	s25 =	simm.s32 $0x50E0  }
0x4e: {  	[tilespmem:s25], [sflag:$0x4] =	stream.indirect.gather [hbm4b:s9+s21], $0x40, s24, s21, $0xb8;
	[tilespmem:$0xA0E0] =	vst v63  }
0x4f: {  	_ =	swait.ge [sflag:s15], $0x1A00  }
0x50: {  	[sflag:s15] =	ssyncset.done $0x0  }
0x51: {  	[sflag:s15] =	ssyncadd.s32 $0xFFFFE600  }
0x52: {  	_ =	swait.ge [sflag:s15], $0x1A00  }
0x53: {  	[sflag:s15] =	ssyncset.done $0x0  }
0x54: {  	s23 =	simm.s32 $0x1F0;
	[sflag:s15] =	ssyncadd.s32 $0xFFFFE600  }
0x55: {  	v0 =	vld [tilespmem:s23+$0x2F0]  }
0x56: {  	v1 =	vld [tilespmem:s23+$0x300]  }
0x57: {  	v2 =	vld [tilespmem:s23+$0x310]  }
0x58: {  	v3 =	vld [tilespmem:s23+$0x320]  }
0x59: {  	v7 =	vld [tilespmem:s23+$0x360]  }
0x5a: {  	v4 =	vld [tilespmem:s23+$0x330];
	v0 =	vmul.f32 $8.000000000e+00, v0  }
0x5b: {  	v5 =	vld [tilespmem:s23+$0x340];
	v1 =	vmul.f32 $8.000000000e+00, v1  }
0x5c: {  	v6 =	vld [tilespmem:s23+$0x350];
	v2 =	vmul.f32 $8.000000000e+00, v2;
	[tilespmem:s23+$0x2F0] =	vst v0  }
0x5d: {  	v3 =	vmul.f32 $8.000000000e+00, v3;
	v0 =	vld [tilespmem:s23+$0x370];
	[tilespmem:s23+$0x300] =	vst v1  }
0x5e: {  	v7 =	vmul.f32 $8.000000000e+00, v7;
	v1 =	vld [tilespmem:s23+$0x380];
	[tilespmem:s23+$0x310] =	vst v2  }
0x5f: {  	v4 =	vmul.f32 $8.000000000e+00, v4;
	v2 =	vld [tilespmem:s23+$0x390];
	[tilespmem:s23+$0x320] =	vst v3  }
0x60: {  	v5 =	vmul.f32 $8.000000000e+00, v5;
	[tilespmem:s23+$0x360] =	vst v7;
	v7 =	vld [tilespmem:s23+$0x3E0]  }
0x61: {  	v6 =	vmul.f32 $8.000000000e+00, v6;
	v3 =	vld [tilespmem:s23+$0x3A0];
	[tilespmem:s23+$0x330] =	vst v4  }
0x62: {  	v4 =	vld [tilespmem:s23+$0x3B0];
	[tilespmem:s23+$0x340] =	vst v5;
	v0 =	vmul.f32 $8.000000000e+00, v0  }
0x63: {  	v5 =	vld [tilespmem:s23+$0x3C0];
	[tilespmem:s23+$0x350] =	vst v6;
	v1 =	vmul.f32 $8.000000000e+00, v1  }
0x64: {  	v6 =	vld [tilespmem:s23+$0x3D0];
	v2 =	vmul.f32 $8.000000000e+00, v2;
	[tilespmem:s23+$0x370] =	vst v0  }
0x65: {  	v7 =	vmul.f32 $8.000000000e+00, v7;
	v0 =	vld [tilespmem:s23+$0x3F0];
	[tilespmem:s23+$0x380] =	vst v1  }
0x66: {  	v3 =	vmul.f32 $8.000000000e+00, v3;
	v1 =	vld [tilespmem:s23+$0x400];
	[tilespmem:s23+$0x390] =	vst v2  }
0x67: {  	v4 =	vmul.f32 $8.000000000e+00, v4;
	[tilespmem:s23+$0x3E0] =	vst v7;
	v7 =	vld [tilespmem:s23+$0x460]  }
0x68: {  	v5 =	vmul.f32 $8.000000000e+00, v5;
	v2 =	vld [tilespmem:s23+$0x410];
	[tilespmem:s23+$0x3A0] =	vst v3  }
0x69: {  	v6 =	vmul.f32 $8.000000000e+00, v6;
	v3 =	vld [tilespmem:s23+$0x420];
	[tilespmem:s23+$0x3B0] =	vst v4  }
0x6a: {  	v4 =	vld [tilespmem:s23+$0x430];
	[tilespmem:s23+$0x3C0] =	vst v5;
	v0 =	vmul.f32 $8.000000000e+00, v0  }
0x6b: {  	v5 =	vld [tilespmem:s23+$0x440];
	[tilespmem:s23+$0x3D0] =	vst v6;
	v1 =	vmul.f32 $8.000000000e+00, v1  }
0x6c: {  	v6 =	vld [tilespmem:s23+$0x450];
	v7 =	vmul.f32 $8.000000000e+00, v7;
	[tilespmem:s23+$0x3F0] =	vst v0  }
0x6d: {  	v8 =	vld [tilespmem:s23+$0x470];
	v0 =	vmul.f32 $8.000000000e+00, v2;
	[tilespmem:s23+$0x400] =	vst v1  }
0x6e: {  	v9 =	vld [tilespmem:s23+$0x480];
	v1 =	vmul.f32 $8.000000000e+00, v3;
	[tilespmem:s23+$0x460] =	vst v7  }
0x6f: {  	v2 =	vmul.f32 $8.000000000e+00, v4;
	[tilespmem:s23+$0x410] =	vst v0;
	v0 =	vld [tilespmem:s23+$0x490]  }
0x70: {  	v3 =	vmul.f32 $8.000000000e+00, v5;
	[tilespmem:s23+$0x420] =	vst v1;
	v1 =	vld [tilespmem:s23+$0x4A0]  }
0x71: {  	v4 =	vmul.f32 $8.000000000e+00, v6;
	[tilespmem:s23+$0x430] =	vst v2;
	v2 =	vld [tilespmem:s23+$0x4B0]  }
0x72: {  	s5 =	smin.u32 s5, $0x7D;
	s29 =	rddreg [dreg:$0xa];
	v6 =	vmul.f32 $8.000000000e+00, v8;
	[tilespmem:s23+$0x440] =	vst v3;
	v3 =	vld [tilespmem:s23+$0x4C0]  }
0x73: {  	s24 =	simm.s32 $0xFC0;
	s5 =	sadd.s32 s5, s29;
	v5 =	vmul.f32 $8.000000000e+00, v9;
	[tilespmem:s23+$0x450] =	vst v4;
	v4 =	vld [tilespmem:s23+$0x4D0]  }
.LBB2_3:
0x74: {  	s25 =	sshra.s32 s24, $0x2;
	p1 =	sne.s32 s24, $0xC7C0;
	v0 =	vmul.f32 $8.000000000e+00, v0;
	v7 =	vld [tilespmem:s23+$0x4E0];
	[tilespmem:s23+$0x470] =	vst v6  }
0x75: {  	v6 =	vld [tilespmem:s25+$0x2F0];
	v1 =	vmul.f32 $8.000000000e+00, v1;
	[tilespmem:s23+$0x480] =	vst v5  }
0x76: {  	v5 =	vld [tilespmem:s25+$0x300];
	v2 =	vmul.f32 $8.000000000e+00, v2;
	[tilespmem:s23+$0x490] =	vst v0  }
0x77: {  	v0 =	vld [tilespmem:s25+$0x310];
	v3 =	vmul.f32 $8.000000000e+00, v3;
	[tilespmem:s23+$0x4A0] =	vst v1  }
0x78: {  	v1 =	vld [tilespmem:s25+$0x320];
	v4 =	vmul.f32 $8.000000000e+00, v4;
	[tilespmem:s23+$0x4B0] =	vst v2  }
0x79: {  	v2 =	vld [tilespmem:s25+$0x330];
	v7 =	vmul.f32 $8.000000000e+00, v7;
	[tilespmem:s23+$0x4C0] =	vst v3  }
0x7a: {  	v3 =	vmul.f32 $8.000000000e+00, v6;
	v6 =	vld [tilespmem:s25+$0x340];
	[tilespmem:s23+$0x4D0] =	vst v4  }
0x7b: {  	v4 =	vmul.f32 $8.000000000e+00, v5;
	v5 =	vld [tilespmem:s25+$0x350];
	[tilespmem:s23+$0x4E0] =	vst v7;
	s23 =	smov.u32 s25  }
0x7c: {  	v0 =	vmul.f32 $8.000000000e+00, v0;
	v7 =	vld [tilespmem:s23+$0x360];
	[tilespmem:s23+$0x2F0] =	vst v3  }
0x7d: {  	v1 =	vmul.f32 $8.000000000e+00, v1;
	v3 =	vld [tilespmem:s23+$0x370];
	[tilespmem:s23+$0x300] =	vst v4  }
0x7e: {  	v2 =	vmul.f32 $8.000000000e+00, v2;
	v4 =	vld [tilespmem:s23+$0x380];
	[tilespmem:s23+$0x310] =	vst v0  }
0x7f: {  	v0 =	vmul.f32 $8.000000000e+00, v6;
	v6 =	vld [tilespmem:s23+$0x390];
	[tilespmem:s23+$0x320] =	vst v1  }
0x80: {  	v1 =	vmul.f32 $8.000000000e+00, v5;
	v5 =	vld [tilespmem:s23+$0x3A0];
	[tilespmem:s23+$0x330] =	vst v2  }
0x81: {  	v2 =	vmul.f32 $8.000000000e+00, v7;
	v7 =	vld [tilespmem:s23+$0x3B0];
	[tilespmem:s23+$0x340] =	vst v0  }
0x82: {  	v0 =	vmul.f32 $8.000000000e+00, v3;
	v3 =	vld [tilespmem:s23+$0x3C0];
	[tilespmem:s23+$0x350] =	vst v1  }
0x83: {  	v1 =	vmul.f32 $8.000000000e+00, v4;
	v4 =	vld [tilespmem:s23+$0x3D0];
	[tilespmem:s23+$0x360] =	vst v2  }
0x84: {  	v2 =	vmul.f32 $8.000000000e+00, v6;
	v6 =	vld [tilespmem:s23+$0x3E0];
	[tilespmem:s23+$0x370] =	vst v0  }
0x85: {  	v0 =	vmul.f32 $8.000000000e+00, v5;
	v5 =	vld [tilespmem:s23+$0x3F0];
	[tilespmem:s23+$0x380] =	vst v1  }
0x86: {  	v1 =	vmul.f32 $8.000000000e+00, v7;
	v7 =	vld [tilespmem:s23+$0x400];
	[tilespmem:s23+$0x390] =	vst v2  }
0x87: {  	v2 =	vmul.f32 $8.000000000e+00, v3;
	v3 =	vld [tilespmem:s23+$0x410];
	[tilespmem:s23+$0x3A0] =	vst v0  }
0x88: {  	v0 =	vmul.f32 $8.000000000e+00, v4;
	v4 =	vld [tilespmem:s23+$0x420];
	[tilespmem:s23+$0x3B0] =	vst v1  }
0x89: {  	v1 =	vmul.f32 $8.000000000e+00, v6;
	v6 =	vld [tilespmem:s23+$0x430];
	[tilespmem:s23+$0x3C0] =	vst v2  }
0x8a: {  	v2 =	vmul.f32 $8.000000000e+00, v5;
	v5 =	vld [tilespmem:s23+$0x440];
	[tilespmem:s23+$0x3D0] =	vst v0  }
0x8b: {  	v0 =	vmul.f32 $8.000000000e+00, v7;
	v7 =	vld [tilespmem:s23+$0x450];
	[tilespmem:s23+$0x3E0] =	vst v1  }
0x8c: {  	v1 =	vmul.f32 $8.000000000e+00, v3;
	v3 =	vld [tilespmem:s23+$0x460];
	[tilespmem:s23+$0x3F0] =	vst v2  }
0x8d: {  	v2 =	vmul.f32 $8.000000000e+00, v4;
	v4 =	vld [tilespmem:s23+$0x470];
	[tilespmem:s23+$0x400] =	vst v0  }
0x8e: {  	v6 =	vmul.f32 $8.000000000e+00, v6;
	v8 =	vld [tilespmem:s23+$0x480];
	[tilespmem:s23+$0x410] =	vst v1  }
.Ltmp0:
0x8f: {  	v5 =	vmul.f32 $8.000000000e+00, v5;
	v0 =	vld [tilespmem:s23+$0x490];
	[tilespmem:s23+$0x420] =	vst v2;
	(pc) =	sbr.rel @p1 .LBB2_3-.Ltmp0, $4  }
0x90: {  	v7 =	vmul.f32 $8.000000000e+00, v7;
	v1 =	vld [tilespmem:s23+$0x4A0];
	[tilespmem:s23+$0x430] =	vst v6  }
0x91: {  	v9 =	vmul.f32 $8.000000000e+00, v3;
	v2 =	vld [tilespmem:s23+$0x4B0];
	[tilespmem:s23+$0x440] =	vst v5  }
0x92: {  	v6 =	vmul.f32 $8.000000000e+00, v4;
	v3 =	vld [tilespmem:s23+$0x4C0];
	[tilespmem:s23+$0x450] =	vst v7  }
0x93: {  	s24 =	sadd.s32 $0x800, s24;
	v5 =	vmul.f32 $8.000000000e+00, v8;
	v4 =	vld [tilespmem:s23+$0x4D0];
	[tilespmem:s23+$0x460] =	vst v9  }
0x94: {  	v7 =	vld [tilespmem:s23+$0x4E0];
	v0 =	vmul.f32 $8.000000000e+00, v0;
	[tilespmem:s23+$0x470] =	vst v6  }
0x95: {  	v1 =	vmul.f32 $8.000000000e+00, v1;
	[tilespmem:s23+$0x480] =	vst v5  }
0x96: {  	v2 =	vmul.f32 $8.000000000e+00, v2;
	[tilespmem:s23+$0x490] =	vst v0  }
0x97: {  	v0 =	vmul.f32 $8.000000000e+00, v3;
	[tilespmem:s23+$0x4A0] =	vst v1  }
0x98: {  	v1 =	vmul.f32 $8.000000000e+00, v4;
	[tilespmem:s23+$0x4B0] =	vst v2  }
0x99: {  	s22 =	smul.u32 $0x12C0, s22;
	v2 =	vmul.f32 $8.000000000e+00, v7;
	[tilespmem:s23+$0x4C0] =	vst v0  }
0x9a: {  	s25 =	rddreg [dreg:$0x1];
	[tilespmem:s23+$0x4D0] =	vst v1  }
0x9b: {  	[tilespmem:s23+$0x4E0] =	vst v2;
	s23 =	sadd.s32 s25, s22  }
0x9c: {  	[hbm4b:s23+s16] =	stream.strided.scatter [tilespmem:s28], [sflag:$0x6], $0x3200, s20, s16, $0x38;
	[tilespmem:$0xA0E0] =	vst v63  }
0x9d: {  	s23 =	simm.s32 @!p0 $0x8  }
0x9e: {  	_ =	swait.ge @!p0 [sflag:s23], $0x3200  }
0x9f: {  	[sflag:s23] =	ssyncset.done @!p0 $0x0  }
0xa0: {  	s24 =	simm.s32 $0x1A0;
	[sflag:s23] =	ssyncadd.s32 @!p0 $0xFFFFCE00  }
0xa1: {  	[tilespmem:s2], [sflag:$0x5] =	stream.indirect.gather [hbm4b:s10+s21], $0x40, s24, s21, $0xb8;
	[tilespmem:$0xA0E0] =	vst v63  }
0xa2: {  	s25 =	simm.s32 $0x208;
	s24 =	simm.s32 $0x84E0  }
0xa3: {  	[tilespmem:s24], [sflag:$0x5] =	stream.indirect.gather [hbm4b:s10+s21], $0x40, s25, s21, $0xb8;
	[tilespmem:$0xA0E0] =	vst v63  }
0xa4: {  	_ =	swait.ge [sflag:s17], $0x1A00  }
0xa5: {  	[sflag:s17] =	ssyncset.done $0x0  }
0xa6: {  	[sflag:s17] =	ssyncadd.s32 $0xFFFFE600  }
0xa7: {  	_ =	swait.ge [sflag:s17], $0x1A00  }
0xa8: {  	[sflag:s17] =	ssyncset.done $0x0  }
0xa9: {  	s23 =	simm.s32 $0x1F0;
	[sflag:s17] =	ssyncadd.s32 $0xFFFFE600  }
0xaa: {  	v0 =	vld [tilespmem:s23+$0x36F0]  }
0xab: {  	v1 =	vld [tilespmem:s23+$0x3700]  }
0xac: {  	v2 =	vld [tilespmem:s23+$0x3710]  }
0xad: {  	v3 =	vld [tilespmem:s23+$0x3720]  }
0xae: {  	v7 =	vld [tilespmem:s23+$0x3760]  }
0xaf: {  	v4 =	vld [tilespmem:s23+$0x3730];
	v0 =	vmul.f32 $8.000000000e+00, v0  }
0xb0: {  	v5 =	vld [tilespmem:s23+$0x3740];
	v1 =	vmul.f32 $8.000000000e+00, v1  }
0xb1: {  	v6 =	vld [tilespmem:s23+$0x3750];
	v2 =	vmul.f32 $8.000000000e+00, v2;
	[tilespmem:s23+$0x36F0] =	vst v0  }
0xb2: {  	v3 =	vmul.f32 $8.000000000e+00, v3;
	v0 =	vld [tilespmem:s23+$0x3770];
	[tilespmem:s23+$0x3700] =	vst v1  }
0xb3: {  	v7 =	vmul.f32 $8.000000000e+00, v7;
	v1 =	vld [tilespmem:s23+$0x3780];
	[tilespmem:s23+$0x3710] =	vst v2  }
0xb4: {  	v4 =	vmul.f32 $8.000000000e+00, v4;
	v2 =	vld [tilespmem:s23+$0x3790];
	[tilespmem:s23+$0x3720] =	vst v3  }
0xb5: {  	v5 =	vmul.f32 $8.000000000e+00, v5;
	[tilespmem:s23+$0x3760] =	vst v7;
	v7 =	vld [tilespmem:s23+$0x37E0]  }
0xb6: {  	v6 =	vmul.f32 $8.000000000e+00, v6;
	v3 =	vld [tilespmem:s23+$0x37A0];
	[tilespmem:s23+$0x3730] =	vst v4  }
0xb7: {  	v4 =	vld [tilespmem:s23+$0x37B0];
	[tilespmem:s23+$0x3740] =	vst v5;
	v0 =	vmul.f32 $8.000000000e+00, v0  }
0xb8: {  	v5 =	vld [tilespmem:s23+$0x37C0];
	[tilespmem:s23+$0x3750] =	vst v6;
	v1 =	vmul.f32 $8.000000000e+00, v1  }
0xb9: {  	v6 =	vld [tilespmem:s23+$0x37D0];
	v2 =	vmul.f32 $8.000000000e+00, v2;
	[tilespmem:s23+$0x3770] =	vst v0  }
0xba: {  	v7 =	vmul.f32 $8.000000000e+00, v7;
	v0 =	vld [tilespmem:s23+$0x37F0];
	[tilespmem:s23+$0x3780] =	vst v1  }
0xbb: {  	v3 =	vmul.f32 $8.000000000e+00, v3;
	v1 =	vld [tilespmem:s23+$0x3800];
	[tilespmem:s23+$0x3790] =	vst v2  }
0xbc: {  	v4 =	vmul.f32 $8.000000000e+00, v4;
	[tilespmem:s23+$0x37E0] =	vst v7;
	v7 =	vld [tilespmem:s23+$0x3860]  }
0xbd: {  	v5 =	vmul.f32 $8.000000000e+00, v5;
	v2 =	vld [tilespmem:s23+$0x3810];
	[tilespmem:s23+$0x37A0] =	vst v3  }
0xbe: {  	v6 =	vmul.f32 $8.000000000e+00, v6;
	v3 =	vld [tilespmem:s23+$0x3820];
	[tilespmem:s23+$0x37B0] =	vst v4  }
0xbf: {  	v4 =	vld [tilespmem:s23+$0x3830];
	[tilespmem:s23+$0x37C0] =	vst v5;
	v0 =	vmul.f32 $8.000000000e+00, v0  }
0xc0: {  	v5 =	vld [tilespmem:s23+$0x3840];
	[tilespmem:s23+$0x37D0] =	vst v6;
	v1 =	vmul.f32 $8.000000000e+00, v1  }
0xc1: {  	v6 =	vld [tilespmem:s23+$0x3850];
	v7 =	vmul.f32 $8.000000000e+00, v7;
	[tilespmem:s23+$0x37F0] =	vst v0  }
0xc2: {  	v8 =	vld [tilespmem:s23+$0x3870];
	v0 =	vmul.f32 $8.000000000e+00, v2;
	[tilespmem:s23+$0x3800] =	vst v1  }
0xc3: {  	v9 =	vld [tilespmem:s23+$0x3880];
	v1 =	vmul.f32 $8.000000000e+00, v3;
	[tilespmem:s23+$0x3860] =	vst v7  }
0xc4: {  	v2 =	vmul.f32 $8.000000000e+00, v4;
	[tilespmem:s23+$0x3810] =	vst v0;
	v0 =	vld [tilespmem:s23+$0x3890]  }
0xc5: {  	v3 =	vmul.f32 $8.000000000e+00, v5;
	[tilespmem:s23+$0x3820] =	vst v1;
	v1 =	vld [tilespmem:s23+$0x38A0]  }
0xc6: {  	v4 =	vmul.f32 $8.000000000e+00, v6;
	[tilespmem:s23+$0x3830] =	vst v2;
	v2 =	vld [tilespmem:s23+$0x38B0]  }
0xc7: {  	v6 =	vmul.f32 $8.000000000e+00, v8;
	[tilespmem:s23+$0x3840] =	vst v3;
	v3 =	vld [tilespmem:s23+$0x38C0]  }
0xc8: {  	s29 =	simm.s32 $0x1CE0;
	s24 =	simm.s32 $0xFC0;
	v5 =	vmul.f32 $8.000000000e+00, v9;
	[tilespmem:s23+$0x3850] =	vst v4;
	v4 =	vld [tilespmem:s23+$0x38D0]  }
.LBB2_5:
0xc9: {  	s25 =	sshra.s32 s24, $0x2;
	p0 =	sne.s32 s24, $0xC7C0;
	v0 =	vmul.f32 $8.000000000e+00, v0;
	v7 =	vld [tilespmem:s23+$0x38E0];
	[tilespmem:s23+$0x3870] =	vst v6  }
0xca: {  	v6 =	vld [tilespmem:s25+$0x36F0];
	v1 =	vmul.f32 $8.000000000e+00, v1;
	[tilespmem:s23+$0x3880] =	vst v5  }
0xcb: {  	v5 =	vld [tilespmem:s25+$0x3700];
	v2 =	vmul.f32 $8.000000000e+00, v2;
	[tilespmem:s23+$0x3890] =	vst v0  }
0xcc: {  	v0 =	vld [tilespmem:s25+$0x3710];
	v3 =	vmul.f32 $8.000000000e+00, v3;
	[tilespmem:s23+$0x38A0] =	vst v1  }
0xcd: {  	v1 =	vld [tilespmem:s25+$0x3720];
	v4 =	vmul.f32 $8.000000000e+00, v4;
	[tilespmem:s23+$0x38B0] =	vst v2  }
0xce: {  	v2 =	vld [tilespmem:s25+$0x3730];
	v7 =	vmul.f32 $8.000000000e+00, v7;
	[tilespmem:s23+$0x38C0] =	vst v3  }
0xcf: {  	v3 =	vmul.f32 $8.000000000e+00, v6;
	v6 =	vld [tilespmem:s25+$0x3740];
	[tilespmem:s23+$0x38D0] =	vst v4  }
0xd0: {  	v4 =	vmul.f32 $8.000000000e+00, v5;
	v5 =	vld [tilespmem:s25+$0x3750];
	[tilespmem:s23+$0x38E0] =	vst v7;
	s23 =	smov.u32 s25  }
0xd1: {  	v0 =	vmul.f32 $8.000000000e+00, v0;
	v7 =	vld [tilespmem:s23+$0x3760];
	[tilespmem:s23+$0x36F0] =	vst v3  }
0xd2: {  	v1 =	vmul.f32 $8.000000000e+00, v1;
	v3 =	vld [tilespmem:s23+$0x3770];
	[tilespmem:s23+$0x3700] =	vst v4  }
0xd3: {  	v2 =	vmul.f32 $8.000000000e+00, v2;
	v4 =	vld [tilespmem:s23+$0x3780];
	[tilespmem:s23+$0x3710] =	vst v0  }
0xd4: {  	v0 =	vmul.f32 $8.000000000e+00, v6;
	v6 =	vld [tilespmem:s23+$0x3790];
	[tilespmem:s23+$0x3720] =	vst v1  }
0xd5: {  	v1 =	vmul.f32 $8.000000000e+00, v5;
	v5 =	vld [tilespmem:s23+$0x37A0];
	[tilespmem:s23+$0x3730] =	vst v2  }
0xd6: {  	v2 =	vmul.f32 $8.000000000e+00, v7;
	v7 =	vld [tilespmem:s23+$0x37B0];
	[tilespmem:s23+$0x3740] =	vst v0  }
0xd7: {  	v0 =	vmul.f32 $8.000000000e+00, v3;
	v3 =	vld [tilespmem:s23+$0x37C0];
	[tilespmem:s23+$0x3750] =	vst v1  }
0xd8: {  	v1 =	vmul.f32 $8.000000000e+00, v4;
	v4 =	vld [tilespmem:s23+$0x37D0];
	[tilespmem:s23+$0x3760] =	vst v2  }
0xd9: {  	v2 =	vmul.f32 $8.000000000e+00, v6;
	v6 =	vld [tilespmem:s23+$0x37E0];
	[tilespmem:s23+$0x3770] =	vst v0  }
0xda: {  	v0 =	vmul.f32 $8.000000000e+00, v5;
	v5 =	vld [tilespmem:s23+$0x37F0];
	[tilespmem:s23+$0x3780] =	vst v1  }
0xdb: {  	v1 =	vmul.f32 $8.000000000e+00, v7;
	v7 =	vld [tilespmem:s23+$0x3800];
	[tilespmem:s23+$0x3790] =	vst v2  }
0xdc: {  	v2 =	vmul.f32 $8.000000000e+00, v3;
	v3 =	vld [tilespmem:s23+$0x3810];
	[tilespmem:s23+$0x37A0] =	vst v0  }
0xdd: {  	v0 =	vmul.f32 $8.000000000e+00, v4;
	v4 =	vld [tilespmem:s23+$0x3820];
	[tilespmem:s23+$0x37B0] =	vst v1  }
0xde: {  	v1 =	vmul.f32 $8.000000000e+00, v6;
	v6 =	vld [tilespmem:s23+$0x3830];
	[tilespmem:s23+$0x37C0] =	vst v2  }
0xdf: {  	v2 =	vmul.f32 $8.000000000e+00, v5;
	v5 =	vld [tilespmem:s23+$0x3840];
	[tilespmem:s23+$0x37D0] =	vst v0  }
0xe0: {  	v0 =	vmul.f32 $8.000000000e+00, v7;
	v7 =	vld [tilespmem:s23+$0x3850];
	[tilespmem:s23+$0x37E0] =	vst v1  }
0xe1: {  	v1 =	vmul.f32 $8.000000000e+00, v3;
	v3 =	vld [tilespmem:s23+$0x3860];
	[tilespmem:s23+$0x37F0] =	vst v2  }
0xe2: {  	v2 =	vmul.f32 $8.000000000e+00, v4;
	v4 =	vld [tilespmem:s23+$0x3870];
	[tilespmem:s23+$0x3800] =	vst v0  }
0xe3: {  	v6 =	vmul.f32 $8.000000000e+00, v6;
	v8 =	vld [tilespmem:s23+$0x3880];
	[tilespmem:s23+$0x3810] =	vst v1  }
.Ltmp1:
0xe4: {  	v5 =	vmul.f32 $8.000000000e+00, v5;
	v0 =	vld [tilespmem:s23+$0x3890];
	[tilespmem:s23+$0x3820] =	vst v2;
	(pc) =	sbr.rel @p0 .LBB2_5-.Ltmp1, $4  }
0xe5: {  	v7 =	vmul.f32 $8.000000000e+00, v7;
	v1 =	vld [tilespmem:s23+$0x38A0];
	[tilespmem:s23+$0x3830] =	vst v6  }
0xe6: {  	v9 =	vmul.f32 $8.000000000e+00, v3;
	v2 =	vld [tilespmem:s23+$0x38B0];
	[tilespmem:s23+$0x3840] =	vst v5  }
0xe7: {  	v6 =	vmul.f32 $8.000000000e+00, v4;
	v3 =	vld [tilespmem:s23+$0x38C0];
	[tilespmem:s23+$0x3850] =	vst v7  }
0xe8: {  	s24 =	sadd.s32 $0x800, s24;
	v5 =	vmul.f32 $8.000000000e+00, v8;
	v4 =	vld [tilespmem:s23+$0x38D0];
	[tilespmem:s23+$0x3860] =	vst v9  }
0xe9: {  	v7 =	vld [tilespmem:s23+$0x38E0];
	v0 =	vmul.f32 $8.000000000e+00, v0;
	[tilespmem:s23+$0x3870] =	vst v6  }
0xea: {  	v1 =	vmul.f32 $8.000000000e+00, v1;
	[tilespmem:s23+$0x3880] =	vst v5  }
0xeb: {  	v2 =	vmul.f32 $8.000000000e+00, v2;
	[tilespmem:s23+$0x3890] =	vst v0  }
0xec: {  	v0 =	vmul.f32 $8.000000000e+00, v3;
	[tilespmem:s23+$0x38A0] =	vst v1  }
0xed: {  	v1 =	vmul.f32 $8.000000000e+00, v4;
	[tilespmem:s23+$0x38B0] =	vst v2  }
0xee: {  	v2 =	vmul.f32 $8.000000000e+00, v7;
	[tilespmem:s23+$0x38C0] =	vst v0  }
0xef: {  	[tilespmem:s23+$0x38D0] =	vst v1  }
0xf0: {  	s25 =	sadd.s32 s22, s18;
	[tilespmem:s23+$0x38E0] =	vst v2  }
0xf1: {  	[hbm4b:s25+s16] =	stream.strided.scatter [tilespmem:s13], [sflag:$0x7], $0x3200, s20, s16, $0x38;
	[tilespmem:$0xA0E0] =	vst v63  }
0xf2: {  	_ =	swait.ge [sflag:s30], $0x68  }
0xf3: {  	[sflag:s30] =	ssyncset.done $0x0  }
0xf4: {  	[sflag:s30] =	ssyncadd.s32 $0xFFFFFF98  }
0xf5: {  	_ =	swait.ge [sflag:s30], $0x68  }
0xf6: {  	[sflag:s30] =	ssyncset.done $0x0  }
0xf7: {  	[sflag:s30] =	ssyncadd.s32 $0xFFFFFF98  }
0xf8: {  	_ =	swait.ge [sflag:s30], $0x68  }
0xf9: {  	[sflag:s30] =	ssyncset.done $0x0  }
0xfa: {  	[sflag:s30] =	ssyncadd.s32 $0xFFFFFF98  }
0xfb: {  	_ =	swait.ge [sflag:s30], $0x68  }
0xfc: {  	[sflag:s30] =	ssyncset.done $0x0  }
0xfd: {  	[sflag:s30] =	ssyncadd.s32 $0xFFFFFF98  }
0xfe: {  	_ =	swait.ge [sflag:s30], $0x68  }
0xff: {  	[sflag:s30] =	ssyncset.done $0x0  }
0x100: {  	[sflag:s30] =	ssyncadd.s32 $0xFFFFFF98  }
0x101: {  	_ =	swait.ge [sflag:s30], $0x68  }
0x102: {  	[sflag:s30] =	ssyncset.done $0x0  }
0x103: {  	[sflag:s30] =	ssyncadd.s32 $0xFFFFFF98  }
0x104: {  	_ =	swait.ge [sflag:s31], $0x3200  }
0x105: {  	[sflag:s31] =	ssyncset.done $0x0  }
0x106: {  	s24 =	simm.s32 $0x270;
	[sflag:s31] =	ssyncadd.s32 $0xFFFFCE00  }
0x107: {  	[tilespmem:s28], [sflag:$0x3] =	stream.indirect.gather [hbm4b:s8+s21], $0x40, s24, s21, $0xb8;
	[tilespmem:$0xA0E0] =	vst v63  }
0x108: {  	s25 =	simm.s32 $0x2D8  }
0x109: {  	[tilespmem:s29], [sflag:$0x3] =	stream.indirect.gather [hbm4b:s8+s21], $0x40, s25, s21, $0xb8;
	[tilespmem:$0xA0E0] =	vst v63  }
0x10a: {  	_ =	swait.ge [sflag:s0], $0x1A00  }
0x10b: {  	[sflag:s0] =	ssyncset.done $0x0  }
0x10c: {  	[sflag:s0] =	ssyncadd.s32 $0xFFFFE600  }
0x10d: {  	_ =	swait.ge [sflag:s0], $0x1A00  }
0x10e: {  	[sflag:s0] =	ssyncset.done $0x0  }
0x10f: {  	s23 =	simm.s32 $0x1F0;
	[sflag:s0] =	ssyncadd.s32 $0xFFFFE600  }
0x110: {  	v0 =	vld [tilespmem:s23+$0x6AF0]  }
0x111: {  	v1 =	vld [tilespmem:s23+$0x6B00]  }
0x112: {  	v2 =	vld [tilespmem:s23+$0x6B10]  }
0x113: {  	v3 =	vld [tilespmem:s23+$0x6B20]  }
0x114: {  	v7 =	vld [tilespmem:s23+$0x6B60]  }
0x115: {  	v4 =	vld [tilespmem:s23+$0x6B30];
	v0 =	vmul.f32 $8.000000000e+00, v0  }
0x116: {  	v5 =	vld [tilespmem:s23+$0x6B40];
	v1 =	vmul.f32 $8.000000000e+00, v1  }
0x117: {  	v6 =	vld [tilespmem:s23+$0x6B50];
	v2 =	vmul.f32 $8.000000000e+00, v2;
	[tilespmem:s23+$0x6AF0] =	vst v0  }
0x118: {  	v3 =	vmul.f32 $8.000000000e+00, v3;
	v0 =	vld [tilespmem:s23+$0x6B70];
	[tilespmem:s23+$0x6B00] =	vst v1  }
0x119: {  	v7 =	vmul.f32 $8.000000000e+00, v7;
	v1 =	vld [tilespmem:s23+$0x6B80];
	[tilespmem:s23+$0x6B10] =	vst v2  }
0x11a: {  	v4 =	vmul.f32 $8.000000000e+00, v4;
	v2 =	vld [tilespmem:s23+$0x6B90];
	[tilespmem:s23+$0x6B20] =	vst v3  }
0x11b: {  	v5 =	vmul.f32 $8.000000000e+00, v5;
	[tilespmem:s23+$0x6B60] =	vst v7;
	v7 =	vld [tilespmem:s23+$0x6BE0]  }
0x11c: {  	v6 =	vmul.f32 $8.000000000e+00, v6;
	v3 =	vld [tilespmem:s23+$0x6BA0];
	[tilespmem:s23+$0x6B30] =	vst v4  }
0x11d: {  	v4 =	vld [tilespmem:s23+$0x6BB0];
	[tilespmem:s23+$0x6B40] =	vst v5;
	v0 =	vmul.f32 $8.000000000e+00, v0  }
0x11e: {  	v5 =	vld [tilespmem:s23+$0x6BC0];
	[tilespmem:s23+$0x6B50] =	vst v6;
	v1 =	vmul.f32 $8.000000000e+00, v1  }
0x11f: {  	v6 =	vld [tilespmem:s23+$0x6BD0];
	v2 =	vmul.f32 $8.000000000e+00, v2;
	[tilespmem:s23+$0x6B70] =	vst v0  }
0x120: {  	v7 =	vmul.f32 $8.000000000e+00, v7;
	v0 =	vld [tilespmem:s23+$0x6BF0];
	[tilespmem:s23+$0x6B80] =	vst v1  }
0x121: {  	v3 =	vmul.f32 $8.000000000e+00, v3;
	v1 =	vld [tilespmem:s23+$0x6C00];
	[tilespmem:s23+$0x6B90] =	vst v2  }
0x122: {  	v4 =	vmul.f32 $8.000000000e+00, v4;
	[tilespmem:s23+$0x6BE0] =	vst v7;
	v7 =	vld [tilespmem:s23+$0x6C60]  }
0x123: {  	v5 =	vmul.f32 $8.000000000e+00, v5;
	v2 =	vld [tilespmem:s23+$0x6C10];
	[tilespmem:s23+$0x6BA0] =	vst v3  }
0x124: {  	v6 =	vmul.f32 $8.000000000e+00, v6;
	v3 =	vld [tilespmem:s23+$0x6C20];
	[tilespmem:s23+$0x6BB0] =	vst v4  }
0x125: {  	v4 =	vld [tilespmem:s23+$0x6C30];
	[tilespmem:s23+$0x6BC0] =	vst v5;
	v0 =	vmul.f32 $8.000000000e+00, v0  }
0x126: {  	v5 =	vld [tilespmem:s23+$0x6C40];
	[tilespmem:s23+$0x6BD0] =	vst v6;
	v1 =	vmul.f32 $8.000000000e+00, v1  }
0x127: {  	v6 =	vld [tilespmem:s23+$0x6C50];
	v7 =	vmul.f32 $8.000000000e+00, v7;
	[tilespmem:s23+$0x6BF0] =	vst v0  }
0x128: {  	v8 =	vld [tilespmem:s23+$0x6C70];
	v0 =	vmul.f32 $8.000000000e+00, v2;
	[tilespmem:s23+$0x6C00] =	vst v1  }
0x129: {  	v9 =	vld [tilespmem:s23+$0x6C80];
	v1 =	vmul.f32 $8.000000000e+00, v3;
	[tilespmem:s23+$0x6C60] =	vst v7  }
0x12a: {  	v2 =	vmul.f32 $8.000000000e+00, v4;
	[tilespmem:s23+$0x6C10] =	vst v0;
	v0 =	vld [tilespmem:s23+$0x6C90]  }
0x12b: {  	v3 =	vmul.f32 $8.000000000e+00, v5;
	[tilespmem:s23+$0x6C20] =	vst v1;
	v1 =	vld [tilespmem:s23+$0x6CA0]  }
0x12c: {  	v4 =	vmul.f32 $8.000000000e+00, v6;
	[tilespmem:s23+$0x6C30] =	vst v2;
	v2 =	vld [tilespmem:s23+$0x6CB0]  }
0x12d: {  	v6 =	vmul.f32 $8.000000000e+00, v8;
	[tilespmem:s23+$0x6C40] =	vst v3;
	v3 =	vld [tilespmem:s23+$0x6CC0]  }
0x12e: {  	s24 =	simm.s32 $0xFC0;
	v5 =	vmul.f32 $8.000000000e+00, v9;
	[tilespmem:s23+$0x6C50] =	vst v4;
	v4 =	vld [tilespmem:s23+$0x6CD0]  }
.LBB2_7:
0x12f: {  	s25 =	sshra.s32 s24, $0x2;
	p0 =	sne.s32 s24, $0xC7C0;
	v0 =	vmul.f32 $8.000000000e+00, v0;
	v7 =	vld [tilespmem:s23+$0x6CE0];
	[tilespmem:s23+$0x6C70] =	vst v6  }
0x130: {  	v6 =	vld [tilespmem:s25+$0x6AF0];
	v1 =	vmul.f32 $8.000000000e+00, v1;
	[tilespmem:s23+$0x6C80] =	vst v5  }
0x131: {  	v5 =	vld [tilespmem:s25+$0x6B00];
	v2 =	vmul.f32 $8.000000000e+00, v2;
	[tilespmem:s23+$0x6C90] =	vst v0  }
0x132: {  	v0 =	vld [tilespmem:s25+$0x6B10];
	v3 =	vmul.f32 $8.000000000e+00, v3;
	[tilespmem:s23+$0x6CA0] =	vst v1  }
0x133: {  	v1 =	vld [tilespmem:s25+$0x6B20];
	v4 =	vmul.f32 $8.000000000e+00, v4;
	[tilespmem:s23+$0x6CB0] =	vst v2  }
0x134: {  	v2 =	vld [tilespmem:s25+$0x6B30];
	v7 =	vmul.f32 $8.000000000e+00, v7;
	[tilespmem:s23+$0x6CC0] =	vst v3  }
0x135: {  	v3 =	vmul.f32 $8.000000000e+00, v6;
	v6 =	vld [tilespmem:s25+$0x6B40];
	[tilespmem:s23+$0x6CD0] =	vst v4  }
0x136: {  	v4 =	vmul.f32 $8.000000000e+00, v5;
	v5 =	vld [tilespmem:s25+$0x6B50];
	[tilespmem:s23+$0x6CE0] =	vst v7;
	s23 =	smov.u32 s25  }
0x137: {  	v0 =	vmul.f32 $8.000000000e+00, v0;
	v7 =	vld [tilespmem:s23+$0x6B60];
	[tilespmem:s23+$0x6AF0] =	vst v3  }
0x138: {  	v1 =	vmul.f32 $8.000000000e+00, v1;
	v3 =	vld [tilespmem:s23+$0x6B70];
	[tilespmem:s23+$0x6B00] =	vst v4  }
0x139: {  	v2 =	vmul.f32 $8.000000000e+00, v2;
	v4 =	vld [tilespmem:s23+$0x6B80];
	[tilespmem:s23+$0x6B10] =	vst v0  }
0x13a: {  	v0 =	vmul.f32 $8.000000000e+00, v6;
	v6 =	vld [tilespmem:s23+$0x6B90];
	[tilespmem:s23+$0x6B20] =	vst v1  }
0x13b: {  	v1 =	vmul.f32 $8.000000000e+00, v5;
	v5 =	vld [tilespmem:s23+$0x6BA0];
	[tilespmem:s23+$0x6B30] =	vst v2  }
0x13c: {  	v2 =	vmul.f32 $8.000000000e+00, v7;
	v7 =	vld [tilespmem:s23+$0x6BB0];
	[tilespmem:s23+$0x6B40] =	vst v0  }
0x13d: {  	v0 =	vmul.f32 $8.000000000e+00, v3;
	v3 =	vld [tilespmem:s23+$0x6BC0];
	[tilespmem:s23+$0x6B50] =	vst v1  }
0x13e: {  	v1 =	vmul.f32 $8.000000000e+00, v4;
	v4 =	vld [tilespmem:s23+$0x6BD0];
	[tilespmem:s23+$0x6B60] =	vst v2  }
0x13f: {  	v2 =	vmul.f32 $8.000000000e+00, v6;
	v6 =	vld [tilespmem:s23+$0x6BE0];
	[tilespmem:s23+$0x6B70] =	vst v0  }
0x140: {  	v0 =	vmul.f32 $8.000000000e+00, v5;
	v5 =	vld [tilespmem:s23+$0x6BF0];
	[tilespmem:s23+$0x6B80] =	vst v1  }
0x141: {  	v1 =	vmul.f32 $8.000000000e+00, v7;
	v7 =	vld [tilespmem:s23+$0x6C00];
	[tilespmem:s23+$0x6B90] =	vst v2  }
0x142: {  	v2 =	vmul.f32 $8.000000000e+00, v3;
	v3 =	vld [tilespmem:s23+$0x6C10];
	[tilespmem:s23+$0x6BA0] =	vst v0  }
0x143: {  	v0 =	vmul.f32 $8.000000000e+00, v4;
	v4 =	vld [tilespmem:s23+$0x6C20];
	[tilespmem:s23+$0x6BB0] =	vst v1  }
0x144: {  	v1 =	vmul.f32 $8.000000000e+00, v6;
	v6 =	vld [tilespmem:s23+$0x6C30];
	[tilespmem:s23+$0x6BC0] =	vst v2  }
0x145: {  	v2 =	vmul.f32 $8.000000000e+00, v5;
	v5 =	vld [tilespmem:s23+$0x6C40];
	[tilespmem:s23+$0x6BD0] =	vst v0  }
0x146: {  	v0 =	vmul.f32 $8.000000000e+00, v7;
	v7 =	vld [tilespmem:s23+$0x6C50];
	[tilespmem:s23+$0x6BE0] =	vst v1  }
0x147: {  	v1 =	vmul.f32 $8.000000000e+00, v3;
	v3 =	vld [tilespmem:s23+$0x6C60];
	[tilespmem:s23+$0x6BF0] =	vst v2  }
0x148: {  	v2 =	vmul.f32 $8.000000000e+00, v4;
	v4 =	vld [tilespmem:s23+$0x6C70];
	[tilespmem:s23+$0x6C00] =	vst v0  }
0x149: {  	v6 =	vmul.f32 $8.000000000e+00, v6;
	v8 =	vld [tilespmem:s23+$0x6C80];
	[tilespmem:s23+$0x6C10] =	vst v1  }
.Ltmp2:
0x14a: {  	v5 =	vmul.f32 $8.000000000e+00, v5;
	v0 =	vld [tilespmem:s23+$0x6C90];
	[tilespmem:s23+$0x6C20] =	vst v2;
	(pc) =	sbr.rel @p0 .LBB2_7-.Ltmp2, $4  }
0x14b: {  	v7 =	vmul.f32 $8.000000000e+00, v7;
	v1 =	vld [tilespmem:s23+$0x6CA0];
	[tilespmem:s23+$0x6C30] =	vst v6  }
0x14c: {  	v9 =	vmul.f32 $8.000000000e+00, v3;
	v2 =	vld [tilespmem:s23+$0x6CB0];
	[tilespmem:s23+$0x6C40] =	vst v5  }
0x14d: {  	v6 =	vmul.f32 $8.000000000e+00, v4;
	v3 =	vld [tilespmem:s23+$0x6CC0];
	[tilespmem:s23+$0x6C50] =	vst v7  }
0x14e: {  	s24 =	sadd.s32 $0x800, s24;
	v5 =	vmul.f32 $8.000000000e+00, v8;
	v4 =	vld [tilespmem:s23+$0x6CD0];
	[tilespmem:s23+$0x6C60] =	vst v9  }
0x14f: {  	v7 =	vld [tilespmem:s23+$0x6CE0];
	v0 =	vmul.f32 $8.000000000e+00, v0;
	[tilespmem:s23+$0x6C70] =	vst v6  }
0x150: {  	v1 =	vmul.f32 $8.000000000e+00, v1;
	[tilespmem:s23+$0x6C80] =	vst v5  }
0x151: {  	v2 =	vmul.f32 $8.000000000e+00, v2;
	[tilespmem:s23+$0x6C90] =	vst v0  }
0x152: {  	v0 =	vmul.f32 $8.000000000e+00, v3;
	[tilespmem:s23+$0x6CA0] =	vst v1  }
0x153: {  	v1 =	vmul.f32 $8.000000000e+00, v4;
	[tilespmem:s23+$0x6CB0] =	vst v2  }
0x154: {  	s5 =	smul.u32 $0xC8, s5;
	v2 =	vmul.f32 $8.000000000e+00, v7;
	[tilespmem:s23+$0x6CC0] =	vst v0  }
0x155: {  	[tilespmem:s23+$0x6CD0] =	vst v1  }
0x156: {  	s22 =	sadd.s32 s22, s19;
	s5 =	sshrl.u32 s5, $0x3;
	[tilespmem:s23+$0x6CE0] =	vst v2  }
0x157: {  	[hbm4b:s22+s16] =	stream.strided.scatter [tilespmem:s2], [sflag:$0x8], $0x3200, s20, s16, $0x38;
	[tilespmem:$0xA0E0] =	vst v63  }
0x158: {  	s23 =	sadd.s32 s4, s5;
	s22 =	sadd.s32 $0xC, s5  }
0x159: {  	[tilespmem:s3], [sflag:$0x1] =	stream.linear.gather [hbm4b:s23+s3], $0x68, $0x38;
	[tilespmem:$0xA0E0] =	vst v63  }
0x15a: {  	s24 =	sadd.s32 s4, s22  }
0x15b: {  	[tilespmem:s21], [sflag:$0x1] =	stream.linear.gather [hbm4b:s24+s3], $0x68, $0x38;
	[tilespmem:$0xA0E0] =	vst v63  }
0x15c: {  	s25 =	sadd.s32 s6, s5;
	s24 =	simm.s32 $0xD0  }
0x15d: {  	[tilespmem:s24], [sflag:$0x1] =	stream.linear.gather [hbm4b:s25+s3], $0x68, $0x38;
	[tilespmem:$0xA0E0] =	vst v63  }
0x15e: {  	s24 =	sadd.s32 s6, s22;
	s25 =	simm.s32 $0x138  }
0x15f: {  	[tilespmem:s25], [sflag:$0x1] =	stream.linear.gather [hbm4b:s24+s3], $0x68, $0x38;
	[tilespmem:$0xA0E0] =	vst v63  }
0x160: {  	s5 =	sadd.s32 s7, s5;
	s25 =	simm.s32 $0x1A0  }
0x161: {  	[tilespmem:s25], [sflag:$0x1] =	stream.linear.gather [hbm4b:s5+s3], $0x68, $0x38;
	[tilespmem:$0xA0E0] =	vst v63  }
0x162: {  	s24 =	sadd.s32 s7, s22;
	s25 =	simm.s32 $0x208  }
0x163: {  	[tilespmem:s25], [sflag:$0x1] =	stream.linear.gather [hbm4b:s24+s3], $0x68, $0x38;
	[tilespmem:$0xA0E0] =	vst v63  }
0x164: {  	_ =	swait.ge [sflag:s1], $0x3200  }
0x165: {  	[sflag:s1] =	ssyncset.done $0x0  }
0x166: {  	s23 =	simm.s32 $0x340;
	[sflag:s1] =	ssyncadd.s32 $0xFFFFCE00  }
0x167: {  	[tilespmem:s13], [sflag:$0x4] =	stream.indirect.gather [hbm4b:s9+s21], $0x40, s23, s21, $0xb8;
	[tilespmem:$0xA0E0] =	vst v63  }
0x168: {  	s24 =	simm.s32 $0x3A8;
	s25 =	simm.s32 $0x50E0  }
0x169: {  	[tilespmem:s25], [sflag:$0x4] =	stream.indirect.gather [hbm4b:s9+s21], $0x40, s24, s21, $0xb8;
	[tilespmem:$0xA0E0] =	vst v63  }
0x16a: {  	_ =	swait.ge [sflag:s15], $0x1A00  }
0x16b: {  	[sflag:s15] =	ssyncset.done $0x0  }
0x16c: {  	[sflag:s15] =	ssyncadd.s32 $0xFFFFE600  }
0x16d: {  	_ =	swait.ge [sflag:s15], $0x1A00  }
0x16e: {  	[sflag:s15] =	ssyncset.done $0x0  }
0x16f: {  	s22 =	simm.s32 $0x1F0;
	[sflag:s15] =	ssyncadd.s32 $0xFFFFE600  }
0x170: {  	v0 =	vld [tilespmem:s22+$0x2F0]  }
0x171: {  	v1 =	vld [tilespmem:s22+$0x300]  }
0x172: {  	v2 =	vld [tilespmem:s22+$0x310]  }
0x173: {  	v3 =	vld [tilespmem:s22+$0x320]  }
0x174: {  	v7 =	vld [tilespmem:s22+$0x360]  }
0x175: {  	v4 =	vld [tilespmem:s22+$0x330];
	v0 =	vmul.f32 $8.000000000e+00, v0  }
0x176: {  	v5 =	vld [tilespmem:s22+$0x340];
	v1 =	vmul.f32 $8.000000000e+00, v1  }
0x177: {  	v6 =	vld [tilespmem:s22+$0x350];
	v2 =	vmul.f32 $8.000000000e+00, v2;
	[tilespmem:s22+$0x2F0] =	vst v0  }
0x178: {  	v3 =	vmul.f32 $8.000000000e+00, v3;
	v0 =	vld [tilespmem:s22+$0x370];
	[tilespmem:s22+$0x300] =	vst v1  }
0x179: {  	v7 =	vmul.f32 $8.000000000e+00, v7;
	v1 =	vld [tilespmem:s22+$0x380];
	[tilespmem:s22+$0x310] =	vst v2  }
0x17a: {  	v4 =	vmul.f32 $8.000000000e+00, v4;
	v2 =	vld [tilespmem:s22+$0x390];
	[tilespmem:s22+$0x320] =	vst v3  }
0x17b: {  	v5 =	vmul.f32 $8.000000000e+00, v5;
	[tilespmem:s22+$0x360] =	vst v7;
	v7 =	vld [tilespmem:s22+$0x3E0]  }
0x17c: {  	v6 =	vmul.f32 $8.000000000e+00, v6;
	v3 =	vld [tilespmem:s22+$0x3A0];
	[tilespmem:s22+$0x330] =	vst v4  }
0x17d: {  	v4 =	vld [tilespmem:s22+$0x3B0];
	[tilespmem:s22+$0x340] =	vst v5;
	v0 =	vmul.f32 $8.000000000e+00, v0  }
0x17e: {  	v5 =	vld [tilespmem:s22+$0x3C0];
	[tilespmem:s22+$0x350] =	vst v6;
	v1 =	vmul.f32 $8.000000000e+00, v1  }
0x17f: {  	v6 =	vld [tilespmem:s22+$0x3D0];
	v2 =	vmul.f32 $8.000000000e+00, v2;
	[tilespmem:s22+$0x370] =	vst v0  }
0x180: {  	v7 =	vmul.f32 $8.000000000e+00, v7;
	v0 =	vld [tilespmem:s22+$0x3F0];
	[tilespmem:s22+$0x380] =	vst v1  }
0x181: {  	v3 =	vmul.f32 $8.000000000e+00, v3;
	v1 =	vld [tilespmem:s22+$0x400];
	[tilespmem:s22+$0x390] =	vst v2  }
0x182: {  	v4 =	vmul.f32 $8.000000000e+00, v4;
	[tilespmem:s22+$0x3E0] =	vst v7;
	v7 =	vld [tilespmem:s22+$0x460]  }
0x183: {  	v5 =	vmul.f32 $8.000000000e+00, v5;
	v2 =	vld [tilespmem:s22+$0x410];
	[tilespmem:s22+$0x3A0] =	vst v3  }
0x184: {  	v6 =	vmul.f32 $8.000000000e+00, v6;
	v3 =	vld [tilespmem:s22+$0x420];
	[tilespmem:s22+$0x3B0] =	vst v4  }
0x185: {  	v4 =	vld [tilespmem:s22+$0x430];
	[tilespmem:s22+$0x3C0] =	vst v5;
	v0 =	vmul.f32 $8.000000000e+00, v0  }
0x186: {  	v5 =	vld [tilespmem:s22+$0x440];
	[tilespmem:s22+$0x3D0] =	vst v6;
	v1 =	vmul.f32 $8.000000000e+00, v1  }
0x187: {  	v6 =	vld [tilespmem:s22+$0x450];
	v7 =	vmul.f32 $8.000000000e+00, v7;
	[tilespmem:s22+$0x3F0] =	vst v0  }
0x188: {  	v8 =	vld [tilespmem:s22+$0x470];
	v0 =	vmul.f32 $8.000000000e+00, v2;
	[tilespmem:s22+$0x400] =	vst v1  }
0x189: {  	v9 =	vld [tilespmem:s22+$0x480];
	v1 =	vmul.f32 $8.000000000e+00, v3;
	[tilespmem:s22+$0x460] =	vst v7  }
0x18a: {  	v2 =	vmul.f32 $8.000000000e+00, v4;
	[tilespmem:s22+$0x410] =	vst v0;
	v0 =	vld [tilespmem:s22+$0x490]  }
0x18b: {  	v3 =	vmul.f32 $8.000000000e+00, v5;
	[tilespmem:s22+$0x420] =	vst v1;
	v1 =	vld [tilespmem:s22+$0x4A0]  }
0x18c: {  	v4 =	vmul.f32 $8.000000000e+00, v6;
	[tilespmem:s22+$0x430] =	vst v2;
	v2 =	vld [tilespmem:s22+$0x4B0]  }
0x18d: {  	v6 =	vmul.f32 $8.000000000e+00, v8;
	[tilespmem:s22+$0x440] =	vst v3;
	v3 =	vld [tilespmem:s22+$0x4C0]  }
0x18e: {  	s5 =	simm.s32 $0xFC0;
	v5 =	vmul.f32 $8.000000000e+00, v9;
	[tilespmem:s22+$0x450] =	vst v4;
	v4 =	vld [tilespmem:s22+$0x4D0]  }
.LBB2_9:
0x18f: {  	s23 =	sshra.s32 s5, $0x2;
	p0 =	sne.s32 s5, $0xC7C0;
	v0 =	vmul.f32 $8.000000000e+00, v0;
	v7 =	vld [tilespmem:s22+$0x4E0];
	[tilespmem:s22+$0x470] =	vst v6  }
0x190: {  	v6 =	vld [tilespmem:s23+$0x2F0];
	v1 =	vmul.f32 $8.000000000e+00, v1;
	[tilespmem:s22+$0x480] =	vst v5  }
0x191: {  	v5 =	vld [tilespmem:s23+$0x300];
	v2 =	vmul.f32 $8.000000000e+00, v2;
	[tilespmem:s22+$0x490] =	vst v0  }
0x192: {  	v0 =	vld [tilespmem:s23+$0x310];
	v3 =	vmul.f32 $8.000000000e+00, v3;
	[tilespmem:s22+$0x4A0] =	vst v1  }
0x193: {  	v1 =	vld [tilespmem:s23+$0x320];
	v4 =	vmul.f32 $8.000000000e+00, v4;
	[tilespmem:s22+$0x4B0] =	vst v2  }
0x194: {  	v2 =	vld [tilespmem:s23+$0x330];
	v7 =	vmul.f32 $8.000000000e+00, v7;
	[tilespmem:s22+$0x4C0] =	vst v3  }
0x195: {  	v3 =	vmul.f32 $8.000000000e+00, v6;
	v6 =	vld [tilespmem:s23+$0x340];
	[tilespmem:s22+$0x4D0] =	vst v4  }
0x196: {  	v4 =	vmul.f32 $8.000000000e+00, v5;
	v5 =	vld [tilespmem:s23+$0x350];
	[tilespmem:s22+$0x4E0] =	vst v7;
	s22 =	smov.u32 s23  }
0x197: {  	v0 =	vmul.f32 $8.000000000e+00, v0;
	v7 =	vld [tilespmem:s22+$0x360];
	[tilespmem:s22+$0x2F0] =	vst v3  }
0x198: {  	v1 =	vmul.f32 $8.000000000e+00, v1;
	v3 =	vld [tilespmem:s22+$0x370];
	[tilespmem:s22+$0x300] =	vst v4  }
0x199: {  	v2 =	vmul.f32 $8.000000000e+00, v2;
	v4 =	vld [tilespmem:s22+$0x380];
	[tilespmem:s22+$0x310] =	vst v0  }
0x19a: {  	v0 =	vmul.f32 $8.000000000e+00, v6;
	v6 =	vld [tilespmem:s22+$0x390];
	[tilespmem:s22+$0x320] =	vst v1  }
0x19b: {  	v1 =	vmul.f32 $8.000000000e+00, v5;
	v5 =	vld [tilespmem:s22+$0x3A0];
	[tilespmem:s22+$0x330] =	vst v2  }
0x19c: {  	v2 =	vmul.f32 $8.000000000e+00, v7;
	v7 =	vld [tilespmem:s22+$0x3B0];
	[tilespmem:s22+$0x340] =	vst v0  }
0x19d: {  	v0 =	vmul.f32 $8.000000000e+00, v3;
	v3 =	vld [tilespmem:s22+$0x3C0];
	[tilespmem:s22+$0x350] =	vst v1  }
0x19e: {  	v1 =	vmul.f32 $8.000000000e+00, v4;
	v4 =	vld [tilespmem:s22+$0x3D0];
	[tilespmem:s22+$0x360] =	vst v2  }
0x19f: {  	v2 =	vmul.f32 $8.000000000e+00, v6;
	v6 =	vld [tilespmem:s22+$0x3E0];
	[tilespmem:s22+$0x370] =	vst v0  }
0x1a0: {  	v0 =	vmul.f32 $8.000000000e+00, v5;
	v5 =	vld [tilespmem:s22+$0x3F0];
	[tilespmem:s22+$0x380] =	vst v1  }
0x1a1: {  	v1 =	vmul.f32 $8.000000000e+00, v7;
	v7 =	vld [tilespmem:s22+$0x400];
	[tilespmem:s22+$0x390] =	vst v2  }
0x1a2: {  	v2 =	vmul.f32 $8.000000000e+00, v3;
	v3 =	vld [tilespmem:s22+$0x410];
	[tilespmem:s22+$0x3A0] =	vst v0  }
0x1a3: {  	v0 =	vmul.f32 $8.000000000e+00, v4;
	v4 =	vld [tilespmem:s22+$0x420];
	[tilespmem:s22+$0x3B0] =	vst v1  }
0x1a4: {  	v1 =	vmul.f32 $8.000000000e+00, v6;
	v6 =	vld [tilespmem:s22+$0x430];
	[tilespmem:s22+$0x3C0] =	vst v2  }
0x1a5: {  	v2 =	vmul.f32 $8.000000000e+00, v5;
	v5 =	vld [tilespmem:s22+$0x440];
	[tilespmem:s22+$0x3D0] =	vst v0  }
0x1a6: {  	v0 =	vmul.f32 $8.000000000e+00, v7;
	v7 =	vld [tilespmem:s22+$0x450];
	[tilespmem:s22+$0x3E0] =	vst v1  }
0x1a7: {  	v1 =	vmul.f32 $8.000000000e+00, v3;
	v3 =	vld [tilespmem:s22+$0x460];
	[tilespmem:s22+$0x3F0] =	vst v2  }
0x1a8: {  	v2 =	vmul.f32 $8.000000000e+00, v4;
	v4 =	vld [tilespmem:s22+$0x470];
	[tilespmem:s22+$0x400] =	vst v0  }
0x1a9: {  	v6 =	vmul.f32 $8.000000000e+00, v6;
	v8 =	vld [tilespmem:s22+$0x480];
	[tilespmem:s22+$0x410] =	vst v1  }
.Ltmp3:
0x1aa: {  	v5 =	vmul.f32 $8.000000000e+00, v5;
	v0 =	vld [tilespmem:s22+$0x490];
	[tilespmem:s22+$0x420] =	vst v2;
	(pc) =	sbr.rel @p0 .LBB2_9-.Ltmp3, $4  }
0x1ab: {  	v7 =	vmul.f32 $8.000000000e+00, v7;
	v1 =	vld [tilespmem:s22+$0x4A0];
	[tilespmem:s22+$0x430] =	vst v6  }
0x1ac: {  	v9 =	vmul.f32 $8.000000000e+00, v3;
	v2 =	vld [tilespmem:s22+$0x4B0];
	[tilespmem:s22+$0x440] =	vst v5  }
0x1ad: {  	v6 =	vmul.f32 $8.000000000e+00, v4;
	v3 =	vld [tilespmem:s22+$0x4C0];
	[tilespmem:s22+$0x450] =	vst v7  }
0x1ae: {  	s5 =	sadd.s32 $0x800, s5;
	v5 =	vmul.f32 $8.000000000e+00, v8;
	v4 =	vld [tilespmem:s22+$0x4D0];
	[tilespmem:s22+$0x460] =	vst v9  }
0x1af: {  	v7 =	vld [tilespmem:s22+$0x4E0];
	v0 =	vmul.f32 $8.000000000e+00, v0;
	[tilespmem:s22+$0x470] =	vst v6  }
0x1b0: {  	v1 =	vmul.f32 $8.000000000e+00, v1;
	[tilespmem:s22+$0x480] =	vst v5  }
0x1b1: {  	v2 =	vmul.f32 $8.000000000e+00, v2;
	[tilespmem:s22+$0x490] =	vst v0  }
0x1b2: {  	v0 =	vmul.f32 $8.000000000e+00, v3;
	[tilespmem:s22+$0x4A0] =	vst v1  }
0x1b3: {  	v1 =	vmul.f32 $8.000000000e+00, v4;
	[tilespmem:s22+$0x4B0] =	vst v2  }
0x1b4: {  	v2 =	vmul.f32 $8.000000000e+00, v7;
	[tilespmem:s22+$0x4C0] =	vst v0  }
0x1b5: {  	s5 =	smul.u32 $0x12C0, s14;
	[tilespmem:s22+$0x4D0] =	vst v1  }
0x1b6: {  	[tilespmem:s22+$0x4E0] =	vst v2;
	s22 =	rddreg [dreg:$0x1]  }
0x1b7: {  	s14 =	sadd.s32 s22, s5  }
0x1b8: {  	[hbm4b:s14+s16] =	stream.strided.scatter [tilespmem:s28], [sflag:$0x6], $0x3200, s20, s16, $0x38;
	[tilespmem:$0xA0E0] =	vst v63  }
0x1b9: {  	_ =	swait.ge [sflag:s11], $0x3200  }
0x1ba: {  	[sflag:s11] =	ssyncset.done $0x0  }
0x1bb: {  	s23 =	simm.s32 $0x410;
	[sflag:s11] =	ssyncadd.s32 $0xFFFFCE00  }
0x1bc: {  	[tilespmem:s2], [sflag:$0x5] =	stream.indirect.gather [hbm4b:s10+s21], $0x40, s23, s21, $0xb8;
	[tilespmem:$0xA0E0] =	vst v63  }
0x1bd: {  	s24 =	simm.s32 $0x478;
	s25 =	simm.s32 $0x84E0  }
0x1be: {  	[tilespmem:s25], [sflag:$0x5] =	stream.indirect.gather [hbm4b:s10+s21], $0x40, s24, s21, $0xb8;
	[tilespmem:$0xA0E0] =	vst v63  }
0x1bf: {  	_ =	swait.ge [sflag:s17], $0x1A00  }
0x1c0: {  	[sflag:s17] =	ssyncset.done $0x0  }
0x1c1: {  	[sflag:s17] =	ssyncadd.s32 $0xFFFFE600  }
0x1c2: {  	_ =	swait.ge [sflag:s17], $0x1A00  }
0x1c3: {  	[sflag:s17] =	ssyncset.done $0x0  }
0x1c4: {  	s14 =	simm.s32 $0x1F0;
	[sflag:s17] =	ssyncadd.s32 $0xFFFFE600  }
0x1c5: {  	v0 =	vld [tilespmem:s14+$0x36F0]  }
0x1c6: {  	v1 =	vld [tilespmem:s14+$0x3700]  }
0x1c7: {  	v2 =	vld [tilespmem:s14+$0x3710]  }
0x1c8: {  	v3 =	vld [tilespmem:s14+$0x3720]  }
0x1c9: {  	v7 =	vld [tilespmem:s14+$0x3760]  }
0x1ca: {  	v4 =	vld [tilespmem:s14+$0x3730];
	v0 =	vmul.f32 $8.000000000e+00, v0  }
0x1cb: {  	v5 =	vld [tilespmem:s14+$0x3740];
	v1 =	vmul.f32 $8.000000000e+00, v1  }
0x1cc: {  	v6 =	vld [tilespmem:s14+$0x3750];
	v2 =	vmul.f32 $8.000000000e+00, v2;
	[tilespmem:s14+$0x36F0] =	vst v0  }
0x1cd: {  	v3 =	vmul.f32 $8.000000000e+00, v3;
	v0 =	vld [tilespmem:s14+$0x3770];
	[tilespmem:s14+$0x3700] =	vst v1  }
0x1ce: {  	v7 =	vmul.f32 $8.000000000e+00, v7;
	v1 =	vld [tilespmem:s14+$0x3780];
	[tilespmem:s14+$0x3710] =	vst v2  }
0x1cf: {  	v4 =	vmul.f32 $8.000000000e+00, v4;
	v2 =	vld [tilespmem:s14+$0x3790];
	[tilespmem:s14+$0x3720] =	vst v3  }
0x1d0: {  	v5 =	vmul.f32 $8.000000000e+00, v5;
	[tilespmem:s14+$0x3760] =	vst v7;
	v7 =	vld [tilespmem:s14+$0x37E0]  }
0x1d1: {  	v6 =	vmul.f32 $8.000000000e+00, v6;
	v3 =	vld [tilespmem:s14+$0x37A0];
	[tilespmem:s14+$0x3730] =	vst v4  }
0x1d2: {  	v4 =	vld [tilespmem:s14+$0x37B0];
	[tilespmem:s14+$0x3740] =	vst v5;
	v0 =	vmul.f32 $8.000000000e+00, v0  }
0x1d3: {  	v5 =	vld [tilespmem:s14+$0x37C0];
	[tilespmem:s14+$0x3750] =	vst v6;
	v1 =	vmul.f32 $8.000000000e+00, v1  }
0x1d4: {  	v6 =	vld [tilespmem:s14+$0x37D0];
	v2 =	vmul.f32 $8.000000000e+00, v2;
	[tilespmem:s14+$0x3770] =	vst v0  }
0x1d5: {  	v7 =	vmul.f32 $8.000000000e+00, v7;
	v0 =	vld [tilespmem:s14+$0x37F0];
	[tilespmem:s14+$0x3780] =	vst v1  }
0x1d6: {  	v3 =	vmul.f32 $8.000000000e+00, v3;
	v1 =	vld [tilespmem:s14+$0x3800];
	[tilespmem:s14+$0x3790] =	vst v2  }
0x1d7: {  	v4 =	vmul.f32 $8.000000000e+00, v4;
	[tilespmem:s14+$0x37E0] =	vst v7;
	v7 =	vld [tilespmem:s14+$0x3860]  }
0x1d8: {  	v5 =	vmul.f32 $8.000000000e+00, v5;
	v2 =	vld [tilespmem:s14+$0x3810];
	[tilespmem:s14+$0x37A0] =	vst v3  }
0x1d9: {  	v6 =	vmul.f32 $8.000000000e+00, v6;
	v3 =	vld [tilespmem:s14+$0x3820];
	[tilespmem:s14+$0x37B0] =	vst v4  }
0x1da: {  	v4 =	vld [tilespmem:s14+$0x3830];
	[tilespmem:s14+$0x37C0] =	vst v5;
	v0 =	vmul.f32 $8.000000000e+00, v0  }
0x1db: {  	v5 =	vld [tilespmem:s14+$0x3840];
	[tilespmem:s14+$0x37D0] =	vst v6;
	v1 =	vmul.f32 $8.000000000e+00, v1  }
0x1dc: {  	v6 =	vld [tilespmem:s14+$0x3850];
	v7 =	vmul.f32 $8.000000000e+00, v7;
	[tilespmem:s14+$0x37F0] =	vst v0  }
0x1dd: {  	v8 =	vld [tilespmem:s14+$0x3870];
	v0 =	vmul.f32 $8.000000000e+00, v2;
	[tilespmem:s14+$0x3800] =	vst v1  }
0x1de: {  	v9 =	vld [tilespmem:s14+$0x3880];
	v1 =	vmul.f32 $8.000000000e+00, v3;
	[tilespmem:s14+$0x3860] =	vst v7  }
0x1df: {  	v2 =	vmul.f32 $8.000000000e+00, v4;
	[tilespmem:s14+$0x3810] =	vst v0;
	v0 =	vld [tilespmem:s14+$0x3890]  }
0x1e0: {  	v3 =	vmul.f32 $8.000000000e+00, v5;
	[tilespmem:s14+$0x3820] =	vst v1;
	v1 =	vld [tilespmem:s14+$0x38A0]  }
0x1e1: {  	v4 =	vmul.f32 $8.000000000e+00, v6;
	[tilespmem:s14+$0x3830] =	vst v2;
	v2 =	vld [tilespmem:s14+$0x38B0]  }
0x1e2: {  	v6 =	vmul.f32 $8.000000000e+00, v8;
	[tilespmem:s14+$0x3840] =	vst v3;
	v3 =	vld [tilespmem:s14+$0x38C0]  }
0x1e3: {  	s22 =	simm.s32 $0xFC0;
	v5 =	vmul.f32 $8.000000000e+00, v9;
	[tilespmem:s14+$0x3850] =	vst v4;
	v4 =	vld [tilespmem:s14+$0x38D0]  }
.LBB2_11:
0x1e4: {  	s23 =	sshra.s32 s22, $0x2;
	p0 =	sne.s32 s22, $0xC7C0;
	v0 =	vmul.f32 $8.000000000e+00, v0;
	v7 =	vld [tilespmem:s14+$0x38E0];
	[tilespmem:s14+$0x3870] =	vst v6  }
0x1e5: {  	v6 =	vld [tilespmem:s23+$0x36F0];
	v1 =	vmul.f32 $8.000000000e+00, v1;
	[tilespmem:s14+$0x3880] =	vst v5  }
0x1e6: {  	v5 =	vld [tilespmem:s23+$0x3700];
	v2 =	vmul.f32 $8.000000000e+00, v2;
	[tilespmem:s14+$0x3890] =	vst v0  }
0x1e7: {  	v0 =	vld [tilespmem:s23+$0x3710];
	v3 =	vmul.f32 $8.000000000e+00, v3;
	[tilespmem:s14+$0x38A0] =	vst v1  }
0x1e8: {  	v1 =	vld [tilespmem:s23+$0x3720];
	v4 =	vmul.f32 $8.000000000e+00, v4;
	[tilespmem:s14+$0x38B0] =	vst v2  }
0x1e9: {  	v2 =	vld [tilespmem:s23+$0x3730];
	v7 =	vmul.f32 $8.000000000e+00, v7;
	[tilespmem:s14+$0x38C0] =	vst v3  }
0x1ea: {  	v3 =	vmul.f32 $8.000000000e+00, v6;
	v6 =	vld [tilespmem:s23+$0x3740];
	[tilespmem:s14+$0x38D0] =	vst v4  }
0x1eb: {  	v4 =	vmul.f32 $8.000000000e+00, v5;
	v5 =	vld [tilespmem:s23+$0x3750];
	[tilespmem:s14+$0x38E0] =	vst v7;
	s14 =	smov.u32 s23  }
0x1ec: {  	v0 =	vmul.f32 $8.000000000e+00, v0;
	v7 =	vld [tilespmem:s14+$0x3760];
	[tilespmem:s14+$0x36F0] =	vst v3  }
0x1ed: {  	v1 =	vmul.f32 $8.000000000e+00, v1;
	v3 =	vld [tilespmem:s14+$0x3770];
	[tilespmem:s14+$0x3700] =	vst v4  }
0x1ee: {  	v2 =	vmul.f32 $8.000000000e+00, v2;
	v4 =	vld [tilespmem:s14+$0x3780];
	[tilespmem:s14+$0x3710] =	vst v0  }
0x1ef: {  	v0 =	vmul.f32 $8.000000000e+00, v6;
	v6 =	vld [tilespmem:s14+$0x3790];
	[tilespmem:s14+$0x3720] =	vst v1  }
0x1f0: {  	v1 =	vmul.f32 $8.000000000e+00, v5;
	v5 =	vld [tilespmem:s14+$0x37A0];
	[tilespmem:s14+$0x3730] =	vst v2  }
0x1f1: {  	v2 =	vmul.f32 $8.000000000e+00, v7;
	v7 =	vld [tilespmem:s14+$0x37B0];
	[tilespmem:s14+$0x3740] =	vst v0  }
0x1f2: {  	v0 =	vmul.f32 $8.000000000e+00, v3;
	v3 =	vld [tilespmem:s14+$0x37C0];
	[tilespmem:s14+$0x3750] =	vst v1  }
0x1f3: {  	v1 =	vmul.f32 $8.000000000e+00, v4;
	v4 =	vld [tilespmem:s14+$0x37D0];
	[tilespmem:s14+$0x3760] =	vst v2  }
0x1f4: {  	v2 =	vmul.f32 $8.000000000e+00, v6;
	v6 =	vld [tilespmem:s14+$0x37E0];
	[tilespmem:s14+$0x3770] =	vst v0  }
0x1f5: {  	v0 =	vmul.f32 $8.000000000e+00, v5;
	v5 =	vld [tilespmem:s14+$0x37F0];
	[tilespmem:s14+$0x3780] =	vst v1  }
0x1f6: {  	v1 =	vmul.f32 $8.000000000e+00, v7;
	v7 =	vld [tilespmem:s14+$0x3800];
	[tilespmem:s14+$0x3790] =	vst v2  }
0x1f7: {  	v2 =	vmul.f32 $8.000000000e+00, v3;
	v3 =	vld [tilespmem:s14+$0x3810];
	[tilespmem:s14+$0x37A0] =	vst v0  }
0x1f8: {  	v0 =	vmul.f32 $8.000000000e+00, v4;
	v4 =	vld [tilespmem:s14+$0x3820];
	[tilespmem:s14+$0x37B0] =	vst v1  }
0x1f9: {  	v1 =	vmul.f32 $8.000000000e+00, v6;
	v6 =	vld [tilespmem:s14+$0x3830];
	[tilespmem:s14+$0x37C0] =	vst v2  }
0x1fa: {  	v2 =	vmul.f32 $8.000000000e+00, v5;
	v5 =	vld [tilespmem:s14+$0x3840];
	[tilespmem:s14+$0x37D0] =	vst v0  }
0x1fb: {  	v0 =	vmul.f32 $8.000000000e+00, v7;
	v7 =	vld [tilespmem:s14+$0x3850];
	[tilespmem:s14+$0x37E0] =	vst v1  }
0x1fc: {  	v1 =	vmul.f32 $8.000000000e+00, v3;
	v3 =	vld [tilespmem:s14+$0x3860];
	[tilespmem:s14+$0x37F0] =	vst v2  }
0x1fd: {  	v2 =	vmul.f32 $8.000000000e+00, v4;
	v4 =	vld [tilespmem:s14+$0x3870];
	[tilespmem:s14+$0x3800] =	vst v0  }
0x1fe: {  	v6 =	vmul.f32 $8.000000000e+00, v6;
	v8 =	vld [tilespmem:s14+$0x3880];
	[tilespmem:s14+$0x3810] =	vst v1  }
.Ltmp4:
0x1ff: {  	v5 =	vmul.f32 $8.000000000e+00, v5;
	v0 =	vld [tilespmem:s14+$0x3890];
	[tilespmem:s14+$0x3820] =	vst v2;
	(pc) =	sbr.rel @p0 .LBB2_11-.Ltmp4, $4  }
0x200: {  	v7 =	vmul.f32 $8.000000000e+00, v7;
	v1 =	vld [tilespmem:s14+$0x38A0];
	[tilespmem:s14+$0x3830] =	vst v6  }
0x201: {  	v9 =	vmul.f32 $8.000000000e+00, v3;
	v2 =	vld [tilespmem:s14+$0x38B0];
	[tilespmem:s14+$0x3840] =	vst v5  }
0x202: {  	v6 =	vmul.f32 $8.000000000e+00, v4;
	v3 =	vld [tilespmem:s14+$0x38C0];
	[tilespmem:s14+$0x3850] =	vst v7  }
0x203: {  	s22 =	sadd.s32 $0x800, s22;
	v5 =	vmul.f32 $8.000000000e+00, v8;
	v4 =	vld [tilespmem:s14+$0x38D0];
	[tilespmem:s14+$0x3860] =	vst v9  }
0x204: {  	v7 =	vld [tilespmem:s14+$0x38E0];
	v0 =	vmul.f32 $8.000000000e+00, v0;
	[tilespmem:s14+$0x3870] =	vst v6  }
0x205: {  	v1 =	vmul.f32 $8.000000000e+00, v1;
	[tilespmem:s14+$0x3880] =	vst v5  }
0x206: {  	v2 =	vmul.f32 $8.000000000e+00, v2;
	[tilespmem:s14+$0x3890] =	vst v0  }
0x207: {  	v0 =	vmul.f32 $8.000000000e+00, v3;
	[tilespmem:s14+$0x38A0] =	vst v1  }
0x208: {  	v1 =	vmul.f32 $8.000000000e+00, v4;
	[tilespmem:s14+$0x38B0] =	vst v2  }
0x209: {  	v2 =	vmul.f32 $8.000000000e+00, v7;
	[tilespmem:s14+$0x38C0] =	vst v0  }
0x20a: {  	[tilespmem:s14+$0x38D0] =	vst v1  }
0x20b: {  	s25 =	sadd.s32 s5, s18;
	[tilespmem:s14+$0x38E0] =	vst v2  }
0x20c: {  	[hbm4b:s25+s16] =	stream.strided.scatter [tilespmem:s13], [sflag:$0x7], $0x3200, s20, s16, $0x38;
	[tilespmem:$0xA0E0] =	vst v63  }
0x20d: {  	_ =	swait.ge [sflag:s26], $0x68  }
0x20e: {  	[sflag:s26] =	ssyncset.done $0x0  }
0x20f: {  	[sflag:s26] =	ssyncadd.s32 $0xFFFFFF98  }
0x210: {  	_ =	swait.ge [sflag:s26], $0x68  }
0x211: {  	[sflag:s26] =	ssyncset.done $0x0  }
0x212: {  	[sflag:s26] =	ssyncadd.s32 $0xFFFFFF98  }
0x213: {  	_ =	swait.ge [sflag:s26], $0x68  }
0x214: {  	[sflag:s26] =	ssyncset.done $0x0  }
0x215: {  	[sflag:s26] =	ssyncadd.s32 $0xFFFFFF98  }
0x216: {  	_ =	swait.ge [sflag:s26], $0x68  }
0x217: {  	[sflag:s26] =	ssyncset.done $0x0  }
0x218: {  	[sflag:s26] =	ssyncadd.s32 $0xFFFFFF98  }
0x219: {  	_ =	swait.ge [sflag:s26], $0x68  }
0x21a: {  	[sflag:s26] =	ssyncset.done $0x0  }
0x21b: {  	[sflag:s26] =	ssyncadd.s32 $0xFFFFFF98  }
0x21c: {  	_ =	swait.ge [sflag:s26], $0x68  }
0x21d: {  	[sflag:s26] =	ssyncset.done $0x0  }
0x21e: {  	[sflag:s26] =	ssyncadd.s32 $0xFFFFFF98  }
0x21f: {  	_ =	swait.ge [sflag:s31], $0x3200  }
0x220: {  	[sflag:s31] =	ssyncset.done $0x0  }
0x221: {  	[sflag:s31] =	ssyncadd.s32 $0xFFFFCE00  }
0x222: {  	[tilespmem:s28], [sflag:$0x3] =	stream.indirect.gather [hbm4b:s8+s21], $0x40, s3, s21, $0xb8;
	[tilespmem:$0xA0E0] =	vst v63  }
0x223: {  	_ = 	snop  }
0x224: {  	[tilespmem:s29], [sflag:$0x3] =	stream.indirect.gather [hbm4b:s8+s21], $0x40, s21, s21, $0xb8;
	[tilespmem:$0xA0E0] =	vst v63  }
0x225: {  	_ =	swait.ge [sflag:s0], $0x1A00  }
0x226: {  	[sflag:s0] =	ssyncset.done $0x0  }
0x227: {  	[sflag:s0] =	ssyncadd.s32 $0xFFFFE600  }
0x228: {  	_ =	swait.ge [sflag:s0], $0x1A00  }
0x229: {  	[sflag:s0] =	ssyncset.done $0x0  }
0x22a: {  	s14 =	simm.s32 $0x1F0;
	[sflag:s0] =	ssyncadd.s32 $0xFFFFE600  }
0x22b: {  	v0 =	vld [tilespmem:s14+$0x6AF0]  }
0x22c: {  	v1 =	vld [tilespmem:s14+$0x6B00]  }
0x22d: {  	v2 =	vld [tilespmem:s14+$0x6B10]  }
0x22e: {  	v3 =	vld [tilespmem:s14+$0x6B20]  }
0x22f: {  	v7 =	vld [tilespmem:s14+$0x6B60]  }
0x230: {  	v4 =	vld [tilespmem:s14+$0x6B30];
	v0 =	vmul.f32 $8.000000000e+00, v0  }
0x231: {  	v5 =	vld [tilespmem:s14+$0x6B40];
	v1 =	vmul.f32 $8.000000000e+00, v1  }
0x232: {  	v6 =	vld [tilespmem:s14+$0x6B50];
	v2 =	vmul.f32 $8.000000000e+00, v2;
	[tilespmem:s14+$0x6AF0] =	vst v0  }
0x233: {  	v3 =	vmul.f32 $8.000000000e+00, v3;
	v0 =	vld [tilespmem:s14+$0x6B70];
	[tilespmem:s14+$0x6B00] =	vst v1  }
0x234: {  	v7 =	vmul.f32 $8.000000000e+00, v7;
	v1 =	vld [tilespmem:s14+$0x6B80];
	[tilespmem:s14+$0x6B10] =	vst v2  }
0x235: {  	v4 =	vmul.f32 $8.000000000e+00, v4;
	v2 =	vld [tilespmem:s14+$0x6B90];
	[tilespmem:s14+$0x6B20] =	vst v3  }
0x236: {  	v5 =	vmul.f32 $8.000000000e+00, v5;
	[tilespmem:s14+$0x6B60] =	vst v7;
	v7 =	vld [tilespmem:s14+$0x6BE0]  }
0x237: {  	v6 =	vmul.f32 $8.000000000e+00, v6;
	v3 =	vld [tilespmem:s14+$0x6BA0];
	[tilespmem:s14+$0x6B30] =	vst v4  }
0x238: {  	v4 =	vld [tilespmem:s14+$0x6BB0];
	[tilespmem:s14+$0x6B40] =	vst v5;
	v0 =	vmul.f32 $8.000000000e+00, v0  }
0x239: {  	v5 =	vld [tilespmem:s14+$0x6BC0];
	[tilespmem:s14+$0x6B50] =	vst v6;
	v1 =	vmul.f32 $8.000000000e+00, v1  }
0x23a: {  	v6 =	vld [tilespmem:s14+$0x6BD0];
	v2 =	vmul.f32 $8.000000000e+00, v2;
	[tilespmem:s14+$0x6B70] =	vst v0  }
0x23b: {  	v7 =	vmul.f32 $8.000000000e+00, v7;
	v0 =	vld [tilespmem:s14+$0x6BF0];
	[tilespmem:s14+$0x6B80] =	vst v1  }
0x23c: {  	v3 =	vmul.f32 $8.000000000e+00, v3;
	v1 =	vld [tilespmem:s14+$0x6C00];
	[tilespmem:s14+$0x6B90] =	vst v2  }
0x23d: {  	v4 =	vmul.f32 $8.000000000e+00, v4;
	[tilespmem:s14+$0x6BE0] =	vst v7;
	v7 =	vld [tilespmem:s14+$0x6C60]  }
0x23e: {  	v5 =	vmul.f32 $8.000000000e+00, v5;
	v2 =	vld [tilespmem:s14+$0x6C10];
	[tilespmem:s14+$0x6BA0] =	vst v3  }
0x23f: {  	v6 =	vmul.f32 $8.000000000e+00, v6;
	v3 =	vld [tilespmem:s14+$0x6C20];
	[tilespmem:s14+$0x6BB0] =	vst v4  }
0x240: {  	v4 =	vld [tilespmem:s14+$0x6C30];
	[tilespmem:s14+$0x6BC0] =	vst v5;
	v0 =	vmul.f32 $8.000000000e+00, v0  }
0x241: {  	v5 =	vld [tilespmem:s14+$0x6C40];
	[tilespmem:s14+$0x6BD0] =	vst v6;
	v1 =	vmul.f32 $8.000000000e+00, v1  }
0x242: {  	v6 =	vld [tilespmem:s14+$0x6C50];
	v7 =	vmul.f32 $8.000000000e+00, v7;
	[tilespmem:s14+$0x6BF0] =	vst v0  }
0x243: {  	v8 =	vld [tilespmem:s14+$0x6C70];
	v0 =	vmul.f32 $8.000000000e+00, v2;
	[tilespmem:s14+$0x6C00] =	vst v1  }
0x244: {  	v9 =	vld [tilespmem:s14+$0x6C80];
	v1 =	vmul.f32 $8.000000000e+00, v3;
	[tilespmem:s14+$0x6C60] =	vst v7  }
0x245: {  	v2 =	vmul.f32 $8.000000000e+00, v4;
	[tilespmem:s14+$0x6C10] =	vst v0;
	v0 =	vld [tilespmem:s14+$0x6C90]  }
0x246: {  	v3 =	vmul.f32 $8.000000000e+00, v5;
	[tilespmem:s14+$0x6C20] =	vst v1;
	v1 =	vld [tilespmem:s14+$0x6CA0]  }
0x247: {  	v4 =	vmul.f32 $8.000000000e+00, v6;
	[tilespmem:s14+$0x6C30] =	vst v2;
	v2 =	vld [tilespmem:s14+$0x6CB0]  }
0x248: {  	v6 =	vmul.f32 $8.000000000e+00, v8;
	[tilespmem:s14+$0x6C40] =	vst v3;
	v3 =	vld [tilespmem:s14+$0x6CC0]  }
0x249: {  	s22 =	simm.s32 $0xFC0;
	v5 =	vmul.f32 $8.000000000e+00, v9;
	[tilespmem:s14+$0x6C50] =	vst v4;
	v4 =	vld [tilespmem:s14+$0x6CD0]  }
.LBB2_13:
0x24a: {  	s23 =	sshra.s32 s22, $0x2;
	p0 =	sne.s32 s22, $0xC7C0;
	v0 =	vmul.f32 $8.000000000e+00, v0;
	v7 =	vld [tilespmem:s14+$0x6CE0];
	[tilespmem:s14+$0x6C70] =	vst v6  }
0x24b: {  	v6 =	vld [tilespmem:s23+$0x6AF0];
	v1 =	vmul.f32 $8.000000000e+00, v1;
	[tilespmem:s14+$0x6C80] =	vst v5  }
0x24c: {  	v5 =	vld [tilespmem:s23+$0x6B00];
	v2 =	vmul.f32 $8.000000000e+00, v2;
	[tilespmem:s14+$0x6C90] =	vst v0  }
0x24d: {  	v0 =	vld [tilespmem:s23+$0x6B10];
	v3 =	vmul.f32 $8.000000000e+00, v3;
	[tilespmem:s14+$0x6CA0] =	vst v1  }
0x24e: {  	v1 =	vld [tilespmem:s23+$0x6B20];
	v4 =	vmul.f32 $8.000000000e+00, v4;
	[tilespmem:s14+$0x6CB0] =	vst v2  }
0x24f: {  	v2 =	vld [tilespmem:s23+$0x6B30];
	v7 =	vmul.f32 $8.000000000e+00, v7;
	[tilespmem:s14+$0x6CC0] =	vst v3  }
0x250: {  	v3 =	vmul.f32 $8.000000000e+00, v6;
	v6 =	vld [tilespmem:s23+$0x6B40];
	[tilespmem:s14+$0x6CD0] =	vst v4  }
0x251: {  	v4 =	vmul.f32 $8.000000000e+00, v5;
	v5 =	vld [tilespmem:s23+$0x6B50];
	[tilespmem:s14+$0x6CE0] =	vst v7;
	s14 =	smov.u32 s23  }
0x252: {  	v0 =	vmul.f32 $8.000000000e+00, v0;
	v7 =	vld [tilespmem:s14+$0x6B60];
	[tilespmem:s14+$0x6AF0] =	vst v3  }
0x253: {  	v1 =	vmul.f32 $8.000000000e+00, v1;
	v3 =	vld [tilespmem:s14+$0x6B70];
	[tilespmem:s14+$0x6B00] =	vst v4  }
0x254: {  	v2 =	vmul.f32 $8.000000000e+00, v2;
	v4 =	vld [tilespmem:s14+$0x6B80];
	[tilespmem:s14+$0x6B10] =	vst v0  }
0x255: {  	v0 =	vmul.f32 $8.000000000e+00, v6;
	v6 =	vld [tilespmem:s14+$0x6B90];
	[tilespmem:s14+$0x6B20] =	vst v1  }
0x256: {  	v1 =	vmul.f32 $8.000000000e+00, v5;
	v5 =	vld [tilespmem:s14+$0x6BA0];
	[tilespmem:s14+$0x6B30] =	vst v2  }
0x257: {  	v2 =	vmul.f32 $8.000000000e+00, v7;
	v7 =	vld [tilespmem:s14+$0x6BB0];
	[tilespmem:s14+$0x6B40] =	vst v0  }
0x258: {  	v0 =	vmul.f32 $8.000000000e+00, v3;
	v3 =	vld [tilespmem:s14+$0x6BC0];
	[tilespmem:s14+$0x6B50] =	vst v1  }
0x259: {  	v1 =	vmul.f32 $8.000000000e+00, v4;
	v4 =	vld [tilespmem:s14+$0x6BD0];
	[tilespmem:s14+$0x6B60] =	vst v2  }
0x25a: {  	v2 =	vmul.f32 $8.000000000e+00, v6;
	v6 =	vld [tilespmem:s14+$0x6BE0];
	[tilespmem:s14+$0x6B70] =	vst v0  }
0x25b: {  	v0 =	vmul.f32 $8.000000000e+00, v5;
	v5 =	vld [tilespmem:s14+$0x6BF0];
	[tilespmem:s14+$0x6B80] =	vst v1  }
0x25c: {  	v1 =	vmul.f32 $8.000000000e+00, v7;
	v7 =	vld [tilespmem:s14+$0x6C00];
	[tilespmem:s14+$0x6B90] =	vst v2  }
0x25d: {  	v2 =	vmul.f32 $8.000000000e+00, v3;
	v3 =	vld [tilespmem:s14+$0x6C10];
	[tilespmem:s14+$0x6BA0] =	vst v0  }
0x25e: {  	v0 =	vmul.f32 $8.000000000e+00, v4;
	v4 =	vld [tilespmem:s14+$0x6C20];
	[tilespmem:s14+$0x6BB0] =	vst v1  }
0x25f: {  	v1 =	vmul.f32 $8.000000000e+00, v6;
	v6 =	vld [tilespmem:s14+$0x6C30];
	[tilespmem:s14+$0x6BC0] =	vst v2  }
0x260: {  	v2 =	vmul.f32 $8.000000000e+00, v5;
	v5 =	vld [tilespmem:s14+$0x6C40];
	[tilespmem:s14+$0x6BD0] =	vst v0  }
0x261: {  	v0 =	vmul.f32 $8.000000000e+00, v7;
	v7 =	vld [tilespmem:s14+$0x6C50];
	[tilespmem:s14+$0x6BE0] =	vst v1  }
0x262: {  	v1 =	vmul.f32 $8.000000000e+00, v3;
	v3 =	vld [tilespmem:s14+$0x6C60];
	[tilespmem:s14+$0x6BF0] =	vst v2  }
0x263: {  	v2 =	vmul.f32 $8.000000000e+00, v4;
	v4 =	vld [tilespmem:s14+$0x6C70];
	[tilespmem:s14+$0x6C00] =	vst v0  }
0x264: {  	v6 =	vmul.f32 $8.000000000e+00, v6;
	v8 =	vld [tilespmem:s14+$0x6C80];
	[tilespmem:s14+$0x6C10] =	vst v1  }
.Ltmp5:
0x265: {  	v5 =	vmul.f32 $8.000000000e+00, v5;
	v0 =	vld [tilespmem:s14+$0x6C90];
	[tilespmem:s14+$0x6C20] =	vst v2;
	(pc) =	sbr.rel @p0 .LBB2_13-.Ltmp5, $4  }
0x266: {  	v7 =	vmul.f32 $8.000000000e+00, v7;
	v1 =	vld [tilespmem:s14+$0x6CA0];
	[tilespmem:s14+$0x6C30] =	vst v6  }
0x267: {  	v9 =	vmul.f32 $8.000000000e+00, v3;
	v2 =	vld [tilespmem:s14+$0x6CB0];
	[tilespmem:s14+$0x6C40] =	vst v5  }
0x268: {  	v6 =	vmul.f32 $8.000000000e+00, v4;
	v3 =	vld [tilespmem:s14+$0x6CC0];
	[tilespmem:s14+$0x6C50] =	vst v7  }
0x269: {  	s22 =	sadd.s32 $0x800, s22;
	v5 =	vmul.f32 $8.000000000e+00, v8;
	v4 =	vld [tilespmem:s14+$0x6CD0];
	[tilespmem:s14+$0x6C60] =	vst v9  }
0x26a: {  	v7 =	vld [tilespmem:s14+$0x6CE0];
	v0 =	vmul.f32 $8.000000000e+00, v0;
	[tilespmem:s14+$0x6C70] =	vst v6  }
0x26b: {  	v1 =	vmul.f32 $8.000000000e+00, v1;
	[tilespmem:s14+$0x6C80] =	vst v5  }
0x26c: {  	s12 =	sadd.s32 $0x1, s12;
	v2 =	vmul.f32 $8.000000000e+00, v2;
	[tilespmem:s14+$0x6C90] =	vst v0  }
0x26d: {  	p0 =	sne.s32 s12, $0x40;
	v61 =	vmul.f32 $8.000000000e+00, v3;
	[tilespmem:s14+$0x6CA0] =	vst v1  }
.Ltmp6:
0x26e: {  	v62 =	vmul.f32 $8.000000000e+00, v4;
	[tilespmem:s14+$0x6CB0] =	vst v2;
	(pc) =	sbr.rel @p0 .LBB2_2-.Ltmp6, $4  }
0x26f: {  	v63 =	vmul.f32 $8.000000000e+00, v7;
	[tilespmem:s14+$0x6CC0] =	vst v61  }
0x270: {  	[tilespmem:s14+$0x6CD0] =	vst v62  }
0x271: {  	s5 =	sadd.s32 s5, s19;
	[tilespmem:s14+$0x6CE0] =	vst v63  }
0x272: {  	[hbm4b:s5+s16] =	stream.strided.scatter [tilespmem:s2], [sflag:$0x8], $0x3200, s20, s16, $0x38;
	[tilespmem:$0xA0E0] =	vst v63  }
0x273: {  	_ =	swait.ge [sflag:s15], $0x1A00  }
0x274: {  	[sflag:s15] =	ssyncset.done $0x0  }
0x275: {  	[sflag:s15] =	ssyncadd.s32 $0xFFFFE600  }
0x276: {  	_ =	swait.ge [sflag:s15], $0x1A00  }
0x277: {  	[sflag:s15] =	ssyncset.done $0x0  }
0x278: {  	[sflag:s15] =	ssyncadd.s32 $0xFFFFE600  }
0x279: {  	_ =	swait.ge [sflag:s1], $0x3200  }
0x27a: {  	[sflag:s1] =	ssyncset.done $0x0  }
0x27b: {  	[sflag:s1] =	ssyncadd.s32 $0xFFFFCE00  }
0x27c: {  	_ =	swait.ge [sflag:s11], $0x3200  }
0x27d: {  	s12 =	rddreg [dreg:$0xc]  }
0x27e: {  	s5 =	rddreg [dreg:$0xb];
	s12 =	sadd.s32 $0x1, s12  }
0x27f: {  	p0 =	sne.s32 s12, s5  }
.Ltmp7:
0x280: {  	_ = 	snop;
	(pc) =	sbr.rel @p0 .LBB2_1-.Ltmp7, $3  }
0x281: {  	_ =	sdelay $0x1  }
0x282: {  	[sflag:s11] =	ssyncset.done $0x0  }
0x283: {  	[sflag:s11] =	ssyncadd.s32 $0xFFFFCE00  }
0x284: {  	_ =	sfence.sel $0x180000  }
0x285: {  	[bflag:$0x0] =	sbarrier.arrive $0xFFFF  }
0x286: {  	_ =	strace $0x90000047  }
0x287: {  	s0 =	stileid.u32;
	[bflag:$0x2] =	sbarrier.arrive $0xFFFF  }
0x288: {  	p0 =	sne.s32 s0, $0x0;
	s0 =	rddreg [dreg:$0x2]  }
0x289: {  	s0 =	sadd.s32 @!p0 $0x100000, s0  }
0x28a: {  	[sflag:s0] =	ssyncadd.tile.s32 @!p0 $0x1;
	_ =	shalt  }
.Lfunc_end2:
_tile_overlayer_lowered:
.L_overlay_start_2:
0x28b: {  	(tag) =	ssettag $0x2  }
0x28c: {  	s0 =	rddreg [dreg:$0x0];
	s2 =	stileid.u32  }
0x28d: {  	s1 =	rddreg [dreg:$0x1];
	p0 =	sne.s32 s2, $0x0  }
0x28e: {  	s3 =	rddreg [dreg:$0x2];
	[bflag:$0x3] =	sbarrier.arrive $0xFFFF;
	s2 =	simm.s32 @!p0 $0x1C09  }
0x28f: {  	[timem:s3], [sflag:s2] =	dma.local @!p0 [hbm:s0], s1  }
0x290: {  	s0 =	simm.s32 @!p0 $0x9  }
0x291: {  	_ =	swait.ge @!p0 [sflag:s0], s1  }
0x292: {  	s1 =	ssub.s32 @!p0 $0x0, s1;
	[sflag:s0] =	ssyncset.done @!p0 $0x0  }
0x293: {  	[sflag:s0] =	ssyncadd.s32 @!p0 s1  }
0x294: {  	[bflag:$0x3] =	sbarrier.arrive $0xFFFF  }
0x295: {  	_ =	shalt  }

// kernel: sparse-core-data-format-call.cloned.1.call-start
scs
called_computation_lowered:
.L_overlay_start_0:
0x0: {  	s2 =	sld [smem:$0x3FD9]  }
0x1: {  	s3 =	sld [smem:$0x3FFE];
	_ =	sdelay $0x1  }
0x2: {  	s1 =	srdreg.scid  }
0x3: {  	s0 =	sand.u32 $0x1, s1  }
0x4: {  	s18 =	sshll.u32 s0, $0xA;
	s2 =	sadd.s32 s3, s2  }
0x5: {  	s2 =	sadd.s32 s2, s18  }
0x6: {  	[smem:$0x3FC2] =	sst s2  }
0x7: {  	_ = 	snop  }
0x8: {  	s2 =	sld [smem:$0x3FD0];
	(tm) =	ssettm $0x1  }
0x9: {  	s19 =	sld [smem:$0x3FFB];
	_ =	sdelay $0x3  }
0xa: {  	_ =	strace s19  }
0xb: {  	s3 =	sld [smem:$0x3FFC];
	_ =	sdelay $0x3  }
0xc: {  	_ =	strace s3  }
0xd: {  	s3 =	sld [smem:$0x3FFD];
	_ =	sdelay $0x3  }
0xe: {  	_ =	strace s3  }
0xf: {  	_ =	strace $0x8FFFFFFF  }
0x10: {  	s20 =	sld [smem:$0x3FDB];
	_ =	sdelay $0x1  }
0x11: {  	s4 =	simm.s32 $_scs_section_size  }
0x12: {  	s5 =	simm.s32 $_size__tile_overlayer_lowered;
	s6 =	simm.s32 $_tile_overlayer_lowered  }
0x13: {  	s23 =	simm.s32 $0x1BFF;
	s22 =	sshll.u32 s6, $0x1;
	s3 =	sadd.s32 s4, s20  }
0x14: {  	s7 =	simm.s32 $0x0;
	s21 =	sshll.u32 s5, $0x1;
	s5 =	sadd.s32 s22, s3  }
0x15: {  	[timem:s7], [sflag:s23] =	dma.local [hbm:s5], s21  }
0x16: {  	_ =	swait.ge [sflag:s23], s21  }
0x17: {  	s4 =	ssub.s32 $0x0, s21;
	[sflag:s23] =	ssyncset.done $0x0  }
0x18: {  	[sflag:s23] =	ssyncadd.s32 s4;
	_ =	sdelay $0x1  }
0x19: {  	s24 =	simm.s32 $0x1B8B  }
0x1a: {  	_ =	swait.ge [sflag:s24], $0x1  }
0x1b: {  	[sflag:s24] =	ssyncset.done $0x0  }
0x1c: {  	s26 =	simm.s32 $0x1B8E;
	s25 =	sld [smem:$0x3FFE];
	[sflag:s24] =	ssyncadd.s32 $0xFFFFFFFF  }
0x1d: {  	s27 =	simm.s32 $execute0_lowered;
	[smem:$0x3FD2] =	sst s26  }
0x1e: {  	s5 =	sshll.u32 s27, $0x1;
	_ =	strace $0x80000049;
	[dreg:$0x1] =	wrdreg $0xFFFFFFFF  }
0x1f: {  	s28 =	simm.s32 $_size_execute0_lowered;
	s3 =	sadd.s32 s3, s5;
	[dreg:$0x0] =	wrdreg $0x0  }
0x20: {  	s5 =	sshll.u32 s28, $0x1;
	[dreg:$0x2] =	wrdreg s3  }
0x21: {  	[dreg:$0x3] =	wrdreg s5  }
0x22: {  	[dreg:$0x4] =	wrdreg $0xC0  }
0x23: {  	_ =	task [dreg:s7], $0x5FFFF  }
0x24: {  	[dreg:$0x1] =	wrdreg $0xFFFFFFFF  }
0x25: {  	[dreg:$0x0] =	wrdreg $0x60  }
0x26: {  	[dreg:$0x2] =	wrdreg s25  }
0x27: {  	[dreg:$0x3] =	wrdreg s2  }
0x28: {  	[dreg:$0x4] =	wrdreg $0x9  }
0x29: {  	_ =	task.clear_ibuf [dreg:s7], $0x5FFFF;
	_ =	strace $0x90000049  }
0x2a: {  	s29 =	simm.s32 $0x9;
	_ =	strace $0x8000004B  }
0x2b: {  	_ =	swait.ge [sflag:s29], $0x1  }
0x2c: {  	[sflag:s29] =	ssyncadd.s32 $0xFFFFFFFF  }
0x2d: {  	_ =	strace $0x9000004B  }
0x2e: {  	_ =	sfence  }
0x2f: {  	s30 =	sld [smem:$0x0];
	_ =	sdelay $0x2  }
0x30: {  	s31 =	sshll.u32 s1, $0xD;
	s1 =	sshrl.u32 s1, $0x2  }
0x31: {  	s3 =	sand.u32 $0x4000, s31;
	s1 =	sadd.s32 s1, s30  }
0x32: {  	s0 =	sor.u32 s3, s0;
	s1 =	sshll.u32 s1, $0x11  }
0x33: {  	s0 =	sor.u32 s1, s0  }
0x34: {  	s0 =	sadd.s32 $0x8F2B, s0  }
0x35: {  	[sflag:s0] =	ssyncadd.remote.s32 $0x1  }
0x36: {  	_ =	sfence.sel $0xFFFF  }
0x37: {  	[dreg:$0x0] =	wrdreg $0xFFFFFFFF;
	(pc) =	sbr.abs _section_cstart, $3  }
0x38: {  	[dreg:$0x1] =	wrdreg $0xFFFFFFFF  }
0x39: {  	_ =	task.clear_ibuf [dreg:s7], $0x2FFFF;
	_ =	strace $0x9FFFFFFF  }
0x3a: {  	(tm) =	ssettm $0x7FFFFFFF  }
0x3b: {  	_ =	shalt  }
tec
execute0_lowered:
.L_overlay_start_1:
0x0: {  	(tag) =	ssettag $0x1  }
0x1: {  	s0 =	srdreg.scid;
	s6 =	rddreg [dreg:$0x0]  }
0x2: {  	s3 =	rddreg [dreg:$0x1];
	s1 =	sshll.u32 s0, $0x4  }
0x3: {  	s5 =	simm.s32 $0x1;
	s0 =	stileid.u32;
	s1 =	sand.u32 $0x10, s1  }
0x4: {  	s31 =	simm.s32 $0x2;
	s18 =	simm.s32 $0x0;
	s1 =	sor.u32 s0, s1  }
0x5: {  	s8 =	simm.s32 $0xC8000;
	s17 =	simm.s32 $0x0;
	s2 =	sshll.u32 s1, $0x7  }
0x6: {  	s16 =	simm.s32 $0x0;
	s9 =	simm.s32 $0x0;
	s4 =	ssub.s32 $0x1000, s2  }
0x7: {  	s10 =	simm.s32 $0x0;
	s11 =	simm.s32 $0x0;
	s30 =	sand.u32 $0xF80, s4  }
0x8: {  	s12 =	simm.s32 $0x0;
	s13 =	simm.s32 $0x0;
	p0 =	sne.s32 s30, $0x0  }
.Ltmp0:
0x9: {  	s7 =	sshrl.u32 s4, $0xC;
	s5 =	simm.s32 @!p0 $0x0;
	(pc) =	sbr.rel .LBB1_1-.Ltmp0, $4  }
0xa: {  	s15 =	simm.s32 $0x0;
	s1 =	rddreg [dreg:$0x2];
	s5 =	sadd.s32 s5, s7  }
0xb: {  	_ =	strace $0x8000004A;
	s4 =	simm.s32 $0x1;
	s5 =	smul.u32 $0x190, s5  }
0xc: {  	s6 =	sadd.s32 $0x2800, s6;
	s14 =	smov.u32 s2;
	[sflag:s4] =	ssyncpa.u1 $0x0  }
0xd: {  	[sflag:s31] =	ssyncpa.u1 $0x0;
	p0 =	por $0x0, $0x0;
	s7 =	sor.u32 $0x1, s5  }
.LBB1_4:
0xe: {  	s23 =	sshra.s32 s23, $0x2;
	s24 =	sshll.u32 s10, $0xC  }
0xf: {  	p1 =	sgt.s32 s10, $0xC7;
	s26 =	smov.u32 s10;
	s27 =	sshra.s32 s10, $0x1F  }
0x10: {  	s28 =	smov.u32 s9;
	s29 =	sshra.s32 s11, $0x1F;
	s22 =	sadd.s32 s23, s22  }
0x11: {  	s30 =	sand.u32 $0xFFFF8000, s24;
	s24 =	sshll.u32 s11, $0x3;
	s26 =	simm.s32 @!p1 $0xC7  }
0x12: {  	p1 =	sgt.s32 s9, $0x40;
	s27 =	sand.u32 s27, s10;
	s31 =	sand.u32 s29, s11  }
0x13: {  	s29 =	sshll.u32 s10, $0x7;
	s25 =	sand.u32 $0xFFFFFC00, s24;
	s28 =	simm.s32 @!p1 $0x40  }
0x14: {  	p1 =	sgt.s32 s11, $0xF80;
	s23 =	sadd.s32 s25, s30;
	s25 =	ssub.s32 s26, s27  }
0x15: {  	[tilespmem:s21+$0x2040 ss:$0x81] =	vst.msk $0xffff, v4;
	s27 =	smov.u32 s11;
	s30 =	sshra.s32 s9, $0x1F;
	s26 =	sadd.s32 $0xFFFFFF39, s25  }
0x16: {  	v5 =	vld [tilespmem:s20+$0xFFFFFFD0];
	[tilespmem:s21+$0x2850 ss:$0x81] =	vst.msk $0xffff, v3;
	s27 =	simm.s32 @!p1 $0xF80;
	s23 =	sshrl.u32 s23, $0xC;
	s25 =	ssub.s32 $0xC8, s25  }
0x17: {  	v58 =	vld [tilespmem:s20+$0xFFFFFFE0];
	[tilespmem:s21+$0x3060 ss:$0x81] =	vst.msk $0xffff, v2;
	p1 =	sgt.s32 s26, $0x0;
	s26 =	ssub.s32 s27, s31;
	s27 =	sand.u32 s30, s9  }
0x18: {  	v59 =	vld [tilespmem:s20+$0xFFFFFFF0];
	[tilespmem:s21+$0x0 ss:$0x81] =	vst.msk $0xffff, v1;
	s21 =	smulhi.u32 $0x147AE15, s23;
	s30 =	sand.u32 $0x78, s11;
	s27 =	ssub.s32 s28, s27  }
0x19: {  	v60 =	vld [tilespmem:s20+$0x0];
	s25 =	simm.s32 @p1 $0x0;
	s31 =	sadd.s32 $0xFFFFF080, s26;
	s26 =	ssub.s32 $0x1000, s26  }
0x1a: {  	v61 =	vld [tilespmem:s20+$0x10];
	[tilespmem:s22+$0x3870 ss:$0x81] =	vst.msk $0xffff, v0;
	p1 =	sgt.s32 s31, $0x7F;
	s28 =	sadd.s32 $0xFFFFFFC0, s27;
	s31 =	sand.u32 $0x380, s29  }
0x1b: {  	v62 =	vld [tilespmem:s20+$0x20];
	[tilespmem:s22+$0x810 ss:$0x81] =	vst.msk $0xffff, v5;
	s29 =	sand.u32 $0xC00, s24;
	s21 =	smul.u32 $0xC8, s21;
	s24 =	ssub.s32 $0xC0, s27  }
0x1c: {  	v63 =	vld [tilespmem:s20+$0xFFFFFFC0];
	[tilespmem:s22+$0x1020 ss:$0x81] =	vst.msk $0xffff, v58;
	s26 =	simm.s32 @p1 $0x0;
	s20 =	sor.u32 s30, s29;
	s30 =	smul.u32 $0x19000, s9  }
0x1d: {  	[tilespmem:s22+$0x1830 ss:$0x81] =	vst.msk $0xffff, v59;
	p1 =	sgt.s32 s28, $0x7F;
	s28 =	sand.u32 $0x7, s11;
	s25 =	smul.u32 s26, s25  }
0x1e: {  	[tilespmem:s22+$0x2040 ss:$0x81] =	vst.msk $0xffff, v60;
	s24 =	simm.s32 @p1 $0x0;
	s20 =	sor.u32 s31, s20;
	s21 =	ssub.s32 s23, s21  }
0x1f: {  	[tilespmem:s22+$0x2850 ss:$0x81] =	vst.msk $0xffff, v61;
	s20 =	sshrl.u32 s20, $0x3;
	s27 =	sadd.s32 s3, s30;
	s31 =	smul.u32 s24, s25  }
0x20: {  	[tilespmem:s22+$0x3060 ss:$0x81] =	vst.msk $0xffff, v62;
	s29 =	sshll.u32 s28, $0x12;
	s21 =	sshll.u32 s21, $0x9;
	s20 =	sadd.s32 s20, s27  }
0x21: {  	[tilespmem:s22+$0x0 ss:$0x81] =	vst.msk $0xffff, v63;
	s20 =	sadd.s32 s21, s20;
	s30 =	sand.u32 $0x3FFFFFFF, s31;
	s31 =	sor.u32 $0x80, s29  }
0x22: {  	[hbm4b:s20+s31] =	stream.strided.scatter [tilespmem:s19], [sflag:$0x2], s30, s8, s31, $0x20;
	[tilespmem:$0x10100] =	vst v63  }
.LBB1_5:
0x23: {  	p1 =	slt.u32 s15, $0x2  }
0x24: {  	p2 =	sgt.s32 @!p1 s18, $0x40  }
0x25: {  	s19 =	smov.u32 s18;
	s20 =	sshra.s32 @!p1 s18, $0x1F;
	p2 =	por !p2, p1  }
0x26: {  	s18 =	sand.u32 @!p1 s20, s18;
	s19 =	simm.s32 @p2 $0x40  }
0x27: {  	s20 =	sshra.s32 @!p1 s17, $0x1F;
	p2 =	sgt.s32 @!p1 s17, $0xC7;
	s18 =	ssub.s32 @!p1 s19, s18  }
0x28: {  	p2 =	por !p2, p1;
	s19 =	smov.u32 s17;
	s17 =	sand.u32 @!p1 s20, s17  }
0x29: {  	s20 =	sshra.s32 @!p1 s16, $0x1F;
	s19 =	simm.s32 @p2 $0xC7;
	p2 =	sgt.s32 @!p1 s16, $0xF80  }
0x2a: {  	s17 =	ssub.s32 @!p1 s19, s17;
	p2 =	por !p2, p1;
	s19 =	smov.u32 s16  }
0x2b: {  	s16 =	sand.u32 @!p1 s20, s16;
	s20 =	sadd.s32 @!p1 $0xFFFFFF39, s17;
	s19 =	simm.s32 @p2 $0xF80  }
0x2c: {  	p2 =	sgt.s32 @!p1 s20, $0x0;
	s16 =	ssub.s32 @!p1 s19, s16  }
0x2d: {  	s17 =	ssub.s32 @!p1 $0xC8, s17;
	p2 =	por !p2, p1;
	s19 =	sadd.s32 @!p1 $0xFFFFF080, s16  }
0x2e: {  	s17 =	simm.s32 @!p2 $0x0;
	p2 =	sgt.s32 @!p1 s19, $0x7F  }
0x2f: {  	s21 =	smov.u32 s14;
	s16 =	ssub.s32 @!p1 $0x1000, s16;
	p2 =	por !p2, p1  }
0x30: {  	s20 =	sadd.s32 @!p1 $0xFFFFFFC0, s18;
	s19 =	sadd.s32 $0x80, s12;
	s16 =	simm.s32 @!p2 $0x0  }
0x31: {  	p2 =	sgt.s32 s19, $0xBF;
	s16 =	smul.u32 @!p1 s16, s17;
	s17 =	simm.s32 $0x1  }
0x32: {  	p0 =	por !p0, !p0;
	p3 =	sgt.s32 @!p1 s20, $0x7F;
	s17 =	simm.s32 @!p2 $0x0  }
0x33: {  	s18 =	ssub.s32 @!p1 $0xC0, s18;
	p3 =	por !p3, p1;
	s20 =	sadd.s32 s17, s13  }
0x34: {  	s18 =	simm.s32 @!p3 $0x0;
	s17 =	sadd.s32 $0x1000, s14;
	p3 =	sgt.s32 s20, $0xC7  }
0x35: {  	s22 =	simm.s32 @!p1 $0x2;
	s19 =	simm.s32 @p2 $0x0;
	s21 =	smov.u32 @p3 s17  }
0x36: {  	s16 =	smul.u32 @!p1 s18, s16;
	s18 =	smov.u32 s9;
	p2 =	sgt.s32 s21, $0xFFF  }
0x37: {  	s9 =	smov.u32 s12;
	s21 =	smov.u32 @p2 s2;
	p2 =	sne.s32 s15, s7  }
.Ltmp1:
0x38: {  	s12 =	smov.u32 s19;
	s16 =	sand.u32 @!p1 $0x3FFFFFFF, s16;
	(pc) =	sbr.rel @!p2 .LBB1_6-.Ltmp1, $4  }
0x39: {  	s20 =	simm.s32 @p3 $0x0;
	s17 =	smov.u32 s10;
	s10 =	smov.u32 s13  }
0x3a: {  	_ =	swait.ge @!p1 [sflag:s22], s16;
	s23 =	ssub.s32 @!p1 $0x0, s16;
	s16 =	smov.u32 s11  }
0x3b: {  	s11 =	smov.u32 s14;
	s13 =	smov.u32 s20;
	[sflag:s22] =	ssyncset.done @!p1 $0x0  }
0x3c: {  	s15 =	sadd.s32 $0x1, s15;
	[sflag:s22] =	ssyncadd.s32 @!p1 s23;
	s14 =	smov.u32 s21  }
.LBB1_1:
0x3d: {  	p1 =	sge.u32 s15, s5  }
0x3e: {  	s19 =	sshll.u32 @!p1 s13, $0x8;
	s20 =	sshll.u32 @!p1 s12, $0x3  }
0x3f: {  	s21 =	sshll.u32 @!p1 s13, $0x7;
	s19 =	sand.u32 @!p1 $0xFFFFF800, s19;
	s20 =	sand.u32 @!p1 $0xFFFFFC00, s20  }
0x40: {  	s19 =	sadd.s32 @!p1 s19, s20;
	s20 =	sand.u32 @!p1 $0x300, s21  }
0x41: {  	s19 =	sor.u32 @!p1 s20, s19  }
0x42: {  	s19 =	sshrl.u32 @!p1 s19, $0x8  }
0x43: {  	s31 =	sadd.s32 $0xFFFFFFFF, s15;
	s20 =	smulhi.u32 @!p1 $0x147AE15, s19  }
0x44: {  	s22 =	sxor.u32 @!p1 $0xFFFFFFFF, s15;
	s23 =	sand.u32 @!p1 $0x78, s12;
	s24 =	smul.u32 @!p1 $0x1900, s14  }
0x45: {  	s22 =	sshll.u32 @!p1 s22, $0xE;
	s21 =	sand.u32 @!p1 $0x80, s21;
	s20 =	smul.u32 @!p1 $0xC8, s20  }
0x46: {  	s22 =	sand.u32 @!p1 $0x4000, s22;
	s21 =	sor.u32 @!p1 s23, s21;
	s23 =	sand.u32 @!p1 $0x7, s12  }
0x47: {  	s19 =	ssub.s32 @!p1 s19, s20;
	s20 =	sshrl.u32 @!p1 s21, $0x3;
	s21 =	sadd.s32 @!p1 s6, s24  }
0x48: {  	s19 =	sshll.u32 @!p1 s19, $0x5;
	s20 =	sadd.s32 @!p1 s20, s21;
	s21 =	sshll.u32 @!p1 s23, $0x12  }
0x49: {  	s19 =	sadd.s32 @!p1 s19, s20;
	s20 =	sor.u32 @!p1 $0x80, s21;
	s21 =	simm.s32 @!p1 $0xC800  }
0x4a: {  	[tilespmem:s22], [sflag:$0x1] =	stream.strided.gather @!p1 [hbm4b:s19+s20], $0x4000, s21, s20, $0x38;
	[tilespmem:$0x10100] =	vst v63  }
0x4b: {  	p1 =	sge.u32 s31, s5  }
.Ltmp2:
0x4c: {  	_ = 	snop;
	(pc) =	sbr.rel @p1 .LBB1_5-.Ltmp2, $1  }
0x4d: {  	_ =	sdelay $0x3  }
0x4e: {  	s19 =	simm.s32 $0x1  }
0x4f: {  	_ =	swait.ge [sflag:s4], $0x4000;
	s19 =	simm.s32 @!p0 $0x0  }
0x50: {  	[sflag:s4] =	ssyncset.done $0x0;
	s20 =	sshll.u32 s19, $0xE  }
0x51: {  	[sflag:s4] =	ssyncadd.s32 $0xFFFFC000;
	s20 =	sor.u32 $0x40, s20  }
0x52: {  	s19 =	smul.u32 $0x10200, s19;
	v0 =	vld [tilespmem:s20+$0x30]  }
0x53: {  	v1 =	vld [tilespmem:s20+$0xFFFFFFD0]  }
0x54: {  	s19 =	sshrl.u32 s19, $0x2;
	v5 =	vld [tilespmem:s20+$0xFFFFFFE0]  }
0x55: {  	v6 =	vld [tilespmem:s20+$0xFFFFFFF0];
	s22 =	sor.u32 $0x8000, s19  }
0x56: {  	s31 =	sand.u32 $0x1, s15;
	v4 =	vld [tilespmem:s20+$0x0];
	s21 =	sadd.s32 $0x0, s22  }
0x57: {  	v3 =	vld [tilespmem:s20+$0x10];
	s19 =	smul.u32 $0x10200, s31;
	[tilespmem:s21+$0x3870 ss:$0x81] =	vst.msk $0xffff, v0  }
0x58: {  	v2 =	vld [tilespmem:s20+$0x20];
	[tilespmem:s21+$0x810 ss:$0x81] =	vst.msk $0xffff, v1  }
0x59: {  	s19 =	sshrl.u32 s19, $0x2;
	v1 =	vld [tilespmem:s20+$0xFFFFFFC0];
	[tilespmem:s21+$0x1020 ss:$0x81] =	vst.msk $0xffff, v5;
	s20 =	sadd.s32 $0x80, s20  }
0x5a: {  	s23 =	simm.s32 $0x4;
	s24 =	simm.s32 $0x8;
	s19 =	sor.u32 $0x8000, s19;
	[tilespmem:s21+$0x1830 ss:$0x81] =	vst.msk $0xffff, v6;
	v0 =	vld [tilespmem:s20+$0x30]  }
.LBB1_3:
0x5b: {  	p1 =	sne.s32 s24, $0x1FC;
	v5 =	vld [tilespmem:s20+$0xFFFFFFD0];
	[tilespmem:s21+$0x2040 ss:$0x81] =	vst.msk $0xffff, v4  }
0x5c: {  	v6 =	vld [tilespmem:s20+$0xFFFFFFE0];
	[tilespmem:s21+$0x2850 ss:$0x81] =	vst.msk $0xffff, v3  }
0x5d: {  	s25 =	sshra.s32 s23, $0x2;
	s23 =	smov.u32 s24;
	v7 =	vld [tilespmem:s20+$0xFFFFFFF0];
	[tilespmem:s21+$0x3060 ss:$0x81] =	vst.msk $0xffff, v2  }
.Ltmp3:
0x5e: {  	v4 =	vld [tilespmem:s20+$0x0];
	[tilespmem:s21+$0x0 ss:$0x81] =	vst.msk $0xffff, v1;
	s21 =	sadd.s32 s25, s22;
	(pc) =	sbr.rel @p1 .LBB1_3-.Ltmp3, $4  }
0x5f: {  	v3 =	vld [tilespmem:s20+$0x10];
	[tilespmem:s21+$0x3870 ss:$0x81] =	vst.msk $0xffff, v0  }
0x60: {  	[tilespmem:s21+$0x810 ss:$0x81] =	vst.msk $0xffff, v5;
	v2 =	vld [tilespmem:s20+$0x20]  }
0x61: {  	v1 =	vld [tilespmem:s20+$0xFFFFFFC0];
	[tilespmem:s21+$0x1020 ss:$0x81] =	vst.msk $0xffff, v6;
	s20 =	sadd.s32 $0x80, s20  }
0x62: {  	s24 =	sadd.s32 $0x4, s24;
	v0 =	vld [tilespmem:s20+$0x30];
	[tilespmem:s21+$0x1830 ss:$0x81] =	vst.msk $0xffff, v7  }
.Ltmp4:
0x63: {  	_ = 	snop;
	(pc) =	sbr.rel .LBB1_4-.Ltmp4, $1  }
0x64: {  	_ =	sdelay $0x3  }
.LBB1_6:
0x65: {  	_ =	sfence.sel $0x180000  }
0x66: {  	s2 =	simm.s32 $0x1;
	[bflag:$0x0] =	sbarrier.arrive $0xFFFF  }
0x67: {  	s31 =	simm.s32 $0x2;
	[sflag:s2] =	ssyncpa.u1 $0x1  }
0x68: {  	[sflag:s31] =	ssyncpa.u1 $0x1  }
0x69: {  	p0 =	sne.s32 s0, $0x0;
	_ =	strace $0x9000004A  }
0x6a: {  	s0 =	sadd.s32 @!p0 $0x100000, s1;
	[bflag:$0x2] =	sbarrier.arrive $0xFFFF  }
0x6b: {  	[sflag:s0] =	ssyncadd.tile.s32 @!p0 $0x1;
	_ =	shalt  }
.Lfunc_end1:
_tile_overlayer_lowered:
.L_overlay_start_2:
0x6c: {  	(tag) =	ssettag $0x2  }
0x6d: {  	s0 =	rddreg [dreg:$0x0];
	s2 =	stileid.u32  }
0x6e: {  	s1 =	rddreg [dreg:$0x1];
	p0 =	sne.s32 s2, $0x0  }
0x6f: {  	s3 =	rddreg [dreg:$0x2];
	[bflag:$0x3] =	sbarrier.arrive $0xFFFF;
	s2 =	simm.s32 @!p0 $0x1C01  }
0x70: {  	[timem:s3], [sflag:s2] =	dma.local @!p0 [hbm:s0], s1  }
0x71: {  	s0 =	simm.s32 @!p0 $0x1  }
0x72: {  	_ =	swait.ge @!p0 [sflag:s0], s1  }
0x73: {  	s1 =	ssub.s32 @!p0 $0x0, s1;
	[sflag:s0] =	ssyncset.done @!p0 $0x0  }
0x74: {  	[sflag:s0] =	ssyncadd.s32 @!p0 s1  }
0x75: {  	[bflag:$0x3] =	sbarrier.arrive $0xFFFF  }
0x76: {  	_ =	shalt  }

</sc_bundles>
